<compile_context>
chip_gen: v7x
topology: tpu7x:2x2x1
jax: 0.10.2.dev20260603
libtpu: 0.0.44.dev20260713+nightly
codegen_flags: <defaults>
</compile_context>

<pallas_src>
import functools

import jax
import jax.numpy as jnp
from jax import lax
from jax.experimental import pallas as pl
from jax.experimental.pallas import tpu as pltpu
from jax.experimental.pallas import tpu_sc as plsc

N = 100000
D = 128
EMB = 128
C = 40
B = 16384
S1 = 5
S2 = 10
ALPHA = 0.2

NC = 2
NS = 16
NW = NC * NS

_MESH = functools.partial(
    plsc.VectorSubcoreMesh, core_axis_name="c", subcore_axis_name="s",
    num_cores=NC, num_subcores=NS)


def _wid():
    return lax.axis_index("s") * NC + lax.axis_index("c")


PA = 160
CH_A = N // PA
IDXA = PA * S1
A_SPLIT = (125, 255, 245)


def _make_l1(chunk_lo, chunk_n):
    pn = chunk_n * PA
    iters = -(-chunk_n // NW)

    def body(neigh_hbm, feat_hbm, out_hbm, idx_v, rows_v, sem_i, sem_g):
        w = _wid()

        def chunk(it, carry):
            c = chunk_lo + w + it * NW

            @pl.when(c < chunk_lo + chunk_n)
            def _():
                base = c * PA
                rbase = (c - chunk_lo) * PA
                icps = [
                    pltpu.async_copy(
                        neigh_hbm.at[pl.ds(j * N + base, PA)],
                        idx_v.at[pl.ds(j * PA, PA)], sem_i)
                    for j in range(S1)
                ]
                for d_ in icps:
                    d_.wait()
                gcs = [
                    pltpu.async_copy(
                        feat_hbm.at[idx_v.at[pl.ds(h * (IDXA // 2), IDXA // 2)]],
                        rows_v.at[pl.ds(h * (IDXA // 2), IDXA // 2)], sem_g)
                    for h in range(2)
                ]
                for d_ in gcs:
                    d_.wait()
                ocps = [
                    pltpu.async_copy(
                        rows_v.at[pl.ds(j * PA, PA)],
                        out_hbm.at[pl.ds(j * pn + rbase, PA)], sem_i)
                    for j in range(S1)
                ]
                for d_ in ocps:
                    d_.wait()

            return carry

        lax.fori_loop(0, iters, chunk, 0)

    return pl.kernel(
        body,
        out_type=jax.ShapeDtypeStruct((S1 * pn, D), jnp.float32),
        mesh=_MESH(),
        scratch_types=[
            pltpu.VMEM((IDXA,), jnp.int32),
            pltpu.VMEM((IDXA, D), jnp.float32),
            pltpu.SemaphoreType.DMA,
            pltpu.SemaphoreType.DMA,
        ],
    )


_A_LO = [sum(A_SPLIT[:i]) for i in range(len(A_SPLIT))]
_l1_parts = [_make_l1(lo, n) for lo, n in zip(_A_LO, A_SPLIT)]


QC = 32
CH_C = B // QC
HIDX = QC * 16
GH = 4
SGH = HIDX // GH
C_SPLIT = (96, 224, 192)


def _make_l2(chunk_lo, chunk_n):
    iters = chunk_n // NW

    def body(nodes_hbm, tblg_hbm, h1_hbm, out_hbm,
             nv, gidx, grp_v, hidx, rows_v, sem):
        w = _wid()
        lanes = lax.iota(jnp.int32, 16)

        def chunk(it, carry):
            c = chunk_lo + w * iters + it
            base = c * QC
            rbase = (c - chunk_lo) * QC
            pltpu.sync_copy(nodes_hbm.at[pl.ds(base, QC)], nv)
            for t in range(QC // 16):
                nv16 = nv[pl.ds(t * 16, 16)]
                gidx[pl.ds(t * 16, 16)] = jnp.right_shift(nv16, 3)
            pltpu.async_copy(tblg_hbm.at[gidx], grp_v, sem).wait()
            for t in range(QC // 16):
                nv16 = nv[pl.ds(t * 16, 16)]
                for q in range(16):
                    i = t * 16 + q
                    node = nv16[q]
                    vals = grp_v[i, pl.ds(jnp.bitwise_and(node, 7) * 16, 16)]
                    hidx[pl.ds(i * 16, 16)] = vals
            gathers = [
                pltpu.async_copy(
                    h1_hbm.at[hidx.at[pl.ds(k * SGH, SGH)]],
                    rows_v.at[pl.ds(k * SGH, SGH)], sem)
                for k in range(GH)
            ]
            for d_ in gathers:
                d_.wait()
            pltpu.sync_copy(rows_v, out_hbm.at[pl.ds(rbase * 16, HIDX)])
            return carry

        lax.fori_loop(0, iters, chunk, 0)

    return pl.kernel(
        body,
        out_type=jax.ShapeDtypeStruct((chunk_n * QC * 16, EMB), jnp.float32),
        mesh=_MESH(),
        scratch_types=[
            pltpu.VMEM((QC,), jnp.int32),
            pltpu.VMEM((QC,), jnp.int32),
            pltpu.VMEM((QC, 128), jnp.int32),
            pltpu.VMEM((HIDX,), jnp.int32),
            pltpu.VMEM((HIDX, EMB), jnp.float32),
            pltpu.SemaphoreType.DMA,
        ],
    )


_C_LO = [sum(C_SPLIT[:i]) for i in range(len(C_SPLIT))]
_l2_parts = [_make_l2(lo, n) for lo, n in zip(_C_LO, C_SPLIT)]


BM1 = 800


def _mm1_body(h_ref, g_ref, f_ref, w_ref, o_ref):
    s = f_ref[...]
    for j in range(S1):
        s = s + g_ref[j]
    y = jnp.dot(s, w_ref[...],
                preferred_element_type=jnp.float32) * (1.0 / (S1 + 1))
    o_ref[...] = jnp.where(y >= 0, y, ALPHA * y)


def _h1_tc_part(h1buf, g_part, feats, w1, node_lo, pn):
    blk_lo = node_lo // BM1
    return pl.pallas_call(
        _mm1_body,
        grid=(pn // BM1,),
        in_specs=[
            pl.BlockSpec((BM1, EMB), lambda i: (i + blk_lo, 0)),
            pl.BlockSpec((S1, BM1, D), lambda i: (0, i, 0)),
            pl.BlockSpec((BM1, D), lambda i: (i + blk_lo, 0)),
            pl.BlockSpec((D, EMB), lambda i: (0, 0)),
        ],
        out_specs=pl.BlockSpec((BM1, EMB), lambda i: (i + blk_lo, 0)),
        out_shape=jax.ShapeDtypeStruct((N, EMB), jnp.float32),
        input_output_aliases={0: 0},
    )(h1buf, g_part, feats, w1)


BM2 = 256


def _mm2_body(r_ref, w_ref, cw_ref, o_ref):
    s = r_ref[:, 0, :]
    for k in range(1, S2 + 1):
        s = s + r_ref[:, k, :]
    y = jnp.dot(s, w_ref[...],
                preferred_element_type=jnp.float32) * (1.0 / (S2 + 1))
    h = jnp.where(y >= 0, y, ALPHA * y)
    o_ref[...] = jnp.dot(h, cw_ref[...], preferred_element_type=jnp.float32)


def _head_tc_part(rows_part, w2, cw_t, nb):
    return pl.pallas_call(
        _mm2_body,
        grid=(nb // BM2,),
        in_specs=[
            pl.BlockSpec((BM2, 16, EMB), lambda i: (i, 0, 0)),
            pl.BlockSpec((EMB, EMB), lambda i: (0, 0)),
            pl.BlockSpec((EMB, C), lambda i: (0, 0)),
        ],
        out_specs=pl.BlockSpec((BM2, C), lambda i: (i, 0)),
        out_shape=jax.ShapeDtypeStruct((nb, C), jnp.float32),
    )(rows_part, w2, cw_t)


def kernel(nodes, neigh_l1, neigh_l2, features, W1, W2, class_weight):
    neigh_t = neigh_l1.T.reshape(S1 * N)
    self6 = jnp.broadcast_to(jnp.arange(N, dtype=jnp.int32)[:, None], (N, 6))
    tblg = jnp.concatenate([neigh_l2, self6], axis=1).reshape(N // 8, 128)
    cw_t = class_weight.T

    h1 = jnp.zeros((N, EMB), jnp.float32)
    for part, (lo, n) in enumerate(zip(_A_LO, A_SPLIT)):
        g = _l1_parts[part](neigh_t, features).reshape(S1, n * PA, D)
        h1 = _h1_tc_part(h1, g, features, W1, lo * PA, n * PA)

    scores = []
    for part, (lo, n) in enumerate(zip(_C_LO, C_SPLIT)):
        rows = _l2_parts[part](nodes, tblg, h1)
        scores.append(
            _head_tc_part(rows.reshape(n * QC, 16, EMB), W2, cw_t, n * QC))
    return jnp.concatenate(scores, axis=0)

# --- scband reference (transcript-rebuilt; emitter-appended) ---
"""Pipeline reference for scband-supervised-graph-sage-16535624090308 (READ-ONLY COPY).

The authoritative reference and input builder live on the scoring server;
editing this copy changes nothing except your own understanding.
"""

import jax, jax.numpy as jnp
import numpy as np

N = 100000      # num_nodes
D = 128         # feature_dim
EMB = 128       # embed_dim
C = 40          # num_classes
B = 16384       # batch of seed nodes
S1 = 5          # num_sample for layer_1 (hardcoded in forward)
S2 = 10         # num_sample for layer_2 (hardcoded in forward)
ALPHA = 0.2


def _xavier(key, shape):
    fan_in, fan_out = shape[1], shape[0]
    std = np.sqrt(2.0 / (fan_in + fan_out))
    return jax.random.normal(key, shape, dtype=jnp.float32) * std


def setup_inputs(seed: int = 0) -> dict:
    key = jax.random.key(seed)
    ks = jax.random.split(key, 7)
    nodes = jax.random.randint(ks[0], (B,), 0, N, dtype=jnp.int32)
    neigh_l1 = jax.random.randint(ks[1], (N, S1), 0, N, dtype=jnp.int32)
    neigh_l2 = jax.random.randint(ks[2], (N, S2), 0, N, dtype=jnp.int32)
    features = jax.random.normal(ks[3], (N, D), dtype=jnp.float32)
    # learned parameters
    W1 = _xavier(ks[4], (EMB, D)).T           # [D, EMB] layer_1 MeanAggregator weight
    W2 = _xavier(ks[5], (EMB, EMB)).T         # [EMB, EMB] layer_2 MeanAggregator weight
    class_weight = _xavier(ks[6], (C, EMB))   # [C, EMB] self.weight
    return {"nodes": nodes, "neigh_l1": neigh_l1, "neigh_l2": neigh_l2,
            "features": features, "W1": W1, "W2": W2, "class_weight": class_weight}


def reference(nodes, neigh_l1, neigh_l2, features, W1, W2, class_weight):
    # Layer 1 (MeanAggregator, gcn=True): mean over sampled neighbors + self,
    # then linear transform + leaky_relu(alpha). Computed for all N nodes
    # (full 1-hop frontier), matching SAGE full-neighborhood evaluation.
    neigh_feats1 = features[neigh_l1]                      # gather [N, S1, D]
    agg1 = (jnp.sum(neigh_feats1, axis=1) + features) / float(S1 + 1)
    h1 = jax.nn.leaky_relu(agg1 @ W1, negative_slope=ALPHA)   # [N, EMB]

    # Layer 2 over the batch of seed nodes
    neigh2 = neigh_l2[nodes]                               # [B, S2]
    neigh_feats2 = h1[neigh2]                              # gather [B, S2, EMB]
    agg2 = (jnp.sum(neigh_feats2, axis=1) + h1[nodes]) / float(S2 + 1)
    h2 = jax.nn.leaky_relu(agg2 @ W2, negative_slope=ALPHA)  # [B, EMB]

    # scores = self.weight.mm(x_2.t()).t()  ==  h2 @ class_weight.T
    scores = h2 @ class_weight.T                           # [B, C]
    return scores

if __name__ == "__main__":
    import jax
    _d = setup_inputs()
    print(jax.jit(kernel)(*tuple(_d.values())))

</pallas_src>

<mosaic_0001>
#map = affine_map<(d0, d1) -> (0)>
#map1 = affine_map<(d0, d1) -> (0, 0)>
module attributes {stable_mosaic.version = 14 : i64} {
  func.func @body(%arg0: i32, %arg1: i32, %arg2: memref<16384xi32, #tpu.memory_space<hbm>>, %arg3: memref<12500x128xi32, #tpu.memory_space<hbm>>, %arg4: memref<100000x128xf32, #tpu.memory_space<hbm>>, %arg5: memref<114688x128xf32, #tpu.memory_space<hbm>>, %arg6: memref<32xi32, #tpu.memory_space<vmem>>, %arg7: memref<32xi32, #tpu.memory_space<vmem>>, %arg8: memref<32x128xi32, #tpu.memory_space<vmem>>, %arg9: memref<512xi32, #tpu.memory_space<vmem>>, %arg10: memref<512x128xf32, #tpu.memory_space<vmem>>, %arg11: memref<!tpu.dma_semaphore, #tpu.memory_space<semaphore_mem>>) attributes {dimension_semantics = [#tpu.dimension_semantics<core_parallel>, #tpu.dimension_semantics<subcore_parallel>], iteration_bounds = array<i64: 2, 16>, scalar_prefetch = 0 : i64, scratch_operands = 6 : i64, tpu.core_type = #tpu.core_type<sc_vector_subcore>, window_params = [{transform_indices = #map}, {transform_indices = #map1}, {transform_indices = #map1}, {transform_indices = #map1}]} {
    %mul3A = arith.constant 2 : i32
    %mul3A_0 = arith.muli %arg1, %mul3A : i32
    %add3A = arith.addi %mul3A_0, %arg0 : i32
    %iota3A = tpu.iota {dimensions = array<i32: 0>} : vector<16xi32>
    %scan3A = arith.constant 0 : i32
    %scan3A_1 = arith.constant 0 : i32
    %scan3A_2 = arith.constant 7 : i32
    %scan3A_3 = arith.addi %scan3A_1, %scan3A_2 : i32
    %scan3A_4 = arith.constant 1 : i32
    scf.for %scan3A_6 = %scan3A_1 to %scan3A_3 step %scan3A_4  : i32 {
      %mul3A_7 = arith.constant 7 : i32
      %mul3A_8 = arith.muli %add3A, %mul3A_7 : i32
      %add3A_9 = arith.constant 96 : i32
      %add3A_10 = arith.addi %add3A_9, %mul3A_8 : i32
      %add3A_11 = arith.addi %add3A_10, %scan3A_6 : i32
      %mul3A_12 = arith.constant 32 : i32
      %mul3A_13 = arith.muli %add3A_11, %mul3A_12 : i32
      %sub3A = arith.constant 96 : i32
      %sub3A_14 = arith.subi %add3A_11, %sub3A : i32
      %mul3A_15 = arith.constant 32 : i32
      %mul3A_16 = arith.muli %sub3A_14, %mul3A_15 : i32
      "tpu.region"() ({
        %run_scoped3A = tpu.sem_alloc : memref<!tpu.dma_semaphore, #tpu.memory_space<semaphore_mem>>
        %dma_start3A_587 = tpu.memref_slice %arg2[%mul3A_13] : memref<16384xi32, #tpu.memory_space<hbm>> -> memref<32xi32, #tpu.memory_space<hbm>>
        %dma_start3A_588 = tpu.memref_slice %arg2[%mul3A_13] : memref<16384xi32, #tpu.memory_space<hbm>> -> memref<32xi32, #tpu.memory_space<hbm>>
        tpu.enqueue_dma source(%dma_start3A_588 : memref<32xi32, #tpu.memory_space<hbm>>) target(%arg6 : memref<32xi32, #tpu.memory_space<vmem>>) target_semaphore(%run_scoped3A : memref<!tpu.dma_semaphore, #tpu.memory_space<semaphore_mem>>)
        %dma_wait3A_589 = tpu.memref_slice %arg2[%mul3A_13] : memref<16384xi32, #tpu.memory_space<hbm>> -> memref<32xi32, #tpu.memory_space<hbm>>
        %dma_wait3A_590 = tpu.memref_slice %arg2[%mul3A_13] : memref<16384xi32, #tpu.memory_space<hbm>> -> memref<32xi32, #tpu.memory_space<hbm>>
        tpu.wait_dma2 semaphore(%run_scoped3A : memref<!tpu.dma_semaphore, #tpu.memory_space<semaphore_mem>>) src(%dma_wait3A_590 : memref<32xi32, #tpu.memory_space<hbm>>) dst(%arg6 : memref<32xi32, #tpu.memory_space<vmem>>)
        tpu.yield
      }) : () -> ()
      %get3A = arith.constant 0 : index
      %get3A_17 = tpu.vector_load %arg6[%get3A] {strides = array<i32>} : memref<32xi32, #tpu.memory_space<vmem>>, vector<16xi32>,
      %get3A_18 = vector.shape_cast %get3A_17 : vector<16xi32> to vector<16xi32>
      %shift_right_arithmetic3A = arith.constant 3 : i32
      %shift_right_arithmetic3A_19 = vector.broadcast %shift_right_arithmetic3A : i32 to vector<16xi32>
      %shift_right_arithmetic3A_20 = arith.shrsi %get3A_18, %shift_right_arithmetic3A_19 : vector<16xi32>
      %swap3A = arith.constant 0 : index
      %swap3A_21 = tpu.vector_load %arg7[%swap3A] {strides = array<i32>} : memref<32xi32, #tpu.memory_space<vmem>>, vector<16xi32>,
      %swap3A_22 = vector.shape_cast %swap3A_21 : vector<16xi32> to vector<16xi32>
      %swap3A_23 = vector.shape_cast %shift_right_arithmetic3A_20 : vector<16xi32> to vector<16xi32>
      tpu.vector_store %arg7[%swap3A], %swap3A_23 {strides = array<i32>} : memref<32xi32, #tpu.memory_space<vmem>>, vector<16xi32>,
      %get3A_24 = arith.constant 16 : index
      %get3A_25 = tpu.vector_load %arg6[%get3A_24] {strides = array<i32>} : memref<32xi32, #tpu.memory_space<vmem>>, vector<16xi32>,
      %get3A_26 = vector.shape_cast %get3A_25 : vector<16xi32> to vector<16xi32>
      %shift_right_arithmetic3A_27 = arith.constant 3 : i32
      %shift_right_arithmetic3A_28 = vector.broadcast %shift_right_arithmetic3A_27 : i32 to vector<16xi32>
      %shift_right_arithmetic3A_29 = arith.shrsi %get3A_26, %shift_right_arithmetic3A_28 : vector<16xi32>
      %swap3A_30 = arith.constant 16 : index
      %swap3A_31 = tpu.vector_load %arg7[%swap3A_30] {strides = array<i32>} : memref<32xi32, #tpu.memory_space<vmem>>, vector<16xi32>,
      %swap3A_32 = vector.shape_cast %swap3A_31 : vector<16xi32> to vector<16xi32>
      %swap3A_33 = vector.shape_cast %shift_right_arithmetic3A_29 : vector<16xi32> to vector<16xi32>
      tpu.vector_store %arg7[%swap3A_30], %swap3A_33 {strides = array<i32>} : memref<32xi32, #tpu.memory_space<vmem>>, vector<16xi32>,
      %dma_start3A = arith.constant 0 : i32
      %dma_start3A_34 = arith.constant 0 : i32
      %dma_start3A_35 = tpu.memref_slice %arg3[%dma_start3A, %dma_start3A_34] : memref<12500x128xi32, #tpu.memory_space<hbm>> -> memref<12500x128xi32, #tpu.memory_space<hbm>>
      tpu.enqueue_indirect_dma source(%dma_start3A_35 : memref<12500x128xi32, #tpu.memory_space<hbm>>) target(%arg8 : memref<32x128xi32, #tpu.memory_space<vmem>>) offsets(%arg7 : memref<32xi32, #tpu.memory_space<vmem>>) semaphore(%arg11 : memref<!tpu.dma_semaphore, #tpu.memory_space<semaphore_mem>>)
      %dma_wait3A = arith.constant 0 : i32
      %dma_wait3A_36 = arith.constant 0 : i32
      %dma_wait3A_37 = tpu.memref_slice %arg3[%dma_wait3A, %dma_wait3A_36] : memref<12500x128xi32, #tpu.memory_space<hbm>> -> memref<12500x128xi32, #tpu.memory_space<hbm>>
      tpu.wait_indirect_dma semaphore(%arg11 : memref<!tpu.dma_semaphore, #tpu.memory_space<semaphore_mem>>) src(%dma_wait3A_37 : memref<12500x128xi32, #tpu.memory_space<hbm>>) dst(%arg8 : memref<32x128xi32, #tpu.memory_space<vmem>>)
      %get3A_38 = arith.constant 0 : index
      %get3A_39 = tpu.vector_load %arg6[%get3A_38] {strides = array<i32>} : memref<32xi32, #tpu.memory_space<vmem>>, vector<16xi32>,
      %get3A_40 = vector.shape_cast %get3A_39 : vector<16xi32> to vector<16xi32>
      %slice3A = vector.extract_strided_slice %get3A_40 {offsets = [0], sizes = [1], strides = [1]} : vector<16xi32> to vector<1xi32>
      %squeeze3A = vector.extract %slice3A[0] : i32 from vector<1xi32>
      %and3A = arith.constant 7 : i32
      %and3A_41 = arith.andi %squeeze3A, %and3A : i32
      %mul3A_42 = arith.constant 16 : i32
      %mul3A_43 = arith.muli %and3A_41, %mul3A_42 : i32
      %get3A_44 = arith.constant 0 : i32
      %get3A_45 = arith.index_cast %get3A_44 : i32 to index
      %get3A_46 = arith.index_cast %mul3A_43 : i32 to index
      %get3A_47 = tpu.vector_load %arg8[%get3A_45, %get3A_46] {strides = array<i32>} : memref<32x128xi32, #tpu.memory_space<vmem>>, vector<1x16xi32>,
      %get3A_48 = vector.shape_cast %get3A_47 : vector<1x16xi32> to vector<16xi32>
      %swap3A_49 = arith.constant 0 : index
      %swap3A_50 = tpu.vector_load %arg9[%swap3A_49] {strides = array<i32>} : memref<512xi32, #tpu.memory_space<vmem>>, vector<16xi32>,
      %swap3A_51 = vector.shape_cast %swap3A_50 : vector<16xi32> to vector<16xi32>
      %swap3A_52 = vector.shape_cast %get3A_48 : vector<16xi32> to vector<16xi32>
      tpu.vector_store %arg9[%swap3A_49], %swap3A_52 {strides = array<i32>} : memref<512xi32, #tpu.memory_space<vmem>>, vector<16xi32>,
      %slice3A_53 = vector.extract_strided_slice %get3A_40 {offsets = [1], sizes = [1], strides = [1]} : vector<16xi32> to vector<1xi32>
      %squeeze3A_54 = vector.extract %slice3A_53[0] : i32 from vector<1xi32>
      %and3A_55 = arith.constant 7 : i32
      %and3A_56 = arith.andi %squeeze3A_54, %and3A_55 : i32
      %mul3A_57 = arith.constant 16 : i32
      %mul3A_58 = arith.muli %and3A_56, %mul3A_57 : i32
      %get3A_59 = arith.constant 1 : i32
      %get3A_60 = arith.index_cast %get3A_59 : i32 to index
      %get3A_61 = arith.index_cast %mul3A_58 : i32 to index
      %get3A_62 = tpu.vector_load %arg8[%get3A_60, %get3A_61] {strides = array<i32>} : memref<32x128xi32, #tpu.memory_space<vmem>>, vector<1x16xi32>,
      %get3A_63 = vector.shape_cast %get3A_62 : vector<1x16xi32> to vector<16xi32>
      %swap3A_64 = arith.constant 16 : index
      %swap3A_65 = tpu.vector_load %arg9[%swap3A_64] {strides = array<i32>} : memref<512xi32, #tpu.memory_space<vmem>>, vector<16xi32>,
      %swap3A_66 = vector.shape_cast %swap3A_65 : vector<16xi32> to vector<16xi32>
      %swap3A_67 = vector.shape_cast %get3A_63 : vector<16xi32> to vector<16xi32>
      tpu.vector_store %arg9[%swap3A_64], %swap3A_67 {strides = array<i32>} : memref<512xi32, #tpu.memory_space<vmem>>, vector<16xi32>,
      %slice3A_68 = vector.extract_strided_slice %get3A_40 {offsets = [2], sizes = [1], strides = [1]} : vector<16xi32> to vector<1xi32>
      %squeeze3A_69 = vector.extract %slice3A_68[0] : i32 from vector<1xi32>
      %and3A_70 = arith.constant 7 : i32
      %and3A_71 = arith.andi %squeeze3A_69, %and3A_70 : i32
      %mul3A_72 = arith.constant 16 : i32
      %mul3A_73 = arith.muli %and3A_71, %mul3A_72 : i32
      %get3A_74 = arith.constant 2 : i32
      %get3A_75 = arith.index_cast %get3A_74 : i32 to index
      %get3A_76 = arith.index_cast %mul3A_73 : i32 to index
      %get3A_77 = tpu.vector_load %arg8[%get3A_75, %get3A_76] {strides = array<i32>} : memref<32x128xi32, #tpu.memory_space<vmem>>, vector<1x16xi32>,
      %get3A_78 = vector.shape_cast %get3A_77 : vector<1x16xi32> to vector<16xi32>
      %swap3A_79 = arith.constant 32 : index
      %swap3A_80 = tpu.vector_load %arg9[%swap3A_79] {strides = array<i32>} : memref<512xi32, #tpu.memory_space<vmem>>, vector<16xi32>,
      %swap3A_81 = vector.shape_cast %swap3A_80 : vector<16xi32> to vector<16xi32>
      %swap3A_82 = vector.shape_cast %get3A_78 : vector<16xi32> to vector<16xi32>
      tpu.vector_store %arg9[%swap3A_79], %swap3A_82 {strides = array<i32>} : memref<512xi32, #tpu.memory_space<vmem>>, vector<16xi32>,
      %slice3A_83 = vector.extract_strided_slice %get3A_40 {offsets = [3], sizes = [1], strides = [1]} : vector<16xi32> to vector<1xi32>
      %squeeze3A_84 = vector.extract %slice3A_83[0] : i32 from vector<1xi32>
      %and3A_85 = arith.constant 7 : i32
      %and3A_86 = arith.andi %squeeze3A_84, %and3A_85 : i32
      %mul3A_87 = arith.constant 16 : i32
      %mul3A_88 = arith.muli %and3A_86, %mul3A_87 : i32
      %get3A_89 = arith.constant 3 : i32
      %get3A_90 = arith.index_cast %get3A_89 : i32 to index
      %get3A_91 = arith.index_cast %mul3A_88 : i32 to index
      %get3A_92 = tpu.vector_load %arg8[%get3A_90, %get3A_91] {strides = array<i32>} : memref<32x128xi32, #tpu.memory_space<vmem>>, vector<1x16xi32>,
      %get3A_93 = vector.shape_cast %get3A_92 : vector<1x16xi32> to vector<16xi32>
      %swap3A_94 = arith.constant 48 : index
      %swap3A_95 = tpu.vector_load %arg9[%swap3A_94] {strides = array<i32>} : memref<512xi32, #tpu.memory_space<vmem>>, vector<16xi32>,
      %swap3A_96 = vector.shape_cast %swap3A_95 : vector<16xi32> to vector<16xi32>
      %swap3A_97 = vector.shape_cast %get3A_93 : vector<16xi32> to vector<16xi32>
      tpu.vector_store %arg9[%swap3A_94], %swap3A_97 {strides = array<i32>} : memref<512xi32, #tpu.memory_space<vmem>>, vector<16xi32>,
      %slice3A_98 = vector.extract_strided_slice %get3A_40 {offsets = [4], sizes = [1], strides = [1]} : vector<16xi32> to vector<1xi32>
      %squeeze3A_99 = vector.extract %slice3A_98[0] : i32 from vector<1xi32>
      %and3A_100 = arith.constant 7 : i32
      %and3A_101 = arith.andi %squeeze3A_99, %and3A_100 : i32
      %mul3A_102 = arith.constant 16 : i32
      %mul3A_103 = arith.muli %and3A_101, %mul3A_102 : i32
      %get3A_104 = arith.constant 4 : i32
      %get3A_105 = arith.index_cast %get3A_104 : i32 to index
      %get3A_106 = arith.index_cast %mul3A_103 : i32 to index
      %get3A_107 = tpu.vector_load %arg8[%get3A_105, %get3A_106] {strides = array<i32>} : memref<32x128xi32, #tpu.memory_space<vmem>>, vector<1x16xi32>,
      %get3A_108 = vector.shape_cast %get3A_107 : vector<1x16xi32> to vector<16xi32>
      %swap3A_109 = arith.constant 64 : index
      %swap3A_110 = tpu.vector_load %arg9[%swap3A_109] {strides = array<i32>} : memref<512xi32, #tpu.memory_space<vmem>>, vector<16xi32>,
      %swap3A_111 = vector.shape_cast %swap3A_110 : vector<16xi32> to vector<16xi32>
      %swap3A_112 = vector.shape_cast %get3A_108 : vector<16xi32> to vector<16xi32>
      tpu.vector_store %arg9[%swap3A_109], %swap3A_112 {strides = array<i32>} : memref<512xi32, #tpu.memory_space<vmem>>, vector<16xi32>,
      %slice3A_113 = vector.extract_strided_slice %get3A_40 {offsets = [5], sizes = [1], strides = [1]} : vector<16xi32> to vector<1xi32>
      %squeeze3A_114 = vector.extract %slice3A_113[0] : i32 from vector<1xi32>
      %and3A_115 = arith.constant 7 : i32
      %and3A_116 = arith.andi %squeeze3A_114, %and3A_115 : i32
      %mul3A_117 = arith.constant 16 : i32
      %mul3A_118 = arith.muli %and3A_116, %mul3A_117 : i32
      %get3A_119 = arith.constant 5 : i32
      %get3A_120 = arith.index_cast %get3A_119 : i32 to index
      %get3A_121 = arith.index_cast %mul3A_118 : i32 to index
      %get3A_122 = tpu.vector_load %arg8[%get3A_120, %get3A_121] {strides = array<i32>} : memref<32x128xi32, #tpu.memory_space<vmem>>, vector<1x16xi32>,
      %get3A_123 = vector.shape_cast %get3A_122 : vector<1x16xi32> to vector<16xi32>
      %swap3A_124 = arith.constant 80 : index
      %swap3A_125 = tpu.vector_load %arg9[%swap3A_124] {strides = array<i32>} : memref<512xi32, #tpu.memory_space<vmem>>, vector<16xi32>,
      %swap3A_126 = vector.shape_cast %swap3A_125 : vector<16xi32> to vector<16xi32>
      %swap3A_127 = vector.shape_cast %get3A_123 : vector<16xi32> to vector<16xi32>
      tpu.vector_store %arg9[%swap3A_124], %swap3A_127 {strides = array<i32>} : memref<512xi32, #tpu.memory_space<vmem>>, vector<16xi32>,
      %slice3A_128 = vector.extract_strided_slice %get3A_40 {offsets = [6], sizes = [1], strides = [1]} : vector<16xi32> to vector<1xi32>
      %squeeze3A_129 = vector.extract %slice3A_128[0] : i32 from vector<1xi32>
      %and3A_130 = arith.constant 7 : i32
      %and3A_131 = arith.andi %squeeze3A_129, %and3A_130 : i32
      %mul3A_132 = arith.constant 16 : i32
      %mul3A_133 = arith.muli %and3A_131, %mul3A_132 : i32
      %get3A_134 = arith.constant 6 : i32
      %get3A_135 = arith.index_cast %get3A_134 : i32 to index
      %get3A_136 = arith.index_cast %mul3A_133 : i32 to index
      %get3A_137 = tpu.vector_load %arg8[%get3A_135, %get3A_136] {strides = array<i32>} : memref<32x128xi32, #tpu.memory_space<vmem>>, vector<1x16xi32>,
      %get3A_138 = vector.shape_cast %get3A_137 : vector<1x16xi32> to vector<16xi32>
      %swap3A_139 = arith.constant 96 : index
      %swap3A_140 = tpu.vector_load %arg9[%swap3A_139] {strides = array<i32>} : memref<512xi32, #tpu.memory_space<vmem>>, vector<16xi32>,
      %swap3A_141 = vector.shape_cast %swap3A_140 : vector<16xi32> to vector<16xi32>
      %swap3A_142 = vector.shape_cast %get3A_138 : vector<16xi32> to vector<16xi32>
      tpu.vector_store %arg9[%swap3A_139], %swap3A_142 {strides = array<i32>} : memref<512xi32, #tpu.memory_space<vmem>>, vector<16xi32>,
      %slice3A_143 = vector.extract_strided_slice %get3A_40 {offsets = [7], sizes = [1], strides = [1]} : vector<16xi32> to vector<1xi32>
      %squeeze3A_144 = vector.extract %slice3A_143[0] : i32 from vector<1xi32>
      %and3A_145 = arith.constant 7 : i32
      %and3A_146 = arith.andi %squeeze3A_144, %and3A_145 : i32
      %mul3A_147 = arith.constant 16 : i32
      %mul3A_148 = arith.muli %and3A_146, %mul3A_147 : i32
      %get3A_149 = arith.constant 7 : i32
      %get3A_150 = arith.index_cast %get3A_149 : i32 to index
      %get3A_151 = arith.index_cast %mul3A_148 : i32 to index
      %get3A_152 = tpu.vector_load %arg8[%get3A_150, %get3A_151] {strides = array<i32>} : memref<32x128xi32, #tpu.memory_space<vmem>>, vector<1x16xi32>,
      %get3A_153 = vector.shape_cast %get3A_152 : vector<1x16xi32> to vector<16xi32>
      %swap3A_154 = arith.constant 112 : index
      %swap3A_155 = tpu.vector_load %arg9[%swap3A_154] {strides = array<i32>} : memref<512xi32, #tpu.memory_space<vmem>>, vector<16xi32>,
      %swap3A_156 = vector.shape_cast %swap3A_155 : vector<16xi32> to vector<16xi32>
      %swap3A_157 = vector.shape_cast %get3A_153 : vector<16xi32> to vector<16xi32>
      tpu.vector_store %arg9[%swap3A_154], %swap3A_157 {strides = array<i32>} : memref<512xi32, #tpu.memory_space<vmem>>, vector<16xi32>,
      %slice3A_158 = vector.extract_strided_slice %get3A_40 {offsets = [8], sizes = [1], strides = [1]} : vector<16xi32> to vector<1xi32>
      %squeeze3A_159 = vector.extract %slice3A_158[0] : i32 from vector<1xi32>
      %and3A_160 = arith.constant 7 : i32
      %and3A_161 = arith.andi %squeeze3A_159, %and3A_160 : i32
      %mul3A_162 = arith.constant 16 : i32
      %mul3A_163 = arith.muli %and3A_161, %mul3A_162 : i32
      %get3A_164 = arith.constant 8 : i32
      %get3A_165 = arith.index_cast %get3A_164 : i32 to index
      %get3A_166 = arith.index_cast %mul3A_163 : i32 to index
      %get3A_167 = tpu.vector_load %arg8[%get3A_165, %get3A_166] {strides = array<i32>} : memref<32x128xi32, #tpu.memory_space<vmem>>, vector<1x16xi32>,
      %get3A_168 = vector.shape_cast %get3A_167 : vector<1x16xi32> to vector<16xi32>
      %swap3A_169 = arith.constant 128 : index
      %swap3A_170 = tpu.vector_load %arg9[%swap3A_169] {strides = array<i32>} : memref<512xi32, #tpu.memory_space<vmem>>, vector<16xi32>,
      %swap3A_171 = vector.shape_cast %swap3A_170 : vector<16xi32> to vector<16xi32>
      %swap3A_172 = vector.shape_cast %get3A_168 : vector<16xi32> to vector<16xi32>
      tpu.vector_store %arg9[%swap3A_169], %swap3A_172 {strides = array<i32>} : memref<512xi32, #tpu.memory_space<vmem>>, vector<16xi32>,
      %slice3A_173 = vector.extract_strided_slice %get3A_40 {offsets = [9], sizes = [1], strides = [1]} : vector<16xi32> to vector<1xi32>
      %squeeze3A_174 = vector.extract %slice3A_173[0] : i32 from vector<1xi32>
      %and3A_175 = arith.constant 7 : i32
      %and3A_176 = arith.andi %squeeze3A_174, %and3A_175 : i32
      %mul3A_177 = arith.constant 16 : i32
      %mul3A_178 = arith.muli %and3A_176, %mul3A_177 : i32
      %get3A_179 = arith.constant 9 : i32
      %get3A_180 = arith.index_cast %get3A_179 : i32 to index
      %get3A_181 = arith.index_cast %mul3A_178 : i32 to index
      %get3A_182 = tpu.vector_load %arg8[%get3A_180, %get3A_181] {strides = array<i32>} : memref<32x128xi32, #tpu.memory_space<vmem>>, vector<1x16xi32>,
      %get3A_183 = vector.shape_cast %get3A_182 : vector<1x16xi32> to vector<16xi32>
      %swap3A_184 = arith.constant 144 : index
      %swap3A_185 = tpu.vector_load %arg9[%swap3A_184] {strides = array<i32>} : memref<512xi32, #tpu.memory_space<vmem>>, vector<16xi32>,
      %swap3A_186 = vector.shape_cast %swap3A_185 : vector<16xi32> to vector<16xi32>
      %swap3A_187 = vector.shape_cast %get3A_183 : vector<16xi32> to vector<16xi32>
      tpu.vector_store %arg9[%swap3A_184], %swap3A_187 {strides = array<i32>} : memref<512xi32, #tpu.memory_space<vmem>>, vector<16xi32>,
      %slice3A_188 = vector.extract_strided_slice %get3A_40 {offsets = [10], sizes = [1], strides = [1]} : vector<16xi32> to vector<1xi32>
      %squeeze3A_189 = vector.extract %slice3A_188[0] : i32 from vector<1xi32>
      %and3A_190 = arith.constant 7 : i32
      %and3A_191 = arith.andi %squeeze3A_189, %and3A_190 : i32
      %mul3A_192 = arith.constant 16 : i32
      %mul3A_193 = arith.muli %and3A_191, %mul3A_192 : i32
      %get3A_194 = arith.constant 10 : i32
      %get3A_195 = arith.index_cast %get3A_194 : i32 to index
      %get3A_196 = arith.index_cast %mul3A_193 : i32 to index
      %get3A_197 = tpu.vector_load %arg8[%get3A_195, %get3A_196] {strides = array<i32>} : memref<32x128xi32, #tpu.memory_space<vmem>>, vector<1x16xi32>,
      %get3A_198 = vector.shape_cast %get3A_197 : vector<1x16xi32> to vector<16xi32>
      %swap3A_199 = arith.constant 160 : index
      %swap3A_200 = tpu.vector_load %arg9[%swap3A_199] {strides = array<i32>} : memref<512xi32, #tpu.memory_space<vmem>>, vector<16xi32>,
      %swap3A_201 = vector.shape_cast %swap3A_200 : vector<16xi32> to vector<16xi32>
      %swap3A_202 = vector.shape_cast %get3A_198 : vector<16xi32> to vector<16xi32>
      tpu.vector_store %arg9[%swap3A_199], %swap3A_202 {strides = array<i32>} : memref<512xi32, #tpu.memory_space<vmem>>, vector<16xi32>,
      %slice3A_203 = vector.extract_strided_slice %get3A_40 {offsets = [11], sizes = [1], strides = [1]} : vector<16xi32> to vector<1xi32>
      %squeeze3A_204 = vector.extract %slice3A_203[0] : i32 from vector<1xi32>
      %and3A_205 = arith.constant 7 : i32
      %and3A_206 = arith.andi %squeeze3A_204, %and3A_205 : i32
      %mul3A_207 = arith.constant 16 : i32
      %mul3A_208 = arith.muli %and3A_206, %mul3A_207 : i32
      %get3A_209 = arith.constant 11 : i32
      %get3A_210 = arith.index_cast %get3A_209 : i32 to index
      %get3A_211 = arith.index_cast %mul3A_208 : i32 to index
      %get3A_212 = tpu.vector_load %arg8[%get3A_210, %get3A_211] {strides = array<i32>} : memref<32x128xi32, #tpu.memory_space<vmem>>, vector<1x16xi32>,
      %get3A_213 = vector.shape_cast %get3A_212 : vector<1x16xi32> to vector<16xi32>
      %swap3A_214 = arith.constant 176 : index
      %swap3A_215 = tpu.vector_load %arg9[%swap3A_214] {strides = array<i32>} : memref<512xi32, #tpu.memory_space<vmem>>, vector<16xi32>,
      %swap3A_216 = vector.shape_cast %swap3A_215 : vector<16xi32> to vector<16xi32>
      %swap3A_217 = vector.shape_cast %get3A_213 : vector<16xi32> to vector<16xi32>
      tpu.vector_store %arg9[%swap3A_214], %swap3A_217 {strides = array<i32>} : memref<512xi32, #tpu.memory_space<vmem>>, vector<16xi32>,
      %slice3A_218 = vector.extract_strided_slice %get3A_40 {offsets = [12], sizes = [1], strides = [1]} : vector<16xi32> to vector<1xi32>
      %squeeze3A_219 = vector.extract %slice3A_218[0] : i32 from vector<1xi32>
      %and3A_220 = arith.constant 7 : i32
      %and3A_221 = arith.andi %squeeze3A_219, %and3A_220 : i32
      %mul3A_222 = arith.constant 16 : i32
      %mul3A_223 = arith.muli %and3A_221, %mul3A_222 : i32
      %get3A_224 = arith.constant 12 : i32
      %get3A_225 = arith.index_cast %get3A_224 : i32 to index
      %get3A_226 = arith.index_cast %mul3A_223 : i32 to index
      %get3A_227 = tpu.vector_load %arg8[%get3A_225, %get3A_226] {strides = array<i32>} : memref<32x128xi32, #tpu.memory_space<vmem>>, vector<1x16xi32>,
      %get3A_228 = vector.shape_cast %get3A_227 : vector<1x16xi32> to vector<16xi32>
      %swap3A_229 = arith.constant 192 : index
      %swap3A_230 = tpu.vector_load %arg9[%swap3A_229] {strides = array<i32>} : memref<512xi32, #tpu.memory_space<vmem>>, vector<16xi32>,
      %swap3A_231 = vector.shape_cast %swap3A_230 : vector<16xi32> to vector<16xi32>
      %swap3A_232 = vector.shape_cast %get3A_228 : vector<16xi32> to vector<16xi32>
      tpu.vector_store %arg9[%swap3A_229], %swap3A_232 {strides = array<i32>} : memref<512xi32, #tpu.memory_space<vmem>>, vector<16xi32>,
      %slice3A_233 = vector.extract_strided_slice %get3A_40 {offsets = [13], sizes = [1], strides = [1]} : vector<16xi32> to vector<1xi32>
      %squeeze3A_234 = vector.extract %slice3A_233[0] : i32 from vector<1xi32>
      %and3A_235 = arith.constant 7 : i32
      %and3A_236 = arith.andi %squeeze3A_234, %and3A_235 : i32
      %mul3A_237 = arith.constant 16 : i32
      %mul3A_238 = arith.muli %and3A_236, %mul3A_237 : i32
      %get3A_239 = arith.constant 13 : i32
      %get3A_240 = arith.index_cast %get3A_239 : i32 to index
      %get3A_241 = arith.index_cast %mul3A_238 : i32 to index
      %get3A_242 = tpu.vector_load %arg8[%get3A_240, %get3A_241] {strides = array<i32>} : memref<32x128xi32, #tpu.memory_space<vmem>>, vector<1x16xi32>,
      %get3A_243 = vector.shape_cast %get3A_242 : vector<1x16xi32> to vector<16xi32>
      %swap3A_244 = arith.constant 208 : index
      %swap3A_245 = tpu.vector_load %arg9[%swap3A_244] {strides = array<i32>} : memref<512xi32, #tpu.memory_space<vmem>>, vector<16xi32>,
      %swap3A_246 = vector.shape_cast %swap3A_245 : vector<16xi32> to vector<16xi32>
      %swap3A_247 = vector.shape_cast %get3A_243 : vector<16xi32> to vector<16xi32>
      tpu.vector_store %arg9[%swap3A_244], %swap3A_247 {strides = array<i32>} : memref<512xi32, #tpu.memory_space<vmem>>, vector<16xi32>,
      %slice3A_248 = vector.extract_strided_slice %get3A_40 {offsets = [14], sizes = [1], strides = [1]} : vector<16xi32> to vector<1xi32>
      %squeeze3A_249 = vector.extract %slice3A_248[0] : i32 from vector<1xi32>
      %and3A_250 = arith.constant 7 : i32
      %and3A_251 = arith.andi %squeeze3A_249, %and3A_250 : i32
      %mul3A_252 = arith.constant 16 : i32
      %mul3A_253 = arith.muli %and3A_251, %mul3A_252 : i32
      %get3A_254 = arith.constant 14 : i32
      %get3A_255 = arith.index_cast %get3A_254 : i32 to index
      %get3A_256 = arith.index_cast %mul3A_253 : i32 to index
      %get3A_257 = tpu.vector_load %arg8[%get3A_255, %get3A_256] {strides = array<i32>} : memref<32x128xi32, #tpu.memory_space<vmem>>, vector<1x16xi32>,
      %get3A_258 = vector.shape_cast %get3A_257 : vector<1x16xi32> to vector<16xi32>
      %swap3A_259 = arith.constant 224 : index
      %swap3A_260 = tpu.vector_load %arg9[%swap3A_259] {strides = array<i32>} : memref<512xi32, #tpu.memory_space<vmem>>, vector<16xi32>,
      %swap3A_261 = vector.shape_cast %swap3A_260 : vector<16xi32> to vector<16xi32>
      %swap3A_262 = vector.shape_cast %get3A_258 : vector<16xi32> to vector<16xi32>
      tpu.vector_store %arg9[%swap3A_259], %swap3A_262 {strides = array<i32>} : memref<512xi32, #tpu.memory_space<vmem>>, vector<16xi32>,
      %slice3A_263 = vector.extract_strided_slice %get3A_40 {offsets = [15], sizes = [1], strides = [1]} : vector<16xi32> to vector<1xi32>
      %squeeze3A_264 = vector.extract %slice3A_263[0] : i32 from vector<1xi32>
      %and3A_265 = arith.constant 7 : i32
      %and3A_266 = arith.andi %squeeze3A_264, %and3A_265 : i32
      %mul3A_267 = arith.constant 16 : i32
      %mul3A_268 = arith.muli %and3A_266, %mul3A_267 : i32
      %get3A_269 = arith.constant 15 : i32
      %get3A_270 = arith.index_cast %get3A_269 : i32 to index
      %get3A_271 = arith.index_cast %mul3A_268 : i32 to index
      %get3A_272 = tpu.vector_load %arg8[%get3A_270, %get3A_271] {strides = array<i32>} : memref<32x128xi32, #tpu.memory_space<vmem>>, vector<1x16xi32>,
      %get3A_273 = vector.shape_cast %get3A_272 : vector<1x16xi32> to vector<16xi32>
      %swap3A_274 = arith.constant 240 : index
      %swap3A_275 = tpu.vector_load %arg9[%swap3A_274] {strides = array<i32>} : memref<512xi32, #tpu.memory_space<vmem>>, vector<16xi32>,
      %swap3A_276 = vector.shape_cast %swap3A_275 : vector<16xi32> to vector<16xi32>
      %swap3A_277 = vector.shape_cast %get3A_273 : vector<16xi32> to vector<16xi32>
      tpu.vector_store %arg9[%swap3A_274], %swap3A_277 {strides = array<i32>} : memref<512xi32, #tpu.memory_space<vmem>>, vector<16xi32>,
      %get3A_278 = arith.constant 16 : index
      %get3A_279 = tpu.vector_load %arg6[%get3A_278] {strides = array<i32>} : memref<32xi32, #tpu.memory_space<vmem>>, vector<16xi32>,
      %get3A_280 = vector.shape_cast %get3A_279 : vector<16xi32> to vector<16xi32>
      %slice3A_281 = vector.extract_strided_slice %get3A_280 {offsets = [0], sizes = [1], strides = [1]} : vector<16xi32> to vector<1xi32>
      %squeeze3A_282 = vector.extract %slice3A_281[0] : i32 from vector<1xi32>
      %and3A_283 = arith.constant 7 : i32
      %and3A_284 = arith.andi %squeeze3A_282, %and3A_283 : i32
      %mul3A_285 = arith.constant 16 : i32
      %mul3A_286 = arith.muli %and3A_284, %mul3A_285 : i32
      %get3A_287 = arith.constant 16 : i32
      %get3A_288 = arith.index_cast %get3A_287 : i32 to index
      %get3A_289 = arith.index_cast %mul3A_286 : i32 to index
      %get3A_290 = tpu.vector_load %arg8[%get3A_288, %get3A_289] {strides = array<i32>} : memref<32x128xi32, #tpu.memory_space<vmem>>, vector<1x16xi32>,
      %get3A_291 = vector.shape_cast %get3A_290 : vector<1x16xi32> to vector<16xi32>
      %swap3A_292 = arith.constant 256 : index
      %swap3A_293 = tpu.vector_load %arg9[%swap3A_292] {strides = array<i32>} : memref<512xi32, #tpu.memory_space<vmem>>, vector<16xi32>,
      %swap3A_294 = vector.shape_cast %swap3A_293 : vector<16xi32> to vector<16xi32>
      %swap3A_295 = vector.shape_cast %get3A_291 : vector<16xi32> to vector<16xi32>
      tpu.vector_store %arg9[%swap3A_292], %swap3A_295 {strides = array<i32>} : memref<512xi32, #tpu.memory_space<vmem>>, vector<16xi32>,
      %slice3A_296 = vector.extract_strided_slice %get3A_280 {offsets = [1], sizes = [1], strides = [1]} : vector<16xi32> to vector<1xi32>
      %squeeze3A_297 = vector.extract %slice3A_296[0] : i32 from vector<1xi32>
      %and3A_298 = arith.constant 7 : i32
      %and3A_299 = arith.andi %squeeze3A_297, %and3A_298 : i32
      %mul3A_300 = arith.constant 16 : i32
      %mul3A_301 = arith.muli %and3A_299, %mul3A_300 : i32
      %get3A_302 = arith.constant 17 : i32
      %get3A_303 = arith.index_cast %get3A_302 : i32 to index
      %get3A_304 = arith.index_cast %mul3A_301 : i32 to index
      %get3A_305 = tpu.vector_load %arg8[%get3A_303, %get3A_304] {strides = array<i32>} : memref<32x128xi32, #tpu.memory_space<vmem>>, vector<1x16xi32>,
      %get3A_306 = vector.shape_cast %get3A_305 : vector<1x16xi32> to vector<16xi32>
      %swap3A_307 = arith.constant 272 : index
      %swap3A_308 = tpu.vector_load %arg9[%swap3A_307] {strides = array<i32>} : memref<512xi32, #tpu.memory_space<vmem>>, vector<16xi32>,
      %swap3A_309 = vector.shape_cast %swap3A_308 : vector<16xi32> to vector<16xi32>
      %swap3A_310 = vector.shape_cast %get3A_306 : vector<16xi32> to vector<16xi32>
      tpu.vector_store %arg9[%swap3A_307], %swap3A_310 {strides = array<i32>} : memref<512xi32, #tpu.memory_space<vmem>>, vector<16xi32>,
      %slice3A_311 = vector.extract_strided_slice %get3A_280 {offsets = [2], sizes = [1], strides = [1]} : vector<16xi32> to vector<1xi32>
      %squeeze3A_312 = vector.extract %slice3A_311[0] : i32 from vector<1xi32>
      %and3A_313 = arith.constant 7 : i32
      %and3A_314 = arith.andi %squeeze3A_312, %and3A_313 : i32
      %mul3A_315 = arith.constant 16 : i32
      %mul3A_316 = arith.muli %and3A_314, %mul3A_315 : i32
      %get3A_317 = arith.constant 18 : i32
      %get3A_318 = arith.index_cast %get3A_317 : i32 to index
      %get3A_319 = arith.index_cast %mul3A_316 : i32 to index
      %get3A_320 = tpu.vector_load %arg8[%get3A_318, %get3A_319] {strides = array<i32>} : memref<32x128xi32, #tpu.memory_space<vmem>>, vector<1x16xi32>,
      %get3A_321 = vector.shape_cast %get3A_320 : vector<1x16xi32> to vector<16xi32>
      %swap3A_322 = arith.constant 288 : index
      %swap3A_323 = tpu.vector_load %arg9[%swap3A_322] {strides = array<i32>} : memref<512xi32, #tpu.memory_space<vmem>>, vector<16xi32>,
      %swap3A_324 = vector.shape_cast %swap3A_323 : vector<16xi32> to vector<16xi32>
      %swap3A_325 = vector.shape_cast %get3A_321 : vector<16xi32> to vector<16xi32>
      tpu.vector_store %arg9[%swap3A_322], %swap3A_325 {strides = array<i32>} : memref<512xi32, #tpu.memory_space<vmem>>, vector<16xi32>,
      %slice3A_326 = vector.extract_strided_slice %get3A_280 {offsets = [3], sizes = [1], strides = [1]} : vector<16xi32> to vector<1xi32>
      %squeeze3A_327 = vector.extract %slice3A_326[0] : i32 from vector<1xi32>
      %and3A_328 = arith.constant 7 : i32
      %and3A_329 = arith.andi %squeeze3A_327, %and3A_328 : i32
      %mul3A_330 = arith.constant 16 : i32
      %mul3A_331 = arith.muli %and3A_329, %mul3A_330 : i32
      %get3A_332 = arith.constant 19 : i32
      %get3A_333 = arith.index_cast %get3A_332 : i32 to index
      %get3A_334 = arith.index_cast %mul3A_331 : i32 to index
      %get3A_335 = tpu.vector_load %arg8[%get3A_333, %get3A_334] {strides = array<i32>} : memref<32x128xi32, #tpu.memory_space<vmem>>, vector<1x16xi32>,
      %get3A_336 = vector.shape_cast %get3A_335 : vector<1x16xi32> to vector<16xi32>
      %swap3A_337 = arith.constant 304 : index
      %swap3A_338 = tpu.vector_load %arg9[%swap3A_337] {strides = array<i32>} : memref<512xi32, #tpu.memory_space<vmem>>, vector<16xi32>,
      %swap3A_339 = vector.shape_cast %swap3A_338 : vector<16xi32> to vector<16xi32>
      %swap3A_340 = vector.shape_cast %get3A_336 : vector<16xi32> to vector<16xi32>
      tpu.vector_store %arg9[%swap3A_337], %swap3A_340 {strides = array<i32>} : memref<512xi32, #tpu.memory_space<vmem>>, vector<16xi32>,
      %slice3A_341 = vector.extract_strided_slice %get3A_280 {offsets = [4], sizes = [1], strides = [1]} : vector<16xi32> to vector<1xi32>
      %squeeze3A_342 = vector.extract %slice3A_341[0] : i32 from vector<1xi32>
      %and3A_343 = arith.constant 7 : i32
      %and3A_344 = arith.andi %squeeze3A_342, %and3A_343 : i32
      %mul3A_345 = arith.constant 16 : i32
      %mul3A_346 = arith.muli %and3A_344, %mul3A_345 : i32
      %get3A_347 = arith.constant 20 : i32
      %get3A_348 = arith.index_cast %get3A_347 : i32 to index
      %get3A_349 = arith.index_cast %mul3A_346 : i32 to index
      %get3A_350 = tpu.vector_load %arg8[%get3A_348, %get3A_349] {strides = array<i32>} : memref<32x128xi32, #tpu.memory_space<vmem>>, vector<1x16xi32>,
      %get3A_351 = vector.shape_cast %get3A_350 : vector<1x16xi32> to vector<16xi32>
      %swap3A_352 = arith.constant 320 : index
      %swap3A_353 = tpu.vector_load %arg9[%swap3A_352] {strides = array<i32>} : memref<512xi32, #tpu.memory_space<vmem>>, vector<16xi32>,
      %swap3A_354 = vector.shape_cast %swap3A_353 : vector<16xi32> to vector<16xi32>
      %swap3A_355 = vector.shape_cast %get3A_351 : vector<16xi32> to vector<16xi32>
      tpu.vector_store %arg9[%swap3A_352], %swap3A_355 {strides = array<i32>} : memref<512xi32, #tpu.memory_space<vmem>>, vector<16xi32>,
      %slice3A_356 = vector.extract_strided_slice %get3A_280 {offsets = [5], sizes = [1], strides = [1]} : vector<16xi32> to vector<1xi32>
      %squeeze3A_357 = vector.extract %slice3A_356[0] : i32 from vector<1xi32>
      %and3A_358 = arith.constant 7 : i32
      %and3A_359 = arith.andi %squeeze3A_357, %and3A_358 : i32
      %mul3A_360 = arith.constant 16 : i32
      %mul3A_361 = arith.muli %and3A_359, %mul3A_360 : i32
      %get3A_362 = arith.constant 21 : i32
      %get3A_363 = arith.index_cast %get3A_362 : i32 to index
      %get3A_364 = arith.index_cast %mul3A_361 : i32 to index
      %get3A_365 = tpu.vector_load %arg8[%get3A_363, %get3A_364] {strides = array<i32>} : memref<32x128xi32, #tpu.memory_space<vmem>>, vector<1x16xi32>,
      %get3A_366 = vector.shape_cast %get3A_365 : vector<1x16xi32> to vector<16xi32>
      %swap3A_367 = arith.constant 336 : index
      %swap3A_368 = tpu.vector_load %arg9[%swap3A_367] {strides = array<i32>} : memref<512xi32, #tpu.memory_space<vmem>>, vector<16xi32>,
      %swap3A_369 = vector.shape_cast %swap3A_368 : vector<16xi32> to vector<16xi32>
      %swap3A_370 = vector.shape_cast %get3A_366 : vector<16xi32> to vector<16xi32>
      tpu.vector_store %arg9[%swap3A_367], %swap3A_370 {strides = array<i32>} : memref<512xi32, #tpu.memory_space<vmem>>, vector<16xi32>,
      %slice3A_371 = vector.extract_strided_slice %get3A_280 {offsets = [6], sizes = [1], strides = [1]} : vector<16xi32> to vector<1xi32>
      %squeeze3A_372 = vector.extract %slice3A_371[0] : i32 from vector<1xi32>
      %and3A_373 = arith.constant 7 : i32
      %and3A_374 = arith.andi %squeeze3A_372, %and3A_373 : i32
      %mul3A_375 = arith.constant 16 : i32
      %mul3A_376 = arith.muli %and3A_374, %mul3A_375 : i32
      %get3A_377 = arith.constant 22 : i32
      %get3A_378 = arith.index_cast %get3A_377 : i32 to index
      %get3A_379 = arith.index_cast %mul3A_376 : i32 to index
      %get3A_380 = tpu.vector_load %arg8[%get3A_378, %get3A_379] {strides = array<i32>} : memref<32x128xi32, #tpu.memory_space<vmem>>, vector<1x16xi32>,
      %get3A_381 = vector.shape_cast %get3A_380 : vector<1x16xi32> to vector<16xi32>
      %swap3A_382 = arith.constant 352 : index
      %swap3A_383 = tpu.vector_load %arg9[%swap3A_382] {strides = array<i32>} : memref<512xi32, #tpu.memory_space<vmem>>, vector<16xi32>,
      %swap3A_384 = vector.shape_cast %swap3A_383 : vector<16xi32> to vector<16xi32>
      %swap3A_385 = vector.shape_cast %get3A_381 : vector<16xi32> to vector<16xi32>
      tpu.vector_store %arg9[%swap3A_382], %swap3A_385 {strides = array<i32>} : memref<512xi32, #tpu.memory_space<vmem>>, vector<16xi32>,
      %slice3A_386 = vector.extract_strided_slice %get3A_280 {offsets = [7], sizes = [1], strides = [1]} : vector<16xi32> to vector<1xi32>
      %squeeze3A_387 = vector.extract %slice3A_386[0] : i32 from vector<1xi32>
      %and3A_388 = arith.constant 7 : i32
      %and3A_389 = arith.andi %squeeze3A_387, %and3A_388 : i32
      %mul3A_390 = arith.constant 16 : i32
      %mul3A_391 = arith.muli %and3A_389, %mul3A_390 : i32
      %get3A_392 = arith.constant 23 : i32
      %get3A_393 = arith.index_cast %get3A_392 : i32 to index
      %get3A_394 = arith.index_cast %mul3A_391 : i32 to index
      %get3A_395 = tpu.vector_load %arg8[%get3A_393, %get3A_394] {strides = array<i32>} : memref<32x128xi32, #tpu.memory_space<vmem>>, vector<1x16xi32>,
      %get3A_396 = vector.shape_cast %get3A_395 : vector<1x16xi32> to vector<16xi32>
      %swap3A_397 = arith.constant 368 : index
      %swap3A_398 = tpu.vector_load %arg9[%swap3A_397] {strides = array<i32>} : memref<512xi32, #tpu.memory_space<vmem>>, vector<16xi32>,
      %swap3A_399 = vector.shape_cast %swap3A_398 : vector<16xi32> to vector<16xi32>
      %swap3A_400 = vector.shape_cast %get3A_396 : vector<16xi32> to vector<16xi32>
      tpu.vector_store %arg9[%swap3A_397], %swap3A_400 {strides = array<i32>} : memref<512xi32, #tpu.memory_space<vmem>>, vector<16xi32>,
      %slice3A_401 = vector.extract_strided_slice %get3A_280 {offsets = [8], sizes = [1], strides = [1]} : vector<16xi32> to vector<1xi32>
      %squeeze3A_402 = vector.extract %slice3A_401[0] : i32 from vector<1xi32>
      %and3A_403 = arith.constant 7 : i32
      %and3A_404 = arith.andi %squeeze3A_402, %and3A_403 : i32
      %mul3A_405 = arith.constant 16 : i32
      %mul3A_406 = arith.muli %and3A_404, %mul3A_405 : i32
      %get3A_407 = arith.constant 24 : i32
      %get3A_408 = arith.index_cast %get3A_407 : i32 to index
      %get3A_409 = arith.index_cast %mul3A_406 : i32 to index
      %get3A_410 = tpu.vector_load %arg8[%get3A_408, %get3A_409] {strides = array<i32>} : memref<32x128xi32, #tpu.memory_space<vmem>>, vector<1x16xi32>,
      %get3A_411 = vector.shape_cast %get3A_410 : vector<1x16xi32> to vector<16xi32>
      %swap3A_412 = arith.constant 384 : index
      %swap3A_413 = tpu.vector_load %arg9[%swap3A_412] {strides = array<i32>} : memref<512xi32, #tpu.memory_space<vmem>>, vector<16xi32>,
      %swap3A_414 = vector.shape_cast %swap3A_413 : vector<16xi32> to vector<16xi32>
      %swap3A_415 = vector.shape_cast %get3A_411 : vector<16xi32> to vector<16xi32>
      tpu.vector_store %arg9[%swap3A_412], %swap3A_415 {strides = array<i32>} : memref<512xi32, #tpu.memory_space<vmem>>, vector<16xi32>,
      %slice3A_416 = vector.extract_strided_slice %get3A_280 {offsets = [9], sizes = [1], strides = [1]} : vector<16xi32> to vector<1xi32>
      %squeeze3A_417 = vector.extract %slice3A_416[0] : i32 from vector<1xi32>
      %and3A_418 = arith.constant 7 : i32
      %and3A_419 = arith.andi %squeeze3A_417, %and3A_418 : i32
      %mul3A_420 = arith.constant 16 : i32
      %mul3A_421 = arith.muli %and3A_419, %mul3A_420 : i32
      %get3A_422 = arith.constant 25 : i32
      %get3A_423 = arith.index_cast %get3A_422 : i32 to index
      %get3A_424 = arith.index_cast %mul3A_421 : i32 to index
      %get3A_425 = tpu.vector_load %arg8[%get3A_423, %get3A_424] {strides = array<i32>} : memref<32x128xi32, #tpu.memory_space<vmem>>, vector<1x16xi32>,
      %get3A_426 = vector.shape_cast %get3A_425 : vector<1x16xi32> to vector<16xi32>
      %swap3A_427 = arith.constant 400 : index
      %swap3A_428 = tpu.vector_load %arg9[%swap3A_427] {strides = array<i32>} : memref<512xi32, #tpu.memory_space<vmem>>, vector<16xi32>,
      %swap3A_429 = vector.shape_cast %swap3A_428 : vector<16xi32> to vector<16xi32>
      %swap3A_430 = vector.shape_cast %get3A_426 : vector<16xi32> to vector<16xi32>
      tpu.vector_store %arg9[%swap3A_427], %swap3A_430 {strides = array<i32>} : memref<512xi32, #tpu.memory_space<vmem>>, vector<16xi32>,
      %slice3A_431 = vector.extract_strided_slice %get3A_280 {offsets = [10], sizes = [1], strides = [1]} : vector<16xi32> to vector<1xi32>
      %squeeze3A_432 = vector.extract %slice3A_431[0] : i32 from vector<1xi32>
      %and3A_433 = arith.constant 7 : i32
      %and3A_434 = arith.andi %squeeze3A_432, %and3A_433 : i32
      %mul3A_435 = arith.constant 16 : i32
      %mul3A_436 = arith.muli %and3A_434, %mul3A_435 : i32
      %get3A_437 = arith.constant 26 : i32
      %get3A_438 = arith.index_cast %get3A_437 : i32 to index
      %get3A_439 = arith.index_cast %mul3A_436 : i32 to index
      %get3A_440 = tpu.vector_load %arg8[%get3A_438, %get3A_439] {strides = array<i32>} : memref<32x128xi32, #tpu.memory_space<vmem>>, vector<1x16xi32>,
      %get3A_441 = vector.shape_cast %get3A_440 : vector<1x16xi32> to vector<16xi32>
      %swap3A_442 = arith.constant 416 : index
      %swap3A_443 = tpu.vector_load %arg9[%swap3A_442] {strides = array<i32>} : memref<512xi32, #tpu.memory_space<vmem>>, vector<16xi32>,
      %swap3A_444 = vector.shape_cast %swap3A_443 : vector<16xi32> to vector<16xi32>
      %swap3A_445 = vector.shape_cast %get3A_441 : vector<16xi32> to vector<16xi32>
      tpu.vector_store %arg9[%swap3A_442], %swap3A_445 {strides = array<i32>} : memref<512xi32, #tpu.memory_space<vmem>>, vector<16xi32>,
      %slice3A_446 = vector.extract_strided_slice %get3A_280 {offsets = [11], sizes = [1], strides = [1]} : vector<16xi32> to vector<1xi32>
      %squeeze3A_447 = vector.extract %slice3A_446[0] : i32 from vector<1xi32>
      %and3A_448 = arith.constant 7 : i32
      %and3A_449 = arith.andi %squeeze3A_447, %and3A_448 : i32
      %mul3A_450 = arith.constant 16 : i32
      %mul3A_451 = arith.muli %and3A_449, %mul3A_450 : i32
      %get3A_452 = arith.constant 27 : i32
      %get3A_453 = arith.index_cast %get3A_452 : i32 to index
      %get3A_454 = arith.index_cast %mul3A_451 : i32 to index
      %get3A_455 = tpu.vector_load %arg8[%get3A_453, %get3A_454] {strides = array<i32>} : memref<32x128xi32, #tpu.memory_space<vmem>>, vector<1x16xi32>,
      %get3A_456 = vector.shape_cast %get3A_455 : vector<1x16xi32> to vector<16xi32>
      %swap3A_457 = arith.constant 432 : index
      %swap3A_458 = tpu.vector_load %arg9[%swap3A_457] {strides = array<i32>} : memref<512xi32, #tpu.memory_space<vmem>>, vector<16xi32>,
      %swap3A_459 = vector.shape_cast %swap3A_458 : vector<16xi32> to vector<16xi32>
      %swap3A_460 = vector.shape_cast %get3A_456 : vector<16xi32> to vector<16xi32>
      tpu.vector_store %arg9[%swap3A_457], %swap3A_460 {strides = array<i32>} : memref<512xi32, #tpu.memory_space<vmem>>, vector<16xi32>,
      %slice3A_461 = vector.extract_strided_slice %get3A_280 {offsets = [12], sizes = [1], strides = [1]} : vector<16xi32> to vector<1xi32>
      %squeeze3A_462 = vector.extract %slice3A_461[0] : i32 from vector<1xi32>
      %and3A_463 = arith.constant 7 : i32
      %and3A_464 = arith.andi %squeeze3A_462, %and3A_463 : i32
      %mul3A_465 = arith.constant 16 : i32
      %mul3A_466 = arith.muli %and3A_464, %mul3A_465 : i32
      %get3A_467 = arith.constant 28 : i32
      %get3A_468 = arith.index_cast %get3A_467 : i32 to index
      %get3A_469 = arith.index_cast %mul3A_466 : i32 to index
      %get3A_470 = tpu.vector_load %arg8[%get3A_468, %get3A_469] {strides = array<i32>} : memref<32x128xi32, #tpu.memory_space<vmem>>, vector<1x16xi32>,
      %get3A_471 = vector.shape_cast %get3A_470 : vector<1x16xi32> to vector<16xi32>
      %swap3A_472 = arith.constant 448 : index
      %swap3A_473 = tpu.vector_load %arg9[%swap3A_472] {strides = array<i32>} : memref<512xi32, #tpu.memory_space<vmem>>, vector<16xi32>,
      %swap3A_474 = vector.shape_cast %swap3A_473 : vector<16xi32> to vector<16xi32>
      %swap3A_475 = vector.shape_cast %get3A_471 : vector<16xi32> to vector<16xi32>
      tpu.vector_store %arg9[%swap3A_472], %swap3A_475 {strides = array<i32>} : memref<512xi32, #tpu.memory_space<vmem>>, vector<16xi32>,
      %slice3A_476 = vector.extract_strided_slice %get3A_280 {offsets = [13], sizes = [1], strides = [1]} : vector<16xi32> to vector<1xi32>
      %squeeze3A_477 = vector.extract %slice3A_476[0] : i32 from vector<1xi32>
      %and3A_478 = arith.constant 7 : i32
      %and3A_479 = arith.andi %squeeze3A_477, %and3A_478 : i32
      %mul3A_480 = arith.constant 16 : i32
      %mul3A_481 = arith.muli %and3A_479, %mul3A_480 : i32
      %get3A_482 = arith.constant 29 : i32
      %get3A_483 = arith.index_cast %get3A_482 : i32 to index
      %get3A_484 = arith.index_cast %mul3A_481 : i32 to index
      %get3A_485 = tpu.vector_load %arg8[%get3A_483, %get3A_484] {strides = array<i32>} : memref<32x128xi32, #tpu.memory_space<vmem>>, vector<1x16xi32>,
      %get3A_486 = vector.shape_cast %get3A_485 : vector<1x16xi32> to vector<16xi32>
      %swap3A_487 = arith.constant 464 : index
      %swap3A_488 = tpu.vector_load %arg9[%swap3A_487] {strides = array<i32>} : memref<512xi32, #tpu.memory_space<vmem>>, vector<16xi32>,
      %swap3A_489 = vector.shape_cast %swap3A_488 : vector<16xi32> to vector<16xi32>
      %swap3A_490 = vector.shape_cast %get3A_486 : vector<16xi32> to vector<16xi32>
      tpu.vector_store %arg9[%swap3A_487], %swap3A_490 {strides = array<i32>} : memref<512xi32, #tpu.memory_space<vmem>>, vector<16xi32>,
      %slice3A_491 = vector.extract_strided_slice %get3A_280 {offsets = [14], sizes = [1], strides = [1]} : vector<16xi32> to vector<1xi32>
      %squeeze3A_492 = vector.extract %slice3A_491[0] : i32 from vector<1xi32>
      %and3A_493 = arith.constant 7 : i32
      %and3A_494 = arith.andi %squeeze3A_492, %and3A_493 : i32
      %mul3A_495 = arith.constant 16 : i32
      %mul3A_496 = arith.muli %and3A_494, %mul3A_495 : i32
      %get3A_497 = arith.constant 30 : i32
      %get3A_498 = arith.index_cast %get3A_497 : i32 to index
      %get3A_499 = arith.index_cast %mul3A_496 : i32 to index
      %get3A_500 = tpu.vector_load %arg8[%get3A_498, %get3A_499] {strides = array<i32>} : memref<32x128xi32, #tpu.memory_space<vmem>>, vector<1x16xi32>,
      %get3A_501 = vector.shape_cast %get3A_500 : vector<1x16xi32> to vector<16xi32>
      %swap3A_502 = arith.constant 480 : index
      %swap3A_503 = tpu.vector_load %arg9[%swap3A_502] {strides = array<i32>} : memref<512xi32, #tpu.memory_space<vmem>>, vector<16xi32>,
      %swap3A_504 = vector.shape_cast %swap3A_503 : vector<16xi32> to vector<16xi32>
      %swap3A_505 = vector.shape_cast %get3A_501 : vector<16xi32> to vector<16xi32>
      tpu.vector_store %arg9[%swap3A_502], %swap3A_505 {strides = array<i32>} : memref<512xi32, #tpu.memory_space<vmem>>, vector<16xi32>,
      %slice3A_506 = vector.extract_strided_slice %get3A_280 {offsets = [15], sizes = [1], strides = [1]} : vector<16xi32> to vector<1xi32>
      %squeeze3A_507 = vector.extract %slice3A_506[0] : i32 from vector<1xi32>
      %and3A_508 = arith.constant 7 : i32
      %and3A_509 = arith.andi %squeeze3A_507, %and3A_508 : i32
      %mul3A_510 = arith.constant 16 : i32
      %mul3A_511 = arith.muli %and3A_509, %mul3A_510 : i32
      %get3A_512 = arith.constant 31 : i32
      %get3A_513 = arith.index_cast %get3A_512 : i32 to index
      %get3A_514 = arith.index_cast %mul3A_511 : i32 to index
      %get3A_515 = tpu.vector_load %arg8[%get3A_513, %get3A_514] {strides = array<i32>} : memref<32x128xi32, #tpu.memory_space<vmem>>, vector<1x16xi32>,
      %get3A_516 = vector.shape_cast %get3A_515 : vector<1x16xi32> to vector<16xi32>
      %swap3A_517 = arith.constant 496 : index
      %swap3A_518 = tpu.vector_load %arg9[%swap3A_517] {strides = array<i32>} : memref<512xi32, #tpu.memory_space<vmem>>, vector<16xi32>,
      %swap3A_519 = vector.shape_cast %swap3A_518 : vector<16xi32> to vector<16xi32>
      %swap3A_520 = vector.shape_cast %get3A_516 : vector<16xi32> to vector<16xi32>
      tpu.vector_store %arg9[%swap3A_517], %swap3A_520 {strides = array<i32>} : memref<512xi32, #tpu.memory_space<vmem>>, vector<16xi32>,
      %dma_start3A_521 = arith.constant 0 : i32
      %dma_start3A_522 = arith.constant 0 : i32
      %dma_start3A_523 = tpu.memref_slice %arg10[%dma_start3A_521, %dma_start3A_522] : memref<512x128xf32, #tpu.memory_space<vmem>> -> memref<128x128xf32, #tpu.memory_space<vmem>>
      %dma_start3A_524 = arith.constant 0 : i32
      %dma_start3A_525 = tpu.memref_slice %arg9[%dma_start3A_524] : memref<512xi32, #tpu.memory_space<vmem>> -> memref<128xi32, #tpu.memory_space<vmem>>
      %dma_start3A_526 = arith.constant 0 : i32
      %dma_start3A_527 = arith.constant 0 : i32
      %dma_start3A_528 = tpu.memref_slice %arg4[%dma_start3A_526, %dma_start3A_527] : memref<100000x128xf32, #tpu.memory_space<hbm>> -> memref<100000x128xf32, #tpu.memory_space<hbm>>
      tpu.enqueue_indirect_dma source(%dma_start3A_528 : memref<100000x128xf32, #tpu.memory_space<hbm>>) target(%dma_start3A_523 : memref<128x128xf32, #tpu.memory_space<vmem>>) offsets(%dma_start3A_525 : memref<128xi32, #tpu.memory_space<vmem>>) semaphore(%arg11 : memref<!tpu.dma_semaphore, #tpu.memory_space<semaphore_mem>>)
      %dma_start3A_529 = arith.constant 128 : i32
      %dma_start3A_530 = arith.constant 0 : i32
      %dma_start3A_531 = tpu.memref_slice %arg10[%dma_start3A_529, %dma_start3A_530] : memref<512x128xf32, #tpu.memory_space<vmem>> -> memref<128x128xf32, #tpu.memory_space<vmem>>
      %dma_start3A_532 = arith.constant 128 : i32
      %dma_start3A_533 = tpu.memref_slice %arg9[%dma_start3A_532] : memref<512xi32, #tpu.memory_space<vmem>> -> memref<128xi32, #tpu.memory_space<vmem>>
      %dma_start3A_534 = arith.constant 0 : i32
      %dma_start3A_535 = arith.constant 0 : i32
      %dma_start3A_536 = tpu.memref_slice %arg4[%dma_start3A_534, %dma_start3A_535] : memref<100000x128xf32, #tpu.memory_space<hbm>> -> memref<100000x128xf32, #tpu.memory_space<hbm>>
      tpu.enqueue_indirect_dma source(%dma_start3A_536 : memref<100000x128xf32, #tpu.memory_space<hbm>>) target(%dma_start3A_531 : memref<128x128xf32, #tpu.memory_space<vmem>>) offsets(%dma_start3A_533 : memref<128xi32, #tpu.memory_space<vmem>>) semaphore(%arg11 : memref<!tpu.dma_semaphore, #tpu.memory_space<semaphore_mem>>)
      %dma_start3A_537 = arith.constant 256 : i32
      %dma_start3A_538 = arith.constant 0 : i32
      %dma_start3A_539 = tpu.memref_slice %arg10[%dma_start3A_537, %dma_start3A_538] : memref<512x128xf32, #tpu.memory_space<vmem>> -> memref<128x128xf32, #tpu.memory_space<vmem>>
      %dma_start3A_540 = arith.constant 256 : i32
      %dma_start3A_541 = tpu.memref_slice %arg9[%dma_start3A_540] : memref<512xi32, #tpu.memory_space<vmem>> -> memref<128xi32, #tpu.memory_space<vmem>>
      %dma_start3A_542 = arith.constant 0 : i32
      %dma_start3A_543 = arith.constant 0 : i32
      %dma_start3A_544 = tpu.memref_slice %arg4[%dma_start3A_542, %dma_start3A_543] : memref<100000x128xf32, #tpu.memory_space<hbm>> -> memref<100000x128xf32, #tpu.memory_space<hbm>>
      tpu.enqueue_indirect_dma source(%dma_start3A_544 : memref<100000x128xf32, #tpu.memory_space<hbm>>) target(%dma_start3A_539 : memref<128x128xf32, #tpu.memory_space<vmem>>) offsets(%dma_start3A_541 : memref<128xi32, #tpu.memory_space<vmem>>) semaphore(%arg11 : memref<!tpu.dma_semaphore, #tpu.memory_space<semaphore_mem>>)
      %dma_start3A_545 = arith.constant 384 : i32
      %dma_start3A_546 = arith.constant 0 : i32
      %dma_start3A_547 = tpu.memref_slice %arg10[%dma_start3A_545, %dma_start3A_546] : memref<512x128xf32, #tpu.memory_space<vmem>> -> memref<128x128xf32, #tpu.memory_space<vmem>>
      %dma_start3A_548 = arith.constant 384 : i32
      %dma_start3A_549 = tpu.memref_slice %arg9[%dma_start3A_548] : memref<512xi32, #tpu.memory_space<vmem>> -> memref<128xi32, #tpu.memory_space<vmem>>
      %dma_start3A_550 = arith.constant 0 : i32
      %dma_start3A_551 = arith.constant 0 : i32
      %dma_start3A_552 = tpu.memref_slice %arg4[%dma_start3A_550, %dma_start3A_551] : memref<100000x128xf32, #tpu.memory_space<hbm>> -> memref<100000x128xf32, #tpu.memory_space<hbm>>
      tpu.enqueue_indirect_dma source(%dma_start3A_552 : memref<100000x128xf32, #tpu.memory_space<hbm>>) target(%dma_start3A_547 : memref<128x128xf32, #tpu.memory_space<vmem>>) offsets(%dma_start3A_549 : memref<128xi32, #tpu.memory_space<vmem>>) semaphore(%arg11 : memref<!tpu.dma_semaphore, #tpu.memory_space<semaphore_mem>>)
      %dma_wait3A_553 = arith.constant 0 : i32
      %dma_wait3A_554 = arith.constant 0 : i32
      %dma_wait3A_555 = tpu.memref_slice %arg10[%dma_wait3A_553, %dma_wait3A_554] : memref<512x128xf32, #tpu.memory_space<vmem>> -> memref<128x128xf32, #tpu.memory_space<vmem>>
      %dma_wait3A_556 = arith.constant 0 : i32
      %dma_wait3A_557 = tpu.memref_slice %arg9[%dma_wait3A_556] : memref<512xi32, #tpu.memory_space<vmem>> -> memref<128xi32, #tpu.memory_space<vmem>>
      %dma_wait3A_558 = arith.constant 0 : i32
      %dma_wait3A_559 = arith.constant 0 : i32
      %dma_wait3A_560 = tpu.memref_slice %arg4[%dma_wait3A_558, %dma_wait3A_559] : memref<100000x128xf32, #tpu.memory_space<hbm>> -> memref<100000x128xf32, #tpu.memory_space<hbm>>
      tpu.wait_indirect_dma semaphore(%arg11 : memref<!tpu.dma_semaphore, #tpu.memory_space<semaphore_mem>>) src(%dma_wait3A_560 : memref<100000x128xf32, #tpu.memory_space<hbm>>) dst(%dma_wait3A_555 : memref<128x128xf32, #tpu.memory_space<vmem>>)
      %dma_wait3A_561 = arith.constant 128 : i32
      %dma_wait3A_562 = arith.constant 0 : i32
      %dma_wait3A_563 = tpu.memref_slice %arg10[%dma_wait3A_561, %dma_wait3A_562] : memref<512x128xf32, #tpu.memory_space<vmem>> -> memref<128x128xf32, #tpu.memory_space<vmem>>
      %dma_wait3A_564 = arith.constant 128 : i32
      %dma_wait3A_565 = tpu.memref_slice %arg9[%dma_wait3A_564] : memref<512xi32, #tpu.memory_space<vmem>> -> memref<128xi32, #tpu.memory_space<vmem>>
      %dma_wait3A_566 = arith.constant 0 : i32
      %dma_wait3A_567 = arith.constant 0 : i32
      %dma_wait3A_568 = tpu.memref_slice %arg4[%dma_wait3A_566, %dma_wait3A_567] : memref<100000x128xf32, #tpu.memory_space<hbm>> -> memref<100000x128xf32, #tpu.memory_space<hbm>>
      tpu.wait_indirect_dma semaphore(%arg11 : memref<!tpu.dma_semaphore, #tpu.memory_space<semaphore_mem>>) src(%dma_wait3A_568 : memref<100000x128xf32, #tpu.memory_space<hbm>>) dst(%dma_wait3A_563 : memref<128x128xf32, #tpu.memory_space<vmem>>)
      %dma_wait3A_569 = arith.constant 256 : i32
      %dma_wait3A_570 = arith.constant 0 : i32
      %dma_wait3A_571 = tpu.memref_slice %arg10[%dma_wait3A_569, %dma_wait3A_570] : memref<512x128xf32, #tpu.memory_space<vmem>> -> memref<128x128xf32, #tpu.memory_space<vmem>>
      %dma_wait3A_572 = arith.constant 256 : i32
      %dma_wait3A_573 = tpu.memref_slice %arg9[%dma_wait3A_572] : memref<512xi32, #tpu.memory_space<vmem>> -> memref<128xi32, #tpu.memory_space<vmem>>
      %dma_wait3A_574 = arith.constant 0 : i32
      %dma_wait3A_575 = arith.constant 0 : i32
      %dma_wait3A_576 = tpu.memref_slice %arg4[%dma_wait3A_574, %dma_wait3A_575] : memref<100000x128xf32, #tpu.memory_space<hbm>> -> memref<100000x128xf32, #tpu.memory_space<hbm>>
      tpu.wait_indirect_dma semaphore(%arg11 : memref<!tpu.dma_semaphore, #tpu.memory_space<semaphore_mem>>) src(%dma_wait3A_576 : memref<100000x128xf32, #tpu.memory_space<hbm>>) dst(%dma_wait3A_571 : memref<128x128xf32, #tpu.memory_space<vmem>>)
      %dma_wait3A_577 = arith.constant 384 : i32
      %dma_wait3A_578 = arith.constant 0 : i32
      %dma_wait3A_579 = tpu.memref_slice %arg10[%dma_wait3A_577, %dma_wait3A_578] : memref<512x128xf32, #tpu.memory_space<vmem>> -> memref<128x128xf32, #tpu.memory_space<vmem>>
      %dma_wait3A_580 = arith.constant 384 : i32
      %dma_wait3A_581 = tpu.memref_slice %arg9[%dma_wait3A_580] : memref<512xi32, #tpu.memory_space<vmem>> -> memref<128xi32, #tpu.memory_space<vmem>>
      %dma_wait3A_582 = arith.constant 0 : i32
      %dma_wait3A_583 = arith.constant 0 : i32
      %dma_wait3A_584 = tpu.memref_slice %arg4[%dma_wait3A_582, %dma_wait3A_583] : memref<100000x128xf32, #tpu.memory_space<hbm>> -> memref<100000x128xf32, #tpu.memory_space<hbm>>
      tpu.wait_indirect_dma semaphore(%arg11 : memref<!tpu.dma_semaphore, #tpu.memory_space<semaphore_mem>>) src(%dma_wait3A_584 : memref<100000x128xf32, #tpu.memory_space<hbm>>) dst(%dma_wait3A_579 : memref<128x128xf32, #tpu.memory_space<vmem>>)
      %mul3A_585 = arith.constant 16 : i32
      %mul3A_586 = arith.muli %mul3A_16, %mul3A_585 : i32
      "tpu.region"() ({
        %run_scoped3A = tpu.sem_alloc : memref<!tpu.dma_semaphore, #tpu.memory_space<semaphore_mem>>
        %dma_start3A_587 = arith.constant 0 : i32
        %dma_start3A_588 = tpu.memref_slice %arg5[%mul3A_586, %dma_start3A_587] : memref<114688x128xf32, #tpu.memory_space<hbm>> -> memref<512x128xf32, #tpu.memory_space<hbm>>
        %dma_start3A_589 = arith.constant 0 : i32
        %dma_start3A_590 = tpu.memref_slice %arg5[%mul3A_586, %dma_start3A_589] : memref<114688x128xf32, #tpu.memory_space<hbm>> -> memref<512x128xf32, #tpu.memory_space<hbm>>
        tpu.enqueue_dma source(%arg10 : memref<512x128xf32, #tpu.memory_space<vmem>>) target(%dma_start3A_590 : memref<512x128xf32, #tpu.memory_space<hbm>>) target_semaphore(%run_scoped3A : memref<!tpu.dma_semaphore, #tpu.memory_space<semaphore_mem>>)
        %dma_wait3A_591 = arith.constant 0 : i32
        %dma_wait3A_592 = tpu.memref_slice %arg5[%mul3A_586, %dma_wait3A_591] : memref<114688x128xf32, #tpu.memory_space<hbm>> -> memref<512x128xf32, #tpu.memory_space<hbm>>
        %dma_wait3A_593 = arith.constant 0 : i32
        %dma_wait3A_594 = tpu.memref_slice %arg5[%mul3A_586, %dma_wait3A_593] : memref<114688x128xf32, #tpu.memory_space<hbm>> -> memref<512x128xf32, #tpu.memory_space<hbm>>
        tpu.wait_dma2 semaphore(%run_scoped3A : memref<!tpu.dma_semaphore, #tpu.memory_space<semaphore_mem>>) src(%arg10 : memref<512x128xf32, #tpu.memory_space<vmem>>) dst(%dma_wait3A_594 : memref<512x128xf32, #tpu.memory_space<hbm>>)
        tpu.yield
      }) : () -> ()
    }
    %scan3A_5 = arith.constant 7 : i32
    return
  }
}

#map = affine_map<(d0, d1) -> (0)>
#map1 = affine_map<(d0, d1) -> (0, 0)>
module attributes {stable_mosaic.version = 14 : i64} {
  func.func @body(%arg0: i32, %arg1: i32, %arg2: memref<500000xi32, #tpu.memory_space<hbm>>, %arg3: memref<100000x128xf32, #tpu.memory_space<hbm>>, %arg4: memref<100000x128xf32, #tpu.memory_space<hbm>>, %arg5: memref<800xi32, #tpu.memory_space<vmem>>, %arg6: memref<800x128xf32, #tpu.memory_space<vmem>>, %arg7: memref<!tpu.dma_semaphore, #tpu.memory_space<semaphore_mem>>, %arg8: memref<!tpu.dma_semaphore, #tpu.memory_space<semaphore_mem>>) attributes {dimension_semantics = [#tpu.dimension_semantics<core_parallel>, #tpu.dimension_semantics<subcore_parallel>], iteration_bounds = array<i64: 2, 16>, scalar_prefetch = 0 : i64, scratch_operands = 4 : i64, tpu.core_type = #tpu.core_type<sc_vector_subcore>, window_params = [{transform_indices = #map}, {transform_indices = #map1}, {transform_indices = #map1}]} {
    %mul3A = arith.constant 2 : i32
    %mul3A_0 = arith.muli %arg1, %mul3A : i32
    %add3A = arith.addi %mul3A_0, %arg0 : i32
    %scan3A = arith.constant 0 : i32
    %scan3A_1 = arith.constant 0 : i32
    %scan3A_2 = arith.constant 4 : i32
    %scan3A_3 = arith.addi %scan3A_1, %scan3A_2 : i32
    %scan3A_4 = arith.constant 1 : i32
    scf.for %scan3A_6 = %scan3A_1 to %scan3A_3 step %scan3A_4  : i32 {
      %add3A_7 = arith.constant 0 : i32
      %add3A_8 = arith.addi %add3A_7, %add3A : i32
      %mul3A_9 = arith.constant 32 : i32
      %mul3A_10 = arith.muli %scan3A_6, %mul3A_9 : i32
      %add3A_11 = arith.addi %add3A_8, %mul3A_10 : i32
      %lt3A = arith.constant 125 : i32
      %lt3A_12 = arith.cmpi slt, %add3A_11, %lt3A : i32
      %convert_element_type3A = arith.extui %lt3A_12 : i1 to i32
      %cond3A = arith.constant 0 : i32
      %cond3A_13 = arith.cmpi ne, %convert_element_type3A, %cond3A : i32
      scf.if %cond3A_13 {
        %mul3A_14 = arith.constant 160 : i32
        %mul3A_15 = arith.muli %add3A_11, %mul3A_14 : i32
        %sub3A = arith.constant 0 : i32
        %sub3A_16 = arith.subi %add3A_11, %sub3A : i32
        %mul3A_17 = arith.constant 160 : i32
        %mul3A_18 = arith.muli %sub3A_16, %mul3A_17 : i32
        %add3A_19 = arith.constant 0 : i32
        %add3A_20 = arith.addi %add3A_19, %mul3A_15 : i32
        %dma_start3A = arith.constant 0 : i32
        %dma_start3A_21 = tpu.memref_slice %arg5[%dma_start3A] : memref<800xi32, #tpu.memory_space<vmem>> -> memref<160xi32, #tpu.memory_space<vmem>>
        %dma_start3A_22 = tpu.memref_slice %arg2[%add3A_20] : memref<500000xi32, #tpu.memory_space<hbm>> -> memref<160xi32, #tpu.memory_space<hbm>>
        %dma_start3A_23 = arith.constant 0 : i32
        %dma_start3A_24 = tpu.memref_slice %arg5[%dma_start3A_23] : memref<800xi32, #tpu.memory_space<vmem>> -> memref<160xi32, #tpu.memory_space<vmem>>
        %dma_start3A_25 = tpu.memref_slice %arg2[%add3A_20] : memref<500000xi32, #tpu.memory_space<hbm>> -> memref<160xi32, #tpu.memory_space<hbm>>
        tpu.enqueue_dma source(%dma_start3A_25 : memref<160xi32, #tpu.memory_space<hbm>>) target(%dma_start3A_24 : memref<160xi32, #tpu.memory_space<vmem>>) target_semaphore(%arg7 : memref<!tpu.dma_semaphore, #tpu.memory_space<semaphore_mem>>)
        %add3A_26 = arith.constant 100000 : i32
        %add3A_27 = arith.addi %add3A_26, %mul3A_15 : i32
        %dma_start3A_28 = arith.constant 160 : i32
        %dma_start3A_29 = tpu.memref_slice %arg5[%dma_start3A_28] : memref<800xi32, #tpu.memory_space<vmem>> -> memref<160xi32, #tpu.memory_space<vmem>>
        %dma_start3A_30 = tpu.memref_slice %arg2[%add3A_27] : memref<500000xi32, #tpu.memory_space<hbm>> -> memref<160xi32, #tpu.memory_space<hbm>>
        %dma_start3A_31 = arith.constant 160 : i32
        %dma_start3A_32 = tpu.memref_slice %arg5[%dma_start3A_31] : memref<800xi32, #tpu.memory_space<vmem>> -> memref<160xi32, #tpu.memory_space<vmem>>
        %dma_start3A_33 = tpu.memref_slice %arg2[%add3A_27] : memref<500000xi32, #tpu.memory_space<hbm>> -> memref<160xi32, #tpu.memory_space<hbm>>
        tpu.enqueue_dma source(%dma_start3A_33 : memref<160xi32, #tpu.memory_space<hbm>>) target(%dma_start3A_32 : memref<160xi32, #tpu.memory_space<vmem>>) target_semaphore(%arg7 : memref<!tpu.dma_semaphore, #tpu.memory_space<semaphore_mem>>)
        %add3A_34 = arith.constant 200000 : i32
        %add3A_35 = arith.addi %add3A_34, %mul3A_15 : i32
        %dma_start3A_36 = arith.constant 320 : i32
        %dma_start3A_37 = tpu.memref_slice %arg5[%dma_start3A_36] : memref<800xi32, #tpu.memory_space<vmem>> -> memref<160xi32, #tpu.memory_space<vmem>>
        %dma_start3A_38 = tpu.memref_slice %arg2[%add3A_35] : memref<500000xi32, #tpu.memory_space<hbm>> -> memref<160xi32, #tpu.memory_space<hbm>>
        %dma_start3A_39 = arith.constant 320 : i32
        %dma_start3A_40 = tpu.memref_slice %arg5[%dma_start3A_39] : memref<800xi32, #tpu.memory_space<vmem>> -> memref<160xi32, #tpu.memory_space<vmem>>
        %dma_start3A_41 = tpu.memref_slice %arg2[%add3A_35] : memref<500000xi32, #tpu.memory_space<hbm>> -> memref<160xi32, #tpu.memory_space<hbm>>
        tpu.enqueue_dma source(%dma_start3A_41 : memref<160xi32, #tpu.memory_space<hbm>>) target(%dma_start3A_40 : memref<160xi32, #tpu.memory_space<vmem>>) target_semaphore(%arg7 : memref<!tpu.dma_semaphore, #tpu.memory_space<semaphore_mem>>)
        %add3A_42 = arith.constant 300000 : i32
        %add3A_43 = arith.addi %add3A_42, %mul3A_15 : i32
        %dma_start3A_44 = arith.constant 480 : i32
        %dma_start3A_45 = tpu.memref_slice %arg5[%dma_start3A_44] : memref<800xi32, #tpu.memory_space<vmem>> -> memref<160xi32, #tpu.memory_space<vmem>>
        %dma_start3A_46 = tpu.memref_slice %arg2[%add3A_43] : memref<500000xi32, #tpu.memory_space<hbm>> -> memref<160xi32, #tpu.memory_space<hbm>>
        %dma_start3A_47 = arith.constant 480 : i32
        %dma_start3A_48 = tpu.memref_slice %arg5[%dma_start3A_47] : memref<800xi32, #tpu.memory_space<vmem>> -> memref<160xi32, #tpu.memory_space<vmem>>
        %dma_start3A_49 = tpu.memref_slice %arg2[%add3A_43] : memref<500000xi32, #tpu.memory_space<hbm>> -> memref<160xi32, #tpu.memory_space<hbm>>
        tpu.enqueue_dma source(%dma_start3A_49 : memref<160xi32, #tpu.memory_space<hbm>>) target(%dma_start3A_48 : memref<160xi32, #tpu.memory_space<vmem>>) target_semaphore(%arg7 : memref<!tpu.dma_semaphore, #tpu.memory_space<semaphore_mem>>)
        %add3A_50 = arith.constant 400000 : i32
        %add3A_51 = arith.addi %add3A_50, %mul3A_15 : i32
        %dma_start3A_52 = arith.constant 640 : i32
        %dma_start3A_53 = tpu.memref_slice %arg5[%dma_start3A_52] : memref<800xi32, #tpu.memory_space<vmem>> -> memref<160xi32, #tpu.memory_space<vmem>>
        %dma_start3A_54 = tpu.memref_slice %arg2[%add3A_51] : memref<500000xi32, #tpu.memory_space<hbm>> -> memref<160xi32, #tpu.memory_space<hbm>>
        %dma_start3A_55 = arith.constant 640 : i32
        %dma_start3A_56 = tpu.memref_slice %arg5[%dma_start3A_55] : memref<800xi32, #tpu.memory_space<vmem>> -> memref<160xi32, #tpu.memory_space<vmem>>
        %dma_start3A_57 = tpu.memref_slice %arg2[%add3A_51] : memref<500000xi32, #tpu.memory_space<hbm>> -> memref<160xi32, #tpu.memory_space<hbm>>
        tpu.enqueue_dma source(%dma_start3A_57 : memref<160xi32, #tpu.memory_space<hbm>>) target(%dma_start3A_56 : memref<160xi32, #tpu.memory_space<vmem>>) target_semaphore(%arg7 : memref<!tpu.dma_semaphore, #tpu.memory_space<semaphore_mem>>)
        %dma_wait3A = arith.constant 0 : i32
        %dma_wait3A_58 = tpu.memref_slice %arg5[%dma_wait3A] : memref<800xi32, #tpu.memory_space<vmem>> -> memref<160xi32, #tpu.memory_space<vmem>>
        %dma_wait3A_59 = tpu.memref_slice %arg2[%add3A_20] : memref<500000xi32, #tpu.memory_space<hbm>> -> memref<160xi32, #tpu.memory_space<hbm>>
        %dma_wait3A_60 = arith.constant 0 : i32
        %dma_wait3A_61 = tpu.memref_slice %arg5[%dma_wait3A_60] : memref<800xi32, #tpu.memory_space<vmem>> -> memref<160xi32, #tpu.memory_space<vmem>>
        %dma_wait3A_62 = tpu.memref_slice %arg2[%add3A_20] : memref<500000xi32, #tpu.memory_space<hbm>> -> memref<160xi32, #tpu.memory_space<hbm>>
        tpu.wait_dma2 semaphore(%arg7 : memref<!tpu.dma_semaphore, #tpu.memory_space<semaphore_mem>>) src(%dma_wait3A_62 : memref<160xi32, #tpu.memory_space<hbm>>) dst(%dma_wait3A_61 : memref<160xi32, #tpu.memory_space<vmem>>)
        %dma_wait3A_63 = arith.constant 160 : i32
        %dma_wait3A_64 = tpu.memref_slice %arg5[%dma_wait3A_63] : memref<800xi32, #tpu.memory_space<vmem>> -> memref<160xi32, #tpu.memory_space<vmem>>
        %dma_wait3A_65 = tpu.memref_slice %arg2[%add3A_27] : memref<500000xi32, #tpu.memory_space<hbm>> -> memref<160xi32, #tpu.memory_space<hbm>>
        %dma_wait3A_66 = arith.constant 160 : i32
        %dma_wait3A_67 = tpu.memref_slice %arg5[%dma_wait3A_66] : memref<800xi32, #tpu.memory_space<vmem>> -> memref<160xi32, #tpu.memory_space<vmem>>
        %dma_wait3A_68 = tpu.memref_slice %arg2[%add3A_27] : memref<500000xi32, #tpu.memory_space<hbm>> -> memref<160xi32, #tpu.memory_space<hbm>>
        tpu.wait_dma2 semaphore(%arg7 : memref<!tpu.dma_semaphore, #tpu.memory_space<semaphore_mem>>) src(%dma_wait3A_68 : memref<160xi32, #tpu.memory_space<hbm>>) dst(%dma_wait3A_67 : memref<160xi32, #tpu.memory_space<vmem>>)
        %dma_wait3A_69 = arith.constant 320 : i32
        %dma_wait3A_70 = tpu.memref_slice %arg5[%dma_wait3A_69] : memref<800xi32, #tpu.memory_space<vmem>> -> memref<160xi32, #tpu.memory_space<vmem>>
        %dma_wait3A_71 = tpu.memref_slice %arg2[%add3A_35] : memref<500000xi32, #tpu.memory_space<hbm>> -> memref<160xi32, #tpu.memory_space<hbm>>
        %dma_wait3A_72 = arith.constant 320 : i32
        %dma_wait3A_73 = tpu.memref_slice %arg5[%dma_wait3A_72] : memref<800xi32, #tpu.memory_space<vmem>> -> memref<160xi32, #tpu.memory_space<vmem>>
        %dma_wait3A_74 = tpu.memref_slice %arg2[%add3A_35] : memref<500000xi32, #tpu.memory_space<hbm>> -> memref<160xi32, #tpu.memory_space<hbm>>
        tpu.wait_dma2 semaphore(%arg7 : memref<!tpu.dma_semaphore, #tpu.memory_space<semaphore_mem>>) src(%dma_wait3A_74 : memref<160xi32, #tpu.memory_space<hbm>>) dst(%dma_wait3A_73 : memref<160xi32, #tpu.memory_space<vmem>>)
        %dma_wait3A_75 = arith.constant 480 : i32
        %dma_wait3A_76 = tpu.memref_slice %arg5[%dma_wait3A_75] : memref<800xi32, #tpu.memory_space<vmem>> -> memref<160xi32, #tpu.memory_space<vmem>>
        %dma_wait3A_77 = tpu.memref_slice %arg2[%add3A_43] : memref<500000xi32, #tpu.memory_space<hbm>> -> memref<160xi32, #tpu.memory_space<hbm>>
        %dma_wait3A_78 = arith.constant 480 : i32
        %dma_wait3A_79 = tpu.memref_slice %arg5[%dma_wait3A_78] : memref<800xi32, #tpu.memory_space<vmem>> -> memref<160xi32, #tpu.memory_space<vmem>>
        %dma_wait3A_80 = tpu.memref_slice %arg2[%add3A_43] : memref<500000xi32, #tpu.memory_space<hbm>> -> memref<160xi32, #tpu.memory_space<hbm>>
        tpu.wait_dma2 semaphore(%arg7 : memref<!tpu.dma_semaphore, #tpu.memory_space<semaphore_mem>>) src(%dma_wait3A_80 : memref<160xi32, #tpu.memory_space<hbm>>) dst(%dma_wait3A_79 : memref<160xi32, #tpu.memory_space<vmem>>)
        %dma_wait3A_81 = arith.constant 640 : i32
        %dma_wait3A_82 = tpu.memref_slice %arg5[%dma_wait3A_81] : memref<800xi32, #tpu.memory_space<vmem>> -> memref<160xi32, #tpu.memory_space<vmem>>
        %dma_wait3A_83 = tpu.memref_slice %arg2[%add3A_51] : memref<500000xi32, #tpu.memory_space<hbm>> -> memref<160xi32, #tpu.memory_space<hbm>>
        %dma_wait3A_84 = arith.constant 640 : i32
        %dma_wait3A_85 = tpu.memref_slice %arg5[%dma_wait3A_84] : memref<800xi32, #tpu.memory_space<vmem>> -> memref<160xi32, #tpu.memory_space<vmem>>
        %dma_wait3A_86 = tpu.memref_slice %arg2[%add3A_51] : memref<500000xi32, #tpu.memory_space<hbm>> -> memref<160xi32, #tpu.memory_space<hbm>>
        tpu.wait_dma2 semaphore(%arg7 : memref<!tpu.dma_semaphore, #tpu.memory_space<semaphore_mem>>) src(%dma_wait3A_86 : memref<160xi32, #tpu.memory_space<hbm>>) dst(%dma_wait3A_85 : memref<160xi32, #tpu.memory_space<vmem>>)
        %dma_start3A_87 = arith.constant 0 : i32
        %dma_start3A_88 = arith.constant 0 : i32
        %dma_start3A_89 = tpu.memref_slice %arg6[%dma_start3A_87, %dma_start3A_88] : memref<800x128xf32, #tpu.memory_space<vmem>> -> memref<400x128xf32, #tpu.memory_space<vmem>>
        %dma_start3A_90 = arith.constant 0 : i32
        %dma_start3A_91 = tpu.memref_slice %arg5[%dma_start3A_90] : memref<800xi32, #tpu.memory_space<vmem>> -> memref<400xi32, #tpu.memory_space<vmem>>
        %dma_start3A_92 = arith.constant 0 : i32
        %dma_start3A_93 = arith.constant 0 : i32
        %dma_start3A_94 = tpu.memref_slice %arg3[%dma_start3A_92, %dma_start3A_93] : memref<100000x128xf32, #tpu.memory_space<hbm>> -> memref<100000x128xf32, #tpu.memory_space<hbm>>
        tpu.enqueue_indirect_dma source(%dma_start3A_94 : memref<100000x128xf32, #tpu.memory_space<hbm>>) target(%dma_start3A_89 : memref<400x128xf32, #tpu.memory_space<vmem>>) offsets(%dma_start3A_91 : memref<400xi32, #tpu.memory_space<vmem>>) semaphore(%arg8 : memref<!tpu.dma_semaphore, #tpu.memory_space<semaphore_mem>>)
        %dma_start3A_95 = arith.constant 400 : i32
        %dma_start3A_96 = arith.constant 0 : i32
        %dma_start3A_97 = tpu.memref_slice %arg6[%dma_start3A_95, %dma_start3A_96] : memref<800x128xf32, #tpu.memory_space<vmem>> -> memref<400x128xf32, #tpu.memory_space<vmem>>
        %dma_start3A_98 = arith.constant 400 : i32
        %dma_start3A_99 = tpu.memref_slice %arg5[%dma_start3A_98] : memref<800xi32, #tpu.memory_space<vmem>> -> memref<400xi32, #tpu.memory_space<vmem>>
        %dma_start3A_100 = arith.constant 0 : i32
        %dma_start3A_101 = arith.constant 0 : i32
        %dma_start3A_102 = tpu.memref_slice %arg3[%dma_start3A_100, %dma_start3A_101] : memref<100000x128xf32, #tpu.memory_space<hbm>> -> memref<100000x128xf32, #tpu.memory_space<hbm>>
        tpu.enqueue_indirect_dma source(%dma_start3A_102 : memref<100000x128xf32, #tpu.memory_space<hbm>>) target(%dma_start3A_97 : memref<400x128xf32, #tpu.memory_space<vmem>>) offsets(%dma_start3A_99 : memref<400xi32, #tpu.memory_space<vmem>>) semaphore(%arg8 : memref<!tpu.dma_semaphore, #tpu.memory_space<semaphore_mem>>)
        %dma_wait3A_103 = arith.constant 0 : i32
        %dma_wait3A_104 = arith.constant 0 : i32
        %dma_wait3A_105 = tpu.memref_slice %arg6[%dma_wait3A_103, %dma_wait3A_104] : memref<800x128xf32, #tpu.memory_space<vmem>> -> memref<400x128xf32, #tpu.memory_space<vmem>>
        %dma_wait3A_106 = arith.constant 0 : i32
        %dma_wait3A_107 = tpu.memref_slice %arg5[%dma_wait3A_106] : memref<800xi32, #tpu.memory_space<vmem>> -> memref<400xi32, #tpu.memory_space<vmem>>
        %dma_wait3A_108 = arith.constant 0 : i32
        %dma_wait3A_109 = arith.constant 0 : i32
        %dma_wait3A_110 = tpu.memref_slice %arg3[%dma_wait3A_108, %dma_wait3A_109] : memref<100000x128xf32, #tpu.memory_space<hbm>> -> memref<100000x128xf32, #tpu.memory_space<hbm>>
        tpu.wait_indirect_dma semaphore(%arg8 : memref<!tpu.dma_semaphore, #tpu.memory_space<semaphore_mem>>) src(%dma_wait3A_110 : memref<100000x128xf32, #tpu.memory_space<hbm>>) dst(%dma_wait3A_105 : memref<400x128xf32, #tpu.memory_space<vmem>>)
        %dma_wait3A_111 = arith.constant 400 : i32
        %dma_wait3A_112 = arith.constant 0 : i32
        %dma_wait3A_113 = tpu.memref_slice %arg6[%dma_wait3A_111, %dma_wait3A_112] : memref<800x128xf32, #tpu.memory_space<vmem>> -> memref<400x128xf32, #tpu.memory_space<vmem>>
        %dma_wait3A_114 = arith.constant 400 : i32
        %dma_wait3A_115 = tpu.memref_slice %arg5[%dma_wait3A_114] : memref<800xi32, #tpu.memory_space<vmem>> -> memref<400xi32, #tpu.memory_space<vmem>>
        %dma_wait3A_116 = arith.constant 0 : i32
        %dma_wait3A_117 = arith.constant 0 : i32
        %dma_wait3A_118 = tpu.memref_slice %arg3[%dma_wait3A_116, %dma_wait3A_117] : memref<100000x128xf32, #tpu.memory_space<hbm>> -> memref<100000x128xf32, #tpu.memory_space<hbm>>
        tpu.wait_indirect_dma semaphore(%arg8 : memref<!tpu.dma_semaphore, #tpu.memory_space<semaphore_mem>>) src(%dma_wait3A_118 : memref<100000x128xf32, #tpu.memory_space<hbm>>) dst(%dma_wait3A_113 : memref<400x128xf32, #tpu.memory_space<vmem>>)
        %add3A_119 = arith.constant 0 : i32
        %add3A_120 = arith.addi %add3A_119, %mul3A_18 : i32
        %dma_start3A_121 = arith.constant 0 : i32
        %dma_start3A_122 = arith.constant 0 : i32
        %dma_start3A_123 = tpu.memref_slice %arg6[%dma_start3A_121, %dma_start3A_122] : memref<800x128xf32, #tpu.memory_space<vmem>> -> memref<160x128xf32, #tpu.memory_space<vmem>>
        %dma_start3A_124 = arith.constant 0 : i32
        %dma_start3A_125 = tpu.memref_slice %arg4[%add3A_120, %dma_start3A_124] : memref<100000x128xf32, #tpu.memory_space<hbm>> -> memref<160x128xf32, #tpu.memory_space<hbm>>
        %dma_start3A_126 = arith.constant 0 : i32
        %dma_start3A_127 = tpu.memref_slice %arg4[%add3A_120, %dma_start3A_126] : memref<100000x128xf32, #tpu.memory_space<hbm>> -> memref<160x128xf32, #tpu.memory_space<hbm>>
        %dma_start3A_128 = arith.constant 0 : i32
        %dma_start3A_129 = arith.constant 0 : i32
        %dma_start3A_130 = tpu.memref_slice %arg6[%dma_start3A_128, %dma_start3A_129] : memref<800x128xf32, #tpu.memory_space<vmem>> -> memref<160x128xf32, #tpu.memory_space<vmem>>
        tpu.enqueue_dma source(%dma_start3A_130 : memref<160x128xf32, #tpu.memory_space<vmem>>) target(%dma_start3A_127 : memref<160x128xf32, #tpu.memory_space<hbm>>) target_semaphore(%arg7 : memref<!tpu.dma_semaphore, #tpu.memory_space<semaphore_mem>>)
        %add3A_131 = arith.constant 20000 : i32
        %add3A_132 = arith.addi %add3A_131, %mul3A_18 : i32
        %dma_start3A_133 = arith.constant 160 : i32
        %dma_start3A_134 = arith.constant 0 : i32
        %dma_start3A_135 = tpu.memref_slice %arg6[%dma_start3A_133, %dma_start3A_134] : memref<800x128xf32, #tpu.memory_space<vmem>> -> memref<160x128xf32, #tpu.memory_space<vmem>>
        %dma_start3A_136 = arith.constant 0 : i32
        %dma_start3A_137 = tpu.memref_slice %arg4[%add3A_132, %dma_start3A_136] : memref<100000x128xf32, #tpu.memory_space<hbm>> -> memref<160x128xf32, #tpu.memory_space<hbm>>
        %dma_start3A_138 = arith.constant 0 : i32
        %dma_start3A_139 = tpu.memref_slice %arg4[%add3A_132, %dma_start3A_138] : memref<100000x128xf32, #tpu.memory_space<hbm>> -> memref<160x128xf32, #tpu.memory_space<hbm>>
        %dma_start3A_140 = arith.constant 160 : i32
        %dma_start3A_141 = arith.constant 0 : i32
        %dma_start3A_142 = tpu.memref_slice %arg6[%dma_start3A_140, %dma_start3A_141] : memref<800x128xf32, #tpu.memory_space<vmem>> -> memref<160x128xf32, #tpu.memory_space<vmem>>
        tpu.enqueue_dma source(%dma_start3A_142 : memref<160x128xf32, #tpu.memory_space<vmem>>) target(%dma_start3A_139 : memref<160x128xf32, #tpu.memory_space<hbm>>) target_semaphore(%arg7 : memref<!tpu.dma_semaphore, #tpu.memory_space<semaphore_mem>>)
        %add3A_143 = arith.constant 40000 : i32
        %add3A_144 = arith.addi %add3A_143, %mul3A_18 : i32
        %dma_start3A_145 = arith.constant 320 : i32
        %dma_start3A_146 = arith.constant 0 : i32
        %dma_start3A_147 = tpu.memref_slice %arg6[%dma_start3A_145, %dma_start3A_146] : memref<800x128xf32, #tpu.memory_space<vmem>> -> memref<160x128xf32, #tpu.memory_space<vmem>>
        %dma_start3A_148 = arith.constant 0 : i32
        %dma_start3A_149 = tpu.memref_slice %arg4[%add3A_144, %dma_start3A_148] : memref<100000x128xf32, #tpu.memory_space<hbm>> -> memref<160x128xf32, #tpu.memory_space<hbm>>
        %dma_start3A_150 = arith.constant 0 : i32
        %dma_start3A_151 = tpu.memref_slice %arg4[%add3A_144, %dma_start3A_150] : memref<100000x128xf32, #tpu.memory_space<hbm>> -> memref<160x128xf32, #tpu.memory_space<hbm>>
        %dma_start3A_152 = arith.constant 320 : i32
        %dma_start3A_153 = arith.constant 0 : i32
        %dma_start3A_154 = tpu.memref_slice %arg6[%dma_start3A_152, %dma_start3A_153] : memref<800x128xf32, #tpu.memory_space<vmem>> -> memref<160x128xf32, #tpu.memory_space<vmem>>
        tpu.enqueue_dma source(%dma_start3A_154 : memref<160x128xf32, #tpu.memory_space<vmem>>) target(%dma_start3A_151 : memref<160x128xf32, #tpu.memory_space<hbm>>) target_semaphore(%arg7 : memref<!tpu.dma_semaphore, #tpu.memory_space<semaphore_mem>>)
        %add3A_155 = arith.constant 60000 : i32
        %add3A_156 = arith.addi %add3A_155, %mul3A_18 : i32
        %dma_start3A_157 = arith.constant 480 : i32
        %dma_start3A_158 = arith.constant 0 : i32
        %dma_start3A_159 = tpu.memref_slice %arg6[%dma_start3A_157, %dma_start3A_158] : memref<800x128xf32, #tpu.memory_space<vmem>> -> memref<160x128xf32, #tpu.memory_space<vmem>>
        %dma_start3A_160 = arith.constant 0 : i32
        %dma_start3A_161 = tpu.memref_slice %arg4[%add3A_156, %dma_start3A_160] : memref<100000x128xf32, #tpu.memory_space<hbm>> -> memref<160x128xf32, #tpu.memory_space<hbm>>
        %dma_start3A_162 = arith.constant 0 : i32
        %dma_start3A_163 = tpu.memref_slice %arg4[%add3A_156, %dma_start3A_162] : memref<100000x128xf32, #tpu.memory_space<hbm>> -> memref<160x128xf32, #tpu.memory_space<hbm>>
        %dma_start3A_164 = arith.constant 480 : i32
        %dma_start3A_165 = arith.constant 0 : i32
        %dma_start3A_166 = tpu.memref_slice %arg6[%dma_start3A_164, %dma_start3A_165] : memref<800x128xf32, #tpu.memory_space<vmem>> -> memref<160x128xf32, #tpu.memory_space<vmem>>
        tpu.enqueue_dma source(%dma_start3A_166 : memref<160x128xf32, #tpu.memory_space<vmem>>) target(%dma_start3A_163 : memref<160x128xf32, #tpu.memory_space<hbm>>) target_semaphore(%arg7 : memref<!tpu.dma_semaphore, #tpu.memory_space<semaphore_mem>>)
        %add3A_167 = arith.constant 80000 : i32
        %add3A_168 = arith.addi %add3A_167, %mul3A_18 : i32
        %dma_start3A_169 = arith.constant 640 : i32
        %dma_start3A_170 = arith.constant 0 : i32
        %dma_start3A_171 = tpu.memref_slice %arg6[%dma_start3A_169, %dma_start3A_170] : memref<800x128xf32, #tpu.memory_space<vmem>> -> memref<160x128xf32, #tpu.memory_space<vmem>>
        %dma_start3A_172 = arith.constant 0 : i32
        %dma_start3A_173 = tpu.memref_slice %arg4[%add3A_168, %dma_start3A_172] : memref<100000x128xf32, #tpu.memory_space<hbm>> -> memref<160x128xf32, #tpu.memory_space<hbm>>
        %dma_start3A_174 = arith.constant 0 : i32
        %dma_start3A_175 = tpu.memref_slice %arg4[%add3A_168, %dma_start3A_174] : memref<100000x128xf32, #tpu.memory_space<hbm>> -> memref<160x128xf32, #tpu.memory_space<hbm>>
        %dma_start3A_176 = arith.constant 640 : i32
        %dma_start3A_177 = arith.constant 0 : i32
        %dma_start3A_178 = tpu.memref_slice %arg6[%dma_start3A_176, %dma_start3A_177] : memref<800x128xf32, #tpu.memory_space<vmem>> -> memref<160x128xf32, #tpu.memory_space<vmem>>
        tpu.enqueue_dma source(%dma_start3A_178 : memref<160x128xf32, #tpu.memory_space<vmem>>) target(%dma_start3A_175 : memref<160x128xf32, #tpu.memory_space<hbm>>) target_semaphore(%arg7 : memref<!tpu.dma_semaphore, #tpu.memory_space<semaphore_mem>>)
        %dma_wait3A_179 = arith.constant 0 : i32
        %dma_wait3A_180 = arith.constant 0 : i32
        %dma_wait3A_181 = tpu.memref_slice %arg6[%dma_wait3A_179, %dma_wait3A_180] : memref<800x128xf32, #tpu.memory_space<vmem>> -> memref<160x128xf32, #tpu.memory_space<vmem>>
        %dma_wait3A_182 = arith.constant 0 : i32
        %dma_wait3A_183 = tpu.memref_slice %arg4[%add3A_120, %dma_wait3A_182] : memref<100000x128xf32, #tpu.memory_space<hbm>> -> memref<160x128xf32, #tpu.memory_space<hbm>>
        %dma_wait3A_184 = arith.constant 0 : i32
        %dma_wait3A_185 = tpu.memref_slice %arg4[%add3A_120, %dma_wait3A_184] : memref<100000x128xf32, #tpu.memory_space<hbm>> -> memref<160x128xf32, #tpu.memory_space<hbm>>
        %dma_wait3A_186 = arith.constant 0 : i32
        %dma_wait3A_187 = arith.constant 0 : i32
        %dma_wait3A_188 = tpu.memref_slice %arg6[%dma_wait3A_186, %dma_wait3A_187] : memref<800x128xf32, #tpu.memory_space<vmem>> -> memref<160x128xf32, #tpu.memory_space<vmem>>
        tpu.wait_dma2 semaphore(%arg7 : memref<!tpu.dma_semaphore, #tpu.memory_space<semaphore_mem>>) src(%dma_wait3A_188 : memref<160x128xf32, #tpu.memory_space<vmem>>) dst(%dma_wait3A_185 : memref<160x128xf32, #tpu.memory_space<hbm>>)
        %dma_wait3A_189 = arith.constant 160 : i32
        %dma_wait3A_190 = arith.constant 0 : i32
        %dma_wait3A_191 = tpu.memref_slice %arg6[%dma_wait3A_189, %dma_wait3A_190] : memref<800x128xf32, #tpu.memory_space<vmem>> -> memref<160x128xf32, #tpu.memory_space<vmem>>
        %dma_wait3A_192 = arith.constant 0 : i32
        %dma_wait3A_193 = tpu.memref_slice %arg4[%add3A_132, %dma_wait3A_192] : memref<100000x128xf32, #tpu.memory_space<hbm>> -> memref<160x128xf32, #tpu.memory_space<hbm>>
        %dma_wait3A_194 = arith.constant 0 : i32
        %dma_wait3A_195 = tpu.memref_slice %arg4[%add3A_132, %dma_wait3A_194] : memref<100000x128xf32, #tpu.memory_space<hbm>> -> memref<160x128xf32, #tpu.memory_space<hbm>>
        %dma_wait3A_196 = arith.constant 160 : i32
        %dma_wait3A_197 = arith.constant 0 : i32
        %dma_wait3A_198 = tpu.memref_slice %arg6[%dma_wait3A_196, %dma_wait3A_197] : memref<800x128xf32, #tpu.memory_space<vmem>> -> memref<160x128xf32, #tpu.memory_space<vmem>>
        tpu.wait_dma2 semaphore(%arg7 : memref<!tpu.dma_semaphore, #tpu.memory_space<semaphore_mem>>) src(%dma_wait3A_198 : memref<160x128xf32, #tpu.memory_space<vmem>>) dst(%dma_wait3A_195 : memref<160x128xf32, #tpu.memory_space<hbm>>)
        %dma_wait3A_199 = arith.constant 320 : i32
        %dma_wait3A_200 = arith.constant 0 : i32
        %dma_wait3A_201 = tpu.memref_slice %arg6[%dma_wait3A_199, %dma_wait3A_200] : memref<800x128xf32, #tpu.memory_space<vmem>> -> memref<160x128xf32, #tpu.memory_space<vmem>>
        %dma_wait3A_202 = arith.constant 0 : i32
        %dma_wait3A_203 = tpu.memref_slice %arg4[%add3A_144, %dma_wait3A_202] : memref<100000x128xf32, #tpu.memory_space<hbm>> -> memref<160x128xf32, #tpu.memory_space<hbm>>
        %dma_wait3A_204 = arith.constant 0 : i32
        %dma_wait3A_205 = tpu.memref_slice %arg4[%add3A_144, %dma_wait3A_204] : memref<100000x128xf32, #tpu.memory_space<hbm>> -> memref<160x128xf32, #tpu.memory_space<hbm>>
        %dma_wait3A_206 = arith.constant 320 : i32
        %dma_wait3A_207 = arith.constant 0 : i32
        %dma_wait3A_208 = tpu.memref_slice %arg6[%dma_wait3A_206, %dma_wait3A_207] : memref<800x128xf32, #tpu.memory_space<vmem>> -> memref<160x128xf32, #tpu.memory_space<vmem>>
        tpu.wait_dma2 semaphore(%arg7 : memref<!tpu.dma_semaphore, #tpu.memory_space<semaphore_mem>>) src(%dma_wait3A_208 : memref<160x128xf32, #tpu.memory_space<vmem>>) dst(%dma_wait3A_205 : memref<160x128xf32, #tpu.memory_space<hbm>>)
        %dma_wait3A_209 = arith.constant 480 : i32
        %dma_wait3A_210 = arith.constant 0 : i32
        %dma_wait3A_211 = tpu.memref_slice %arg6[%dma_wait3A_209, %dma_wait3A_210] : memref<800x128xf32, #tpu.memory_space<vmem>> -> memref<160x128xf32, #tpu.memory_space<vmem>>
        %dma_wait3A_212 = arith.constant 0 : i32
        %dma_wait3A_213 = tpu.memref_slice %arg4[%add3A_156, %dma_wait3A_212] : memref<100000x128xf32, #tpu.memory_space<hbm>> -> memref<160x128xf32, #tpu.memory_space<hbm>>
        %dma_wait3A_214 = arith.constant 0 : i32
        %dma_wait3A_215 = tpu.memref_slice %arg4[%add3A_156, %dma_wait3A_214] : memref<100000x128xf32, #tpu.memory_space<hbm>> -> memref<160x128xf32, #tpu.memory_space<hbm>>
        %dma_wait3A_216 = arith.constant 480 : i32
        %dma_wait3A_217 = arith.constant 0 : i32
        %dma_wait3A_218 = tpu.memref_slice %arg6[%dma_wait3A_216, %dma_wait3A_217] : memref<800x128xf32, #tpu.memory_space<vmem>> -> memref<160x128xf32, #tpu.memory_space<vmem>>
        tpu.wait_dma2 semaphore(%arg7 : memref<!tpu.dma_semaphore, #tpu.memory_space<semaphore_mem>>) src(%dma_wait3A_218 : memref<160x128xf32, #tpu.memory_space<vmem>>) dst(%dma_wait3A_215 : memref<160x128xf32, #tpu.memory_space<hbm>>)
        %dma_wait3A_219 = arith.constant 640 : i32
        %dma_wait3A_220 = arith.constant 0 : i32
        %dma_wait3A_221 = tpu.memref_slice %arg6[%dma_wait3A_219, %dma_wait3A_220] : memref<800x128xf32, #tpu.memory_space<vmem>> -> memref<160x128xf32, #tpu.memory_space<vmem>>
        %dma_wait3A_222 = arith.constant 0 : i32
        %dma_wait3A_223 = tpu.memref_slice %arg4[%add3A_168, %dma_wait3A_222] : memref<100000x128xf32, #tpu.memory_space<hbm>> -> memref<160x128xf32, #tpu.memory_space<hbm>>
        %dma_wait3A_224 = arith.constant 0 : i32
        %dma_wait3A_225 = tpu.memref_slice %arg4[%add3A_168, %dma_wait3A_224] : memref<100000x128xf32, #tpu.memory_space<hbm>> -> memref<160x128xf32, #tpu.memory_space<hbm>>
        %dma_wait3A_226 = arith.constant 640 : i32
        %dma_wait3A_227 = arith.constant 0 : i32
        %dma_wait3A_228 = tpu.memref_slice %arg6[%dma_wait3A_226, %dma_wait3A_227] : memref<800x128xf32, #tpu.memory_space<vmem>> -> memref<160x128xf32, #tpu.memory_space<vmem>>
        tpu.wait_dma2 semaphore(%arg7 : memref<!tpu.dma_semaphore, #tpu.memory_space<semaphore_mem>>) src(%dma_wait3A_228 : memref<160x128xf32, #tpu.memory_space<vmem>>) dst(%dma_wait3A_225 : memref<160x128xf32, #tpu.memory_space<hbm>>)
      } else {
      }
    }
    %scan3A_5 = arith.constant 4 : i32
    return
  }
}

#map = affine_map<(d0, d1) -> (0)>
#map1 = affine_map<(d0, d1) -> (0, 0)>
module attributes {stable_mosaic.version = 14 : i64} {
  func.func @body(%arg0: i32, %arg1: i32, %arg2: memref<500000xi32, #tpu.memory_space<hbm>>, %arg3: memref<100000x128xf32, #tpu.memory_space<hbm>>, %arg4: memref<196000x128xf32, #tpu.memory_space<hbm>>, %arg5: memref<800xi32, #tpu.memory_space<vmem>>, %arg6: memref<800x128xf32, #tpu.memory_space<vmem>>, %arg7: memref<!tpu.dma_semaphore, #tpu.memory_space<semaphore_mem>>, %arg8: memref<!tpu.dma_semaphore, #tpu.memory_space<semaphore_mem>>) attributes {dimension_semantics = [#tpu.dimension_semantics<core_parallel>, #tpu.dimension_semantics<subcore_parallel>], iteration_bounds = array<i64: 2, 16>, scalar_prefetch = 0 : i64, scratch_operands = 4 : i64, tpu.core_type = #tpu.core_type<sc_vector_subcore>, window_params = [{transform_indices = #map}, {transform_indices = #map1}, {transform_indices = #map1}]} {
    %mul3A = arith.constant 2 : i32
    %mul3A_0 = arith.muli %arg1, %mul3A : i32
    %add3A = arith.addi %mul3A_0, %arg0 : i32
    %scan3A = arith.constant 0 : i32
    %scan3A_1 = arith.constant 0 : i32
    %scan3A_2 = arith.constant 8 : i32
    %scan3A_3 = arith.addi %scan3A_1, %scan3A_2 : i32
    %scan3A_4 = arith.constant 1 : i32
    scf.for %scan3A_6 = %scan3A_1 to %scan3A_3 step %scan3A_4  : i32 {
      %add3A_7 = arith.constant 380 : i32
      %add3A_8 = arith.addi %add3A_7, %add3A : i32
      %mul3A_9 = arith.constant 32 : i32
      %mul3A_10 = arith.muli %scan3A_6, %mul3A_9 : i32
      %add3A_11 = arith.addi %add3A_8, %mul3A_10 : i32
      %lt3A = arith.constant 625 : i32
      %lt3A_12 = arith.cmpi slt, %add3A_11, %lt3A : i32
      %convert_element_type3A = arith.extui %lt3A_12 : i1 to i32
      %cond3A = arith.constant 0 : i32
      %cond3A_13 = arith.cmpi ne, %convert_element_type3A, %cond3A : i32
      scf.if %cond3A_13 {
        %mul3A_14 = arith.constant 160 : i32
        %mul3A_15 = arith.muli %add3A_11, %mul3A_14 : i32
        %sub3A = arith.constant 380 : i32
        %sub3A_16 = arith.subi %add3A_11, %sub3A : i32
        %mul3A_17 = arith.constant 160 : i32
        %mul3A_18 = arith.muli %sub3A_16, %mul3A_17 : i32
        %add3A_19 = arith.constant 0 : i32
        %add3A_20 = arith.addi %add3A_19, %mul3A_15 : i32
        %dma_start3A = arith.constant 0 : i32
        %dma_start3A_21 = tpu.memref_slice %arg5[%dma_start3A] : memref<800xi32, #tpu.memory_space<vmem>> -> memref<160xi32, #tpu.memory_space<vmem>>
        %dma_start3A_22 = tpu.memref_slice %arg2[%add3A_20] : memref<500000xi32, #tpu.memory_space<hbm>> -> memref<160xi32, #tpu.memory_space<hbm>>
        %dma_start3A_23 = arith.constant 0 : i32
        %dma_start3A_24 = tpu.memref_slice %arg5[%dma_start3A_23] : memref<800xi32, #tpu.memory_space<vmem>> -> memref<160xi32, #tpu.memory_space<vmem>>
        %dma_start3A_25 = tpu.memref_slice %arg2[%add3A_20] : memref<500000xi32, #tpu.memory_space<hbm>> -> memref<160xi32, #tpu.memory_space<hbm>>
        tpu.enqueue_dma source(%dma_start3A_25 : memref<160xi32, #tpu.memory_space<hbm>>) target(%dma_start3A_24 : memref<160xi32, #tpu.memory_space<vmem>>) target_semaphore(%arg7 : memref<!tpu.dma_semaphore, #tpu.memory_space<semaphore_mem>>)
        %add3A_26 = arith.constant 100000 : i32
        %add3A_27 = arith.addi %add3A_26, %mul3A_15 : i32
        %dma_start3A_28 = arith.constant 160 : i32
        %dma_start3A_29 = tpu.memref_slice %arg5[%dma_start3A_28] : memref<800xi32, #tpu.memory_space<vmem>> -> memref<160xi32, #tpu.memory_space<vmem>>
        %dma_start3A_30 = tpu.memref_slice %arg2[%add3A_27] : memref<500000xi32, #tpu.memory_space<hbm>> -> memref<160xi32, #tpu.memory_space<hbm>>
        %dma_start3A_31 = arith.constant 160 : i32
        %dma_start3A_32 = tpu.memref_slice %arg5[%dma_start3A_31] : memref<800xi32, #tpu.memory_space<vmem>> -> memref<160xi32, #tpu.memory_space<vmem>>
        %dma_start3A_33 = tpu.memref_slice %arg2[%add3A_27] : memref<500000xi32, #tpu.memory_space<hbm>> -> memref<160xi32, #tpu.memory_space<hbm>>
        tpu.enqueue_dma source(%dma_start3A_33 : memref<160xi32, #tpu.memory_space<hbm>>) target(%dma_start3A_32 : memref<160xi32, #tpu.memory_space<vmem>>) target_semaphore(%arg7 : memref<!tpu.dma_semaphore, #tpu.memory_space<semaphore_mem>>)
        %add3A_34 = arith.constant 200000 : i32
        %add3A_35 = arith.addi %add3A_34, %mul3A_15 : i32
        %dma_start3A_36 = arith.constant 320 : i32
        %dma_start3A_37 = tpu.memref_slice %arg5[%dma_start3A_36] : memref<800xi32, #tpu.memory_space<vmem>> -> memref<160xi32, #tpu.memory_space<vmem>>
        %dma_start3A_38 = tpu.memref_slice %arg2[%add3A_35] : memref<500000xi32, #tpu.memory_space<hbm>> -> memref<160xi32, #tpu.memory_space<hbm>>
        %dma_start3A_39 = arith.constant 320 : i32
        %dma_start3A_40 = tpu.memref_slice %arg5[%dma_start3A_39] : memref<800xi32, #tpu.memory_space<vmem>> -> memref<160xi32, #tpu.memory_space<vmem>>
        %dma_start3A_41 = tpu.memref_slice %arg2[%add3A_35] : memref<500000xi32, #tpu.memory_space<hbm>> -> memref<160xi32, #tpu.memory_space<hbm>>
        tpu.enqueue_dma source(%dma_start3A_41 : memref<160xi32, #tpu.memory_space<hbm>>) target(%dma_start3A_40 : memref<160xi32, #tpu.memory_space<vmem>>) target_semaphore(%arg7 : memref<!tpu.dma_semaphore, #tpu.memory_space<semaphore_mem>>)
        %add3A_42 = arith.constant 300000 : i32
        %add3A_43 = arith.addi %add3A_42, %mul3A_15 : i32
        %dma_start3A_44 = arith.constant 480 : i32
        %dma_start3A_45 = tpu.memref_slice %arg5[%dma_start3A_44] : memref<800xi32, #tpu.memory_space<vmem>> -> memref<160xi32, #tpu.memory_space<vmem>>
        %dma_start3A_46 = tpu.memref_slice %arg2[%add3A_43] : memref<500000xi32, #tpu.memory_space<hbm>> -> memref<160xi32, #tpu.memory_space<hbm>>
        %dma_start3A_47 = arith.constant 480 : i32
        %dma_start3A_48 = tpu.memref_slice %arg5[%dma_start3A_47] : memref<800xi32, #tpu.memory_space<vmem>> -> memref<160xi32, #tpu.memory_space<vmem>>
        %dma_start3A_49 = tpu.memref_slice %arg2[%add3A_43] : memref<500000xi32, #tpu.memory_space<hbm>> -> memref<160xi32, #tpu.memory_space<hbm>>
        tpu.enqueue_dma source(%dma_start3A_49 : memref<160xi32, #tpu.memory_space<hbm>>) target(%dma_start3A_48 : memref<160xi32, #tpu.memory_space<vmem>>) target_semaphore(%arg7 : memref<!tpu.dma_semaphore, #tpu.memory_space<semaphore_mem>>)
        %add3A_50 = arith.constant 400000 : i32
        %add3A_51 = arith.addi %add3A_50, %mul3A_15 : i32
        %dma_start3A_52 = arith.constant 640 : i32
        %dma_start3A_53 = tpu.memref_slice %arg5[%dma_start3A_52] : memref<800xi32, #tpu.memory_space<vmem>> -> memref<160xi32, #tpu.memory_space<vmem>>
        %dma_start3A_54 = tpu.memref_slice %arg2[%add3A_51] : memref<500000xi32, #tpu.memory_space<hbm>> -> memref<160xi32, #tpu.memory_space<hbm>>
        %dma_start3A_55 = arith.constant 640 : i32
        %dma_start3A_56 = tpu.memref_slice %arg5[%dma_start3A_55] : memref<800xi32, #tpu.memory_space<vmem>> -> memref<160xi32, #tpu.memory_space<vmem>>
        %dma_start3A_57 = tpu.memref_slice %arg2[%add3A_51] : memref<500000xi32, #tpu.memory_space<hbm>> -> memref<160xi32, #tpu.memory_space<hbm>>
        tpu.enqueue_dma source(%dma_start3A_57 : memref<160xi32, #tpu.memory_space<hbm>>) target(%dma_start3A_56 : memref<160xi32, #tpu.memory_space<vmem>>) target_semaphore(%arg7 : memref<!tpu.dma_semaphore, #tpu.memory_space<semaphore_mem>>)
        %dma_wait3A = arith.constant 0 : i32
        %dma_wait3A_58 = tpu.memref_slice %arg5[%dma_wait3A] : memref<800xi32, #tpu.memory_space<vmem>> -> memref<160xi32, #tpu.memory_space<vmem>>
        %dma_wait3A_59 = tpu.memref_slice %arg2[%add3A_20] : memref<500000xi32, #tpu.memory_space<hbm>> -> memref<160xi32, #tpu.memory_space<hbm>>
        %dma_wait3A_60 = arith.constant 0 : i32
        %dma_wait3A_61 = tpu.memref_slice %arg5[%dma_wait3A_60] : memref<800xi32, #tpu.memory_space<vmem>> -> memref<160xi32, #tpu.memory_space<vmem>>
        %dma_wait3A_62 = tpu.memref_slice %arg2[%add3A_20] : memref<500000xi32, #tpu.memory_space<hbm>> -> memref<160xi32, #tpu.memory_space<hbm>>
        tpu.wait_dma2 semaphore(%arg7 : memref<!tpu.dma_semaphore, #tpu.memory_space<semaphore_mem>>) src(%dma_wait3A_62 : memref<160xi32, #tpu.memory_space<hbm>>) dst(%dma_wait3A_61 : memref<160xi32, #tpu.memory_space<vmem>>)
        %dma_wait3A_63 = arith.constant 160 : i32
        %dma_wait3A_64 = tpu.memref_slice %arg5[%dma_wait3A_63] : memref<800xi32, #tpu.memory_space<vmem>> -> memref<160xi32, #tpu.memory_space<vmem>>
        %dma_wait3A_65 = tpu.memref_slice %arg2[%add3A_27] : memref<500000xi32, #tpu.memory_space<hbm>> -> memref<160xi32, #tpu.memory_space<hbm>>
        %dma_wait3A_66 = arith.constant 160 : i32
        %dma_wait3A_67 = tpu.memref_slice %arg5[%dma_wait3A_66] : memref<800xi32, #tpu.memory_space<vmem>> -> memref<160xi32, #tpu.memory_space<vmem>>
        %dma_wait3A_68 = tpu.memref_slice %arg2[%add3A_27] : memref<500000xi32, #tpu.memory_space<hbm>> -> memref<160xi32, #tpu.memory_space<hbm>>
        tpu.wait_dma2 semaphore(%arg7 : memref<!tpu.dma_semaphore, #tpu.memory_space<semaphore_mem>>) src(%dma_wait3A_68 : memref<160xi32, #tpu.memory_space<hbm>>) dst(%dma_wait3A_67 : memref<160xi32, #tpu.memory_space<vmem>>)
        %dma_wait3A_69 = arith.constant 320 : i32
        %dma_wait3A_70 = tpu.memref_slice %arg5[%dma_wait3A_69] : memref<800xi32, #tpu.memory_space<vmem>> -> memref<160xi32, #tpu.memory_space<vmem>>
        %dma_wait3A_71 = tpu.memref_slice %arg2[%add3A_35] : memref<500000xi32, #tpu.memory_space<hbm>> -> memref<160xi32, #tpu.memory_space<hbm>>
        %dma_wait3A_72 = arith.constant 320 : i32
        %dma_wait3A_73 = tpu.memref_slice %arg5[%dma_wait3A_72] : memref<800xi32, #tpu.memory_space<vmem>> -> memref<160xi32, #tpu.memory_space<vmem>>
        %dma_wait3A_74 = tpu.memref_slice %arg2[%add3A_35] : memref<500000xi32, #tpu.memory_space<hbm>> -> memref<160xi32, #tpu.memory_space<hbm>>
        tpu.wait_dma2 semaphore(%arg7 : memref<!tpu.dma_semaphore, #tpu.memory_space<semaphore_mem>>) src(%dma_wait3A_74 : memref<160xi32, #tpu.memory_space<hbm>>) dst(%dma_wait3A_73 : memref<160xi32, #tpu.memory_space<vmem>>)
        %dma_wait3A_75 = arith.constant 480 : i32
        %dma_wait3A_76 = tpu.memref_slice %arg5[%dma_wait3A_75] : memref<800xi32, #tpu.memory_space<vmem>> -> memref<160xi32, #tpu.memory_space<vmem>>
        %dma_wait3A_77 = tpu.memref_slice %arg2[%add3A_43] : memref<500000xi32, #tpu.memory_space<hbm>> -> memref<160xi32, #tpu.memory_space<hbm>>
        %dma_wait3A_78 = arith.constant 480 : i32
        %dma_wait3A_79 = tpu.memref_slice %arg5[%dma_wait3A_78] : memref<800xi32, #tpu.memory_space<vmem>> -> memref<160xi32, #tpu.memory_space<vmem>>
        %dma_wait3A_80 = tpu.memref_slice %arg2[%add3A_43] : memref<500000xi32, #tpu.memory_space<hbm>> -> memref<160xi32, #tpu.memory_space<hbm>>
        tpu.wait_dma2 semaphore(%arg7 : memref<!tpu.dma_semaphore, #tpu.memory_space<semaphore_mem>>) src(%dma_wait3A_80 : memref<160xi32, #tpu.memory_space<hbm>>) dst(%dma_wait3A_79 : memref<160xi32, #tpu.memory_space<vmem>>)
        %dma_wait3A_81 = arith.constant 640 : i32
        %dma_wait3A_82 = tpu.memref_slice %arg5[%dma_wait3A_81] : memref<800xi32, #tpu.memory_space<vmem>> -> memref<160xi32, #tpu.memory_space<vmem>>
        %dma_wait3A_83 = tpu.memref_slice %arg2[%add3A_51] : memref<500000xi32, #tpu.memory_space<hbm>> -> memref<160xi32, #tpu.memory_space<hbm>>
        %dma_wait3A_84 = arith.constant 640 : i32
        %dma_wait3A_85 = tpu.memref_slice %arg5[%dma_wait3A_84] : memref<800xi32, #tpu.memory_space<vmem>> -> memref<160xi32, #tpu.memory_space<vmem>>
        %dma_wait3A_86 = tpu.memref_slice %arg2[%add3A_51] : memref<500000xi32, #tpu.memory_space<hbm>> -> memref<160xi32, #tpu.memory_space<hbm>>
        tpu.wait_dma2 semaphore(%arg7 : memref<!tpu.dma_semaphore, #tpu.memory_space<semaphore_mem>>) src(%dma_wait3A_86 : memref<160xi32, #tpu.memory_space<hbm>>) dst(%dma_wait3A_85 : memref<160xi32, #tpu.memory_space<vmem>>)
        %dma_start3A_87 = arith.constant 0 : i32
        %dma_start3A_88 = arith.constant 0 : i32
        %dma_start3A_89 = tpu.memref_slice %arg6[%dma_start3A_87, %dma_start3A_88] : memref<800x128xf32, #tpu.memory_space<vmem>> -> memref<400x128xf32, #tpu.memory_space<vmem>>
        %dma_start3A_90 = arith.constant 0 : i32
        %dma_start3A_91 = tpu.memref_slice %arg5[%dma_start3A_90] : memref<800xi32, #tpu.memory_space<vmem>> -> memref<400xi32, #tpu.memory_space<vmem>>
        %dma_start3A_92 = arith.constant 0 : i32
        %dma_start3A_93 = arith.constant 0 : i32
        %dma_start3A_94 = tpu.memref_slice %arg3[%dma_start3A_92, %dma_start3A_93] : memref<100000x128xf32, #tpu.memory_space<hbm>> -> memref<100000x128xf32, #tpu.memory_space<hbm>>
        tpu.enqueue_indirect_dma source(%dma_start3A_94 : memref<100000x128xf32, #tpu.memory_space<hbm>>) target(%dma_start3A_89 : memref<400x128xf32, #tpu.memory_space<vmem>>) offsets(%dma_start3A_91 : memref<400xi32, #tpu.memory_space<vmem>>) semaphore(%arg8 : memref<!tpu.dma_semaphore, #tpu.memory_space<semaphore_mem>>)
        %dma_start3A_95 = arith.constant 400 : i32
        %dma_start3A_96 = arith.constant 0 : i32
        %dma_start3A_97 = tpu.memref_slice %arg6[%dma_start3A_95, %dma_start3A_96] : memref<800x128xf32, #tpu.memory_space<vmem>> -> memref<400x128xf32, #tpu.memory_space<vmem>>
        %dma_start3A_98 = arith.constant 400 : i32
        %dma_start3A_99 = tpu.memref_slice %arg5[%dma_start3A_98] : memref<800xi32, #tpu.memory_space<vmem>> -> memref<400xi32, #tpu.memory_space<vmem>>
        %dma_start3A_100 = arith.constant 0 : i32
        %dma_start3A_101 = arith.constant 0 : i32
        %dma_start3A_102 = tpu.memref_slice %arg3[%dma_start3A_100, %dma_start3A_101] : memref<100000x128xf32, #tpu.memory_space<hbm>> -> memref<100000x128xf32, #tpu.memory_space<hbm>>
        tpu.enqueue_indirect_dma source(%dma_start3A_102 : memref<100000x128xf32, #tpu.memory_space<hbm>>) target(%dma_start3A_97 : memref<400x128xf32, #tpu.memory_space<vmem>>) offsets(%dma_start3A_99 : memref<400xi32, #tpu.memory_space<vmem>>) semaphore(%arg8 : memref<!tpu.dma_semaphore, #tpu.memory_space<semaphore_mem>>)
        %dma_wait3A_103 = arith.constant 0 : i32
        %dma_wait3A_104 = arith.constant 0 : i32
        %dma_wait3A_105 = tpu.memref_slice %arg6[%dma_wait3A_103, %dma_wait3A_104] : memref<800x128xf32, #tpu.memory_space<vmem>> -> memref<400x128xf32, #tpu.memory_space<vmem>>
        %dma_wait3A_106 = arith.constant 0 : i32
        %dma_wait3A_107 = tpu.memref_slice %arg5[%dma_wait3A_106] : memref<800xi32, #tpu.memory_space<vmem>> -> memref<400xi32, #tpu.memory_space<vmem>>
        %dma_wait3A_108 = arith.constant 0 : i32
        %dma_wait3A_109 = arith.constant 0 : i32
        %dma_wait3A_110 = tpu.memref_slice %arg3[%dma_wait3A_108, %dma_wait3A_109] : memref<100000x128xf32, #tpu.memory_space<hbm>> -> memref<100000x128xf32, #tpu.memory_space<hbm>>
        tpu.wait_indirect_dma semaphore(%arg8 : memref<!tpu.dma_semaphore, #tpu.memory_space<semaphore_mem>>) src(%dma_wait3A_110 : memref<100000x128xf32, #tpu.memory_space<hbm>>) dst(%dma_wait3A_105 : memref<400x128xf32, #tpu.memory_space<vmem>>)
        %dma_wait3A_111 = arith.constant 400 : i32
        %dma_wait3A_112 = arith.constant 0 : i32
        %dma_wait3A_113 = tpu.memref_slice %arg6[%dma_wait3A_111, %dma_wait3A_112] : memref<800x128xf32, #tpu.memory_space<vmem>> -> memref<400x128xf32, #tpu.memory_space<vmem>>
        %dma_wait3A_114 = arith.constant 400 : i32
        %dma_wait3A_115 = tpu.memref_slice %arg5[%dma_wait3A_114] : memref<800xi32, #tpu.memory_space<vmem>> -> memref<400xi32, #tpu.memory_space<vmem>>
        %dma_wait3A_116 = arith.constant 0 : i32
        %dma_wait3A_117 = arith.constant 0 : i32
        %dma_wait3A_118 = tpu.memref_slice %arg3[%dma_wait3A_116, %dma_wait3A_117] : memref<100000x128xf32, #tpu.memory_space<hbm>> -> memref<100000x128xf32, #tpu.memory_space<hbm>>
        tpu.wait_indirect_dma semaphore(%arg8 : memref<!tpu.dma_semaphore, #tpu.memory_space<semaphore_mem>>) src(%dma_wait3A_118 : memref<100000x128xf32, #tpu.memory_space<hbm>>) dst(%dma_wait3A_113 : memref<400x128xf32, #tpu.memory_space<vmem>>)
        %add3A_119 = arith.constant 0 : i32
        %add3A_120 = arith.addi %add3A_119, %mul3A_18 : i32
        %dma_start3A_121 = arith.constant 0 : i32
        %dma_start3A_122 = arith.constant 0 : i32
        %dma_start3A_123 = tpu.memref_slice %arg6[%dma_start3A_121, %dma_start3A_122] : memref<800x128xf32, #tpu.memory_space<vmem>> -> memref<160x128xf32, #tpu.memory_space<vmem>>
        %dma_start3A_124 = arith.constant 0 : i32
        %dma_start3A_125 = tpu.memref_slice %arg4[%add3A_120, %dma_start3A_124] : memref<196000x128xf32, #tpu.memory_space<hbm>> -> memref<160x128xf32, #tpu.memory_space<hbm>>
        %dma_start3A_126 = arith.constant 0 : i32
        %dma_start3A_127 = tpu.memref_slice %arg4[%add3A_120, %dma_start3A_126] : memref<196000x128xf32, #tpu.memory_space<hbm>> -> memref<160x128xf32, #tpu.memory_space<hbm>>
        %dma_start3A_128 = arith.constant 0 : i32
        %dma_start3A_129 = arith.constant 0 : i32
        %dma_start3A_130 = tpu.memref_slice %arg6[%dma_start3A_128, %dma_start3A_129] : memref<800x128xf32, #tpu.memory_space<vmem>> -> memref<160x128xf32, #tpu.memory_space<vmem>>
        tpu.enqueue_dma source(%dma_start3A_130 : memref<160x128xf32, #tpu.memory_space<vmem>>) target(%dma_start3A_127 : memref<160x128xf32, #tpu.memory_space<hbm>>) target_semaphore(%arg7 : memref<!tpu.dma_semaphore, #tpu.memory_space<semaphore_mem>>)
        %add3A_131 = arith.constant 39200 : i32
        %add3A_132 = arith.addi %add3A_131, %mul3A_18 : i32
        %dma_start3A_133 = arith.constant 160 : i32
        %dma_start3A_134 = arith.constant 0 : i32
        %dma_start3A_135 = tpu.memref_slice %arg6[%dma_start3A_133, %dma_start3A_134] : memref<800x128xf32, #tpu.memory_space<vmem>> -> memref<160x128xf32, #tpu.memory_space<vmem>>
        %dma_start3A_136 = arith.constant 0 : i32
        %dma_start3A_137 = tpu.memref_slice %arg4[%add3A_132, %dma_start3A_136] : memref<196000x128xf32, #tpu.memory_space<hbm>> -> memref<160x128xf32, #tpu.memory_space<hbm>>
        %dma_start3A_138 = arith.constant 0 : i32
        %dma_start3A_139 = tpu.memref_slice %arg4[%add3A_132, %dma_start3A_138] : memref<196000x128xf32, #tpu.memory_space<hbm>> -> memref<160x128xf32, #tpu.memory_space<hbm>>
        %dma_start3A_140 = arith.constant 160 : i32
        %dma_start3A_141 = arith.constant 0 : i32
        %dma_start3A_142 = tpu.memref_slice %arg6[%dma_start3A_140, %dma_start3A_141] : memref<800x128xf32, #tpu.memory_space<vmem>> -> memref<160x128xf32, #tpu.memory_space<vmem>>
        tpu.enqueue_dma source(%dma_start3A_142 : memref<160x128xf32, #tpu.memory_space<vmem>>) target(%dma_start3A_139 : memref<160x128xf32, #tpu.memory_space<hbm>>) target_semaphore(%arg7 : memref<!tpu.dma_semaphore, #tpu.memory_space<semaphore_mem>>)
        %add3A_143 = arith.constant 78400 : i32
        %add3A_144 = arith.addi %add3A_143, %mul3A_18 : i32
        %dma_start3A_145 = arith.constant 320 : i32
        %dma_start3A_146 = arith.constant 0 : i32
        %dma_start3A_147 = tpu.memref_slice %arg6[%dma_start3A_145, %dma_start3A_146] : memref<800x128xf32, #tpu.memory_space<vmem>> -> memref<160x128xf32, #tpu.memory_space<vmem>>
        %dma_start3A_148 = arith.constant 0 : i32
        %dma_start3A_149 = tpu.memref_slice %arg4[%add3A_144, %dma_start3A_148] : memref<196000x128xf32, #tpu.memory_space<hbm>> -> memref<160x128xf32, #tpu.memory_space<hbm>>
        %dma_start3A_150 = arith.constant 0 : i32
        %dma_start3A_151 = tpu.memref_slice %arg4[%add3A_144, %dma_start3A_150] : memref<196000x128xf32, #tpu.memory_space<hbm>> -> memref<160x128xf32, #tpu.memory_space<hbm>>
        %dma_start3A_152 = arith.constant 320 : i32
        %dma_start3A_153 = arith.constant 0 : i32
        %dma_start3A_154 = tpu.memref_slice %arg6[%dma_start3A_152, %dma_start3A_153] : memref<800x128xf32, #tpu.memory_space<vmem>> -> memref<160x128xf32, #tpu.memory_space<vmem>>
        tpu.enqueue_dma source(%dma_start3A_154 : memref<160x128xf32, #tpu.memory_space<vmem>>) target(%dma_start3A_151 : memref<160x128xf32, #tpu.memory_space<hbm>>) target_semaphore(%arg7 : memref<!tpu.dma_semaphore, #tpu.memory_space<semaphore_mem>>)
        %add3A_155 = arith.constant 117600 : i32
        %add3A_156 = arith.addi %add3A_155, %mul3A_18 : i32
        %dma_start3A_157 = arith.constant 480 : i32
        %dma_start3A_158 = arith.constant 0 : i32
        %dma_start3A_159 = tpu.memref_slice %arg6[%dma_start3A_157, %dma_start3A_158] : memref<800x128xf32, #tpu.memory_space<vmem>> -> memref<160x128xf32, #tpu.memory_space<vmem>>
        %dma_start3A_160 = arith.constant 0 : i32
        %dma_start3A_161 = tpu.memref_slice %arg4[%add3A_156, %dma_start3A_160] : memref<196000x128xf32, #tpu.memory_space<hbm>> -> memref<160x128xf32, #tpu.memory_space<hbm>>
        %dma_start3A_162 = arith.constant 0 : i32
        %dma_start3A_163 = tpu.memref_slice %arg4[%add3A_156, %dma_start3A_162] : memref<196000x128xf32, #tpu.memory_space<hbm>> -> memref<160x128xf32, #tpu.memory_space<hbm>>
        %dma_start3A_164 = arith.constant 480 : i32
        %dma_start3A_165 = arith.constant 0 : i32
        %dma_start3A_166 = tpu.memref_slice %arg6[%dma_start3A_164, %dma_start3A_165] : memref<800x128xf32, #tpu.memory_space<vmem>> -> memref<160x128xf32, #tpu.memory_space<vmem>>
        tpu.enqueue_dma source(%dma_start3A_166 : memref<160x128xf32, #tpu.memory_space<vmem>>) target(%dma_start3A_163 : memref<160x128xf32, #tpu.memory_space<hbm>>) target_semaphore(%arg7 : memref<!tpu.dma_semaphore, #tpu.memory_space<semaphore_mem>>)
        %add3A_167 = arith.constant 156800 : i32
        %add3A_168 = arith.addi %add3A_167, %mul3A_18 : i32
        %dma_start3A_169 = arith.constant 640 : i32
        %dma_start3A_170 = arith.constant 0 : i32
        %dma_start3A_171 = tpu.memref_slice %arg6[%dma_start3A_169, %dma_start3A_170] : memref<800x128xf32, #tpu.memory_space<vmem>> -> memref<160x128xf32, #tpu.memory_space<vmem>>
        %dma_start3A_172 = arith.constant 0 : i32
        %dma_start3A_173 = tpu.memref_slice %arg4[%add3A_168, %dma_start3A_172] : memref<196000x128xf32, #tpu.memory_space<hbm>> -> memref<160x128xf32, #tpu.memory_space<hbm>>
        %dma_start3A_174 = arith.constant 0 : i32
        %dma_start3A_175 = tpu.memref_slice %arg4[%add3A_168, %dma_start3A_174] : memref<196000x128xf32, #tpu.memory_space<hbm>> -> memref<160x128xf32, #tpu.memory_space<hbm>>
        %dma_start3A_176 = arith.constant 640 : i32
        %dma_start3A_177 = arith.constant 0 : i32
        %dma_start3A_178 = tpu.memref_slice %arg6[%dma_start3A_176, %dma_start3A_177] : memref<800x128xf32, #tpu.memory_space<vmem>> -> memref<160x128xf32, #tpu.memory_space<vmem>>
        tpu.enqueue_dma source(%dma_start3A_178 : memref<160x128xf32, #tpu.memory_space<vmem>>) target(%dma_start3A_175 : memref<160x128xf32, #tpu.memory_space<hbm>>) target_semaphore(%arg7 : memref<!tpu.dma_semaphore, #tpu.memory_space<semaphore_mem>>)
        %dma_wait3A_179 = arith.constant 0 : i32
        %dma_wait3A_180 = arith.constant 0 : i32
        %dma_wait3A_181 = tpu.memref_slice %arg6[%dma_wait3A_179, %dma_wait3A_180] : memref<800x128xf32, #tpu.memory_space<vmem>> -> memref<160x128xf32, #tpu.memory_space<vmem>>
        %dma_wait3A_182 = arith.constant 0 : i32
        %dma_wait3A_183 = tpu.memref_slice %arg4[%add3A_120, %dma_wait3A_182] : memref<196000x128xf32, #tpu.memory_space<hbm>> -> memref<160x128xf32, #tpu.memory_space<hbm>>
        %dma_wait3A_184 = arith.constant 0 : i32
        %dma_wait3A_185 = tpu.memref_slice %arg4[%add3A_120, %dma_wait3A_184] : memref<196000x128xf32, #tpu.memory_space<hbm>> -> memref<160x128xf32, #tpu.memory_space<hbm>>
        %dma_wait3A_186 = arith.constant 0 : i32
        %dma_wait3A_187 = arith.constant 0 : i32
        %dma_wait3A_188 = tpu.memref_slice %arg6[%dma_wait3A_186, %dma_wait3A_187] : memref<800x128xf32, #tpu.memory_space<vmem>> -> memref<160x128xf32, #tpu.memory_space<vmem>>
        tpu.wait_dma2 semaphore(%arg7 : memref<!tpu.dma_semaphore, #tpu.memory_space<semaphore_mem>>) src(%dma_wait3A_188 : memref<160x128xf32, #tpu.memory_space<vmem>>) dst(%dma_wait3A_185 : memref<160x128xf32, #tpu.memory_space<hbm>>)
        %dma_wait3A_189 = arith.constant 160 : i32
        %dma_wait3A_190 = arith.constant 0 : i32
        %dma_wait3A_191 = tpu.memref_slice %arg6[%dma_wait3A_189, %dma_wait3A_190] : memref<800x128xf32, #tpu.memory_space<vmem>> -> memref<160x128xf32, #tpu.memory_space<vmem>>
        %dma_wait3A_192 = arith.constant 0 : i32
        %dma_wait3A_193 = tpu.memref_slice %arg4[%add3A_132, %dma_wait3A_192] : memref<196000x128xf32, #tpu.memory_space<hbm>> -> memref<160x128xf32, #tpu.memory_space<hbm>>
        %dma_wait3A_194 = arith.constant 0 : i32
        %dma_wait3A_195 = tpu.memref_slice %arg4[%add3A_132, %dma_wait3A_194] : memref<196000x128xf32, #tpu.memory_space<hbm>> -> memref<160x128xf32, #tpu.memory_space<hbm>>
        %dma_wait3A_196 = arith.constant 160 : i32
        %dma_wait3A_197 = arith.constant 0 : i32
        %dma_wait3A_198 = tpu.memref_slice %arg6[%dma_wait3A_196, %dma_wait3A_197] : memref<800x128xf32, #tpu.memory_space<vmem>> -> memref<160x128xf32, #tpu.memory_space<vmem>>
        tpu.wait_dma2 semaphore(%arg7 : memref<!tpu.dma_semaphore, #tpu.memory_space<semaphore_mem>>) src(%dma_wait3A_198 : memref<160x128xf32, #tpu.memory_space<vmem>>) dst(%dma_wait3A_195 : memref<160x128xf32, #tpu.memory_space<hbm>>)
        %dma_wait3A_199 = arith.constant 320 : i32
        %dma_wait3A_200 = arith.constant 0 : i32
        %dma_wait3A_201 = tpu.memref_slice %arg6[%dma_wait3A_199, %dma_wait3A_200] : memref<800x128xf32, #tpu.memory_space<vmem>> -> memref<160x128xf32, #tpu.memory_space<vmem>>
        %dma_wait3A_202 = arith.constant 0 : i32
        %dma_wait3A_203 = tpu.memref_slice %arg4[%add3A_144, %dma_wait3A_202] : memref<196000x128xf32, #tpu.memory_space<hbm>> -> memref<160x128xf32, #tpu.memory_space<hbm>>
        %dma_wait3A_204 = arith.constant 0 : i32
        %dma_wait3A_205 = tpu.memref_slice %arg4[%add3A_144, %dma_wait3A_204] : memref<196000x128xf32, #tpu.memory_space<hbm>> -> memref<160x128xf32, #tpu.memory_space<hbm>>
        %dma_wait3A_206 = arith.constant 320 : i32
        %dma_wait3A_207 = arith.constant 0 : i32
        %dma_wait3A_208 = tpu.memref_slice %arg6[%dma_wait3A_206, %dma_wait3A_207] : memref<800x128xf32, #tpu.memory_space<vmem>> -> memref<160x128xf32, #tpu.memory_space<vmem>>
        tpu.wait_dma2 semaphore(%arg7 : memref<!tpu.dma_semaphore, #tpu.memory_space<semaphore_mem>>) src(%dma_wait3A_208 : memref<160x128xf32, #tpu.memory_space<vmem>>) dst(%dma_wait3A_205 : memref<160x128xf32, #tpu.memory_space<hbm>>)
        %dma_wait3A_209 = arith.constant 480 : i32
        %dma_wait3A_210 = arith.constant 0 : i32
        %dma_wait3A_211 = tpu.memref_slice %arg6[%dma_wait3A_209, %dma_wait3A_210] : memref<800x128xf32, #tpu.memory_space<vmem>> -> memref<160x128xf32, #tpu.memory_space<vmem>>
        %dma_wait3A_212 = arith.constant 0 : i32
        %dma_wait3A_213 = tpu.memref_slice %arg4[%add3A_156, %dma_wait3A_212] : memref<196000x128xf32, #tpu.memory_space<hbm>> -> memref<160x128xf32, #tpu.memory_space<hbm>>
        %dma_wait3A_214 = arith.constant 0 : i32
        %dma_wait3A_215 = tpu.memref_slice %arg4[%add3A_156, %dma_wait3A_214] : memref<196000x128xf32, #tpu.memory_space<hbm>> -> memref<160x128xf32, #tpu.memory_space<hbm>>
        %dma_wait3A_216 = arith.constant 480 : i32
        %dma_wait3A_217 = arith.constant 0 : i32
        %dma_wait3A_218 = tpu.memref_slice %arg6[%dma_wait3A_216, %dma_wait3A_217] : memref<800x128xf32, #tpu.memory_space<vmem>> -> memref<160x128xf32, #tpu.memory_space<vmem>>
        tpu.wait_dma2 semaphore(%arg7 : memref<!tpu.dma_semaphore, #tpu.memory_space<semaphore_mem>>) src(%dma_wait3A_218 : memref<160x128xf32, #tpu.memory_space<vmem>>) dst(%dma_wait3A_215 : memref<160x128xf32, #tpu.memory_space<hbm>>)
        %dma_wait3A_219 = arith.constant 640 : i32
        %dma_wait3A_220 = arith.constant 0 : i32
        %dma_wait3A_221 = tpu.memref_slice %arg6[%dma_wait3A_219, %dma_wait3A_220] : memref<800x128xf32, #tpu.memory_space<vmem>> -> memref<160x128xf32, #tpu.memory_space<vmem>>
        %dma_wait3A_222 = arith.constant 0 : i32
        %dma_wait3A_223 = tpu.memref_slice %arg4[%add3A_168, %dma_wait3A_222] : memref<196000x128xf32, #tpu.memory_space<hbm>> -> memref<160x128xf32, #tpu.memory_space<hbm>>
        %dma_wait3A_224 = arith.constant 0 : i32
        %dma_wait3A_225 = tpu.memref_slice %arg4[%add3A_168, %dma_wait3A_224] : memref<196000x128xf32, #tpu.memory_space<hbm>> -> memref<160x128xf32, #tpu.memory_space<hbm>>
        %dma_wait3A_226 = arith.constant 640 : i32
        %dma_wait3A_227 = arith.constant 0 : i32
        %dma_wait3A_228 = tpu.memref_slice %arg6[%dma_wait3A_226, %dma_wait3A_227] : memref<800x128xf32, #tpu.memory_space<vmem>> -> memref<160x128xf32, #tpu.memory_space<vmem>>
        tpu.wait_dma2 semaphore(%arg7 : memref<!tpu.dma_semaphore, #tpu.memory_space<semaphore_mem>>) src(%dma_wait3A_228 : memref<160x128xf32, #tpu.memory_space<vmem>>) dst(%dma_wait3A_225 : memref<160x128xf32, #tpu.memory_space<hbm>>)
      } else {
      }
    }
    %scan3A_5 = arith.constant 8 : i32
    return
  }
}

#map = affine_map<(d0, d1) -> (0)>
#map1 = affine_map<(d0, d1) -> (0, 0)>
module attributes {stable_mosaic.version = 14 : i64} {
  func.func @body(%arg0: i32, %arg1: i32, %arg2: memref<500000xi32, #tpu.memory_space<hbm>>, %arg3: memref<100000x128xf32, #tpu.memory_space<hbm>>, %arg4: memref<204000x128xf32, #tpu.memory_space<hbm>>, %arg5: memref<800xi32, #tpu.memory_space<vmem>>, %arg6: memref<800x128xf32, #tpu.memory_space<vmem>>, %arg7: memref<!tpu.dma_semaphore, #tpu.memory_space<semaphore_mem>>, %arg8: memref<!tpu.dma_semaphore, #tpu.memory_space<semaphore_mem>>) attributes {dimension_semantics = [#tpu.dimension_semantics<core_parallel>, #tpu.dimension_semantics<subcore_parallel>], iteration_bounds = array<i64: 2, 16>, scalar_prefetch = 0 : i64, scratch_operands = 4 : i64, tpu.core_type = #tpu.core_type<sc_vector_subcore>, window_params = [{transform_indices = #map}, {transform_indices = #map1}, {transform_indices = #map1}]} {
    %mul3A = arith.constant 2 : i32
    %mul3A_0 = arith.muli %arg1, %mul3A : i32
    %add3A = arith.addi %mul3A_0, %arg0 : i32
    %scan3A = arith.constant 0 : i32
    %scan3A_1 = arith.constant 0 : i32
    %scan3A_2 = arith.constant 8 : i32
    %scan3A_3 = arith.addi %scan3A_1, %scan3A_2 : i32
    %scan3A_4 = arith.constant 1 : i32
    scf.for %scan3A_6 = %scan3A_1 to %scan3A_3 step %scan3A_4  : i32 {
      %add3A_7 = arith.constant 125 : i32
      %add3A_8 = arith.addi %add3A_7, %add3A : i32
      %mul3A_9 = arith.constant 32 : i32
      %mul3A_10 = arith.muli %scan3A_6, %mul3A_9 : i32
      %add3A_11 = arith.addi %add3A_8, %mul3A_10 : i32
      %lt3A = arith.constant 380 : i32
      %lt3A_12 = arith.cmpi slt, %add3A_11, %lt3A : i32
      %convert_element_type3A = arith.extui %lt3A_12 : i1 to i32
      %cond3A = arith.constant 0 : i32
      %cond3A_13 = arith.cmpi ne, %convert_element_type3A, %cond3A : i32
      scf.if %cond3A_13 {
        %mul3A_14 = arith.constant 160 : i32
        %mul3A_15 = arith.muli %add3A_11, %mul3A_14 : i32
        %sub3A = arith.constant 125 : i32
        %sub3A_16 = arith.subi %add3A_11, %sub3A : i32
        %mul3A_17 = arith.constant 160 : i32
        %mul3A_18 = arith.muli %sub3A_16, %mul3A_17 : i32
        %add3A_19 = arith.constant 0 : i32
        %add3A_20 = arith.addi %add3A_19, %mul3A_15 : i32
        %dma_start3A = arith.constant 0 : i32
        %dma_start3A_21 = tpu.memref_slice %arg5[%dma_start3A] : memref<800xi32, #tpu.memory_space<vmem>> -> memref<160xi32, #tpu.memory_space<vmem>>
        %dma_start3A_22 = tpu.memref_slice %arg2[%add3A_20] : memref<500000xi32, #tpu.memory_space<hbm>> -> memref<160xi32, #tpu.memory_space<hbm>>
        %dma_start3A_23 = arith.constant 0 : i32
        %dma_start3A_24 = tpu.memref_slice %arg5[%dma_start3A_23] : memref<800xi32, #tpu.memory_space<vmem>> -> memref<160xi32, #tpu.memory_space<vmem>>
        %dma_start3A_25 = tpu.memref_slice %arg2[%add3A_20] : memref<500000xi32, #tpu.memory_space<hbm>> -> memref<160xi32, #tpu.memory_space<hbm>>
        tpu.enqueue_dma source(%dma_start3A_25 : memref<160xi32, #tpu.memory_space<hbm>>) target(%dma_start3A_24 : memref<160xi32, #tpu.memory_space<vmem>>) target_semaphore(%arg7 : memref<!tpu.dma_semaphore, #tpu.memory_space<semaphore_mem>>)
        %add3A_26 = arith.constant 100000 : i32
        %add3A_27 = arith.addi %add3A_26, %mul3A_15 : i32
        %dma_start3A_28 = arith.constant 160 : i32
        %dma_start3A_29 = tpu.memref_slice %arg5[%dma_start3A_28] : memref<800xi32, #tpu.memory_space<vmem>> -> memref<160xi32, #tpu.memory_space<vmem>>
        %dma_start3A_30 = tpu.memref_slice %arg2[%add3A_27] : memref<500000xi32, #tpu.memory_space<hbm>> -> memref<160xi32, #tpu.memory_space<hbm>>
        %dma_start3A_31 = arith.constant 160 : i32
        %dma_start3A_32 = tpu.memref_slice %arg5[%dma_start3A_31] : memref<800xi32, #tpu.memory_space<vmem>> -> memref<160xi32, #tpu.memory_space<vmem>>
        %dma_start3A_33 = tpu.memref_slice %arg2[%add3A_27] : memref<500000xi32, #tpu.memory_space<hbm>> -> memref<160xi32, #tpu.memory_space<hbm>>
        tpu.enqueue_dma source(%dma_start3A_33 : memref<160xi32, #tpu.memory_space<hbm>>) target(%dma_start3A_32 : memref<160xi32, #tpu.memory_space<vmem>>) target_semaphore(%arg7 : memref<!tpu.dma_semaphore, #tpu.memory_space<semaphore_mem>>)
        %add3A_34 = arith.constant 200000 : i32
        %add3A_35 = arith.addi %add3A_34, %mul3A_15 : i32
        %dma_start3A_36 = arith.constant 320 : i32
        %dma_start3A_37 = tpu.memref_slice %arg5[%dma_start3A_36] : memref<800xi32, #tpu.memory_space<vmem>> -> memref<160xi32, #tpu.memory_space<vmem>>
        %dma_start3A_38 = tpu.memref_slice %arg2[%add3A_35] : memref<500000xi32, #tpu.memory_space<hbm>> -> memref<160xi32, #tpu.memory_space<hbm>>
        %dma_start3A_39 = arith.constant 320 : i32
        %dma_start3A_40 = tpu.memref_slice %arg5[%dma_start3A_39] : memref<800xi32, #tpu.memory_space<vmem>> -> memref<160xi32, #tpu.memory_space<vmem>>
        %dma_start3A_41 = tpu.memref_slice %arg2[%add3A_35] : memref<500000xi32, #tpu.memory_space<hbm>> -> memref<160xi32, #tpu.memory_space<hbm>>
        tpu.enqueue_dma source(%dma_start3A_41 : memref<160xi32, #tpu.memory_space<hbm>>) target(%dma_start3A_40 : memref<160xi32, #tpu.memory_space<vmem>>) target_semaphore(%arg7 : memref<!tpu.dma_semaphore, #tpu.memory_space<semaphore_mem>>)
        %add3A_42 = arith.constant 300000 : i32
        %add3A_43 = arith.addi %add3A_42, %mul3A_15 : i32
        %dma_start3A_44 = arith.constant 480 : i32
        %dma_start3A_45 = tpu.memref_slice %arg5[%dma_start3A_44] : memref<800xi32, #tpu.memory_space<vmem>> -> memref<160xi32, #tpu.memory_space<vmem>>
        %dma_start3A_46 = tpu.memref_slice %arg2[%add3A_43] : memref<500000xi32, #tpu.memory_space<hbm>> -> memref<160xi32, #tpu.memory_space<hbm>>
        %dma_start3A_47 = arith.constant 480 : i32
        %dma_start3A_48 = tpu.memref_slice %arg5[%dma_start3A_47] : memref<800xi32, #tpu.memory_space<vmem>> -> memref<160xi32, #tpu.memory_space<vmem>>
        %dma_start3A_49 = tpu.memref_slice %arg2[%add3A_43] : memref<500000xi32, #tpu.memory_space<hbm>> -> memref<160xi32, #tpu.memory_space<hbm>>
        tpu.enqueue_dma source(%dma_start3A_49 : memref<160xi32, #tpu.memory_space<hbm>>) target(%dma_start3A_48 : memref<160xi32, #tpu.memory_space<vmem>>) target_semaphore(%arg7 : memref<!tpu.dma_semaphore, #tpu.memory_space<semaphore_mem>>)
        %add3A_50 = arith.constant 400000 : i32
        %add3A_51 = arith.addi %add3A_50, %mul3A_15 : i32
        %dma_start3A_52 = arith.constant 640 : i32
        %dma_start3A_53 = tpu.memref_slice %arg5[%dma_start3A_52] : memref<800xi32, #tpu.memory_space<vmem>> -> memref<160xi32, #tpu.memory_space<vmem>>
        %dma_start3A_54 = tpu.memref_slice %arg2[%add3A_51] : memref<500000xi32, #tpu.memory_space<hbm>> -> memref<160xi32, #tpu.memory_space<hbm>>
        %dma_start3A_55 = arith.constant 640 : i32
        %dma_start3A_56 = tpu.memref_slice %arg5[%dma_start3A_55] : memref<800xi32, #tpu.memory_space<vmem>> -> memref<160xi32, #tpu.memory_space<vmem>>
        %dma_start3A_57 = tpu.memref_slice %arg2[%add3A_51] : memref<500000xi32, #tpu.memory_space<hbm>> -> memref<160xi32, #tpu.memory_space<hbm>>
        tpu.enqueue_dma source(%dma_start3A_57 : memref<160xi32, #tpu.memory_space<hbm>>) target(%dma_start3A_56 : memref<160xi32, #tpu.memory_space<vmem>>) target_semaphore(%arg7 : memref<!tpu.dma_semaphore, #tpu.memory_space<semaphore_mem>>)
        %dma_wait3A = arith.constant 0 : i32
        %dma_wait3A_58 = tpu.memref_slice %arg5[%dma_wait3A] : memref<800xi32, #tpu.memory_space<vmem>> -> memref<160xi32, #tpu.memory_space<vmem>>
        %dma_wait3A_59 = tpu.memref_slice %arg2[%add3A_20] : memref<500000xi32, #tpu.memory_space<hbm>> -> memref<160xi32, #tpu.memory_space<hbm>>
        %dma_wait3A_60 = arith.constant 0 : i32
        %dma_wait3A_61 = tpu.memref_slice %arg5[%dma_wait3A_60] : memref<800xi32, #tpu.memory_space<vmem>> -> memref<160xi32, #tpu.memory_space<vmem>>
        %dma_wait3A_62 = tpu.memref_slice %arg2[%add3A_20] : memref<500000xi32, #tpu.memory_space<hbm>> -> memref<160xi32, #tpu.memory_space<hbm>>
        tpu.wait_dma2 semaphore(%arg7 : memref<!tpu.dma_semaphore, #tpu.memory_space<semaphore_mem>>) src(%dma_wait3A_62 : memref<160xi32, #tpu.memory_space<hbm>>) dst(%dma_wait3A_61 : memref<160xi32, #tpu.memory_space<vmem>>)
        %dma_wait3A_63 = arith.constant 160 : i32
        %dma_wait3A_64 = tpu.memref_slice %arg5[%dma_wait3A_63] : memref<800xi32, #tpu.memory_space<vmem>> -> memref<160xi32, #tpu.memory_space<vmem>>
        %dma_wait3A_65 = tpu.memref_slice %arg2[%add3A_27] : memref<500000xi32, #tpu.memory_space<hbm>> -> memref<160xi32, #tpu.memory_space<hbm>>
        %dma_wait3A_66 = arith.constant 160 : i32
        %dma_wait3A_67 = tpu.memref_slice %arg5[%dma_wait3A_66] : memref<800xi32, #tpu.memory_space<vmem>> -> memref<160xi32, #tpu.memory_space<vmem>>
        %dma_wait3A_68 = tpu.memref_slice %arg2[%add3A_27] : memref<500000xi32, #tpu.memory_space<hbm>> -> memref<160xi32, #tpu.memory_space<hbm>>
        tpu.wait_dma2 semaphore(%arg7 : memref<!tpu.dma_semaphore, #tpu.memory_space<semaphore_mem>>) src(%dma_wait3A_68 : memref<160xi32, #tpu.memory_space<hbm>>) dst(%dma_wait3A_67 : memref<160xi32, #tpu.memory_space<vmem>>)
        %dma_wait3A_69 = arith.constant 320 : i32
        %dma_wait3A_70 = tpu.memref_slice %arg5[%dma_wait3A_69] : memref<800xi32, #tpu.memory_space<vmem>> -> memref<160xi32, #tpu.memory_space<vmem>>
        %dma_wait3A_71 = tpu.memref_slice %arg2[%add3A_35] : memref<500000xi32, #tpu.memory_space<hbm>> -> memref<160xi32, #tpu.memory_space<hbm>>
        %dma_wait3A_72 = arith.constant 320 : i32
        %dma_wait3A_73 = tpu.memref_slice %arg5[%dma_wait3A_72] : memref<800xi32, #tpu.memory_space<vmem>> -> memref<160xi32, #tpu.memory_space<vmem>>
        %dma_wait3A_74 = tpu.memref_slice %arg2[%add3A_35] : memref<500000xi32, #tpu.memory_space<hbm>> -> memref<160xi32, #tpu.memory_space<hbm>>
        tpu.wait_dma2 semaphore(%arg7 : memref<!tpu.dma_semaphore, #tpu.memory_space<semaphore_mem>>) src(%dma_wait3A_74 : memref<160xi32, #tpu.memory_space<hbm>>) dst(%dma_wait3A_73 : memref<160xi32, #tpu.memory_space<vmem>>)
        %dma_wait3A_75 = arith.constant 480 : i32
        %dma_wait3A_76 = tpu.memref_slice %arg5[%dma_wait3A_75] : memref<800xi32, #tpu.memory_space<vmem>> -> memref<160xi32, #tpu.memory_space<vmem>>
        %dma_wait3A_77 = tpu.memref_slice %arg2[%add3A_43] : memref<500000xi32, #tpu.memory_space<hbm>> -> memref<160xi32, #tpu.memory_space<hbm>>
        %dma_wait3A_78 = arith.constant 480 : i32
        %dma_wait3A_79 = tpu.memref_slice %arg5[%dma_wait3A_78] : memref<800xi32, #tpu.memory_space<vmem>> -> memref<160xi32, #tpu.memory_space<vmem>>
        %dma_wait3A_80 = tpu.memref_slice %arg2[%add3A_43] : memref<500000xi32, #tpu.memory_space<hbm>> -> memref<160xi32, #tpu.memory_space<hbm>>
        tpu.wait_dma2 semaphore(%arg7 : memref<!tpu.dma_semaphore, #tpu.memory_space<semaphore_mem>>) src(%dma_wait3A_80 : memref<160xi32, #tpu.memory_space<hbm>>) dst(%dma_wait3A_79 : memref<160xi32, #tpu.memory_space<vmem>>)
        %dma_wait3A_81 = arith.constant 640 : i32
        %dma_wait3A_82 = tpu.memref_slice %arg5[%dma_wait3A_81] : memref<800xi32, #tpu.memory_space<vmem>> -> memref<160xi32, #tpu.memory_space<vmem>>
        %dma_wait3A_83 = tpu.memref_slice %arg2[%add3A_51] : memref<500000xi32, #tpu.memory_space<hbm>> -> memref<160xi32, #tpu.memory_space<hbm>>
        %dma_wait3A_84 = arith.constant 640 : i32
        %dma_wait3A_85 = tpu.memref_slice %arg5[%dma_wait3A_84] : memref<800xi32, #tpu.memory_space<vmem>> -> memref<160xi32, #tpu.memory_space<vmem>>
        %dma_wait3A_86 = tpu.memref_slice %arg2[%add3A_51] : memref<500000xi32, #tpu.memory_space<hbm>> -> memref<160xi32, #tpu.memory_space<hbm>>
        tpu.wait_dma2 semaphore(%arg7 : memref<!tpu.dma_semaphore, #tpu.memory_space<semaphore_mem>>) src(%dma_wait3A_86 : memref<160xi32, #tpu.memory_space<hbm>>) dst(%dma_wait3A_85 : memref<160xi32, #tpu.memory_space<vmem>>)
        %dma_start3A_87 = arith.constant 0 : i32
        %dma_start3A_88 = arith.constant 0 : i32
        %dma_start3A_89 = tpu.memref_slice %arg6[%dma_start3A_87, %dma_start3A_88] : memref<800x128xf32, #tpu.memory_space<vmem>> -> memref<400x128xf32, #tpu.memory_space<vmem>>
        %dma_start3A_90 = arith.constant 0 : i32
        %dma_start3A_91 = tpu.memref_slice %arg5[%dma_start3A_90] : memref<800xi32, #tpu.memory_space<vmem>> -> memref<400xi32, #tpu.memory_space<vmem>>
        %dma_start3A_92 = arith.constant 0 : i32
        %dma_start3A_93 = arith.constant 0 : i32
        %dma_start3A_94 = tpu.memref_slice %arg3[%dma_start3A_92, %dma_start3A_93] : memref<100000x128xf32, #tpu.memory_space<hbm>> -> memref<100000x128xf32, #tpu.memory_space<hbm>>
        tpu.enqueue_indirect_dma source(%dma_start3A_94 : memref<100000x128xf32, #tpu.memory_space<hbm>>) target(%dma_start3A_89 : memref<400x128xf32, #tpu.memory_space<vmem>>) offsets(%dma_start3A_91 : memref<400xi32, #tpu.memory_space<vmem>>) semaphore(%arg8 : memref<!tpu.dma_semaphore, #tpu.memory_space<semaphore_mem>>)
        %dma_start3A_95 = arith.constant 400 : i32
        %dma_start3A_96 = arith.constant 0 : i32
        %dma_start3A_97 = tpu.memref_slice %arg6[%dma_start3A_95, %dma_start3A_96] : memref<800x128xf32, #tpu.memory_space<vmem>> -> memref<400x128xf32, #tpu.memory_space<vmem>>
        %dma_start3A_98 = arith.constant 400 : i32
        %dma_start3A_99 = tpu.memref_slice %arg5[%dma_start3A_98] : memref<800xi32, #tpu.memory_space<vmem>> -> memref<400xi32, #tpu.memory_space<vmem>>
        %dma_start3A_100 = arith.constant 0 : i32
        %dma_start3A_101 = arith.constant 0 : i32
        %dma_start3A_102 = tpu.memref_slice %arg3[%dma_start3A_100, %dma_start3A_101] : memref<100000x128xf32, #tpu.memory_space<hbm>> -> memref<100000x128xf32, #tpu.memory_space<hbm>>
        tpu.enqueue_indirect_dma source(%dma_start3A_102 : memref<100000x128xf32, #tpu.memory_space<hbm>>) target(%dma_start3A_97 : memref<400x128xf32, #tpu.memory_space<vmem>>) offsets(%dma_start3A_99 : memref<400xi32, #tpu.memory_space<vmem>>) semaphore(%arg8 : memref<!tpu.dma_semaphore, #tpu.memory_space<semaphore_mem>>)
        %dma_wait3A_103 = arith.constant 0 : i32
        %dma_wait3A_104 = arith.constant 0 : i32
        %dma_wait3A_105 = tpu.memref_slice %arg6[%dma_wait3A_103, %dma_wait3A_104] : memref<800x128xf32, #tpu.memory_space<vmem>> -> memref<400x128xf32, #tpu.memory_space<vmem>>
        %dma_wait3A_106 = arith.constant 0 : i32
        %dma_wait3A_107 = tpu.memref_slice %arg5[%dma_wait3A_106] : memref<800xi32, #tpu.memory_space<vmem>> -> memref<400xi32, #tpu.memory_space<vmem>>
        %dma_wait3A_108 = arith.constant 0 : i32
        %dma_wait3A_109 = arith.constant 0 : i32
        %dma_wait3A_110 = tpu.memref_slice %arg3[%dma_wait3A_108, %dma_wait3A_109] : memref<100000x128xf32, #tpu.memory_space<hbm>> -> memref<100000x128xf32, #tpu.memory_space<hbm>>
        tpu.wait_indirect_dma semaphore(%arg8 : memref<!tpu.dma_semaphore, #tpu.memory_space<semaphore_mem>>) src(%dma_wait3A_110 : memref<100000x128xf32, #tpu.memory_space<hbm>>) dst(%dma_wait3A_105 : memref<400x128xf32, #tpu.memory_space<vmem>>)
        %dma_wait3A_111 = arith.constant 400 : i32
        %dma_wait3A_112 = arith.constant 0 : i32
        %dma_wait3A_113 = tpu.memref_slice %arg6[%dma_wait3A_111, %dma_wait3A_112] : memref<800x128xf32, #tpu.memory_space<vmem>> -> memref<400x128xf32, #tpu.memory_space<vmem>>
        %dma_wait3A_114 = arith.constant 400 : i32
        %dma_wait3A_115 = tpu.memref_slice %arg5[%dma_wait3A_114] : memref<800xi32, #tpu.memory_space<vmem>> -> memref<400xi32, #tpu.memory_space<vmem>>
        %dma_wait3A_116 = arith.constant 0 : i32
        %dma_wait3A_117 = arith.constant 0 : i32
        %dma_wait3A_118 = tpu.memref_slice %arg3[%dma_wait3A_116, %dma_wait3A_117] : memref<100000x128xf32, #tpu.memory_space<hbm>> -> memref<100000x128xf32, #tpu.memory_space<hbm>>
        tpu.wait_indirect_dma semaphore(%arg8 : memref<!tpu.dma_semaphore, #tpu.memory_space<semaphore_mem>>) src(%dma_wait3A_118 : memref<100000x128xf32, #tpu.memory_space<hbm>>) dst(%dma_wait3A_113 : memref<400x128xf32, #tpu.memory_space<vmem>>)
        %add3A_119 = arith.constant 0 : i32
        %add3A_120 = arith.addi %add3A_119, %mul3A_18 : i32
        %dma_start3A_121 = arith.constant 0 : i32
        %dma_start3A_122 = arith.constant 0 : i32
        %dma_start3A_123 = tpu.memref_slice %arg6[%dma_start3A_121, %dma_start3A_122] : memref<800x128xf32, #tpu.memory_space<vmem>> -> memref<160x128xf32, #tpu.memory_space<vmem>>
        %dma_start3A_124 = arith.constant 0 : i32
        %dma_start3A_125 = tpu.memref_slice %arg4[%add3A_120, %dma_start3A_124] : memref<204000x128xf32, #tpu.memory_space<hbm>> -> memref<160x128xf32, #tpu.memory_space<hbm>>
        %dma_start3A_126 = arith.constant 0 : i32
        %dma_start3A_127 = tpu.memref_slice %arg4[%add3A_120, %dma_start3A_126] : memref<204000x128xf32, #tpu.memory_space<hbm>> -> memref<160x128xf32, #tpu.memory_space<hbm>>
        %dma_start3A_128 = arith.constant 0 : i32
        %dma_start3A_129 = arith.constant 0 : i32
        %dma_start3A_130 = tpu.memref_slice %arg6[%dma_start3A_128, %dma_start3A_129] : memref<800x128xf32, #tpu.memory_space<vmem>> -> memref<160x128xf32, #tpu.memory_space<vmem>>
        tpu.enqueue_dma source(%dma_start3A_130 : memref<160x128xf32, #tpu.memory_space<vmem>>) target(%dma_start3A_127 : memref<160x128xf32, #tpu.memory_space<hbm>>) target_semaphore(%arg7 : memref<!tpu.dma_semaphore, #tpu.memory_space<semaphore_mem>>)
        %add3A_131 = arith.constant 40800 : i32
        %add3A_132 = arith.addi %add3A_131, %mul3A_18 : i32
        %dma_start3A_133 = arith.constant 160 : i32
        %dma_start3A_134 = arith.constant 0 : i32
        %dma_start3A_135 = tpu.memref_slice %arg6[%dma_start3A_133, %dma_start3A_134] : memref<800x128xf32, #tpu.memory_space<vmem>> -> memref<160x128xf32, #tpu.memory_space<vmem>>
        %dma_start3A_136 = arith.constant 0 : i32
        %dma_start3A_137 = tpu.memref_slice %arg4[%add3A_132, %dma_start3A_136] : memref<204000x128xf32, #tpu.memory_space<hbm>> -> memref<160x128xf32, #tpu.memory_space<hbm>>
        %dma_start3A_138 = arith.constant 0 : i32
        %dma_start3A_139 = tpu.memref_slice %arg4[%add3A_132, %dma_start3A_138] : memref<204000x128xf32, #tpu.memory_space<hbm>> -> memref<160x128xf32, #tpu.memory_space<hbm>>
        %dma_start3A_140 = arith.constant 160 : i32
        %dma_start3A_141 = arith.constant 0 : i32
        %dma_start3A_142 = tpu.memref_slice %arg6[%dma_start3A_140, %dma_start3A_141] : memref<800x128xf32, #tpu.memory_space<vmem>> -> memref<160x128xf32, #tpu.memory_space<vmem>>
        tpu.enqueue_dma source(%dma_start3A_142 : memref<160x128xf32, #tpu.memory_space<vmem>>) target(%dma_start3A_139 : memref<160x128xf32, #tpu.memory_space<hbm>>) target_semaphore(%arg7 : memref<!tpu.dma_semaphore, #tpu.memory_space<semaphore_mem>>)
        %add3A_143 = arith.constant 81600 : i32
        %add3A_144 = arith.addi %add3A_143, %mul3A_18 : i32
        %dma_start3A_145 = arith.constant 320 : i32
        %dma_start3A_146 = arith.constant 0 : i32
        %dma_start3A_147 = tpu.memref_slice %arg6[%dma_start3A_145, %dma_start3A_146] : memref<800x128xf32, #tpu.memory_space<vmem>> -> memref<160x128xf32, #tpu.memory_space<vmem>>
        %dma_start3A_148 = arith.constant 0 : i32
        %dma_start3A_149 = tpu.memref_slice %arg4[%add3A_144, %dma_start3A_148] : memref<204000x128xf32, #tpu.memory_space<hbm>> -> memref<160x128xf32, #tpu.memory_space<hbm>>
        %dma_start3A_150 = arith.constant 0 : i32
        %dma_start3A_151 = tpu.memref_slice %arg4[%add3A_144, %dma_start3A_150] : memref<204000x128xf32, #tpu.memory_space<hbm>> -> memref<160x128xf32, #tpu.memory_space<hbm>>
        %dma_start3A_152 = arith.constant 320 : i32
        %dma_start3A_153 = arith.constant 0 : i32
        %dma_start3A_154 = tpu.memref_slice %arg6[%dma_start3A_152, %dma_start3A_153] : memref<800x128xf32, #tpu.memory_space<vmem>> -> memref<160x128xf32, #tpu.memory_space<vmem>>
        tpu.enqueue_dma source(%dma_start3A_154 : memref<160x128xf32, #tpu.memory_space<vmem>>) target(%dma_start3A_151 : memref<160x128xf32, #tpu.memory_space<hbm>>) target_semaphore(%arg7 : memref<!tpu.dma_semaphore, #tpu.memory_space<semaphore_mem>>)
        %add3A_155 = arith.constant 122400 : i32
        %add3A_156 = arith.addi %add3A_155, %mul3A_18 : i32
        %dma_start3A_157 = arith.constant 480 : i32
        %dma_start3A_158 = arith.constant 0 : i32
        %dma_start3A_159 = tpu.memref_slice %arg6[%dma_start3A_157, %dma_start3A_158] : memref<800x128xf32, #tpu.memory_space<vmem>> -> memref<160x128xf32, #tpu.memory_space<vmem>>
        %dma_start3A_160 = arith.constant 0 : i32
        %dma_start3A_161 = tpu.memref_slice %arg4[%add3A_156, %dma_start3A_160] : memref<204000x128xf32, #tpu.memory_space<hbm>> -> memref<160x128xf32, #tpu.memory_space<hbm>>
        %dma_start3A_162 = arith.constant 0 : i32
        %dma_start3A_163 = tpu.memref_slice %arg4[%add3A_156, %dma_start3A_162] : memref<204000x128xf32, #tpu.memory_space<hbm>> -> memref<160x128xf32, #tpu.memory_space<hbm>>
        %dma_start3A_164 = arith.constant 480 : i32
        %dma_start3A_165 = arith.constant 0 : i32
        %dma_start3A_166 = tpu.memref_slice %arg6[%dma_start3A_164, %dma_start3A_165] : memref<800x128xf32, #tpu.memory_space<vmem>> -> memref<160x128xf32, #tpu.memory_space<vmem>>
        tpu.enqueue_dma source(%dma_start3A_166 : memref<160x128xf32, #tpu.memory_space<vmem>>) target(%dma_start3A_163 : memref<160x128xf32, #tpu.memory_space<hbm>>) target_semaphore(%arg7 : memref<!tpu.dma_semaphore, #tpu.memory_space<semaphore_mem>>)
        %add3A_167 = arith.constant 163200 : i32
        %add3A_168 = arith.addi %add3A_167, %mul3A_18 : i32
        %dma_start3A_169 = arith.constant 640 : i32
        %dma_start3A_170 = arith.constant 0 : i32
        %dma_start3A_171 = tpu.memref_slice %arg6[%dma_start3A_169, %dma_start3A_170] : memref<800x128xf32, #tpu.memory_space<vmem>> -> memref<160x128xf32, #tpu.memory_space<vmem>>
        %dma_start3A_172 = arith.constant 0 : i32
        %dma_start3A_173 = tpu.memref_slice %arg4[%add3A_168, %dma_start3A_172] : memref<204000x128xf32, #tpu.memory_space<hbm>> -> memref<160x128xf32, #tpu.memory_space<hbm>>
        %dma_start3A_174 = arith.constant 0 : i32
        %dma_start3A_175 = tpu.memref_slice %arg4[%add3A_168, %dma_start3A_174] : memref<204000x128xf32, #tpu.memory_space<hbm>> -> memref<160x128xf32, #tpu.memory_space<hbm>>
        %dma_start3A_176 = arith.constant 640 : i32
        %dma_start3A_177 = arith.constant 0 : i32
        %dma_start3A_178 = tpu.memref_slice %arg6[%dma_start3A_176, %dma_start3A_177] : memref<800x128xf32, #tpu.memory_space<vmem>> -> memref<160x128xf32, #tpu.memory_space<vmem>>
        tpu.enqueue_dma source(%dma_start3A_178 : memref<160x128xf32, #tpu.memory_space<vmem>>) target(%dma_start3A_175 : memref<160x128xf32, #tpu.memory_space<hbm>>) target_semaphore(%arg7 : memref<!tpu.dma_semaphore, #tpu.memory_space<semaphore_mem>>)
        %dma_wait3A_179 = arith.constant 0 : i32
        %dma_wait3A_180 = arith.constant 0 : i32
        %dma_wait3A_181 = tpu.memref_slice %arg6[%dma_wait3A_179, %dma_wait3A_180] : memref<800x128xf32, #tpu.memory_space<vmem>> -> memref<160x128xf32, #tpu.memory_space<vmem>>
        %dma_wait3A_182 = arith.constant 0 : i32
        %dma_wait3A_183 = tpu.memref_slice %arg4[%add3A_120, %dma_wait3A_182] : memref<204000x128xf32, #tpu.memory_space<hbm>> -> memref<160x128xf32, #tpu.memory_space<hbm>>
        %dma_wait3A_184 = arith.constant 0 : i32
        %dma_wait3A_185 = tpu.memref_slice %arg4[%add3A_120, %dma_wait3A_184] : memref<204000x128xf32, #tpu.memory_space<hbm>> -> memref<160x128xf32, #tpu.memory_space<hbm>>
        %dma_wait3A_186 = arith.constant 0 : i32
        %dma_wait3A_187 = arith.constant 0 : i32
        %dma_wait3A_188 = tpu.memref_slice %arg6[%dma_wait3A_186, %dma_wait3A_187] : memref<800x128xf32, #tpu.memory_space<vmem>> -> memref<160x128xf32, #tpu.memory_space<vmem>>
        tpu.wait_dma2 semaphore(%arg7 : memref<!tpu.dma_semaphore, #tpu.memory_space<semaphore_mem>>) src(%dma_wait3A_188 : memref<160x128xf32, #tpu.memory_space<vmem>>) dst(%dma_wait3A_185 : memref<160x128xf32, #tpu.memory_space<hbm>>)
        %dma_wait3A_189 = arith.constant 160 : i32
        %dma_wait3A_190 = arith.constant 0 : i32
        %dma_wait3A_191 = tpu.memref_slice %arg6[%dma_wait3A_189, %dma_wait3A_190] : memref<800x128xf32, #tpu.memory_space<vmem>> -> memref<160x128xf32, #tpu.memory_space<vmem>>
        %dma_wait3A_192 = arith.constant 0 : i32
        %dma_wait3A_193 = tpu.memref_slice %arg4[%add3A_132, %dma_wait3A_192] : memref<204000x128xf32, #tpu.memory_space<hbm>> -> memref<160x128xf32, #tpu.memory_space<hbm>>
        %dma_wait3A_194 = arith.constant 0 : i32
        %dma_wait3A_195 = tpu.memref_slice %arg4[%add3A_132, %dma_wait3A_194] : memref<204000x128xf32, #tpu.memory_space<hbm>> -> memref<160x128xf32, #tpu.memory_space<hbm>>
        %dma_wait3A_196 = arith.constant 160 : i32
        %dma_wait3A_197 = arith.constant 0 : i32
        %dma_wait3A_198 = tpu.memref_slice %arg6[%dma_wait3A_196, %dma_wait3A_197] : memref<800x128xf32, #tpu.memory_space<vmem>> -> memref<160x128xf32, #tpu.memory_space<vmem>>
        tpu.wait_dma2 semaphore(%arg7 : memref<!tpu.dma_semaphore, #tpu.memory_space<semaphore_mem>>) src(%dma_wait3A_198 : memref<160x128xf32, #tpu.memory_space<vmem>>) dst(%dma_wait3A_195 : memref<160x128xf32, #tpu.memory_space<hbm>>)
        %dma_wait3A_199 = arith.constant 320 : i32
        %dma_wait3A_200 = arith.constant 0 : i32
        %dma_wait3A_201 = tpu.memref_slice %arg6[%dma_wait3A_199, %dma_wait3A_200] : memref<800x128xf32, #tpu.memory_space<vmem>> -> memref<160x128xf32, #tpu.memory_space<vmem>>
        %dma_wait3A_202 = arith.constant 0 : i32
        %dma_wait3A_203 = tpu.memref_slice %arg4[%add3A_144, %dma_wait3A_202] : memref<204000x128xf32, #tpu.memory_space<hbm>> -> memref<160x128xf32, #tpu.memory_space<hbm>>
        %dma_wait3A_204 = arith.constant 0 : i32
        %dma_wait3A_205 = tpu.memref_slice %arg4[%add3A_144, %dma_wait3A_204] : memref<204000x128xf32, #tpu.memory_space<hbm>> -> memref<160x128xf32, #tpu.memory_space<hbm>>
        %dma_wait3A_206 = arith.constant 320 : i32
        %dma_wait3A_207 = arith.constant 0 : i32
        %dma_wait3A_208 = tpu.memref_slice %arg6[%dma_wait3A_206, %dma_wait3A_207] : memref<800x128xf32, #tpu.memory_space<vmem>> -> memref<160x128xf32, #tpu.memory_space<vmem>>
        tpu.wait_dma2 semaphore(%arg7 : memref<!tpu.dma_semaphore, #tpu.memory_space<semaphore_mem>>) src(%dma_wait3A_208 : memref<160x128xf32, #tpu.memory_space<vmem>>) dst(%dma_wait3A_205 : memref<160x128xf32, #tpu.memory_space<hbm>>)
        %dma_wait3A_209 = arith.constant 480 : i32
        %dma_wait3A_210 = arith.constant 0 : i32
        %dma_wait3A_211 = tpu.memref_slice %arg6[%dma_wait3A_209, %dma_wait3A_210] : memref<800x128xf32, #tpu.memory_space<vmem>> -> memref<160x128xf32, #tpu.memory_space<vmem>>
        %dma_wait3A_212 = arith.constant 0 : i32
        %dma_wait3A_213 = tpu.memref_slice %arg4[%add3A_156, %dma_wait3A_212] : memref<204000x128xf32, #tpu.memory_space<hbm>> -> memref<160x128xf32, #tpu.memory_space<hbm>>
        %dma_wait3A_214 = arith.constant 0 : i32
        %dma_wait3A_215 = tpu.memref_slice %arg4[%add3A_156, %dma_wait3A_214] : memref<204000x128xf32, #tpu.memory_space<hbm>> -> memref<160x128xf32, #tpu.memory_space<hbm>>
        %dma_wait3A_216 = arith.constant 480 : i32
        %dma_wait3A_217 = arith.constant 0 : i32
        %dma_wait3A_218 = tpu.memref_slice %arg6[%dma_wait3A_216, %dma_wait3A_217] : memref<800x128xf32, #tpu.memory_space<vmem>> -> memref<160x128xf32, #tpu.memory_space<vmem>>
        tpu.wait_dma2 semaphore(%arg7 : memref<!tpu.dma_semaphore, #tpu.memory_space<semaphore_mem>>) src(%dma_wait3A_218 : memref<160x128xf32, #tpu.memory_space<vmem>>) dst(%dma_wait3A_215 : memref<160x128xf32, #tpu.memory_space<hbm>>)
        %dma_wait3A_219 = arith.constant 640 : i32
        %dma_wait3A_220 = arith.constant 0 : i32
        %dma_wait3A_221 = tpu.memref_slice %arg6[%dma_wait3A_219, %dma_wait3A_220] : memref<800x128xf32, #tpu.memory_space<vmem>> -> memref<160x128xf32, #tpu.memory_space<vmem>>
        %dma_wait3A_222 = arith.constant 0 : i32
        %dma_wait3A_223 = tpu.memref_slice %arg4[%add3A_168, %dma_wait3A_222] : memref<204000x128xf32, #tpu.memory_space<hbm>> -> memref<160x128xf32, #tpu.memory_space<hbm>>
        %dma_wait3A_224 = arith.constant 0 : i32
        %dma_wait3A_225 = tpu.memref_slice %arg4[%add3A_168, %dma_wait3A_224] : memref<204000x128xf32, #tpu.memory_space<hbm>> -> memref<160x128xf32, #tpu.memory_space<hbm>>
        %dma_wait3A_226 = arith.constant 640 : i32
        %dma_wait3A_227 = arith.constant 0 : i32
        %dma_wait3A_228 = tpu.memref_slice %arg6[%dma_wait3A_226, %dma_wait3A_227] : memref<800x128xf32, #tpu.memory_space<vmem>> -> memref<160x128xf32, #tpu.memory_space<vmem>>
        tpu.wait_dma2 semaphore(%arg7 : memref<!tpu.dma_semaphore, #tpu.memory_space<semaphore_mem>>) src(%dma_wait3A_228 : memref<160x128xf32, #tpu.memory_space<vmem>>) dst(%dma_wait3A_225 : memref<160x128xf32, #tpu.memory_space<hbm>>)
      } else {
      }
    }
    %scan3A_5 = arith.constant 8 : i32
    return
  }
}

#map = affine_map<(d0, d1) -> (0)>
#map1 = affine_map<(d0, d1) -> (0, 0)>
module attributes {stable_mosaic.version = 14 : i64} {
  func.func @body(%arg0: i32, %arg1: i32, %arg2: memref<16384xi32, #tpu.memory_space<hbm>>, %arg3: memref<12500x128xi32, #tpu.memory_space<hbm>>, %arg4: memref<100000x128xf32, #tpu.memory_space<hbm>>, %arg5: memref<49152x128xf32, #tpu.memory_space<hbm>>, %arg6: memref<32xi32, #tpu.memory_space<vmem>>, %arg7: memref<32xi32, #tpu.memory_space<vmem>>, %arg8: memref<32x128xi32, #tpu.memory_space<vmem>>, %arg9: memref<512xi32, #tpu.memory_space<vmem>>, %arg10: memref<512x128xf32, #tpu.memory_space<vmem>>, %arg11: memref<!tpu.dma_semaphore, #tpu.memory_space<semaphore_mem>>) attributes {dimension_semantics = [#tpu.dimension_semantics<core_parallel>, #tpu.dimension_semantics<subcore_parallel>], iteration_bounds = array<i64: 2, 16>, scalar_prefetch = 0 : i64, scratch_operands = 6 : i64, tpu.core_type = #tpu.core_type<sc_vector_subcore>, window_params = [{transform_indices = #map}, {transform_indices = #map1}, {transform_indices = #map1}, {transform_indices = #map1}]} {
    %mul3A = arith.constant 2 : i32
    %mul3A_0 = arith.muli %arg1, %mul3A : i32
    %add3A = arith.addi %mul3A_0, %arg0 : i32
    %iota3A = tpu.iota {dimensions = array<i32: 0>} : vector<16xi32>
    %scan3A = arith.constant 0 : i32
    %scan3A_1 = arith.constant 0 : i32
    %scan3A_2 = arith.constant 3 : i32
    %scan3A_3 = arith.addi %scan3A_1, %scan3A_2 : i32
    %scan3A_4 = arith.constant 1 : i32
    scf.for %scan3A_6 = %scan3A_1 to %scan3A_3 step %scan3A_4  : i32 {
      %mul3A_7 = arith.constant 3 : i32
      %mul3A_8 = arith.muli %add3A, %mul3A_7 : i32
      %add3A_9 = arith.constant 0 : i32
      %add3A_10 = arith.addi %add3A_9, %mul3A_8 : i32
      %add3A_11 = arith.addi %add3A_10, %scan3A_6 : i32
      %mul3A_12 = arith.constant 32 : i32
      %mul3A_13 = arith.muli %add3A_11, %mul3A_12 : i32
      %sub3A = arith.constant 0 : i32
      %sub3A_14 = arith.subi %add3A_11, %sub3A : i32
      %mul3A_15 = arith.constant 32 : i32
      %mul3A_16 = arith.muli %sub3A_14, %mul3A_15 : i32
      "tpu.region"() ({
        %run_scoped3A = tpu.sem_alloc : memref<!tpu.dma_semaphore, #tpu.memory_space<semaphore_mem>>
        %dma_start3A_587 = tpu.memref_slice %arg2[%mul3A_13] : memref<16384xi32, #tpu.memory_space<hbm>> -> memref<32xi32, #tpu.memory_space<hbm>>
        %dma_start3A_588 = tpu.memref_slice %arg2[%mul3A_13] : memref<16384xi32, #tpu.memory_space<hbm>> -> memref<32xi32, #tpu.memory_space<hbm>>
        tpu.enqueue_dma source(%dma_start3A_588 : memref<32xi32, #tpu.memory_space<hbm>>) target(%arg6 : memref<32xi32, #tpu.memory_space<vmem>>) target_semaphore(%run_scoped3A : memref<!tpu.dma_semaphore, #tpu.memory_space<semaphore_mem>>)
        %dma_wait3A_589 = tpu.memref_slice %arg2[%mul3A_13] : memref<16384xi32, #tpu.memory_space<hbm>> -> memref<32xi32, #tpu.memory_space<hbm>>
        %dma_wait3A_590 = tpu.memref_slice %arg2[%mul3A_13] : memref<16384xi32, #tpu.memory_space<hbm>> -> memref<32xi32, #tpu.memory_space<hbm>>
        tpu.wait_dma2 semaphore(%run_scoped3A : memref<!tpu.dma_semaphore, #tpu.memory_space<semaphore_mem>>) src(%dma_wait3A_590 : memref<32xi32, #tpu.memory_space<hbm>>) dst(%arg6 : memref<32xi32, #tpu.memory_space<vmem>>)
        tpu.yield
      }) : () -> ()
      %get3A = arith.constant 0 : index
      %get3A_17 = tpu.vector_load %arg6[%get3A] {strides = array<i32>} : memref<32xi32, #tpu.memory_space<vmem>>, vector<16xi32>,
      %get3A_18 = vector.shape_cast %get3A_17 : vector<16xi32> to vector<16xi32>
      %shift_right_arithmetic3A = arith.constant 3 : i32
      %shift_right_arithmetic3A_19 = vector.broadcast %shift_right_arithmetic3A : i32 to vector<16xi32>
      %shift_right_arithmetic3A_20 = arith.shrsi %get3A_18, %shift_right_arithmetic3A_19 : vector<16xi32>
      %swap3A = arith.constant 0 : index
      %swap3A_21 = tpu.vector_load %arg7[%swap3A] {strides = array<i32>} : memref<32xi32, #tpu.memory_space<vmem>>, vector<16xi32>,
      %swap3A_22 = vector.shape_cast %swap3A_21 : vector<16xi32> to vector<16xi32>
      %swap3A_23 = vector.shape_cast %shift_right_arithmetic3A_20 : vector<16xi32> to vector<16xi32>
      tpu.vector_store %arg7[%swap3A], %swap3A_23 {strides = array<i32>} : memref<32xi32, #tpu.memory_space<vmem>>, vector<16xi32>,
      %get3A_24 = arith.constant 16 : index
      %get3A_25 = tpu.vector_load %arg6[%get3A_24] {strides = array<i32>} : memref<32xi32, #tpu.memory_space<vmem>>, vector<16xi32>,
      %get3A_26 = vector.shape_cast %get3A_25 : vector<16xi32> to vector<16xi32>
      %shift_right_arithmetic3A_27 = arith.constant 3 : i32
      %shift_right_arithmetic3A_28 = vector.broadcast %shift_right_arithmetic3A_27 : i32 to vector<16xi32>
      %shift_right_arithmetic3A_29 = arith.shrsi %get3A_26, %shift_right_arithmetic3A_28 : vector<16xi32>
      %swap3A_30 = arith.constant 16 : index
      %swap3A_31 = tpu.vector_load %arg7[%swap3A_30] {strides = array<i32>} : memref<32xi32, #tpu.memory_space<vmem>>, vector<16xi32>,
      %swap3A_32 = vector.shape_cast %swap3A_31 : vector<16xi32> to vector<16xi32>
      %swap3A_33 = vector.shape_cast %shift_right_arithmetic3A_29 : vector<16xi32> to vector<16xi32>
      tpu.vector_store %arg7[%swap3A_30], %swap3A_33 {strides = array<i32>} : memref<32xi32, #tpu.memory_space<vmem>>, vector<16xi32>,
      %dma_start3A = arith.constant 0 : i32
      %dma_start3A_34 = arith.constant 0 : i32
      %dma_start3A_35 = tpu.memref_slice %arg3[%dma_start3A, %dma_start3A_34] : memref<12500x128xi32, #tpu.memory_space<hbm>> -> memref<12500x128xi32, #tpu.memory_space<hbm>>
      tpu.enqueue_indirect_dma source(%dma_start3A_35 : memref<12500x128xi32, #tpu.memory_space<hbm>>) target(%arg8 : memref<32x128xi32, #tpu.memory_space<vmem>>) offsets(%arg7 : memref<32xi32, #tpu.memory_space<vmem>>) semaphore(%arg11 : memref<!tpu.dma_semaphore, #tpu.memory_space<semaphore_mem>>)
      %dma_wait3A = arith.constant 0 : i32
      %dma_wait3A_36 = arith.constant 0 : i32
      %dma_wait3A_37 = tpu.memref_slice %arg3[%dma_wait3A, %dma_wait3A_36] : memref<12500x128xi32, #tpu.memory_space<hbm>> -> memref<12500x128xi32, #tpu.memory_space<hbm>>
      tpu.wait_indirect_dma semaphore(%arg11 : memref<!tpu.dma_semaphore, #tpu.memory_space<semaphore_mem>>) src(%dma_wait3A_37 : memref<12500x128xi32, #tpu.memory_space<hbm>>) dst(%arg8 : memref<32x128xi32, #tpu.memory_space<vmem>>)
      %get3A_38 = arith.constant 0 : index
      %get3A_39 = tpu.vector_load %arg6[%get3A_38] {strides = array<i32>} : memref<32xi32, #tpu.memory_space<vmem>>, vector<16xi32>,
      %get3A_40 = vector.shape_cast %get3A_39 : vector<16xi32> to vector<16xi32>
      %slice3A = vector.extract_strided_slice %get3A_40 {offsets = [0], sizes = [1], strides = [1]} : vector<16xi32> to vector<1xi32>
      %squeeze3A = vector.extract %slice3A[0] : i32 from vector<1xi32>
      %and3A = arith.constant 7 : i32
      %and3A_41 = arith.andi %squeeze3A, %and3A : i32
      %mul3A_42 = arith.constant 16 : i32
      %mul3A_43 = arith.muli %and3A_41, %mul3A_42 : i32
      %get3A_44 = arith.constant 0 : i32
      %get3A_45 = arith.index_cast %get3A_44 : i32 to index
      %get3A_46 = arith.index_cast %mul3A_43 : i32 to index
      %get3A_47 = tpu.vector_load %arg8[%get3A_45, %get3A_46] {strides = array<i32>} : memref<32x128xi32, #tpu.memory_space<vmem>>, vector<1x16xi32>,
      %get3A_48 = vector.shape_cast %get3A_47 : vector<1x16xi32> to vector<16xi32>
      %swap3A_49 = arith.constant 0 : index
      %swap3A_50 = tpu.vector_load %arg9[%swap3A_49] {strides = array<i32>} : memref<512xi32, #tpu.memory_space<vmem>>, vector<16xi32>,
      %swap3A_51 = vector.shape_cast %swap3A_50 : vector<16xi32> to vector<16xi32>
      %swap3A_52 = vector.shape_cast %get3A_48 : vector<16xi32> to vector<16xi32>
      tpu.vector_store %arg9[%swap3A_49], %swap3A_52 {strides = array<i32>} : memref<512xi32, #tpu.memory_space<vmem>>, vector<16xi32>,
      %slice3A_53 = vector.extract_strided_slice %get3A_40 {offsets = [1], sizes = [1], strides = [1]} : vector<16xi32> to vector<1xi32>
      %squeeze3A_54 = vector.extract %slice3A_53[0] : i32 from vector<1xi32>
      %and3A_55 = arith.constant 7 : i32
      %and3A_56 = arith.andi %squeeze3A_54, %and3A_55 : i32
      %mul3A_57 = arith.constant 16 : i32
      %mul3A_58 = arith.muli %and3A_56, %mul3A_57 : i32
      %get3A_59 = arith.constant 1 : i32
      %get3A_60 = arith.index_cast %get3A_59 : i32 to index
      %get3A_61 = arith.index_cast %mul3A_58 : i32 to index
      %get3A_62 = tpu.vector_load %arg8[%get3A_60, %get3A_61] {strides = array<i32>} : memref<32x128xi32, #tpu.memory_space<vmem>>, vector<1x16xi32>,
      %get3A_63 = vector.shape_cast %get3A_62 : vector<1x16xi32> to vector<16xi32>
      %swap3A_64 = arith.constant 16 : index
      %swap3A_65 = tpu.vector_load %arg9[%swap3A_64] {strides = array<i32>} : memref<512xi32, #tpu.memory_space<vmem>>, vector<16xi32>,
      %swap3A_66 = vector.shape_cast %swap3A_65 : vector<16xi32> to vector<16xi32>
      %swap3A_67 = vector.shape_cast %get3A_63 : vector<16xi32> to vector<16xi32>
      tpu.vector_store %arg9[%swap3A_64], %swap3A_67 {strides = array<i32>} : memref<512xi32, #tpu.memory_space<vmem>>, vector<16xi32>,
      %slice3A_68 = vector.extract_strided_slice %get3A_40 {offsets = [2], sizes = [1], strides = [1]} : vector<16xi32> to vector<1xi32>
      %squeeze3A_69 = vector.extract %slice3A_68[0] : i32 from vector<1xi32>
      %and3A_70 = arith.constant 7 : i32
      %and3A_71 = arith.andi %squeeze3A_69, %and3A_70 : i32
      %mul3A_72 = arith.constant 16 : i32
      %mul3A_73 = arith.muli %and3A_71, %mul3A_72 : i32
      %get3A_74 = arith.constant 2 : i32
      %get3A_75 = arith.index_cast %get3A_74 : i32 to index
      %get3A_76 = arith.index_cast %mul3A_73 : i32 to index
      %get3A_77 = tpu.vector_load %arg8[%get3A_75, %get3A_76] {strides = array<i32>} : memref<32x128xi32, #tpu.memory_space<vmem>>, vector<1x16xi32>,
      %get3A_78 = vector.shape_cast %get3A_77 : vector<1x16xi32> to vector<16xi32>
      %swap3A_79 = arith.constant 32 : index
      %swap3A_80 = tpu.vector_load %arg9[%swap3A_79] {strides = array<i32>} : memref<512xi32, #tpu.memory_space<vmem>>, vector<16xi32>,
      %swap3A_81 = vector.shape_cast %swap3A_80 : vector<16xi32> to vector<16xi32>
      %swap3A_82 = vector.shape_cast %get3A_78 : vector<16xi32> to vector<16xi32>
      tpu.vector_store %arg9[%swap3A_79], %swap3A_82 {strides = array<i32>} : memref<512xi32, #tpu.memory_space<vmem>>, vector<16xi32>,
      %slice3A_83 = vector.extract_strided_slice %get3A_40 {offsets = [3], sizes = [1], strides = [1]} : vector<16xi32> to vector<1xi32>
      %squeeze3A_84 = vector.extract %slice3A_83[0] : i32 from vector<1xi32>
      %and3A_85 = arith.constant 7 : i32
      %and3A_86 = arith.andi %squeeze3A_84, %and3A_85 : i32
      %mul3A_87 = arith.constant 16 : i32
      %mul3A_88 = arith.muli %and3A_86, %mul3A_87 : i32
      %get3A_89 = arith.constant 3 : i32
      %get3A_90 = arith.index_cast %get3A_89 : i32 to index
      %get3A_91 = arith.index_cast %mul3A_88 : i32 to index
      %get3A_92 = tpu.vector_load %arg8[%get3A_90, %get3A_91] {strides = array<i32>} : memref<32x128xi32, #tpu.memory_space<vmem>>, vector<1x16xi32>,
      %get3A_93 = vector.shape_cast %get3A_92 : vector<1x16xi32> to vector<16xi32>
      %swap3A_94 = arith.constant 48 : index
      %swap3A_95 = tpu.vector_load %arg9[%swap3A_94] {strides = array<i32>} : memref<512xi32, #tpu.memory_space<vmem>>, vector<16xi32>,
      %swap3A_96 = vector.shape_cast %swap3A_95 : vector<16xi32> to vector<16xi32>
      %swap3A_97 = vector.shape_cast %get3A_93 : vector<16xi32> to vector<16xi32>
      tpu.vector_store %arg9[%swap3A_94], %swap3A_97 {strides = array<i32>} : memref<512xi32, #tpu.memory_space<vmem>>, vector<16xi32>,
      %slice3A_98 = vector.extract_strided_slice %get3A_40 {offsets = [4], sizes = [1], strides = [1]} : vector<16xi32> to vector<1xi32>
      %squeeze3A_99 = vector.extract %slice3A_98[0] : i32 from vector<1xi32>
      %and3A_100 = arith.constant 7 : i32
      %and3A_101 = arith.andi %squeeze3A_99, %and3A_100 : i32
      %mul3A_102 = arith.constant 16 : i32
      %mul3A_103 = arith.muli %and3A_101, %mul3A_102 : i32
      %get3A_104 = arith.constant 4 : i32
      %get3A_105 = arith.index_cast %get3A_104 : i32 to index
      %get3A_106 = arith.index_cast %mul3A_103 : i32 to index
      %get3A_107 = tpu.vector_load %arg8[%get3A_105, %get3A_106] {strides = array<i32>} : memref<32x128xi32, #tpu.memory_space<vmem>>, vector<1x16xi32>,
      %get3A_108 = vector.shape_cast %get3A_107 : vector<1x16xi32> to vector<16xi32>
      %swap3A_109 = arith.constant 64 : index
      %swap3A_110 = tpu.vector_load %arg9[%swap3A_109] {strides = array<i32>} : memref<512xi32, #tpu.memory_space<vmem>>, vector<16xi32>,
      %swap3A_111 = vector.shape_cast %swap3A_110 : vector<16xi32> to vector<16xi32>
      %swap3A_112 = vector.shape_cast %get3A_108 : vector<16xi32> to vector<16xi32>
      tpu.vector_store %arg9[%swap3A_109], %swap3A_112 {strides = array<i32>} : memref<512xi32, #tpu.memory_space<vmem>>, vector<16xi32>,
      %slice3A_113 = vector.extract_strided_slice %get3A_40 {offsets = [5], sizes = [1], strides = [1]} : vector<16xi32> to vector<1xi32>
      %squeeze3A_114 = vector.extract %slice3A_113[0] : i32 from vector<1xi32>
      %and3A_115 = arith.constant 7 : i32
      %and3A_116 = arith.andi %squeeze3A_114, %and3A_115 : i32
      %mul3A_117 = arith.constant 16 : i32
      %mul3A_118 = arith.muli %and3A_116, %mul3A_117 : i32
      %get3A_119 = arith.constant 5 : i32
      %get3A_120 = arith.index_cast %get3A_119 : i32 to index
      %get3A_121 = arith.index_cast %mul3A_118 : i32 to index
      %get3A_122 = tpu.vector_load %arg8[%get3A_120, %get3A_121] {strides = array<i32>} : memref<32x128xi32, #tpu.memory_space<vmem>>, vector<1x16xi32>,
      %get3A_123 = vector.shape_cast %get3A_122 : vector<1x16xi32> to vector<16xi32>
      %swap3A_124 = arith.constant 80 : index
      %swap3A_125 = tpu.vector_load %arg9[%swap3A_124] {strides = array<i32>} : memref<512xi32, #tpu.memory_space<vmem>>, vector<16xi32>,
      %swap3A_126 = vector.shape_cast %swap3A_125 : vector<16xi32> to vector<16xi32>
      %swap3A_127 = vector.shape_cast %get3A_123 : vector<16xi32> to vector<16xi32>
      tpu.vector_store %arg9[%swap3A_124], %swap3A_127 {strides = array<i32>} : memref<512xi32, #tpu.memory_space<vmem>>, vector<16xi32>,
      %slice3A_128 = vector.extract_strided_slice %get3A_40 {offsets = [6], sizes = [1], strides = [1]} : vector<16xi32> to vector<1xi32>
      %squeeze3A_129 = vector.extract %slice3A_128[0] : i32 from vector<1xi32>
      %and3A_130 = arith.constant 7 : i32
      %and3A_131 = arith.andi %squeeze3A_129, %and3A_130 : i32
      %mul3A_132 = arith.constant 16 : i32
      %mul3A_133 = arith.muli %and3A_131, %mul3A_132 : i32
      %get3A_134 = arith.constant 6 : i32
      %get3A_135 = arith.index_cast %get3A_134 : i32 to index
      %get3A_136 = arith.index_cast %mul3A_133 : i32 to index
      %get3A_137 = tpu.vector_load %arg8[%get3A_135, %get3A_136] {strides = array<i32>} : memref<32x128xi32, #tpu.memory_space<vmem>>, vector<1x16xi32>,
      %get3A_138 = vector.shape_cast %get3A_137 : vector<1x16xi32> to vector<16xi32>
      %swap3A_139 = arith.constant 96 : index
      %swap3A_140 = tpu.vector_load %arg9[%swap3A_139] {strides = array<i32>} : memref<512xi32, #tpu.memory_space<vmem>>, vector<16xi32>,
      %swap3A_141 = vector.shape_cast %swap3A_140 : vector<16xi32> to vector<16xi32>
      %swap3A_142 = vector.shape_cast %get3A_138 : vector<16xi32> to vector<16xi32>
      tpu.vector_store %arg9[%swap3A_139], %swap3A_142 {strides = array<i32>} : memref<512xi32, #tpu.memory_space<vmem>>, vector<16xi32>,
      %slice3A_143 = vector.extract_strided_slice %get3A_40 {offsets = [7], sizes = [1], strides = [1]} : vector<16xi32> to vector<1xi32>
      %squeeze3A_144 = vector.extract %slice3A_143[0] : i32 from vector<1xi32>
      %and3A_145 = arith.constant 7 : i32
      %and3A_146 = arith.andi %squeeze3A_144, %and3A_145 : i32
      %mul3A_147 = arith.constant 16 : i32
      %mul3A_148 = arith.muli %and3A_146, %mul3A_147 : i32
      %get3A_149 = arith.constant 7 : i32
      %get3A_150 = arith.index_cast %get3A_149 : i32 to index
      %get3A_151 = arith.index_cast %mul3A_148 : i32 to index
      %get3A_152 = tpu.vector_load %arg8[%get3A_150, %get3A_151] {strides = array<i32>} : memref<32x128xi32, #tpu.memory_space<vmem>>, vector<1x16xi32>,
      %get3A_153 = vector.shape_cast %get3A_152 : vector<1x16xi32> to vector<16xi32>
      %swap3A_154 = arith.constant 112 : index
      %swap3A_155 = tpu.vector_load %arg9[%swap3A_154] {strides = array<i32>} : memref<512xi32, #tpu.memory_space<vmem>>, vector<16xi32>,
      %swap3A_156 = vector.shape_cast %swap3A_155 : vector<16xi32> to vector<16xi32>
      %swap3A_157 = vector.shape_cast %get3A_153 : vector<16xi32> to vector<16xi32>
      tpu.vector_store %arg9[%swap3A_154], %swap3A_157 {strides = array<i32>} : memref<512xi32, #tpu.memory_space<vmem>>, vector<16xi32>,
      %slice3A_158 = vector.extract_strided_slice %get3A_40 {offsets = [8], sizes = [1], strides = [1]} : vector<16xi32> to vector<1xi32>
      %squeeze3A_159 = vector.extract %slice3A_158[0] : i32 from vector<1xi32>
      %and3A_160 = arith.constant 7 : i32
      %and3A_161 = arith.andi %squeeze3A_159, %and3A_160 : i32
      %mul3A_162 = arith.constant 16 : i32
      %mul3A_163 = arith.muli %and3A_161, %mul3A_162 : i32
      %get3A_164 = arith.constant 8 : i32
      %get3A_165 = arith.index_cast %get3A_164 : i32 to index
      %get3A_166 = arith.index_cast %mul3A_163 : i32 to index
      %get3A_167 = tpu.vector_load %arg8[%get3A_165, %get3A_166] {strides = array<i32>} : memref<32x128xi32, #tpu.memory_space<vmem>>, vector<1x16xi32>,
      %get3A_168 = vector.shape_cast %get3A_167 : vector<1x16xi32> to vector<16xi32>
      %swap3A_169 = arith.constant 128 : index
      %swap3A_170 = tpu.vector_load %arg9[%swap3A_169] {strides = array<i32>} : memref<512xi32, #tpu.memory_space<vmem>>, vector<16xi32>,
      %swap3A_171 = vector.shape_cast %swap3A_170 : vector<16xi32> to vector<16xi32>
      %swap3A_172 = vector.shape_cast %get3A_168 : vector<16xi32> to vector<16xi32>
      tpu.vector_store %arg9[%swap3A_169], %swap3A_172 {strides = array<i32>} : memref<512xi32, #tpu.memory_space<vmem>>, vector<16xi32>,
      %slice3A_173 = vector.extract_strided_slice %get3A_40 {offsets = [9], sizes = [1], strides = [1]} : vector<16xi32> to vector<1xi32>
      %squeeze3A_174 = vector.extract %slice3A_173[0] : i32 from vector<1xi32>
      %and3A_175 = arith.constant 7 : i32
      %and3A_176 = arith.andi %squeeze3A_174, %and3A_175 : i32
      %mul3A_177 = arith.constant 16 : i32
      %mul3A_178 = arith.muli %and3A_176, %mul3A_177 : i32
      %get3A_179 = arith.constant 9 : i32
      %get3A_180 = arith.index_cast %get3A_179 : i32 to index
      %get3A_181 = arith.index_cast %mul3A_178 : i32 to index
      %get3A_182 = tpu.vector_load %arg8[%get3A_180, %get3A_181] {strides = array<i32>} : memref<32x128xi32, #tpu.memory_space<vmem>>, vector<1x16xi32>,
      %get3A_183 = vector.shape_cast %get3A_182 : vector<1x16xi32> to vector<16xi32>
      %swap3A_184 = arith.constant 144 : index
      %swap3A_185 = tpu.vector_load %arg9[%swap3A_184] {strides = array<i32>} : memref<512xi32, #tpu.memory_space<vmem>>, vector<16xi32>,
      %swap3A_186 = vector.shape_cast %swap3A_185 : vector<16xi32> to vector<16xi32>
      %swap3A_187 = vector.shape_cast %get3A_183 : vector<16xi32> to vector<16xi32>
      tpu.vector_store %arg9[%swap3A_184], %swap3A_187 {strides = array<i32>} : memref<512xi32, #tpu.memory_space<vmem>>, vector<16xi32>,
      %slice3A_188 = vector.extract_strided_slice %get3A_40 {offsets = [10], sizes = [1], strides = [1]} : vector<16xi32> to vector<1xi32>
      %squeeze3A_189 = vector.extract %slice3A_188[0] : i32 from vector<1xi32>
      %and3A_190 = arith.constant 7 : i32
      %and3A_191 = arith.andi %squeeze3A_189, %and3A_190 : i32
      %mul3A_192 = arith.constant 16 : i32
      %mul3A_193 = arith.muli %and3A_191, %mul3A_192 : i32
      %get3A_194 = arith.constant 10 : i32
      %get3A_195 = arith.index_cast %get3A_194 : i32 to index
      %get3A_196 = arith.index_cast %mul3A_193 : i32 to index
      %get3A_197 = tpu.vector_load %arg8[%get3A_195, %get3A_196] {strides = array<i32>} : memref<32x128xi32, #tpu.memory_space<vmem>>, vector<1x16xi32>,
      %get3A_198 = vector.shape_cast %get3A_197 : vector<1x16xi32> to vector<16xi32>
      %swap3A_199 = arith.constant 160 : index
      %swap3A_200 = tpu.vector_load %arg9[%swap3A_199] {strides = array<i32>} : memref<512xi32, #tpu.memory_space<vmem>>, vector<16xi32>,
      %swap3A_201 = vector.shape_cast %swap3A_200 : vector<16xi32> to vector<16xi32>
      %swap3A_202 = vector.shape_cast %get3A_198 : vector<16xi32> to vector<16xi32>
      tpu.vector_store %arg9[%swap3A_199], %swap3A_202 {strides = array<i32>} : memref<512xi32, #tpu.memory_space<vmem>>, vector<16xi32>,
      %slice3A_203 = vector.extract_strided_slice %get3A_40 {offsets = [11], sizes = [1], strides = [1]} : vector<16xi32> to vector<1xi32>
      %squeeze3A_204 = vector.extract %slice3A_203[0] : i32 from vector<1xi32>
      %and3A_205 = arith.constant 7 : i32
      %and3A_206 = arith.andi %squeeze3A_204, %and3A_205 : i32
      %mul3A_207 = arith.constant 16 : i32
      %mul3A_208 = arith.muli %and3A_206, %mul3A_207 : i32
      %get3A_209 = arith.constant 11 : i32
      %get3A_210 = arith.index_cast %get3A_209 : i32 to index
      %get3A_211 = arith.index_cast %mul3A_208 : i32 to index
      %get3A_212 = tpu.vector_load %arg8[%get3A_210, %get3A_211] {strides = array<i32>} : memref<32x128xi32, #tpu.memory_space<vmem>>, vector<1x16xi32>,
      %get3A_213 = vector.shape_cast %get3A_212 : vector<1x16xi32> to vector<16xi32>
      %swap3A_214 = arith.constant 176 : index
      %swap3A_215 = tpu.vector_load %arg9[%swap3A_214] {strides = array<i32>} : memref<512xi32, #tpu.memory_space<vmem>>, vector<16xi32>,
      %swap3A_216 = vector.shape_cast %swap3A_215 : vector<16xi32> to vector<16xi32>
      %swap3A_217 = vector.shape_cast %get3A_213 : vector<16xi32> to vector<16xi32>
      tpu.vector_store %arg9[%swap3A_214], %swap3A_217 {strides = array<i32>} : memref<512xi32, #tpu.memory_space<vmem>>, vector<16xi32>,
      %slice3A_218 = vector.extract_strided_slice %get3A_40 {offsets = [12], sizes = [1], strides = [1]} : vector<16xi32> to vector<1xi32>
      %squeeze3A_219 = vector.extract %slice3A_218[0] : i32 from vector<1xi32>
      %and3A_220 = arith.constant 7 : i32
      %and3A_221 = arith.andi %squeeze3A_219, %and3A_220 : i32
      %mul3A_222 = arith.constant 16 : i32
      %mul3A_223 = arith.muli %and3A_221, %mul3A_222 : i32
      %get3A_224 = arith.constant 12 : i32
      %get3A_225 = arith.index_cast %get3A_224 : i32 to index
      %get3A_226 = arith.index_cast %mul3A_223 : i32 to index
      %get3A_227 = tpu.vector_load %arg8[%get3A_225, %get3A_226] {strides = array<i32>} : memref<32x128xi32, #tpu.memory_space<vmem>>, vector<1x16xi32>,
      %get3A_228 = vector.shape_cast %get3A_227 : vector<1x16xi32> to vector<16xi32>
      %swap3A_229 = arith.constant 192 : index
      %swap3A_230 = tpu.vector_load %arg9[%swap3A_229] {strides = array<i32>} : memref<512xi32, #tpu.memory_space<vmem>>, vector<16xi32>,
      %swap3A_231 = vector.shape_cast %swap3A_230 : vector<16xi32> to vector<16xi32>
      %swap3A_232 = vector.shape_cast %get3A_228 : vector<16xi32> to vector<16xi32>
      tpu.vector_store %arg9[%swap3A_229], %swap3A_232 {strides = array<i32>} : memref<512xi32, #tpu.memory_space<vmem>>, vector<16xi32>,
      %slice3A_233 = vector.extract_strided_slice %get3A_40 {offsets = [13], sizes = [1], strides = [1]} : vector<16xi32> to vector<1xi32>
      %squeeze3A_234 = vector.extract %slice3A_233[0] : i32 from vector<1xi32>
      %and3A_235 = arith.constant 7 : i32
      %and3A_236 = arith.andi %squeeze3A_234, %and3A_235 : i32
      %mul3A_237 = arith.constant 16 : i32
      %mul3A_238 = arith.muli %and3A_236, %mul3A_237 : i32
      %get3A_239 = arith.constant 13 : i32
      %get3A_240 = arith.index_cast %get3A_239 : i32 to index
      %get3A_241 = arith.index_cast %mul3A_238 : i32 to index
      %get3A_242 = tpu.vector_load %arg8[%get3A_240, %get3A_241] {strides = array<i32>} : memref<32x128xi32, #tpu.memory_space<vmem>>, vector<1x16xi32>,
      %get3A_243 = vector.shape_cast %get3A_242 : vector<1x16xi32> to vector<16xi32>
      %swap3A_244 = arith.constant 208 : index
      %swap3A_245 = tpu.vector_load %arg9[%swap3A_244] {strides = array<i32>} : memref<512xi32, #tpu.memory_space<vmem>>, vector<16xi32>,
      %swap3A_246 = vector.shape_cast %swap3A_245 : vector<16xi32> to vector<16xi32>
      %swap3A_247 = vector.shape_cast %get3A_243 : vector<16xi32> to vector<16xi32>
      tpu.vector_store %arg9[%swap3A_244], %swap3A_247 {strides = array<i32>} : memref<512xi32, #tpu.memory_space<vmem>>, vector<16xi32>,
      %slice3A_248 = vector.extract_strided_slice %get3A_40 {offsets = [14], sizes = [1], strides = [1]} : vector<16xi32> to vector<1xi32>
      %squeeze3A_249 = vector.extract %slice3A_248[0] : i32 from vector<1xi32>
      %and3A_250 = arith.constant 7 : i32
      %and3A_251 = arith.andi %squeeze3A_249, %and3A_250 : i32
      %mul3A_252 = arith.constant 16 : i32
      %mul3A_253 = arith.muli %and3A_251, %mul3A_252 : i32
      %get3A_254 = arith.constant 14 : i32
      %get3A_255 = arith.index_cast %get3A_254 : i32 to index
      %get3A_256 = arith.index_cast %mul3A_253 : i32 to index
      %get3A_257 = tpu.vector_load %arg8[%get3A_255, %get3A_256] {strides = array<i32>} : memref<32x128xi32, #tpu.memory_space<vmem>>, vector<1x16xi32>,
      %get3A_258 = vector.shape_cast %get3A_257 : vector<1x16xi32> to vector<16xi32>
      %swap3A_259 = arith.constant 224 : index
      %swap3A_260 = tpu.vector_load %arg9[%swap3A_259] {strides = array<i32>} : memref<512xi32, #tpu.memory_space<vmem>>, vector<16xi32>,
      %swap3A_261 = vector.shape_cast %swap3A_260 : vector<16xi32> to vector<16xi32>
      %swap3A_262 = vector.shape_cast %get3A_258 : vector<16xi32> to vector<16xi32>
      tpu.vector_store %arg9[%swap3A_259], %swap3A_262 {strides = array<i32>} : memref<512xi32, #tpu.memory_space<vmem>>, vector<16xi32>,
      %slice3A_263 = vector.extract_strided_slice %get3A_40 {offsets = [15], sizes = [1], strides = [1]} : vector<16xi32> to vector<1xi32>
      %squeeze3A_264 = vector.extract %slice3A_263[0] : i32 from vector<1xi32>
      %and3A_265 = arith.constant 7 : i32
      %and3A_266 = arith.andi %squeeze3A_264, %and3A_265 : i32
      %mul3A_267 = arith.constant 16 : i32
      %mul3A_268 = arith.muli %and3A_266, %mul3A_267 : i32
      %get3A_269 = arith.constant 15 : i32
      %get3A_270 = arith.index_cast %get3A_269 : i32 to index
      %get3A_271 = arith.index_cast %mul3A_268 : i32 to index
      %get3A_272 = tpu.vector_load %arg8[%get3A_270, %get3A_271] {strides = array<i32>} : memref<32x128xi32, #tpu.memory_space<vmem>>, vector<1x16xi32>,
      %get3A_273 = vector.shape_cast %get3A_272 : vector<1x16xi32> to vector<16xi32>
      %swap3A_274 = arith.constant 240 : index
      %swap3A_275 = tpu.vector_load %arg9[%swap3A_274] {strides = array<i32>} : memref<512xi32, #tpu.memory_space<vmem>>, vector<16xi32>,
      %swap3A_276 = vector.shape_cast %swap3A_275 : vector<16xi32> to vector<16xi32>
      %swap3A_277 = vector.shape_cast %get3A_273 : vector<16xi32> to vector<16xi32>
      tpu.vector_store %arg9[%swap3A_274], %swap3A_277 {strides = array<i32>} : memref<512xi32, #tpu.memory_space<vmem>>, vector<16xi32>,
      %get3A_278 = arith.constant 16 : index
      %get3A_279 = tpu.vector_load %arg6[%get3A_278] {strides = array<i32>} : memref<32xi32, #tpu.memory_space<vmem>>, vector<16xi32>,
      %get3A_280 = vector.shape_cast %get3A_279 : vector<16xi32> to vector<16xi32>
      %slice3A_281 = vector.extract_strided_slice %get3A_280 {offsets = [0], sizes = [1], strides = [1]} : vector<16xi32> to vector<1xi32>
      %squeeze3A_282 = vector.extract %slice3A_281[0] : i32 from vector<1xi32>
      %and3A_283 = arith.constant 7 : i32
      %and3A_284 = arith.andi %squeeze3A_282, %and3A_283 : i32
      %mul3A_285 = arith.constant 16 : i32
      %mul3A_286 = arith.muli %and3A_284, %mul3A_285 : i32
      %get3A_287 = arith.constant 16 : i32
      %get3A_288 = arith.index_cast %get3A_287 : i32 to index
      %get3A_289 = arith.index_cast %mul3A_286 : i32 to index
      %get3A_290 = tpu.vector_load %arg8[%get3A_288, %get3A_289] {strides = array<i32>} : memref<32x128xi32, #tpu.memory_space<vmem>>, vector<1x16xi32>,
      %get3A_291 = vector.shape_cast %get3A_290 : vector<1x16xi32> to vector<16xi32>
      %swap3A_292 = arith.constant 256 : index
      %swap3A_293 = tpu.vector_load %arg9[%swap3A_292] {strides = array<i32>} : memref<512xi32, #tpu.memory_space<vmem>>, vector<16xi32>,
      %swap3A_294 = vector.shape_cast %swap3A_293 : vector<16xi32> to vector<16xi32>
      %swap3A_295 = vector.shape_cast %get3A_291 : vector<16xi32> to vector<16xi32>
      tpu.vector_store %arg9[%swap3A_292], %swap3A_295 {strides = array<i32>} : memref<512xi32, #tpu.memory_space<vmem>>, vector<16xi32>,
      %slice3A_296 = vector.extract_strided_slice %get3A_280 {offsets = [1], sizes = [1], strides = [1]} : vector<16xi32> to vector<1xi32>
      %squeeze3A_297 = vector.extract %slice3A_296[0] : i32 from vector<1xi32>
      %and3A_298 = arith.constant 7 : i32
      %and3A_299 = arith.andi %squeeze3A_297, %and3A_298 : i32
      %mul3A_300 = arith.constant 16 : i32
      %mul3A_301 = arith.muli %and3A_299, %mul3A_300 : i32
      %get3A_302 = arith.constant 17 : i32
      %get3A_303 = arith.index_cast %get3A_302 : i32 to index
      %get3A_304 = arith.index_cast %mul3A_301 : i32 to index
      %get3A_305 = tpu.vector_load %arg8[%get3A_303, %get3A_304] {strides = array<i32>} : memref<32x128xi32, #tpu.memory_space<vmem>>, vector<1x16xi32>,
      %get3A_306 = vector.shape_cast %get3A_305 : vector<1x16xi32> to vector<16xi32>
      %swap3A_307 = arith.constant 272 : index
      %swap3A_308 = tpu.vector_load %arg9[%swap3A_307] {strides = array<i32>} : memref<512xi32, #tpu.memory_space<vmem>>, vector<16xi32>,
      %swap3A_309 = vector.shape_cast %swap3A_308 : vector<16xi32> to vector<16xi32>
      %swap3A_310 = vector.shape_cast %get3A_306 : vector<16xi32> to vector<16xi32>
      tpu.vector_store %arg9[%swap3A_307], %swap3A_310 {strides = array<i32>} : memref<512xi32, #tpu.memory_space<vmem>>, vector<16xi32>,
      %slice3A_311 = vector.extract_strided_slice %get3A_280 {offsets = [2], sizes = [1], strides = [1]} : vector<16xi32> to vector<1xi32>
      %squeeze3A_312 = vector.extract %slice3A_311[0] : i32 from vector<1xi32>
      %and3A_313 = arith.constant 7 : i32
      %and3A_314 = arith.andi %squeeze3A_312, %and3A_313 : i32
      %mul3A_315 = arith.constant 16 : i32
      %mul3A_316 = arith.muli %and3A_314, %mul3A_315 : i32
      %get3A_317 = arith.constant 18 : i32
      %get3A_318 = arith.index_cast %get3A_317 : i32 to index
      %get3A_319 = arith.index_cast %mul3A_316 : i32 to index
      %get3A_320 = tpu.vector_load %arg8[%get3A_318, %get3A_319] {strides = array<i32>} : memref<32x128xi32, #tpu.memory_space<vmem>>, vector<1x16xi32>,
      %get3A_321 = vector.shape_cast %get3A_320 : vector<1x16xi32> to vector<16xi32>
      %swap3A_322 = arith.constant 288 : index
      %swap3A_323 = tpu.vector_load %arg9[%swap3A_322] {strides = array<i32>} : memref<512xi32, #tpu.memory_space<vmem>>, vector<16xi32>,
      %swap3A_324 = vector.shape_cast %swap3A_323 : vector<16xi32> to vector<16xi32>
      %swap3A_325 = vector.shape_cast %get3A_321 : vector<16xi32> to vector<16xi32>
      tpu.vector_store %arg9[%swap3A_322], %swap3A_325 {strides = array<i32>} : memref<512xi32, #tpu.memory_space<vmem>>, vector<16xi32>,
      %slice3A_326 = vector.extract_strided_slice %get3A_280 {offsets = [3], sizes = [1], strides = [1]} : vector<16xi32> to vector<1xi32>
      %squeeze3A_327 = vector.extract %slice3A_326[0] : i32 from vector<1xi32>
      %and3A_328 = arith.constant 7 : i32
      %and3A_329 = arith.andi %squeeze3A_327, %and3A_328 : i32
      %mul3A_330 = arith.constant 16 : i32
      %mul3A_331 = arith.muli %and3A_329, %mul3A_330 : i32
      %get3A_332 = arith.constant 19 : i32
      %get3A_333 = arith.index_cast %get3A_332 : i32 to index
      %get3A_334 = arith.index_cast %mul3A_331 : i32 to index
      %get3A_335 = tpu.vector_load %arg8[%get3A_333, %get3A_334] {strides = array<i32>} : memref<32x128xi32, #tpu.memory_space<vmem>>, vector<1x16xi32>,
      %get3A_336 = vector.shape_cast %get3A_335 : vector<1x16xi32> to vector<16xi32>
      %swap3A_337 = arith.constant 304 : index
      %swap3A_338 = tpu.vector_load %arg9[%swap3A_337] {strides = array<i32>} : memref<512xi32, #tpu.memory_space<vmem>>, vector<16xi32>,
      %swap3A_339 = vector.shape_cast %swap3A_338 : vector<16xi32> to vector<16xi32>
      %swap3A_340 = vector.shape_cast %get3A_336 : vector<16xi32> to vector<16xi32>
      tpu.vector_store %arg9[%swap3A_337], %swap3A_340 {strides = array<i32>} : memref<512xi32, #tpu.memory_space<vmem>>, vector<16xi32>,
      %slice3A_341 = vector.extract_strided_slice %get3A_280 {offsets = [4], sizes = [1], strides = [1]} : vector<16xi32> to vector<1xi32>
      %squeeze3A_342 = vector.extract %slice3A_341[0] : i32 from vector<1xi32>
      %and3A_343 = arith.constant 7 : i32
      %and3A_344 = arith.andi %squeeze3A_342, %and3A_343 : i32
      %mul3A_345 = arith.constant 16 : i32
      %mul3A_346 = arith.muli %and3A_344, %mul3A_345 : i32
      %get3A_347 = arith.constant 20 : i32
      %get3A_348 = arith.index_cast %get3A_347 : i32 to index
      %get3A_349 = arith.index_cast %mul3A_346 : i32 to index
      %get3A_350 = tpu.vector_load %arg8[%get3A_348, %get3A_349] {strides = array<i32>} : memref<32x128xi32, #tpu.memory_space<vmem>>, vector<1x16xi32>,
      %get3A_351 = vector.shape_cast %get3A_350 : vector<1x16xi32> to vector<16xi32>
      %swap3A_352 = arith.constant 320 : index
      %swap3A_353 = tpu.vector_load %arg9[%swap3A_352] {strides = array<i32>} : memref<512xi32, #tpu.memory_space<vmem>>, vector<16xi32>,
      %swap3A_354 = vector.shape_cast %swap3A_353 : vector<16xi32> to vector<16xi32>
      %swap3A_355 = vector.shape_cast %get3A_351 : vector<16xi32> to vector<16xi32>
      tpu.vector_store %arg9[%swap3A_352], %swap3A_355 {strides = array<i32>} : memref<512xi32, #tpu.memory_space<vmem>>, vector<16xi32>,
      %slice3A_356 = vector.extract_strided_slice %get3A_280 {offsets = [5], sizes = [1], strides = [1]} : vector<16xi32> to vector<1xi32>
      %squeeze3A_357 = vector.extract %slice3A_356[0] : i32 from vector<1xi32>
      %and3A_358 = arith.constant 7 : i32
      %and3A_359 = arith.andi %squeeze3A_357, %and3A_358 : i32
      %mul3A_360 = arith.constant 16 : i32
      %mul3A_361 = arith.muli %and3A_359, %mul3A_360 : i32
      %get3A_362 = arith.constant 21 : i32
      %get3A_363 = arith.index_cast %get3A_362 : i32 to index
      %get3A_364 = arith.index_cast %mul3A_361 : i32 to index
      %get3A_365 = tpu.vector_load %arg8[%get3A_363, %get3A_364] {strides = array<i32>} : memref<32x128xi32, #tpu.memory_space<vmem>>, vector<1x16xi32>,
      %get3A_366 = vector.shape_cast %get3A_365 : vector<1x16xi32> to vector<16xi32>
      %swap3A_367 = arith.constant 336 : index
      %swap3A_368 = tpu.vector_load %arg9[%swap3A_367] {strides = array<i32>} : memref<512xi32, #tpu.memory_space<vmem>>, vector<16xi32>,
      %swap3A_369 = vector.shape_cast %swap3A_368 : vector<16xi32> to vector<16xi32>
      %swap3A_370 = vector.shape_cast %get3A_366 : vector<16xi32> to vector<16xi32>
      tpu.vector_store %arg9[%swap3A_367], %swap3A_370 {strides = array<i32>} : memref<512xi32, #tpu.memory_space<vmem>>, vector<16xi32>,
      %slice3A_371 = vector.extract_strided_slice %get3A_280 {offsets = [6], sizes = [1], strides = [1]} : vector<16xi32> to vector<1xi32>
      %squeeze3A_372 = vector.extract %slice3A_371[0] : i32 from vector<1xi32>
      %and3A_373 = arith.constant 7 : i32
      %and3A_374 = arith.andi %squeeze3A_372, %and3A_373 : i32
      %mul3A_375 = arith.constant 16 : i32
      %mul3A_376 = arith.muli %and3A_374, %mul3A_375 : i32
      %get3A_377 = arith.constant 22 : i32
      %get3A_378 = arith.index_cast %get3A_377 : i32 to index
      %get3A_379 = arith.index_cast %mul3A_376 : i32 to index
      %get3A_380 = tpu.vector_load %arg8[%get3A_378, %get3A_379] {strides = array<i32>} : memref<32x128xi32, #tpu.memory_space<vmem>>, vector<1x16xi32>,
      %get3A_381 = vector.shape_cast %get3A_380 : vector<1x16xi32> to vector<16xi32>
      %swap3A_382 = arith.constant 352 : index
      %swap3A_383 = tpu.vector_load %arg9[%swap3A_382] {strides = array<i32>} : memref<512xi32, #tpu.memory_space<vmem>>, vector<16xi32>,
      %swap3A_384 = vector.shape_cast %swap3A_383 : vector<16xi32> to vector<16xi32>
      %swap3A_385 = vector.shape_cast %get3A_381 : vector<16xi32> to vector<16xi32>
      tpu.vector_store %arg9[%swap3A_382], %swap3A_385 {strides = array<i32>} : memref<512xi32, #tpu.memory_space<vmem>>, vector<16xi32>,
      %slice3A_386 = vector.extract_strided_slice %get3A_280 {offsets = [7], sizes = [1], strides = [1]} : vector<16xi32> to vector<1xi32>
      %squeeze3A_387 = vector.extract %slice3A_386[0] : i32 from vector<1xi32>
      %and3A_388 = arith.constant 7 : i32
      %and3A_389 = arith.andi %squeeze3A_387, %and3A_388 : i32
      %mul3A_390 = arith.constant 16 : i32
      %mul3A_391 = arith.muli %and3A_389, %mul3A_390 : i32
      %get3A_392 = arith.constant 23 : i32
      %get3A_393 = arith.index_cast %get3A_392 : i32 to index
      %get3A_394 = arith.index_cast %mul3A_391 : i32 to index
      %get3A_395 = tpu.vector_load %arg8[%get3A_393, %get3A_394] {strides = array<i32>} : memref<32x128xi32, #tpu.memory_space<vmem>>, vector<1x16xi32>,
      %get3A_396 = vector.shape_cast %get3A_395 : vector<1x16xi32> to vector<16xi32>
      %swap3A_397 = arith.constant 368 : index
      %swap3A_398 = tpu.vector_load %arg9[%swap3A_397] {strides = array<i32>} : memref<512xi32, #tpu.memory_space<vmem>>, vector<16xi32>,
      %swap3A_399 = vector.shape_cast %swap3A_398 : vector<16xi32> to vector<16xi32>
      %swap3A_400 = vector.shape_cast %get3A_396 : vector<16xi32> to vector<16xi32>
      tpu.vector_store %arg9[%swap3A_397], %swap3A_400 {strides = array<i32>} : memref<512xi32, #tpu.memory_space<vmem>>, vector<16xi32>,
      %slice3A_401 = vector.extract_strided_slice %get3A_280 {offsets = [8], sizes = [1], strides = [1]} : vector<16xi32> to vector<1xi32>
      %squeeze3A_402 = vector.extract %slice3A_401[0] : i32 from vector<1xi32>
      %and3A_403 = arith.constant 7 : i32
      %and3A_404 = arith.andi %squeeze3A_402, %and3A_403 : i32
      %mul3A_405 = arith.constant 16 : i32
      %mul3A_406 = arith.muli %and3A_404, %mul3A_405 : i32
      %get3A_407 = arith.constant 24 : i32
      %get3A_408 = arith.index_cast %get3A_407 : i32 to index
      %get3A_409 = arith.index_cast %mul3A_406 : i32 to index
      %get3A_410 = tpu.vector_load %arg8[%get3A_408, %get3A_409] {strides = array<i32>} : memref<32x128xi32, #tpu.memory_space<vmem>>, vector<1x16xi32>,
      %get3A_411 = vector.shape_cast %get3A_410 : vector<1x16xi32> to vector<16xi32>
      %swap3A_412 = arith.constant 384 : index
      %swap3A_413 = tpu.vector_load %arg9[%swap3A_412] {strides = array<i32>} : memref<512xi32, #tpu.memory_space<vmem>>, vector<16xi32>,
      %swap3A_414 = vector.shape_cast %swap3A_413 : vector<16xi32> to vector<16xi32>
      %swap3A_415 = vector.shape_cast %get3A_411 : vector<16xi32> to vector<16xi32>
      tpu.vector_store %arg9[%swap3A_412], %swap3A_415 {strides = array<i32>} : memref<512xi32, #tpu.memory_space<vmem>>, vector<16xi32>,
      %slice3A_416 = vector.extract_strided_slice %get3A_280 {offsets = [9], sizes = [1], strides = [1]} : vector<16xi32> to vector<1xi32>
      %squeeze3A_417 = vector.extract %slice3A_416[0] : i32 from vector<1xi32>
      %and3A_418 = arith.constant 7 : i32
      %and3A_419 = arith.andi %squeeze3A_417, %and3A_418 : i32
      %mul3A_420 = arith.constant 16 : i32
      %mul3A_421 = arith.muli %and3A_419, %mul3A_420 : i32
      %get3A_422 = arith.constant 25 : i32
      %get3A_423 = arith.index_cast %get3A_422 : i32 to index
      %get3A_424 = arith.index_cast %mul3A_421 : i32 to index
      %get3A_425 = tpu.vector_load %arg8[%get3A_423, %get3A_424] {strides = array<i32>} : memref<32x128xi32, #tpu.memory_space<vmem>>, vector<1x16xi32>,
      %get3A_426 = vector.shape_cast %get3A_425 : vector<1x16xi32> to vector<16xi32>
      %swap3A_427 = arith.constant 400 : index
      %swap3A_428 = tpu.vector_load %arg9[%swap3A_427] {strides = array<i32>} : memref<512xi32, #tpu.memory_space<vmem>>, vector<16xi32>,
      %swap3A_429 = vector.shape_cast %swap3A_428 : vector<16xi32> to vector<16xi32>
      %swap3A_430 = vector.shape_cast %get3A_426 : vector<16xi32> to vector<16xi32>
      tpu.vector_store %arg9[%swap3A_427], %swap3A_430 {strides = array<i32>} : memref<512xi32, #tpu.memory_space<vmem>>, vector<16xi32>,
      %slice3A_431 = vector.extract_strided_slice %get3A_280 {offsets = [10], sizes = [1], strides = [1]} : vector<16xi32> to vector<1xi32>
      %squeeze3A_432 = vector.extract %slice3A_431[0] : i32 from vector<1xi32>
      %and3A_433 = arith.constant 7 : i32
      %and3A_434 = arith.andi %squeeze3A_432, %and3A_433 : i32
      %mul3A_435 = arith.constant 16 : i32
      %mul3A_436 = arith.muli %and3A_434, %mul3A_435 : i32
      %get3A_437 = arith.constant 26 : i32
      %get3A_438 = arith.index_cast %get3A_437 : i32 to index
      %get3A_439 = arith.index_cast %mul3A_436 : i32 to index
      %get3A_440 = tpu.vector_load %arg8[%get3A_438, %get3A_439] {strides = array<i32>} : memref<32x128xi32, #tpu.memory_space<vmem>>, vector<1x16xi32>,
      %get3A_441 = vector.shape_cast %get3A_440 : vector<1x16xi32> to vector<16xi32>
      %swap3A_442 = arith.constant 416 : index
      %swap3A_443 = tpu.vector_load %arg9[%swap3A_442] {strides = array<i32>} : memref<512xi32, #tpu.memory_space<vmem>>, vector<16xi32>,
      %swap3A_444 = vector.shape_cast %swap3A_443 : vector<16xi32> to vector<16xi32>
      %swap3A_445 = vector.shape_cast %get3A_441 : vector<16xi32> to vector<16xi32>
      tpu.vector_store %arg9[%swap3A_442], %swap3A_445 {strides = array<i32>} : memref<512xi32, #tpu.memory_space<vmem>>, vector<16xi32>,
      %slice3A_446 = vector.extract_strided_slice %get3A_280 {offsets = [11], sizes = [1], strides = [1]} : vector<16xi32> to vector<1xi32>
      %squeeze3A_447 = vector.extract %slice3A_446[0] : i32 from vector<1xi32>
      %and3A_448 = arith.constant 7 : i32
      %and3A_449 = arith.andi %squeeze3A_447, %and3A_448 : i32
      %mul3A_450 = arith.constant 16 : i32
      %mul3A_451 = arith.muli %and3A_449, %mul3A_450 : i32
      %get3A_452 = arith.constant 27 : i32
      %get3A_453 = arith.index_cast %get3A_452 : i32 to index
      %get3A_454 = arith.index_cast %mul3A_451 : i32 to index
      %get3A_455 = tpu.vector_load %arg8[%get3A_453, %get3A_454] {strides = array<i32>} : memref<32x128xi32, #tpu.memory_space<vmem>>, vector<1x16xi32>,
      %get3A_456 = vector.shape_cast %get3A_455 : vector<1x16xi32> to vector<16xi32>
      %swap3A_457 = arith.constant 432 : index
      %swap3A_458 = tpu.vector_load %arg9[%swap3A_457] {strides = array<i32>} : memref<512xi32, #tpu.memory_space<vmem>>, vector<16xi32>,
      %swap3A_459 = vector.shape_cast %swap3A_458 : vector<16xi32> to vector<16xi32>
      %swap3A_460 = vector.shape_cast %get3A_456 : vector<16xi32> to vector<16xi32>
      tpu.vector_store %arg9[%swap3A_457], %swap3A_460 {strides = array<i32>} : memref<512xi32, #tpu.memory_space<vmem>>, vector<16xi32>,
      %slice3A_461 = vector.extract_strided_slice %get3A_280 {offsets = [12], sizes = [1], strides = [1]} : vector<16xi32> to vector<1xi32>
      %squeeze3A_462 = vector.extract %slice3A_461[0] : i32 from vector<1xi32>
      %and3A_463 = arith.constant 7 : i32
      %and3A_464 = arith.andi %squeeze3A_462, %and3A_463 : i32
      %mul3A_465 = arith.constant 16 : i32
      %mul3A_466 = arith.muli %and3A_464, %mul3A_465 : i32
      %get3A_467 = arith.constant 28 : i32
      %get3A_468 = arith.index_cast %get3A_467 : i32 to index
      %get3A_469 = arith.index_cast %mul3A_466 : i32 to index
      %get3A_470 = tpu.vector_load %arg8[%get3A_468, %get3A_469] {strides = array<i32>} : memref<32x128xi32, #tpu.memory_space<vmem>>, vector<1x16xi32>,
      %get3A_471 = vector.shape_cast %get3A_470 : vector<1x16xi32> to vector<16xi32>
      %swap3A_472 = arith.constant 448 : index
      %swap3A_473 = tpu.vector_load %arg9[%swap3A_472] {strides = array<i32>} : memref<512xi32, #tpu.memory_space<vmem>>, vector<16xi32>,
      %swap3A_474 = vector.shape_cast %swap3A_473 : vector<16xi32> to vector<16xi32>
      %swap3A_475 = vector.shape_cast %get3A_471 : vector<16xi32> to vector<16xi32>
      tpu.vector_store %arg9[%swap3A_472], %swap3A_475 {strides = array<i32>} : memref<512xi32, #tpu.memory_space<vmem>>, vector<16xi32>,
      %slice3A_476 = vector.extract_strided_slice %get3A_280 {offsets = [13], sizes = [1], strides = [1]} : vector<16xi32> to vector<1xi32>
      %squeeze3A_477 = vector.extract %slice3A_476[0] : i32 from vector<1xi32>
      %and3A_478 = arith.constant 7 : i32
      %and3A_479 = arith.andi %squeeze3A_477, %and3A_478 : i32
      %mul3A_480 = arith.constant 16 : i32
      %mul3A_481 = arith.muli %and3A_479, %mul3A_480 : i32
      %get3A_482 = arith.constant 29 : i32
      %get3A_483 = arith.index_cast %get3A_482 : i32 to index
      %get3A_484 = arith.index_cast %mul3A_481 : i32 to index
      %get3A_485 = tpu.vector_load %arg8[%get3A_483, %get3A_484] {strides = array<i32>} : memref<32x128xi32, #tpu.memory_space<vmem>>, vector<1x16xi32>,
      %get3A_486 = vector.shape_cast %get3A_485 : vector<1x16xi32> to vector<16xi32>
      %swap3A_487 = arith.constant 464 : index
      %swap3A_488 = tpu.vector_load %arg9[%swap3A_487] {strides = array<i32>} : memref<512xi32, #tpu.memory_space<vmem>>, vector<16xi32>,
      %swap3A_489 = vector.shape_cast %swap3A_488 : vector<16xi32> to vector<16xi32>
      %swap3A_490 = vector.shape_cast %get3A_486 : vector<16xi32> to vector<16xi32>
      tpu.vector_store %arg9[%swap3A_487], %swap3A_490 {strides = array<i32>} : memref<512xi32, #tpu.memory_space<vmem>>, vector<16xi32>,
      %slice3A_491 = vector.extract_strided_slice %get3A_280 {offsets = [14], sizes = [1], strides = [1]} : vector<16xi32> to vector<1xi32>
      %squeeze3A_492 = vector.extract %slice3A_491[0] : i32 from vector<1xi32>
      %and3A_493 = arith.constant 7 : i32
      %and3A_494 = arith.andi %squeeze3A_492, %and3A_493 : i32
      %mul3A_495 = arith.constant 16 : i32
      %mul3A_496 = arith.muli %and3A_494, %mul3A_495 : i32
      %get3A_497 = arith.constant 30 : i32
      %get3A_498 = arith.index_cast %get3A_497 : i32 to index
      %get3A_499 = arith.index_cast %mul3A_496 : i32 to index
      %get3A_500 = tpu.vector_load %arg8[%get3A_498, %get3A_499] {strides = array<i32>} : memref<32x128xi32, #tpu.memory_space<vmem>>, vector<1x16xi32>,
      %get3A_501 = vector.shape_cast %get3A_500 : vector<1x16xi32> to vector<16xi32>
      %swap3A_502 = arith.constant 480 : index
      %swap3A_503 = tpu.vector_load %arg9[%swap3A_502] {strides = array<i32>} : memref<512xi32, #tpu.memory_space<vmem>>, vector<16xi32>,
      %swap3A_504 = vector.shape_cast %swap3A_503 : vector<16xi32> to vector<16xi32>
      %swap3A_505 = vector.shape_cast %get3A_501 : vector<16xi32> to vector<16xi32>
      tpu.vector_store %arg9[%swap3A_502], %swap3A_505 {strides = array<i32>} : memref<512xi32, #tpu.memory_space<vmem>>, vector<16xi32>,
      %slice3A_506 = vector.extract_strided_slice %get3A_280 {offsets = [15], sizes = [1], strides = [1]} : vector<16xi32> to vector<1xi32>
      %squeeze3A_507 = vector.extract %slice3A_506[0] : i32 from vector<1xi32>
      %and3A_508 = arith.constant 7 : i32
      %and3A_509 = arith.andi %squeeze3A_507, %and3A_508 : i32
      %mul3A_510 = arith.constant 16 : i32
      %mul3A_511 = arith.muli %and3A_509, %mul3A_510 : i32
      %get3A_512 = arith.constant 31 : i32
      %get3A_513 = arith.index_cast %get3A_512 : i32 to index
      %get3A_514 = arith.index_cast %mul3A_511 : i32 to index
      %get3A_515 = tpu.vector_load %arg8[%get3A_513, %get3A_514] {strides = array<i32>} : memref<32x128xi32, #tpu.memory_space<vmem>>, vector<1x16xi32>,
      %get3A_516 = vector.shape_cast %get3A_515 : vector<1x16xi32> to vector<16xi32>
      %swap3A_517 = arith.constant 496 : index
      %swap3A_518 = tpu.vector_load %arg9[%swap3A_517] {strides = array<i32>} : memref<512xi32, #tpu.memory_space<vmem>>, vector<16xi32>,
      %swap3A_519 = vector.shape_cast %swap3A_518 : vector<16xi32> to vector<16xi32>
      %swap3A_520 = vector.shape_cast %get3A_516 : vector<16xi32> to vector<16xi32>
      tpu.vector_store %arg9[%swap3A_517], %swap3A_520 {strides = array<i32>} : memref<512xi32, #tpu.memory_space<vmem>>, vector<16xi32>,
      %dma_start3A_521 = arith.constant 0 : i32
      %dma_start3A_522 = arith.constant 0 : i32
      %dma_start3A_523 = tpu.memref_slice %arg10[%dma_start3A_521, %dma_start3A_522] : memref<512x128xf32, #tpu.memory_space<vmem>> -> memref<128x128xf32, #tpu.memory_space<vmem>>
      %dma_start3A_524 = arith.constant 0 : i32
      %dma_start3A_525 = tpu.memref_slice %arg9[%dma_start3A_524] : memref<512xi32, #tpu.memory_space<vmem>> -> memref<128xi32, #tpu.memory_space<vmem>>
      %dma_start3A_526 = arith.constant 0 : i32
      %dma_start3A_527 = arith.constant 0 : i32
      %dma_start3A_528 = tpu.memref_slice %arg4[%dma_start3A_526, %dma_start3A_527] : memref<100000x128xf32, #tpu.memory_space<hbm>> -> memref<100000x128xf32, #tpu.memory_space<hbm>>
      tpu.enqueue_indirect_dma source(%dma_start3A_528 : memref<100000x128xf32, #tpu.memory_space<hbm>>) target(%dma_start3A_523 : memref<128x128xf32, #tpu.memory_space<vmem>>) offsets(%dma_start3A_525 : memref<128xi32, #tpu.memory_space<vmem>>) semaphore(%arg11 : memref<!tpu.dma_semaphore, #tpu.memory_space<semaphore_mem>>)
      %dma_start3A_529 = arith.constant 128 : i32
      %dma_start3A_530 = arith.constant 0 : i32
      %dma_start3A_531 = tpu.memref_slice %arg10[%dma_start3A_529, %dma_start3A_530] : memref<512x128xf32, #tpu.memory_space<vmem>> -> memref<128x128xf32, #tpu.memory_space<vmem>>
      %dma_start3A_532 = arith.constant 128 : i32
      %dma_start3A_533 = tpu.memref_slice %arg9[%dma_start3A_532] : memref<512xi32, #tpu.memory_space<vmem>> -> memref<128xi32, #tpu.memory_space<vmem>>
      %dma_start3A_534 = arith.constant 0 : i32
      %dma_start3A_535 = arith.constant 0 : i32
      %dma_start3A_536 = tpu.memref_slice %arg4[%dma_start3A_534, %dma_start3A_535] : memref<100000x128xf32, #tpu.memory_space<hbm>> -> memref<100000x128xf32, #tpu.memory_space<hbm>>
      tpu.enqueue_indirect_dma source(%dma_start3A_536 : memref<100000x128xf32, #tpu.memory_space<hbm>>) target(%dma_start3A_531 : memref<128x128xf32, #tpu.memory_space<vmem>>) offsets(%dma_start3A_533 : memref<128xi32, #tpu.memory_space<vmem>>) semaphore(%arg11 : memref<!tpu.dma_semaphore, #tpu.memory_space<semaphore_mem>>)
      %dma_start3A_537 = arith.constant 256 : i32
      %dma_start3A_538 = arith.constant 0 : i32
      %dma_start3A_539 = tpu.memref_slice %arg10[%dma_start3A_537, %dma_start3A_538] : memref<512x128xf32, #tpu.memory_space<vmem>> -> memref<128x128xf32, #tpu.memory_space<vmem>>
      %dma_start3A_540 = arith.constant 256 : i32
      %dma_start3A_541 = tpu.memref_slice %arg9[%dma_start3A_540] : memref<512xi32, #tpu.memory_space<vmem>> -> memref<128xi32, #tpu.memory_space<vmem>>
      %dma_start3A_542 = arith.constant 0 : i32
      %dma_start3A_543 = arith.constant 0 : i32
      %dma_start3A_544 = tpu.memref_slice %arg4[%dma_start3A_542, %dma_start3A_543] : memref<100000x128xf32, #tpu.memory_space<hbm>> -> memref<100000x128xf32, #tpu.memory_space<hbm>>
      tpu.enqueue_indirect_dma source(%dma_start3A_544 : memref<100000x128xf32, #tpu.memory_space<hbm>>) target(%dma_start3A_539 : memref<128x128xf32, #tpu.memory_space<vmem>>) offsets(%dma_start3A_541 : memref<128xi32, #tpu.memory_space<vmem>>) semaphore(%arg11 : memref<!tpu.dma_semaphore, #tpu.memory_space<semaphore_mem>>)
      %dma_start3A_545 = arith.constant 384 : i32
      %dma_start3A_546 = arith.constant 0 : i32
      %dma_start3A_547 = tpu.memref_slice %arg10[%dma_start3A_545, %dma_start3A_546] : memref<512x128xf32, #tpu.memory_space<vmem>> -> memref<128x128xf32, #tpu.memory_space<vmem>>
      %dma_start3A_548 = arith.constant 384 : i32
      %dma_start3A_549 = tpu.memref_slice %arg9[%dma_start3A_548] : memref<512xi32, #tpu.memory_space<vmem>> -> memref<128xi32, #tpu.memory_space<vmem>>
      %dma_start3A_550 = arith.constant 0 : i32
      %dma_start3A_551 = arith.constant 0 : i32
      %dma_start3A_552 = tpu.memref_slice %arg4[%dma_start3A_550, %dma_start3A_551] : memref<100000x128xf32, #tpu.memory_space<hbm>> -> memref<100000x128xf32, #tpu.memory_space<hbm>>
      tpu.enqueue_indirect_dma source(%dma_start3A_552 : memref<100000x128xf32, #tpu.memory_space<hbm>>) target(%dma_start3A_547 : memref<128x128xf32, #tpu.memory_space<vmem>>) offsets(%dma_start3A_549 : memref<128xi32, #tpu.memory_space<vmem>>) semaphore(%arg11 : memref<!tpu.dma_semaphore, #tpu.memory_space<semaphore_mem>>)
      %dma_wait3A_553 = arith.constant 0 : i32
      %dma_wait3A_554 = arith.constant 0 : i32
      %dma_wait3A_555 = tpu.memref_slice %arg10[%dma_wait3A_553, %dma_wait3A_554] : memref<512x128xf32, #tpu.memory_space<vmem>> -> memref<128x128xf32, #tpu.memory_space<vmem>>
      %dma_wait3A_556 = arith.constant 0 : i32
      %dma_wait3A_557 = tpu.memref_slice %arg9[%dma_wait3A_556] : memref<512xi32, #tpu.memory_space<vmem>> -> memref<128xi32, #tpu.memory_space<vmem>>
      %dma_wait3A_558 = arith.constant 0 : i32
      %dma_wait3A_559 = arith.constant 0 : i32
      %dma_wait3A_560 = tpu.memref_slice %arg4[%dma_wait3A_558, %dma_wait3A_559] : memref<100000x128xf32, #tpu.memory_space<hbm>> -> memref<100000x128xf32, #tpu.memory_space<hbm>>
      tpu.wait_indirect_dma semaphore(%arg11 : memref<!tpu.dma_semaphore, #tpu.memory_space<semaphore_mem>>) src(%dma_wait3A_560 : memref<100000x128xf32, #tpu.memory_space<hbm>>) dst(%dma_wait3A_555 : memref<128x128xf32, #tpu.memory_space<vmem>>)
      %dma_wait3A_561 = arith.constant 128 : i32
      %dma_wait3A_562 = arith.constant 0 : i32
      %dma_wait3A_563 = tpu.memref_slice %arg10[%dma_wait3A_561, %dma_wait3A_562] : memref<512x128xf32, #tpu.memory_space<vmem>> -> memref<128x128xf32, #tpu.memory_space<vmem>>
      %dma_wait3A_564 = arith.constant 128 : i32
      %dma_wait3A_565 = tpu.memref_slice %arg9[%dma_wait3A_564] : memref<512xi32, #tpu.memory_space<vmem>> -> memref<128xi32, #tpu.memory_space<vmem>>
      %dma_wait3A_566 = arith.constant 0 : i32
      %dma_wait3A_567 = arith.constant 0 : i32
      %dma_wait3A_568 = tpu.memref_slice %arg4[%dma_wait3A_566, %dma_wait3A_567] : memref<100000x128xf32, #tpu.memory_space<hbm>> -> memref<100000x128xf32, #tpu.memory_space<hbm>>
      tpu.wait_indirect_dma semaphore(%arg11 : memref<!tpu.dma_semaphore, #tpu.memory_space<semaphore_mem>>) src(%dma_wait3A_568 : memref<100000x128xf32, #tpu.memory_space<hbm>>) dst(%dma_wait3A_563 : memref<128x128xf32, #tpu.memory_space<vmem>>)
      %dma_wait3A_569 = arith.constant 256 : i32
      %dma_wait3A_570 = arith.constant 0 : i32
      %dma_wait3A_571 = tpu.memref_slice %arg10[%dma_wait3A_569, %dma_wait3A_570] : memref<512x128xf32, #tpu.memory_space<vmem>> -> memref<128x128xf32, #tpu.memory_space<vmem>>
      %dma_wait3A_572 = arith.constant 256 : i32
      %dma_wait3A_573 = tpu.memref_slice %arg9[%dma_wait3A_572] : memref<512xi32, #tpu.memory_space<vmem>> -> memref<128xi32, #tpu.memory_space<vmem>>
      %dma_wait3A_574 = arith.constant 0 : i32
      %dma_wait3A_575 = arith.constant 0 : i32
      %dma_wait3A_576 = tpu.memref_slice %arg4[%dma_wait3A_574, %dma_wait3A_575] : memref<100000x128xf32, #tpu.memory_space<hbm>> -> memref<100000x128xf32, #tpu.memory_space<hbm>>
      tpu.wait_indirect_dma semaphore(%arg11 : memref<!tpu.dma_semaphore, #tpu.memory_space<semaphore_mem>>) src(%dma_wait3A_576 : memref<100000x128xf32, #tpu.memory_space<hbm>>) dst(%dma_wait3A_571 : memref<128x128xf32, #tpu.memory_space<vmem>>)
      %dma_wait3A_577 = arith.constant 384 : i32
      %dma_wait3A_578 = arith.constant 0 : i32
      %dma_wait3A_579 = tpu.memref_slice %arg10[%dma_wait3A_577, %dma_wait3A_578] : memref<512x128xf32, #tpu.memory_space<vmem>> -> memref<128x128xf32, #tpu.memory_space<vmem>>
      %dma_wait3A_580 = arith.constant 384 : i32
      %dma_wait3A_581 = tpu.memref_slice %arg9[%dma_wait3A_580] : memref<512xi32, #tpu.memory_space<vmem>> -> memref<128xi32, #tpu.memory_space<vmem>>
      %dma_wait3A_582 = arith.constant 0 : i32
      %dma_wait3A_583 = arith.constant 0 : i32
      %dma_wait3A_584 = tpu.memref_slice %arg4[%dma_wait3A_582, %dma_wait3A_583] : memref<100000x128xf32, #tpu.memory_space<hbm>> -> memref<100000x128xf32, #tpu.memory_space<hbm>>
      tpu.wait_indirect_dma semaphore(%arg11 : memref<!tpu.dma_semaphore, #tpu.memory_space<semaphore_mem>>) src(%dma_wait3A_584 : memref<100000x128xf32, #tpu.memory_space<hbm>>) dst(%dma_wait3A_579 : memref<128x128xf32, #tpu.memory_space<vmem>>)
      %mul3A_585 = arith.constant 16 : i32
      %mul3A_586 = arith.muli %mul3A_16, %mul3A_585 : i32
      "tpu.region"() ({
        %run_scoped3A = tpu.sem_alloc : memref<!tpu.dma_semaphore, #tpu.memory_space<semaphore_mem>>
        %dma_start3A_587 = arith.constant 0 : i32
        %dma_start3A_588 = tpu.memref_slice %arg5[%mul3A_586, %dma_start3A_587] : memref<49152x128xf32, #tpu.memory_space<hbm>> -> memref<512x128xf32, #tpu.memory_space<hbm>>
        %dma_start3A_589 = arith.constant 0 : i32
        %dma_start3A_590 = tpu.memref_slice %arg5[%mul3A_586, %dma_start3A_589] : memref<49152x128xf32, #tpu.memory_space<hbm>> -> memref<512x128xf32, #tpu.memory_space<hbm>>
        tpu.enqueue_dma source(%arg10 : memref<512x128xf32, #tpu.memory_space<vmem>>) target(%dma_start3A_590 : memref<512x128xf32, #tpu.memory_space<hbm>>) target_semaphore(%run_scoped3A : memref<!tpu.dma_semaphore, #tpu.memory_space<semaphore_mem>>)
        %dma_wait3A_591 = arith.constant 0 : i32
        %dma_wait3A_592 = tpu.memref_slice %arg5[%mul3A_586, %dma_wait3A_591] : memref<49152x128xf32, #tpu.memory_space<hbm>> -> memref<512x128xf32, #tpu.memory_space<hbm>>
        %dma_wait3A_593 = arith.constant 0 : i32
        %dma_wait3A_594 = tpu.memref_slice %arg5[%mul3A_586, %dma_wait3A_593] : memref<49152x128xf32, #tpu.memory_space<hbm>> -> memref<512x128xf32, #tpu.memory_space<hbm>>
        tpu.wait_dma2 semaphore(%run_scoped3A : memref<!tpu.dma_semaphore, #tpu.memory_space<semaphore_mem>>) src(%arg10 : memref<512x128xf32, #tpu.memory_space<vmem>>) dst(%dma_wait3A_594 : memref<512x128xf32, #tpu.memory_space<hbm>>)
        tpu.yield
      }) : () -> ()
    }
    %scan3A_5 = arith.constant 3 : i32
    return
  }
}

#map = affine_map<(d0, d1) -> (0)>
#map1 = affine_map<(d0, d1) -> (0, 0)>
module attributes {stable_mosaic.version = 14 : i64} {
  func.func @body(%arg0: i32, %arg1: i32, %arg2: memref<16384xi32, #tpu.memory_space<hbm>>, %arg3: memref<12500x128xi32, #tpu.memory_space<hbm>>, %arg4: memref<100000x128xf32, #tpu.memory_space<hbm>>, %arg5: memref<98304x128xf32, #tpu.memory_space<hbm>>, %arg6: memref<32xi32, #tpu.memory_space<vmem>>, %arg7: memref<32xi32, #tpu.memory_space<vmem>>, %arg8: memref<32x128xi32, #tpu.memory_space<vmem>>, %arg9: memref<512xi32, #tpu.memory_space<vmem>>, %arg10: memref<512x128xf32, #tpu.memory_space<vmem>>, %arg11: memref<!tpu.dma_semaphore, #tpu.memory_space<semaphore_mem>>) attributes {dimension_semantics = [#tpu.dimension_semantics<core_parallel>, #tpu.dimension_semantics<subcore_parallel>], iteration_bounds = array<i64: 2, 16>, scalar_prefetch = 0 : i64, scratch_operands = 6 : i64, tpu.core_type = #tpu.core_type<sc_vector_subcore>, window_params = [{transform_indices = #map}, {transform_indices = #map1}, {transform_indices = #map1}, {transform_indices = #map1}]} {
    %mul3A = arith.constant 2 : i32
    %mul3A_0 = arith.muli %arg1, %mul3A : i32
    %add3A = arith.addi %mul3A_0, %arg0 : i32
    %iota3A = tpu.iota {dimensions = array<i32: 0>} : vector<16xi32>
    %scan3A = arith.constant 0 : i32
    %scan3A_1 = arith.constant 0 : i32
    %scan3A_2 = arith.constant 6 : i32
    %scan3A_3 = arith.addi %scan3A_1, %scan3A_2 : i32
    %scan3A_4 = arith.constant 1 : i32
    scf.for %scan3A_6 = %scan3A_1 to %scan3A_3 step %scan3A_4  : i32 {
      %mul3A_7 = arith.constant 6 : i32
      %mul3A_8 = arith.muli %add3A, %mul3A_7 : i32
      %add3A_9 = arith.constant 320 : i32
      %add3A_10 = arith.addi %add3A_9, %mul3A_8 : i32
      %add3A_11 = arith.addi %add3A_10, %scan3A_6 : i32
      %mul3A_12 = arith.constant 32 : i32
      %mul3A_13 = arith.muli %add3A_11, %mul3A_12 : i32
      %sub3A = arith.constant 320 : i32
      %sub3A_14 = arith.subi %add3A_11, %sub3A : i32
      %mul3A_15 = arith.constant 32 : i32
      %mul3A_16 = arith.muli %sub3A_14, %mul3A_15 : i32
      "tpu.region"() ({
        %run_scoped3A = tpu.sem_alloc : memref<!tpu.dma_semaphore, #tpu.memory_space<semaphore_mem>>
        %dma_start3A_587 = tpu.memref_slice %arg2[%mul3A_13] : memref<16384xi32, #tpu.memory_space<hbm>> -> memref<32xi32, #tpu.memory_space<hbm>>
        %dma_start3A_588 = tpu.memref_slice %arg2[%mul3A_13] : memref<16384xi32, #tpu.memory_space<hbm>> -> memref<32xi32, #tpu.memory_space<hbm>>
        tpu.enqueue_dma source(%dma_start3A_588 : memref<32xi32, #tpu.memory_space<hbm>>) target(%arg6 : memref<32xi32, #tpu.memory_space<vmem>>) target_semaphore(%run_scoped3A : memref<!tpu.dma_semaphore, #tpu.memory_space<semaphore_mem>>)
        %dma_wait3A_589 = tpu.memref_slice %arg2[%mul3A_13] : memref<16384xi32, #tpu.memory_space<hbm>> -> memref<32xi32, #tpu.memory_space<hbm>>
        %dma_wait3A_590 = tpu.memref_slice %arg2[%mul3A_13] : memref<16384xi32, #tpu.memory_space<hbm>> -> memref<32xi32, #tpu.memory_space<hbm>>
        tpu.wait_dma2 semaphore(%run_scoped3A : memref<!tpu.dma_semaphore, #tpu.memory_space<semaphore_mem>>) src(%dma_wait3A_590 : memref<32xi32, #tpu.memory_space<hbm>>) dst(%arg6 : memref<32xi32, #tpu.memory_space<vmem>>)
        tpu.yield
      }) : () -> ()
      %get3A = arith.constant 0 : index
      %get3A_17 = tpu.vector_load %arg6[%get3A] {strides = array<i32>} : memref<32xi32, #tpu.memory_space<vmem>>, vector<16xi32>,
      %get3A_18 = vector.shape_cast %get3A_17 : vector<16xi32> to vector<16xi32>
      %shift_right_arithmetic3A = arith.constant 3 : i32
      %shift_right_arithmetic3A_19 = vector.broadcast %shift_right_arithmetic3A : i32 to vector<16xi32>
      %shift_right_arithmetic3A_20 = arith.shrsi %get3A_18, %shift_right_arithmetic3A_19 : vector<16xi32>
      %swap3A = arith.constant 0 : index
      %swap3A_21 = tpu.vector_load %arg7[%swap3A] {strides = array<i32>} : memref<32xi32, #tpu.memory_space<vmem>>, vector<16xi32>,
      %swap3A_22 = vector.shape_cast %swap3A_21 : vector<16xi32> to vector<16xi32>
      %swap3A_23 = vector.shape_cast %shift_right_arithmetic3A_20 : vector<16xi32> to vector<16xi32>
      tpu.vector_store %arg7[%swap3A], %swap3A_23 {strides = array<i32>} : memref<32xi32, #tpu.memory_space<vmem>>, vector<16xi32>,
      %get3A_24 = arith.constant 16 : index
      %get3A_25 = tpu.vector_load %arg6[%get3A_24] {strides = array<i32>} : memref<32xi32, #tpu.memory_space<vmem>>, vector<16xi32>,
      %get3A_26 = vector.shape_cast %get3A_25 : vector<16xi32> to vector<16xi32>
      %shift_right_arithmetic3A_27 = arith.constant 3 : i32
      %shift_right_arithmetic3A_28 = vector.broadcast %shift_right_arithmetic3A_27 : i32 to vector<16xi32>
      %shift_right_arithmetic3A_29 = arith.shrsi %get3A_26, %shift_right_arithmetic3A_28 : vector<16xi32>
      %swap3A_30 = arith.constant 16 : index
      %swap3A_31 = tpu.vector_load %arg7[%swap3A_30] {strides = array<i32>} : memref<32xi32, #tpu.memory_space<vmem>>, vector<16xi32>,
      %swap3A_32 = vector.shape_cast %swap3A_31 : vector<16xi32> to vector<16xi32>
      %swap3A_33 = vector.shape_cast %shift_right_arithmetic3A_29 : vector<16xi32> to vector<16xi32>
      tpu.vector_store %arg7[%swap3A_30], %swap3A_33 {strides = array<i32>} : memref<32xi32, #tpu.memory_space<vmem>>, vector<16xi32>,
      %dma_start3A = arith.constant 0 : i32
      %dma_start3A_34 = arith.constant 0 : i32
      %dma_start3A_35 = tpu.memref_slice %arg3[%dma_start3A, %dma_start3A_34] : memref<12500x128xi32, #tpu.memory_space<hbm>> -> memref<12500x128xi32, #tpu.memory_space<hbm>>
      tpu.enqueue_indirect_dma source(%dma_start3A_35 : memref<12500x128xi32, #tpu.memory_space<hbm>>) target(%arg8 : memref<32x128xi32, #tpu.memory_space<vmem>>) offsets(%arg7 : memref<32xi32, #tpu.memory_space<vmem>>) semaphore(%arg11 : memref<!tpu.dma_semaphore, #tpu.memory_space<semaphore_mem>>)
      %dma_wait3A = arith.constant 0 : i32
      %dma_wait3A_36 = arith.constant 0 : i32
      %dma_wait3A_37 = tpu.memref_slice %arg3[%dma_wait3A, %dma_wait3A_36] : memref<12500x128xi32, #tpu.memory_space<hbm>> -> memref<12500x128xi32, #tpu.memory_space<hbm>>
      tpu.wait_indirect_dma semaphore(%arg11 : memref<!tpu.dma_semaphore, #tpu.memory_space<semaphore_mem>>) src(%dma_wait3A_37 : memref<12500x128xi32, #tpu.memory_space<hbm>>) dst(%arg8 : memref<32x128xi32, #tpu.memory_space<vmem>>)
      %get3A_38 = arith.constant 0 : index
      %get3A_39 = tpu.vector_load %arg6[%get3A_38] {strides = array<i32>} : memref<32xi32, #tpu.memory_space<vmem>>, vector<16xi32>,
      %get3A_40 = vector.shape_cast %get3A_39 : vector<16xi32> to vector<16xi32>
      %slice3A = vector.extract_strided_slice %get3A_40 {offsets = [0], sizes = [1], strides = [1]} : vector<16xi32> to vector<1xi32>
      %squeeze3A = vector.extract %slice3A[0] : i32 from vector<1xi32>
      %and3A = arith.constant 7 : i32
      %and3A_41 = arith.andi %squeeze3A, %and3A : i32
      %mul3A_42 = arith.constant 16 : i32
      %mul3A_43 = arith.muli %and3A_41, %mul3A_42 : i32
      %get3A_44 = arith.constant 0 : i32
      %get3A_45 = arith.index_cast %get3A_44 : i32 to index
      %get3A_46 = arith.index_cast %mul3A_43 : i32 to index
      %get3A_47 = tpu.vector_load %arg8[%get3A_45, %get3A_46] {strides = array<i32>} : memref<32x128xi32, #tpu.memory_space<vmem>>, vector<1x16xi32>,
      %get3A_48 = vector.shape_cast %get3A_47 : vector<1x16xi32> to vector<16xi32>
      %swap3A_49 = arith.constant 0 : index
      %swap3A_50 = tpu.vector_load %arg9[%swap3A_49] {strides = array<i32>} : memref<512xi32, #tpu.memory_space<vmem>>, vector<16xi32>,
      %swap3A_51 = vector.shape_cast %swap3A_50 : vector<16xi32> to vector<16xi32>
      %swap3A_52 = vector.shape_cast %get3A_48 : vector<16xi32> to vector<16xi32>
      tpu.vector_store %arg9[%swap3A_49], %swap3A_52 {strides = array<i32>} : memref<512xi32, #tpu.memory_space<vmem>>, vector<16xi32>,
      %slice3A_53 = vector.extract_strided_slice %get3A_40 {offsets = [1], sizes = [1], strides = [1]} : vector<16xi32> to vector<1xi32>
      %squeeze3A_54 = vector.extract %slice3A_53[0] : i32 from vector<1xi32>
      %and3A_55 = arith.constant 7 : i32
      %and3A_56 = arith.andi %squeeze3A_54, %and3A_55 : i32
      %mul3A_57 = arith.constant 16 : i32
      %mul3A_58 = arith.muli %and3A_56, %mul3A_57 : i32
      %get3A_59 = arith.constant 1 : i32
      %get3A_60 = arith.index_cast %get3A_59 : i32 to index
      %get3A_61 = arith.index_cast %mul3A_58 : i32 to index
      %get3A_62 = tpu.vector_load %arg8[%get3A_60, %get3A_61] {strides = array<i32>} : memref<32x128xi32, #tpu.memory_space<vmem>>, vector<1x16xi32>,
      %get3A_63 = vector.shape_cast %get3A_62 : vector<1x16xi32> to vector<16xi32>
      %swap3A_64 = arith.constant 16 : index
      %swap3A_65 = tpu.vector_load %arg9[%swap3A_64] {strides = array<i32>} : memref<512xi32, #tpu.memory_space<vmem>>, vector<16xi32>,
      %swap3A_66 = vector.shape_cast %swap3A_65 : vector<16xi32> to vector<16xi32>
      %swap3A_67 = vector.shape_cast %get3A_63 : vector<16xi32> to vector<16xi32>
      tpu.vector_store %arg9[%swap3A_64], %swap3A_67 {strides = array<i32>} : memref<512xi32, #tpu.memory_space<vmem>>, vector<16xi32>,
      %slice3A_68 = vector.extract_strided_slice %get3A_40 {offsets = [2], sizes = [1], strides = [1]} : vector<16xi32> to vector<1xi32>
      %squeeze3A_69 = vector.extract %slice3A_68[0] : i32 from vector<1xi32>
      %and3A_70 = arith.constant 7 : i32
      %and3A_71 = arith.andi %squeeze3A_69, %and3A_70 : i32
      %mul3A_72 = arith.constant 16 : i32
      %mul3A_73 = arith.muli %and3A_71, %mul3A_72 : i32
      %get3A_74 = arith.constant 2 : i32
      %get3A_75 = arith.index_cast %get3A_74 : i32 to index
      %get3A_76 = arith.index_cast %mul3A_73 : i32 to index
      %get3A_77 = tpu.vector_load %arg8[%get3A_75, %get3A_76] {strides = array<i32>} : memref<32x128xi32, #tpu.memory_space<vmem>>, vector<1x16xi32>,
      %get3A_78 = vector.shape_cast %get3A_77 : vector<1x16xi32> to vector<16xi32>
      %swap3A_79 = arith.constant 32 : index
      %swap3A_80 = tpu.vector_load %arg9[%swap3A_79] {strides = array<i32>} : memref<512xi32, #tpu.memory_space<vmem>>, vector<16xi32>,
      %swap3A_81 = vector.shape_cast %swap3A_80 : vector<16xi32> to vector<16xi32>
      %swap3A_82 = vector.shape_cast %get3A_78 : vector<16xi32> to vector<16xi32>
      tpu.vector_store %arg9[%swap3A_79], %swap3A_82 {strides = array<i32>} : memref<512xi32, #tpu.memory_space<vmem>>, vector<16xi32>,
      %slice3A_83 = vector.extract_strided_slice %get3A_40 {offsets = [3], sizes = [1], strides = [1]} : vector<16xi32> to vector<1xi32>
      %squeeze3A_84 = vector.extract %slice3A_83[0] : i32 from vector<1xi32>
      %and3A_85 = arith.constant 7 : i32
      %and3A_86 = arith.andi %squeeze3A_84, %and3A_85 : i32
      %mul3A_87 = arith.constant 16 : i32
      %mul3A_88 = arith.muli %and3A_86, %mul3A_87 : i32
      %get3A_89 = arith.constant 3 : i32
      %get3A_90 = arith.index_cast %get3A_89 : i32 to index
      %get3A_91 = arith.index_cast %mul3A_88 : i32 to index
      %get3A_92 = tpu.vector_load %arg8[%get3A_90, %get3A_91] {strides = array<i32>} : memref<32x128xi32, #tpu.memory_space<vmem>>, vector<1x16xi32>,
      %get3A_93 = vector.shape_cast %get3A_92 : vector<1x16xi32> to vector<16xi32>
      %swap3A_94 = arith.constant 48 : index
      %swap3A_95 = tpu.vector_load %arg9[%swap3A_94] {strides = array<i32>} : memref<512xi32, #tpu.memory_space<vmem>>, vector<16xi32>,
      %swap3A_96 = vector.shape_cast %swap3A_95 : vector<16xi32> to vector<16xi32>
      %swap3A_97 = vector.shape_cast %get3A_93 : vector<16xi32> to vector<16xi32>
      tpu.vector_store %arg9[%swap3A_94], %swap3A_97 {strides = array<i32>} : memref<512xi32, #tpu.memory_space<vmem>>, vector<16xi32>,
      %slice3A_98 = vector.extract_strided_slice %get3A_40 {offsets = [4], sizes = [1], strides = [1]} : vector<16xi32> to vector<1xi32>
      %squeeze3A_99 = vector.extract %slice3A_98[0] : i32 from vector<1xi32>
      %and3A_100 = arith.constant 7 : i32
      %and3A_101 = arith.andi %squeeze3A_99, %and3A_100 : i32
      %mul3A_102 = arith.constant 16 : i32
      %mul3A_103 = arith.muli %and3A_101, %mul3A_102 : i32
      %get3A_104 = arith.constant 4 : i32
      %get3A_105 = arith.index_cast %get3A_104 : i32 to index
      %get3A_106 = arith.index_cast %mul3A_103 : i32 to index
      %get3A_107 = tpu.vector_load %arg8[%get3A_105, %get3A_106] {strides = array<i32>} : memref<32x128xi32, #tpu.memory_space<vmem>>, vector<1x16xi32>,
      %get3A_108 = vector.shape_cast %get3A_107 : vector<1x16xi32> to vector<16xi32>
      %swap3A_109 = arith.constant 64 : index
      %swap3A_110 = tpu.vector_load %arg9[%swap3A_109] {strides = array<i32>} : memref<512xi32, #tpu.memory_space<vmem>>, vector<16xi32>,
      %swap3A_111 = vector.shape_cast %swap3A_110 : vector<16xi32> to vector<16xi32>
      %swap3A_112 = vector.shape_cast %get3A_108 : vector<16xi32> to vector<16xi32>
      tpu.vector_store %arg9[%swap3A_109], %swap3A_112 {strides = array<i32>} : memref<512xi32, #tpu.memory_space<vmem>>, vector<16xi32>,
      %slice3A_113 = vector.extract_strided_slice %get3A_40 {offsets = [5], sizes = [1], strides = [1]} : vector<16xi32> to vector<1xi32>
      %squeeze3A_114 = vector.extract %slice3A_113[0] : i32 from vector<1xi32>
      %and3A_115 = arith.constant 7 : i32
      %and3A_116 = arith.andi %squeeze3A_114, %and3A_115 : i32
      %mul3A_117 = arith.constant 16 : i32
      %mul3A_118 = arith.muli %and3A_116, %mul3A_117 : i32
      %get3A_119 = arith.constant 5 : i32
      %get3A_120 = arith.index_cast %get3A_119 : i32 to index
      %get3A_121 = arith.index_cast %mul3A_118 : i32 to index
      %get3A_122 = tpu.vector_load %arg8[%get3A_120, %get3A_121] {strides = array<i32>} : memref<32x128xi32, #tpu.memory_space<vmem>>, vector<1x16xi32>,
      %get3A_123 = vector.shape_cast %get3A_122 : vector<1x16xi32> to vector<16xi32>
      %swap3A_124 = arith.constant 80 : index
      %swap3A_125 = tpu.vector_load %arg9[%swap3A_124] {strides = array<i32>} : memref<512xi32, #tpu.memory_space<vmem>>, vector<16xi32>,
      %swap3A_126 = vector.shape_cast %swap3A_125 : vector<16xi32> to vector<16xi32>
      %swap3A_127 = vector.shape_cast %get3A_123 : vector<16xi32> to vector<16xi32>
      tpu.vector_store %arg9[%swap3A_124], %swap3A_127 {strides = array<i32>} : memref<512xi32, #tpu.memory_space<vmem>>, vector<16xi32>,
      %slice3A_128 = vector.extract_strided_slice %get3A_40 {offsets = [6], sizes = [1], strides = [1]} : vector<16xi32> to vector<1xi32>
      %squeeze3A_129 = vector.extract %slice3A_128[0] : i32 from vector<1xi32>
      %and3A_130 = arith.constant 7 : i32
      %and3A_131 = arith.andi %squeeze3A_129, %and3A_130 : i32
      %mul3A_132 = arith.constant 16 : i32
      %mul3A_133 = arith.muli %and3A_131, %mul3A_132 : i32
      %get3A_134 = arith.constant 6 : i32
      %get3A_135 = arith.index_cast %get3A_134 : i32 to index
      %get3A_136 = arith.index_cast %mul3A_133 : i32 to index
      %get3A_137 = tpu.vector_load %arg8[%get3A_135, %get3A_136] {strides = array<i32>} : memref<32x128xi32, #tpu.memory_space<vmem>>, vector<1x16xi32>,
      %get3A_138 = vector.shape_cast %get3A_137 : vector<1x16xi32> to vector<16xi32>
      %swap3A_139 = arith.constant 96 : index
      %swap3A_140 = tpu.vector_load %arg9[%swap3A_139] {strides = array<i32>} : memref<512xi32, #tpu.memory_space<vmem>>, vector<16xi32>,
      %swap3A_141 = vector.shape_cast %swap3A_140 : vector<16xi32> to vector<16xi32>
      %swap3A_142 = vector.shape_cast %get3A_138 : vector<16xi32> to vector<16xi32>
      tpu.vector_store %arg9[%swap3A_139], %swap3A_142 {strides = array<i32>} : memref<512xi32, #tpu.memory_space<vmem>>, vector<16xi32>,
      %slice3A_143 = vector.extract_strided_slice %get3A_40 {offsets = [7], sizes = [1], strides = [1]} : vector<16xi32> to vector<1xi32>
      %squeeze3A_144 = vector.extract %slice3A_143[0] : i32 from vector<1xi32>
      %and3A_145 = arith.constant 7 : i32
      %and3A_146 = arith.andi %squeeze3A_144, %and3A_145 : i32
      %mul3A_147 = arith.constant 16 : i32
      %mul3A_148 = arith.muli %and3A_146, %mul3A_147 : i32
      %get3A_149 = arith.constant 7 : i32
      %get3A_150 = arith.index_cast %get3A_149 : i32 to index
      %get3A_151 = arith.index_cast %mul3A_148 : i32 to index
      %get3A_152 = tpu.vector_load %arg8[%get3A_150, %get3A_151] {strides = array<i32>} : memref<32x128xi32, #tpu.memory_space<vmem>>, vector<1x16xi32>,
      %get3A_153 = vector.shape_cast %get3A_152 : vector<1x16xi32> to vector<16xi32>
      %swap3A_154 = arith.constant 112 : index
      %swap3A_155 = tpu.vector_load %arg9[%swap3A_154] {strides = array<i32>} : memref<512xi32, #tpu.memory_space<vmem>>, vector<16xi32>,
      %swap3A_156 = vector.shape_cast %swap3A_155 : vector<16xi32> to vector<16xi32>
      %swap3A_157 = vector.shape_cast %get3A_153 : vector<16xi32> to vector<16xi32>
      tpu.vector_store %arg9[%swap3A_154], %swap3A_157 {strides = array<i32>} : memref<512xi32, #tpu.memory_space<vmem>>, vector<16xi32>,
      %slice3A_158 = vector.extract_strided_slice %get3A_40 {offsets = [8], sizes = [1], strides = [1]} : vector<16xi32> to vector<1xi32>
      %squeeze3A_159 = vector.extract %slice3A_158[0] : i32 from vector<1xi32>
      %and3A_160 = arith.constant 7 : i32
      %and3A_161 = arith.andi %squeeze3A_159, %and3A_160 : i32
      %mul3A_162 = arith.constant 16 : i32
      %mul3A_163 = arith.muli %and3A_161, %mul3A_162 : i32
      %get3A_164 = arith.constant 8 : i32
      %get3A_165 = arith.index_cast %get3A_164 : i32 to index
      %get3A_166 = arith.index_cast %mul3A_163 : i32 to index
      %get3A_167 = tpu.vector_load %arg8[%get3A_165, %get3A_166] {strides = array<i32>} : memref<32x128xi32, #tpu.memory_space<vmem>>, vector<1x16xi32>,
      %get3A_168 = vector.shape_cast %get3A_167 : vector<1x16xi32> to vector<16xi32>
      %swap3A_169 = arith.constant 128 : index
      %swap3A_170 = tpu.vector_load %arg9[%swap3A_169] {strides = array<i32>} : memref<512xi32, #tpu.memory_space<vmem>>, vector<16xi32>,
      %swap3A_171 = vector.shape_cast %swap3A_170 : vector<16xi32> to vector<16xi32>
      %swap3A_172 = vector.shape_cast %get3A_168 : vector<16xi32> to vector<16xi32>
      tpu.vector_store %arg9[%swap3A_169], %swap3A_172 {strides = array<i32>} : memref<512xi32, #tpu.memory_space<vmem>>, vector<16xi32>,
      %slice3A_173 = vector.extract_strided_slice %get3A_40 {offsets = [9], sizes = [1], strides = [1]} : vector<16xi32> to vector<1xi32>
      %squeeze3A_174 = vector.extract %slice3A_173[0] : i32 from vector<1xi32>
      %and3A_175 = arith.constant 7 : i32
      %and3A_176 = arith.andi %squeeze3A_174, %and3A_175 : i32
      %mul3A_177 = arith.constant 16 : i32
      %mul3A_178 = arith.muli %and3A_176, %mul3A_177 : i32
      %get3A_179 = arith.constant 9 : i32
      %get3A_180 = arith.index_cast %get3A_179 : i32 to index
      %get3A_181 = arith.index_cast %mul3A_178 : i32 to index
      %get3A_182 = tpu.vector_load %arg8[%get3A_180, %get3A_181] {strides = array<i32>} : memref<32x128xi32, #tpu.memory_space<vmem>>, vector<1x16xi32>,
      %get3A_183 = vector.shape_cast %get3A_182 : vector<1x16xi32> to vector<16xi32>
      %swap3A_184 = arith.constant 144 : index
      %swap3A_185 = tpu.vector_load %arg9[%swap3A_184] {strides = array<i32>} : memref<512xi32, #tpu.memory_space<vmem>>, vector<16xi32>,
      %swap3A_186 = vector.shape_cast %swap3A_185 : vector<16xi32> to vector<16xi32>
      %swap3A_187 = vector.shape_cast %get3A_183 : vector<16xi32> to vector<16xi32>
      tpu.vector_store %arg9[%swap3A_184], %swap3A_187 {strides = array<i32>} : memref<512xi32, #tpu.memory_space<vmem>>, vector<16xi32>,
      %slice3A_188 = vector.extract_strided_slice %get3A_40 {offsets = [10], sizes = [1], strides = [1]} : vector<16xi32> to vector<1xi32>
      %squeeze3A_189 = vector.extract %slice3A_188[0] : i32 from vector<1xi32>
      %and3A_190 = arith.constant 7 : i32
      %and3A_191 = arith.andi %squeeze3A_189, %and3A_190 : i32
      %mul3A_192 = arith.constant 16 : i32
      %mul3A_193 = arith.muli %and3A_191, %mul3A_192 : i32
      %get3A_194 = arith.constant 10 : i32
      %get3A_195 = arith.index_cast %get3A_194 : i32 to index
      %get3A_196 = arith.index_cast %mul3A_193 : i32 to index
      %get3A_197 = tpu.vector_load %arg8[%get3A_195, %get3A_196] {strides = array<i32>} : memref<32x128xi32, #tpu.memory_space<vmem>>, vector<1x16xi32>,
      %get3A_198 = vector.shape_cast %get3A_197 : vector<1x16xi32> to vector<16xi32>
      %swap3A_199 = arith.constant 160 : index
      %swap3A_200 = tpu.vector_load %arg9[%swap3A_199] {strides = array<i32>} : memref<512xi32, #tpu.memory_space<vmem>>, vector<16xi32>,
      %swap3A_201 = vector.shape_cast %swap3A_200 : vector<16xi32> to vector<16xi32>
      %swap3A_202 = vector.shape_cast %get3A_198 : vector<16xi32> to vector<16xi32>
      tpu.vector_store %arg9[%swap3A_199], %swap3A_202 {strides = array<i32>} : memref<512xi32, #tpu.memory_space<vmem>>, vector<16xi32>,
      %slice3A_203 = vector.extract_strided_slice %get3A_40 {offsets = [11], sizes = [1], strides = [1]} : vector<16xi32> to vector<1xi32>
      %squeeze3A_204 = vector.extract %slice3A_203[0] : i32 from vector<1xi32>
      %and3A_205 = arith.constant 7 : i32
      %and3A_206 = arith.andi %squeeze3A_204, %and3A_205 : i32
      %mul3A_207 = arith.constant 16 : i32
      %mul3A_208 = arith.muli %and3A_206, %mul3A_207 : i32
      %get3A_209 = arith.constant 11 : i32
      %get3A_210 = arith.index_cast %get3A_209 : i32 to index
      %get3A_211 = arith.index_cast %mul3A_208 : i32 to index
      %get3A_212 = tpu.vector_load %arg8[%get3A_210, %get3A_211] {strides = array<i32>} : memref<32x128xi32, #tpu.memory_space<vmem>>, vector<1x16xi32>,
      %get3A_213 = vector.shape_cast %get3A_212 : vector<1x16xi32> to vector<16xi32>
      %swap3A_214 = arith.constant 176 : index
      %swap3A_215 = tpu.vector_load %arg9[%swap3A_214] {strides = array<i32>} : memref<512xi32, #tpu.memory_space<vmem>>, vector<16xi32>,
      %swap3A_216 = vector.shape_cast %swap3A_215 : vector<16xi32> to vector<16xi32>
      %swap3A_217 = vector.shape_cast %get3A_213 : vector<16xi32> to vector<16xi32>
      tpu.vector_store %arg9[%swap3A_214], %swap3A_217 {strides = array<i32>} : memref<512xi32, #tpu.memory_space<vmem>>, vector<16xi32>,
      %slice3A_218 = vector.extract_strided_slice %get3A_40 {offsets = [12], sizes = [1], strides = [1]} : vector<16xi32> to vector<1xi32>
      %squeeze3A_219 = vector.extract %slice3A_218[0] : i32 from vector<1xi32>
      %and3A_220 = arith.constant 7 : i32
      %and3A_221 = arith.andi %squeeze3A_219, %and3A_220 : i32
      %mul3A_222 = arith.constant 16 : i32
      %mul3A_223 = arith.muli %and3A_221, %mul3A_222 : i32
      %get3A_224 = arith.constant 12 : i32
      %get3A_225 = arith.index_cast %get3A_224 : i32 to index
      %get3A_226 = arith.index_cast %mul3A_223 : i32 to index
      %get3A_227 = tpu.vector_load %arg8[%get3A_225, %get3A_226] {strides = array<i32>} : memref<32x128xi32, #tpu.memory_space<vmem>>, vector<1x16xi32>,
      %get3A_228 = vector.shape_cast %get3A_227 : vector<1x16xi32> to vector<16xi32>
      %swap3A_229 = arith.constant 192 : index
      %swap3A_230 = tpu.vector_load %arg9[%swap3A_229] {strides = array<i32>} : memref<512xi32, #tpu.memory_space<vmem>>, vector<16xi32>,
      %swap3A_231 = vector.shape_cast %swap3A_230 : vector<16xi32> to vector<16xi32>
      %swap3A_232 = vector.shape_cast %get3A_228 : vector<16xi32> to vector<16xi32>
      tpu.vector_store %arg9[%swap3A_229], %swap3A_232 {strides = array<i32>} : memref<512xi32, #tpu.memory_space<vmem>>, vector<16xi32>,
      %slice3A_233 = vector.extract_strided_slice %get3A_40 {offsets = [13], sizes = [1], strides = [1]} : vector<16xi32> to vector<1xi32>
      %squeeze3A_234 = vector.extract %slice3A_233[0] : i32 from vector<1xi32>
      %and3A_235 = arith.constant 7 : i32
      %and3A_236 = arith.andi %squeeze3A_234, %and3A_235 : i32
      %mul3A_237 = arith.constant 16 : i32
      %mul3A_238 = arith.muli %and3A_236, %mul3A_237 : i32
      %get3A_239 = arith.constant 13 : i32
      %get3A_240 = arith.index_cast %get3A_239 : i32 to index
      %get3A_241 = arith.index_cast %mul3A_238 : i32 to index
      %get3A_242 = tpu.vector_load %arg8[%get3A_240, %get3A_241] {strides = array<i32>} : memref<32x128xi32, #tpu.memory_space<vmem>>, vector<1x16xi32>,
      %get3A_243 = vector.shape_cast %get3A_242 : vector<1x16xi32> to vector<16xi32>
      %swap3A_244 = arith.constant 208 : index
      %swap3A_245 = tpu.vector_load %arg9[%swap3A_244] {strides = array<i32>} : memref<512xi32, #tpu.memory_space<vmem>>, vector<16xi32>,
      %swap3A_246 = vector.shape_cast %swap3A_245 : vector<16xi32> to vector<16xi32>
      %swap3A_247 = vector.shape_cast %get3A_243 : vector<16xi32> to vector<16xi32>
      tpu.vector_store %arg9[%swap3A_244], %swap3A_247 {strides = array<i32>} : memref<512xi32, #tpu.memory_space<vmem>>, vector<16xi32>,
      %slice3A_248 = vector.extract_strided_slice %get3A_40 {offsets = [14], sizes = [1], strides = [1]} : vector<16xi32> to vector<1xi32>
      %squeeze3A_249 = vector.extract %slice3A_248[0] : i32 from vector<1xi32>
      %and3A_250 = arith.constant 7 : i32
      %and3A_251 = arith.andi %squeeze3A_249, %and3A_250 : i32
      %mul3A_252 = arith.constant 16 : i32
      %mul3A_253 = arith.muli %and3A_251, %mul3A_252 : i32
      %get3A_254 = arith.constant 14 : i32
      %get3A_255 = arith.index_cast %get3A_254 : i32 to index
      %get3A_256 = arith.index_cast %mul3A_253 : i32 to index
      %get3A_257 = tpu.vector_load %arg8[%get3A_255, %get3A_256] {strides = array<i32>} : memref<32x128xi32, #tpu.memory_space<vmem>>, vector<1x16xi32>,
      %get3A_258 = vector.shape_cast %get3A_257 : vector<1x16xi32> to vector<16xi32>
      %swap3A_259 = arith.constant 224 : index
      %swap3A_260 = tpu.vector_load %arg9[%swap3A_259] {strides = array<i32>} : memref<512xi32, #tpu.memory_space<vmem>>, vector<16xi32>,
      %swap3A_261 = vector.shape_cast %swap3A_260 : vector<16xi32> to vector<16xi32>
      %swap3A_262 = vector.shape_cast %get3A_258 : vector<16xi32> to vector<16xi32>
      tpu.vector_store %arg9[%swap3A_259], %swap3A_262 {strides = array<i32>} : memref<512xi32, #tpu.memory_space<vmem>>, vector<16xi32>,
      %slice3A_263 = vector.extract_strided_slice %get3A_40 {offsets = [15], sizes = [1], strides = [1]} : vector<16xi32> to vector<1xi32>
      %squeeze3A_264 = vector.extract %slice3A_263[0] : i32 from vector<1xi32>
      %and3A_265 = arith.constant 7 : i32
      %and3A_266 = arith.andi %squeeze3A_264, %and3A_265 : i32
      %mul3A_267 = arith.constant 16 : i32
      %mul3A_268 = arith.muli %and3A_266, %mul3A_267 : i32
      %get3A_269 = arith.constant 15 : i32
      %get3A_270 = arith.index_cast %get3A_269 : i32 to index
      %get3A_271 = arith.index_cast %mul3A_268 : i32 to index
      %get3A_272 = tpu.vector_load %arg8[%get3A_270, %get3A_271] {strides = array<i32>} : memref<32x128xi32, #tpu.memory_space<vmem>>, vector<1x16xi32>,
      %get3A_273 = vector.shape_cast %get3A_272 : vector<1x16xi32> to vector<16xi32>
      %swap3A_274 = arith.constant 240 : index
      %swap3A_275 = tpu.vector_load %arg9[%swap3A_274] {strides = array<i32>} : memref<512xi32, #tpu.memory_space<vmem>>, vector<16xi32>,
      %swap3A_276 = vector.shape_cast %swap3A_275 : vector<16xi32> to vector<16xi32>
      %swap3A_277 = vector.shape_cast %get3A_273 : vector<16xi32> to vector<16xi32>
      tpu.vector_store %arg9[%swap3A_274], %swap3A_277 {strides = array<i32>} : memref<512xi32, #tpu.memory_space<vmem>>, vector<16xi32>,
      %get3A_278 = arith.constant 16 : index
      %get3A_279 = tpu.vector_load %arg6[%get3A_278] {strides = array<i32>} : memref<32xi32, #tpu.memory_space<vmem>>, vector<16xi32>,
      %get3A_280 = vector.shape_cast %get3A_279 : vector<16xi32> to vector<16xi32>
      %slice3A_281 = vector.extract_strided_slice %get3A_280 {offsets = [0], sizes = [1], strides = [1]} : vector<16xi32> to vector<1xi32>
      %squeeze3A_282 = vector.extract %slice3A_281[0] : i32 from vector<1xi32>
      %and3A_283 = arith.constant 7 : i32
      %and3A_284 = arith.andi %squeeze3A_282, %and3A_283 : i32
      %mul3A_285 = arith.constant 16 : i32
      %mul3A_286 = arith.muli %and3A_284, %mul3A_285 : i32
      %get3A_287 = arith.constant 16 : i32
      %get3A_288 = arith.index_cast %get3A_287 : i32 to index
      %get3A_289 = arith.index_cast %mul3A_286 : i32 to index
      %get3A_290 = tpu.vector_load %arg8[%get3A_288, %get3A_289] {strides = array<i32>} : memref<32x128xi32, #tpu.memory_space<vmem>>, vector<1x16xi32>,
      %get3A_291 = vector.shape_cast %get3A_290 : vector<1x16xi32> to vector<16xi32>
      %swap3A_292 = arith.constant 256 : index
      %swap3A_293 = tpu.vector_load %arg9[%swap3A_292] {strides = array<i32>} : memref<512xi32, #tpu.memory_space<vmem>>, vector<16xi32>,
      %swap3A_294 = vector.shape_cast %swap3A_293 : vector<16xi32> to vector<16xi32>
      %swap3A_295 = vector.shape_cast %get3A_291 : vector<16xi32> to vector<16xi32>
      tpu.vector_store %arg9[%swap3A_292], %swap3A_295 {strides = array<i32>} : memref<512xi32, #tpu.memory_space<vmem>>, vector<16xi32>,
      %slice3A_296 = vector.extract_strided_slice %get3A_280 {offsets = [1], sizes = [1], strides = [1]} : vector<16xi32> to vector<1xi32>
      %squeeze3A_297 = vector.extract %slice3A_296[0] : i32 from vector<1xi32>
      %and3A_298 = arith.constant 7 : i32
      %and3A_299 = arith.andi %squeeze3A_297, %and3A_298 : i32
      %mul3A_300 = arith.constant 16 : i32
      %mul3A_301 = arith.muli %and3A_299, %mul3A_300 : i32
      %get3A_302 = arith.constant 17 : i32
      %get3A_303 = arith.index_cast %get3A_302 : i32 to index
      %get3A_304 = arith.index_cast %mul3A_301 : i32 to index
      %get3A_305 = tpu.vector_load %arg8[%get3A_303, %get3A_304] {strides = array<i32>} : memref<32x128xi32, #tpu.memory_space<vmem>>, vector<1x16xi32>,
      %get3A_306 = vector.shape_cast %get3A_305 : vector<1x16xi32> to vector<16xi32>
      %swap3A_307 = arith.constant 272 : index
      %swap3A_308 = tpu.vector_load %arg9[%swap3A_307] {strides = array<i32>} : memref<512xi32, #tpu.memory_space<vmem>>, vector<16xi32>,
      %swap3A_309 = vector.shape_cast %swap3A_308 : vector<16xi32> to vector<16xi32>
      %swap3A_310 = vector.shape_cast %get3A_306 : vector<16xi32> to vector<16xi32>
      tpu.vector_store %arg9[%swap3A_307], %swap3A_310 {strides = array<i32>} : memref<512xi32, #tpu.memory_space<vmem>>, vector<16xi32>,
      %slice3A_311 = vector.extract_strided_slice %get3A_280 {offsets = [2], sizes = [1], strides = [1]} : vector<16xi32> to vector<1xi32>
      %squeeze3A_312 = vector.extract %slice3A_311[0] : i32 from vector<1xi32>
      %and3A_313 = arith.constant 7 : i32
      %and3A_314 = arith.andi %squeeze3A_312, %and3A_313 : i32
      %mul3A_315 = arith.constant 16 : i32
      %mul3A_316 = arith.muli %and3A_314, %mul3A_315 : i32
      %get3A_317 = arith.constant 18 : i32
      %get3A_318 = arith.index_cast %get3A_317 : i32 to index
      %get3A_319 = arith.index_cast %mul3A_316 : i32 to index
      %get3A_320 = tpu.vector_load %arg8[%get3A_318, %get3A_319] {strides = array<i32>} : memref<32x128xi32, #tpu.memory_space<vmem>>, vector<1x16xi32>,
      %get3A_321 = vector.shape_cast %get3A_320 : vector<1x16xi32> to vector<16xi32>
      %swap3A_322 = arith.constant 288 : index
      %swap3A_323 = tpu.vector_load %arg9[%swap3A_322] {strides = array<i32>} : memref<512xi32, #tpu.memory_space<vmem>>, vector<16xi32>,
      %swap3A_324 = vector.shape_cast %swap3A_323 : vector<16xi32> to vector<16xi32>
      %swap3A_325 = vector.shape_cast %get3A_321 : vector<16xi32> to vector<16xi32>
      tpu.vector_store %arg9[%swap3A_322], %swap3A_325 {strides = array<i32>} : memref<512xi32, #tpu.memory_space<vmem>>, vector<16xi32>,
      %slice3A_326 = vector.extract_strided_slice %get3A_280 {offsets = [3], sizes = [1], strides = [1]} : vector<16xi32> to vector<1xi32>
      %squeeze3A_327 = vector.extract %slice3A_326[0] : i32 from vector<1xi32>
      %and3A_328 = arith.constant 7 : i32
      %and3A_329 = arith.andi %squeeze3A_327, %and3A_328 : i32
      %mul3A_330 = arith.constant 16 : i32
      %mul3A_331 = arith.muli %and3A_329, %mul3A_330 : i32
      %get3A_332 = arith.constant 19 : i32
      %get3A_333 = arith.index_cast %get3A_332 : i32 to index
      %get3A_334 = arith.index_cast %mul3A_331 : i32 to index
      %get3A_335 = tpu.vector_load %arg8[%get3A_333, %get3A_334] {strides = array<i32>} : memref<32x128xi32, #tpu.memory_space<vmem>>, vector<1x16xi32>,
      %get3A_336 = vector.shape_cast %get3A_335 : vector<1x16xi32> to vector<16xi32>
      %swap3A_337 = arith.constant 304 : index
      %swap3A_338 = tpu.vector_load %arg9[%swap3A_337] {strides = array<i32>} : memref<512xi32, #tpu.memory_space<vmem>>, vector<16xi32>,
      %swap3A_339 = vector.shape_cast %swap3A_338 : vector<16xi32> to vector<16xi32>
      %swap3A_340 = vector.shape_cast %get3A_336 : vector<16xi32> to vector<16xi32>
      tpu.vector_store %arg9[%swap3A_337], %swap3A_340 {strides = array<i32>} : memref<512xi32, #tpu.memory_space<vmem>>, vector<16xi32>,
      %slice3A_341 = vector.extract_strided_slice %get3A_280 {offsets = [4], sizes = [1], strides = [1]} : vector<16xi32> to vector<1xi32>
      %squeeze3A_342 = vector.extract %slice3A_341[0] : i32 from vector<1xi32>
      %and3A_343 = arith.constant 7 : i32
      %and3A_344 = arith.andi %squeeze3A_342, %and3A_343 : i32
      %mul3A_345 = arith.constant 16 : i32
      %mul3A_346 = arith.muli %and3A_344, %mul3A_345 : i32
      %get3A_347 = arith.constant 20 : i32
      %get3A_348 = arith.index_cast %get3A_347 : i32 to index
      %get3A_349 = arith.index_cast %mul3A_346 : i32 to index
      %get3A_350 = tpu.vector_load %arg8[%get3A_348, %get3A_349] {strides = array<i32>} : memref<32x128xi32, #tpu.memory_space<vmem>>, vector<1x16xi32>,
      %get3A_351 = vector.shape_cast %get3A_350 : vector<1x16xi32> to vector<16xi32>
      %swap3A_352 = arith.constant 320 : index
      %swap3A_353 = tpu.vector_load %arg9[%swap3A_352] {strides = array<i32>} : memref<512xi32, #tpu.memory_space<vmem>>, vector<16xi32>,
      %swap3A_354 = vector.shape_cast %swap3A_353 : vector<16xi32> to vector<16xi32>
      %swap3A_355 = vector.shape_cast %get3A_351 : vector<16xi32> to vector<16xi32>
      tpu.vector_store %arg9[%swap3A_352], %swap3A_355 {strides = array<i32>} : memref<512xi32, #tpu.memory_space<vmem>>, vector<16xi32>,
      %slice3A_356 = vector.extract_strided_slice %get3A_280 {offsets = [5], sizes = [1], strides = [1]} : vector<16xi32> to vector<1xi32>
      %squeeze3A_357 = vector.extract %slice3A_356[0] : i32 from vector<1xi32>
      %and3A_358 = arith.constant 7 : i32
      %and3A_359 = arith.andi %squeeze3A_357, %and3A_358 : i32
      %mul3A_360 = arith.constant 16 : i32
      %mul3A_361 = arith.muli %and3A_359, %mul3A_360 : i32
      %get3A_362 = arith.constant 21 : i32
      %get3A_363 = arith.index_cast %get3A_362 : i32 to index
      %get3A_364 = arith.index_cast %mul3A_361 : i32 to index
      %get3A_365 = tpu.vector_load %arg8[%get3A_363, %get3A_364] {strides = array<i32>} : memref<32x128xi32, #tpu.memory_space<vmem>>, vector<1x16xi32>,
      %get3A_366 = vector.shape_cast %get3A_365 : vector<1x16xi32> to vector<16xi32>
      %swap3A_367 = arith.constant 336 : index
      %swap3A_368 = tpu.vector_load %arg9[%swap3A_367] {strides = array<i32>} : memref<512xi32, #tpu.memory_space<vmem>>, vector<16xi32>,
      %swap3A_369 = vector.shape_cast %swap3A_368 : vector<16xi32> to vector<16xi32>
      %swap3A_370 = vector.shape_cast %get3A_366 : vector<16xi32> to vector<16xi32>
      tpu.vector_store %arg9[%swap3A_367], %swap3A_370 {strides = array<i32>} : memref<512xi32, #tpu.memory_space<vmem>>, vector<16xi32>,
      %slice3A_371 = vector.extract_strided_slice %get3A_280 {offsets = [6], sizes = [1], strides = [1]} : vector<16xi32> to vector<1xi32>
      %squeeze3A_372 = vector.extract %slice3A_371[0] : i32 from vector<1xi32>
      %and3A_373 = arith.constant 7 : i32
      %and3A_374 = arith.andi %squeeze3A_372, %and3A_373 : i32
      %mul3A_375 = arith.constant 16 : i32
      %mul3A_376 = arith.muli %and3A_374, %mul3A_375 : i32
      %get3A_377 = arith.constant 22 : i32
      %get3A_378 = arith.index_cast %get3A_377 : i32 to index
      %get3A_379 = arith.index_cast %mul3A_376 : i32 to index
      %get3A_380 = tpu.vector_load %arg8[%get3A_378, %get3A_379] {strides = array<i32>} : memref<32x128xi32, #tpu.memory_space<vmem>>, vector<1x16xi32>,
      %get3A_381 = vector.shape_cast %get3A_380 : vector<1x16xi32> to vector<16xi32>
      %swap3A_382 = arith.constant 352 : index
      %swap3A_383 = tpu.vector_load %arg9[%swap3A_382] {strides = array<i32>} : memref<512xi32, #tpu.memory_space<vmem>>, vector<16xi32>,
      %swap3A_384 = vector.shape_cast %swap3A_383 : vector<16xi32> to vector<16xi32>
      %swap3A_385 = vector.shape_cast %get3A_381 : vector<16xi32> to vector<16xi32>
      tpu.vector_store %arg9[%swap3A_382], %swap3A_385 {strides = array<i32>} : memref<512xi32, #tpu.memory_space<vmem>>, vector<16xi32>,
      %slice3A_386 = vector.extract_strided_slice %get3A_280 {offsets = [7], sizes = [1], strides = [1]} : vector<16xi32> to vector<1xi32>
      %squeeze3A_387 = vector.extract %slice3A_386[0] : i32 from vector<1xi32>
      %and3A_388 = arith.constant 7 : i32
      %and3A_389 = arith.andi %squeeze3A_387, %and3A_388 : i32
      %mul3A_390 = arith.constant 16 : i32
      %mul3A_391 = arith.muli %and3A_389, %mul3A_390 : i32
      %get3A_392 = arith.constant 23 : i32
      %get3A_393 = arith.index_cast %get3A_392 : i32 to index
      %get3A_394 = arith.index_cast %mul3A_391 : i32 to index
      %get3A_395 = tpu.vector_load %arg8[%get3A_393, %get3A_394] {strides = array<i32>} : memref<32x128xi32, #tpu.memory_space<vmem>>, vector<1x16xi32>,
      %get3A_396 = vector.shape_cast %get3A_395 : vector<1x16xi32> to vector<16xi32>
      %swap3A_397 = arith.constant 368 : index
      %swap3A_398 = tpu.vector_load %arg9[%swap3A_397] {strides = array<i32>} : memref<512xi32, #tpu.memory_space<vmem>>, vector<16xi32>,
      %swap3A_399 = vector.shape_cast %swap3A_398 : vector<16xi32> to vector<16xi32>
      %swap3A_400 = vector.shape_cast %get3A_396 : vector<16xi32> to vector<16xi32>
      tpu.vector_store %arg9[%swap3A_397], %swap3A_400 {strides = array<i32>} : memref<512xi32, #tpu.memory_space<vmem>>, vector<16xi32>,
      %slice3A_401 = vector.extract_strided_slice %get3A_280 {offsets = [8], sizes = [1], strides = [1]} : vector<16xi32> to vector<1xi32>
      %squeeze3A_402 = vector.extract %slice3A_401[0] : i32 from vector<1xi32>
      %and3A_403 = arith.constant 7 : i32
      %and3A_404 = arith.andi %squeeze3A_402, %and3A_403 : i32
      %mul3A_405 = arith.constant 16 : i32
      %mul3A_406 = arith.muli %and3A_404, %mul3A_405 : i32
      %get3A_407 = arith.constant 24 : i32
      %get3A_408 = arith.index_cast %get3A_407 : i32 to index
      %get3A_409 = arith.index_cast %mul3A_406 : i32 to index
      %get3A_410 = tpu.vector_load %arg8[%get3A_408, %get3A_409] {strides = array<i32>} : memref<32x128xi32, #tpu.memory_space<vmem>>, vector<1x16xi32>,
      %get3A_411 = vector.shape_cast %get3A_410 : vector<1x16xi32> to vector<16xi32>
      %swap3A_412 = arith.constant 384 : index
      %swap3A_413 = tpu.vector_load %arg9[%swap3A_412] {strides = array<i32>} : memref<512xi32, #tpu.memory_space<vmem>>, vector<16xi32>,
      %swap3A_414 = vector.shape_cast %swap3A_413 : vector<16xi32> to vector<16xi32>
      %swap3A_415 = vector.shape_cast %get3A_411 : vector<16xi32> to vector<16xi32>
      tpu.vector_store %arg9[%swap3A_412], %swap3A_415 {strides = array<i32>} : memref<512xi32, #tpu.memory_space<vmem>>, vector<16xi32>,
      %slice3A_416 = vector.extract_strided_slice %get3A_280 {offsets = [9], sizes = [1], strides = [1]} : vector<16xi32> to vector<1xi32>
      %squeeze3A_417 = vector.extract %slice3A_416[0] : i32 from vector<1xi32>
      %and3A_418 = arith.constant 7 : i32
      %and3A_419 = arith.andi %squeeze3A_417, %and3A_418 : i32
      %mul3A_420 = arith.constant 16 : i32
      %mul3A_421 = arith.muli %and3A_419, %mul3A_420 : i32
      %get3A_422 = arith.constant 25 : i32
      %get3A_423 = arith.index_cast %get3A_422 : i32 to index
      %get3A_424 = arith.index_cast %mul3A_421 : i32 to index
      %get3A_425 = tpu.vector_load %arg8[%get3A_423, %get3A_424] {strides = array<i32>} : memref<32x128xi32, #tpu.memory_space<vmem>>, vector<1x16xi32>,
      %get3A_426 = vector.shape_cast %get3A_425 : vector<1x16xi32> to vector<16xi32>
      %swap3A_427 = arith.constant 400 : index
      %swap3A_428 = tpu.vector_load %arg9[%swap3A_427] {strides = array<i32>} : memref<512xi32, #tpu.memory_space<vmem>>, vector<16xi32>,
      %swap3A_429 = vector.shape_cast %swap3A_428 : vector<16xi32> to vector<16xi32>
      %swap3A_430 = vector.shape_cast %get3A_426 : vector<16xi32> to vector<16xi32>
      tpu.vector_store %arg9[%swap3A_427], %swap3A_430 {strides = array<i32>} : memref<512xi32, #tpu.memory_space<vmem>>, vector<16xi32>,
      %slice3A_431 = vector.extract_strided_slice %get3A_280 {offsets = [10], sizes = [1], strides = [1]} : vector<16xi32> to vector<1xi32>
      %squeeze3A_432 = vector.extract %slice3A_431[0] : i32 from vector<1xi32>
      %and3A_433 = arith.constant 7 : i32
      %and3A_434 = arith.andi %squeeze3A_432, %and3A_433 : i32
      %mul3A_435 = arith.constant 16 : i32
      %mul3A_436 = arith.muli %and3A_434, %mul3A_435 : i32
      %get3A_437 = arith.constant 26 : i32
      %get3A_438 = arith.index_cast %get3A_437 : i32 to index
      %get3A_439 = arith.index_cast %mul3A_436 : i32 to index
      %get3A_440 = tpu.vector_load %arg8[%get3A_438, %get3A_439] {strides = array<i32>} : memref<32x128xi32, #tpu.memory_space<vmem>>, vector<1x16xi32>,
      %get3A_441 = vector.shape_cast %get3A_440 : vector<1x16xi32> to vector<16xi32>
      %swap3A_442 = arith.constant 416 : index
      %swap3A_443 = tpu.vector_load %arg9[%swap3A_442] {strides = array<i32>} : memref<512xi32, #tpu.memory_space<vmem>>, vector<16xi32>,
      %swap3A_444 = vector.shape_cast %swap3A_443 : vector<16xi32> to vector<16xi32>
      %swap3A_445 = vector.shape_cast %get3A_441 : vector<16xi32> to vector<16xi32>
      tpu.vector_store %arg9[%swap3A_442], %swap3A_445 {strides = array<i32>} : memref<512xi32, #tpu.memory_space<vmem>>, vector<16xi32>,
      %slice3A_446 = vector.extract_strided_slice %get3A_280 {offsets = [11], sizes = [1], strides = [1]} : vector<16xi32> to vector<1xi32>
      %squeeze3A_447 = vector.extract %slice3A_446[0] : i32 from vector<1xi32>
      %and3A_448 = arith.constant 7 : i32
      %and3A_449 = arith.andi %squeeze3A_447, %and3A_448 : i32
      %mul3A_450 = arith.constant 16 : i32
      %mul3A_451 = arith.muli %and3A_449, %mul3A_450 : i32
      %get3A_452 = arith.constant 27 : i32
      %get3A_453 = arith.index_cast %get3A_452 : i32 to index
      %get3A_454 = arith.index_cast %mul3A_451 : i32 to index
      %get3A_455 = tpu.vector_load %arg8[%get3A_453, %get3A_454] {strides = array<i32>} : memref<32x128xi32, #tpu.memory_space<vmem>>, vector<1x16xi32>,
      %get3A_456 = vector.shape_cast %get3A_455 : vector<1x16xi32> to vector<16xi32>
      %swap3A_457 = arith.constant 432 : index
      %swap3A_458 = tpu.vector_load %arg9[%swap3A_457] {strides = array<i32>} : memref<512xi32, #tpu.memory_space<vmem>>, vector<16xi32>,
      %swap3A_459 = vector.shape_cast %swap3A_458 : vector<16xi32> to vector<16xi32>
      %swap3A_460 = vector.shape_cast %get3A_456 : vector<16xi32> to vector<16xi32>
      tpu.vector_store %arg9[%swap3A_457], %swap3A_460 {strides = array<i32>} : memref<512xi32, #tpu.memory_space<vmem>>, vector<16xi32>,
      %slice3A_461 = vector.extract_strided_slice %get3A_280 {offsets = [12], sizes = [1], strides = [1]} : vector<16xi32> to vector<1xi32>
      %squeeze3A_462 = vector.extract %slice3A_461[0] : i32 from vector<1xi32>
      %and3A_463 = arith.constant 7 : i32
      %and3A_464 = arith.andi %squeeze3A_462, %and3A_463 : i32
      %mul3A_465 = arith.constant 16 : i32
      %mul3A_466 = arith.muli %and3A_464, %mul3A_465 : i32
      %get3A_467 = arith.constant 28 : i32
      %get3A_468 = arith.index_cast %get3A_467 : i32 to index
      %get3A_469 = arith.index_cast %mul3A_466 : i32 to index
      %get3A_470 = tpu.vector_load %arg8[%get3A_468, %get3A_469] {strides = array<i32>} : memref<32x128xi32, #tpu.memory_space<vmem>>, vector<1x16xi32>,
      %get3A_471 = vector.shape_cast %get3A_470 : vector<1x16xi32> to vector<16xi32>
      %swap3A_472 = arith.constant 448 : index
      %swap3A_473 = tpu.vector_load %arg9[%swap3A_472] {strides = array<i32>} : memref<512xi32, #tpu.memory_space<vmem>>, vector<16xi32>,
      %swap3A_474 = vector.shape_cast %swap3A_473 : vector<16xi32> to vector<16xi32>
      %swap3A_475 = vector.shape_cast %get3A_471 : vector<16xi32> to vector<16xi32>
      tpu.vector_store %arg9[%swap3A_472], %swap3A_475 {strides = array<i32>} : memref<512xi32, #tpu.memory_space<vmem>>, vector<16xi32>,
      %slice3A_476 = vector.extract_strided_slice %get3A_280 {offsets = [13], sizes = [1], strides = [1]} : vector<16xi32> to vector<1xi32>
      %squeeze3A_477 = vector.extract %slice3A_476[0] : i32 from vector<1xi32>
      %and3A_478 = arith.constant 7 : i32
      %and3A_479 = arith.andi %squeeze3A_477, %and3A_478 : i32
      %mul3A_480 = arith.constant 16 : i32
      %mul3A_481 = arith.muli %and3A_479, %mul3A_480 : i32
      %get3A_482 = arith.constant 29 : i32
      %get3A_483 = arith.index_cast %get3A_482 : i32 to index
      %get3A_484 = arith.index_cast %mul3A_481 : i32 to index
      %get3A_485 = tpu.vector_load %arg8[%get3A_483, %get3A_484] {strides = array<i32>} : memref<32x128xi32, #tpu.memory_space<vmem>>, vector<1x16xi32>,
      %get3A_486 = vector.shape_cast %get3A_485 : vector<1x16xi32> to vector<16xi32>
      %swap3A_487 = arith.constant 464 : index
      %swap3A_488 = tpu.vector_load %arg9[%swap3A_487] {strides = array<i32>} : memref<512xi32, #tpu.memory_space<vmem>>, vector<16xi32>,
      %swap3A_489 = vector.shape_cast %swap3A_488 : vector<16xi32> to vector<16xi32>
      %swap3A_490 = vector.shape_cast %get3A_486 : vector<16xi32> to vector<16xi32>
      tpu.vector_store %arg9[%swap3A_487], %swap3A_490 {strides = array<i32>} : memref<512xi32, #tpu.memory_space<vmem>>, vector<16xi32>,
      %slice3A_491 = vector.extract_strided_slice %get3A_280 {offsets = [14], sizes = [1], strides = [1]} : vector<16xi32> to vector<1xi32>
      %squeeze3A_492 = vector.extract %slice3A_491[0] : i32 from vector<1xi32>
      %and3A_493 = arith.constant 7 : i32
      %and3A_494 = arith.andi %squeeze3A_492, %and3A_493 : i32
      %mul3A_495 = arith.constant 16 : i32
      %mul3A_496 = arith.muli %and3A_494, %mul3A_495 : i32
      %get3A_497 = arith.constant 30 : i32
      %get3A_498 = arith.index_cast %get3A_497 : i32 to index
      %get3A_499 = arith.index_cast %mul3A_496 : i32 to index
      %get3A_500 = tpu.vector_load %arg8[%get3A_498, %get3A_499] {strides = array<i32>} : memref<32x128xi32, #tpu.memory_space<vmem>>, vector<1x16xi32>,
      %get3A_501 = vector.shape_cast %get3A_500 : vector<1x16xi32> to vector<16xi32>
      %swap3A_502 = arith.constant 480 : index
      %swap3A_503 = tpu.vector_load %arg9[%swap3A_502] {strides = array<i32>} : memref<512xi32, #tpu.memory_space<vmem>>, vector<16xi32>,
      %swap3A_504 = vector.shape_cast %swap3A_503 : vector<16xi32> to vector<16xi32>
      %swap3A_505 = vector.shape_cast %get3A_501 : vector<16xi32> to vector<16xi32>
      tpu.vector_store %arg9[%swap3A_502], %swap3A_505 {strides = array<i32>} : memref<512xi32, #tpu.memory_space<vmem>>, vector<16xi32>,
      %slice3A_506 = vector.extract_strided_slice %get3A_280 {offsets = [15], sizes = [1], strides = [1]} : vector<16xi32> to vector<1xi32>
      %squeeze3A_507 = vector.extract %slice3A_506[0] : i32 from vector<1xi32>
      %and3A_508 = arith.constant 7 : i32
      %and3A_509 = arith.andi %squeeze3A_507, %and3A_508 : i32
      %mul3A_510 = arith.constant 16 : i32
      %mul3A_511 = arith.muli %and3A_509, %mul3A_510 : i32
      %get3A_512 = arith.constant 31 : i32
      %get3A_513 = arith.index_cast %get3A_512 : i32 to index
      %get3A_514 = arith.index_cast %mul3A_511 : i32 to index
      %get3A_515 = tpu.vector_load %arg8[%get3A_513, %get3A_514] {strides = array<i32>} : memref<32x128xi32, #tpu.memory_space<vmem>>, vector<1x16xi32>,
      %get3A_516 = vector.shape_cast %get3A_515 : vector<1x16xi32> to vector<16xi32>
      %swap3A_517 = arith.constant 496 : index
      %swap3A_518 = tpu.vector_load %arg9[%swap3A_517] {strides = array<i32>} : memref<512xi32, #tpu.memory_space<vmem>>, vector<16xi32>,
      %swap3A_519 = vector.shape_cast %swap3A_518 : vector<16xi32> to vector<16xi32>
      %swap3A_520 = vector.shape_cast %get3A_516 : vector<16xi32> to vector<16xi32>
      tpu.vector_store %arg9[%swap3A_517], %swap3A_520 {strides = array<i32>} : memref<512xi32, #tpu.memory_space<vmem>>, vector<16xi32>,
      %dma_start3A_521 = arith.constant 0 : i32
      %dma_start3A_522 = arith.constant 0 : i32
      %dma_start3A_523 = tpu.memref_slice %arg10[%dma_start3A_521, %dma_start3A_522] : memref<512x128xf32, #tpu.memory_space<vmem>> -> memref<128x128xf32, #tpu.memory_space<vmem>>
      %dma_start3A_524 = arith.constant 0 : i32
      %dma_start3A_525 = tpu.memref_slice %arg9[%dma_start3A_524] : memref<512xi32, #tpu.memory_space<vmem>> -> memref<128xi32, #tpu.memory_space<vmem>>
      %dma_start3A_526 = arith.constant 0 : i32
      %dma_start3A_527 = arith.constant 0 : i32
      %dma_start3A_528 = tpu.memref_slice %arg4[%dma_start3A_526, %dma_start3A_527] : memref<100000x128xf32, #tpu.memory_space<hbm>> -> memref<100000x128xf32, #tpu.memory_space<hbm>>
      tpu.enqueue_indirect_dma source(%dma_start3A_528 : memref<100000x128xf32, #tpu.memory_space<hbm>>) target(%dma_start3A_523 : memref<128x128xf32, #tpu.memory_space<vmem>>) offsets(%dma_start3A_525 : memref<128xi32, #tpu.memory_space<vmem>>) semaphore(%arg11 : memref<!tpu.dma_semaphore, #tpu.memory_space<semaphore_mem>>)
      %dma_start3A_529 = arith.constant 128 : i32
      %dma_start3A_530 = arith.constant 0 : i32
      %dma_start3A_531 = tpu.memref_slice %arg10[%dma_start3A_529, %dma_start3A_530] : memref<512x128xf32, #tpu.memory_space<vmem>> -> memref<128x128xf32, #tpu.memory_space<vmem>>
      %dma_start3A_532 = arith.constant 128 : i32
      %dma_start3A_533 = tpu.memref_slice %arg9[%dma_start3A_532] : memref<512xi32, #tpu.memory_space<vmem>> -> memref<128xi32, #tpu.memory_space<vmem>>
      %dma_start3A_534 = arith.constant 0 : i32
      %dma_start3A_535 = arith.constant 0 : i32
      %dma_start3A_536 = tpu.memref_slice %arg4[%dma_start3A_534, %dma_start3A_535] : memref<100000x128xf32, #tpu.memory_space<hbm>> -> memref<100000x128xf32, #tpu.memory_space<hbm>>
      tpu.enqueue_indirect_dma source(%dma_start3A_536 : memref<100000x128xf32, #tpu.memory_space<hbm>>) target(%dma_start3A_531 : memref<128x128xf32, #tpu.memory_space<vmem>>) offsets(%dma_start3A_533 : memref<128xi32, #tpu.memory_space<vmem>>) semaphore(%arg11 : memref<!tpu.dma_semaphore, #tpu.memory_space<semaphore_mem>>)
      %dma_start3A_537 = arith.constant 256 : i32
      %dma_start3A_538 = arith.constant 0 : i32
      %dma_start3A_539 = tpu.memref_slice %arg10[%dma_start3A_537, %dma_start3A_538] : memref<512x128xf32, #tpu.memory_space<vmem>> -> memref<128x128xf32, #tpu.memory_space<vmem>>
      %dma_start3A_540 = arith.constant 256 : i32
      %dma_start3A_541 = tpu.memref_slice %arg9[%dma_start3A_540] : memref<512xi32, #tpu.memory_space<vmem>> -> memref<128xi32, #tpu.memory_space<vmem>>
      %dma_start3A_542 = arith.constant 0 : i32
      %dma_start3A_543 = arith.constant 0 : i32
      %dma_start3A_544 = tpu.memref_slice %arg4[%dma_start3A_542, %dma_start3A_543] : memref<100000x128xf32, #tpu.memory_space<hbm>> -> memref<100000x128xf32, #tpu.memory_space<hbm>>
      tpu.enqueue_indirect_dma source(%dma_start3A_544 : memref<100000x128xf32, #tpu.memory_space<hbm>>) target(%dma_start3A_539 : memref<128x128xf32, #tpu.memory_space<vmem>>) offsets(%dma_start3A_541 : memref<128xi32, #tpu.memory_space<vmem>>) semaphore(%arg11 : memref<!tpu.dma_semaphore, #tpu.memory_space<semaphore_mem>>)
      %dma_start3A_545 = arith.constant 384 : i32
      %dma_start3A_546 = arith.constant 0 : i32
      %dma_start3A_547 = tpu.memref_slice %arg10[%dma_start3A_545, %dma_start3A_546] : memref<512x128xf32, #tpu.memory_space<vmem>> -> memref<128x128xf32, #tpu.memory_space<vmem>>
      %dma_start3A_548 = arith.constant 384 : i32
      %dma_start3A_549 = tpu.memref_slice %arg9[%dma_start3A_548] : memref<512xi32, #tpu.memory_space<vmem>> -> memref<128xi32, #tpu.memory_space<vmem>>
      %dma_start3A_550 = arith.constant 0 : i32
      %dma_start3A_551 = arith.constant 0 : i32
      %dma_start3A_552 = tpu.memref_slice %arg4[%dma_start3A_550, %dma_start3A_551] : memref<100000x128xf32, #tpu.memory_space<hbm>> -> memref<100000x128xf32, #tpu.memory_space<hbm>>
      tpu.enqueue_indirect_dma source(%dma_start3A_552 : memref<100000x128xf32, #tpu.memory_space<hbm>>) target(%dma_start3A_547 : memref<128x128xf32, #tpu.memory_space<vmem>>) offsets(%dma_start3A_549 : memref<128xi32, #tpu.memory_space<vmem>>) semaphore(%arg11 : memref<!tpu.dma_semaphore, #tpu.memory_space<semaphore_mem>>)
      %dma_wait3A_553 = arith.constant 0 : i32
      %dma_wait3A_554 = arith.constant 0 : i32
      %dma_wait3A_555 = tpu.memref_slice %arg10[%dma_wait3A_553, %dma_wait3A_554] : memref<512x128xf32, #tpu.memory_space<vmem>> -> memref<128x128xf32, #tpu.memory_space<vmem>>
      %dma_wait3A_556 = arith.constant 0 : i32
      %dma_wait3A_557 = tpu.memref_slice %arg9[%dma_wait3A_556] : memref<512xi32, #tpu.memory_space<vmem>> -> memref<128xi32, #tpu.memory_space<vmem>>
      %dma_wait3A_558 = arith.constant 0 : i32
      %dma_wait3A_559 = arith.constant 0 : i32
      %dma_wait3A_560 = tpu.memref_slice %arg4[%dma_wait3A_558, %dma_wait3A_559] : memref<100000x128xf32, #tpu.memory_space<hbm>> -> memref<100000x128xf32, #tpu.memory_space<hbm>>
      tpu.wait_indirect_dma semaphore(%arg11 : memref<!tpu.dma_semaphore, #tpu.memory_space<semaphore_mem>>) src(%dma_wait3A_560 : memref<100000x128xf32, #tpu.memory_space<hbm>>) dst(%dma_wait3A_555 : memref<128x128xf32, #tpu.memory_space<vmem>>)
      %dma_wait3A_561 = arith.constant 128 : i32
      %dma_wait3A_562 = arith.constant 0 : i32
      %dma_wait3A_563 = tpu.memref_slice %arg10[%dma_wait3A_561, %dma_wait3A_562] : memref<512x128xf32, #tpu.memory_space<vmem>> -> memref<128x128xf32, #tpu.memory_space<vmem>>
      %dma_wait3A_564 = arith.constant 128 : i32
      %dma_wait3A_565 = tpu.memref_slice %arg9[%dma_wait3A_564] : memref<512xi32, #tpu.memory_space<vmem>> -> memref<128xi32, #tpu.memory_space<vmem>>
      %dma_wait3A_566 = arith.constant 0 : i32
      %dma_wait3A_567 = arith.constant 0 : i32
      %dma_wait3A_568 = tpu.memref_slice %arg4[%dma_wait3A_566, %dma_wait3A_567] : memref<100000x128xf32, #tpu.memory_space<hbm>> -> memref<100000x128xf32, #tpu.memory_space<hbm>>
      tpu.wait_indirect_dma semaphore(%arg11 : memref<!tpu.dma_semaphore, #tpu.memory_space<semaphore_mem>>) src(%dma_wait3A_568 : memref<100000x128xf32, #tpu.memory_space<hbm>>) dst(%dma_wait3A_563 : memref<128x128xf32, #tpu.memory_space<vmem>>)
      %dma_wait3A_569 = arith.constant 256 : i32
      %dma_wait3A_570 = arith.constant 0 : i32
      %dma_wait3A_571 = tpu.memref_slice %arg10[%dma_wait3A_569, %dma_wait3A_570] : memref<512x128xf32, #tpu.memory_space<vmem>> -> memref<128x128xf32, #tpu.memory_space<vmem>>
      %dma_wait3A_572 = arith.constant 256 : i32
      %dma_wait3A_573 = tpu.memref_slice %arg9[%dma_wait3A_572] : memref<512xi32, #tpu.memory_space<vmem>> -> memref<128xi32, #tpu.memory_space<vmem>>
      %dma_wait3A_574 = arith.constant 0 : i32
      %dma_wait3A_575 = arith.constant 0 : i32
      %dma_wait3A_576 = tpu.memref_slice %arg4[%dma_wait3A_574, %dma_wait3A_575] : memref<100000x128xf32, #tpu.memory_space<hbm>> -> memref<100000x128xf32, #tpu.memory_space<hbm>>
      tpu.wait_indirect_dma semaphore(%arg11 : memref<!tpu.dma_semaphore, #tpu.memory_space<semaphore_mem>>) src(%dma_wait3A_576 : memref<100000x128xf32, #tpu.memory_space<hbm>>) dst(%dma_wait3A_571 : memref<128x128xf32, #tpu.memory_space<vmem>>)
      %dma_wait3A_577 = arith.constant 384 : i32
      %dma_wait3A_578 = arith.constant 0 : i32
      %dma_wait3A_579 = tpu.memref_slice %arg10[%dma_wait3A_577, %dma_wait3A_578] : memref<512x128xf32, #tpu.memory_space<vmem>> -> memref<128x128xf32, #tpu.memory_space<vmem>>
      %dma_wait3A_580 = arith.constant 384 : i32
      %dma_wait3A_581 = tpu.memref_slice %arg9[%dma_wait3A_580] : memref<512xi32, #tpu.memory_space<vmem>> -> memref<128xi32, #tpu.memory_space<vmem>>
      %dma_wait3A_582 = arith.constant 0 : i32
      %dma_wait3A_583 = arith.constant 0 : i32
      %dma_wait3A_584 = tpu.memref_slice %arg4[%dma_wait3A_582, %dma_wait3A_583] : memref<100000x128xf32, #tpu.memory_space<hbm>> -> memref<100000x128xf32, #tpu.memory_space<hbm>>
      tpu.wait_indirect_dma semaphore(%arg11 : memref<!tpu.dma_semaphore, #tpu.memory_space<semaphore_mem>>) src(%dma_wait3A_584 : memref<100000x128xf32, #tpu.memory_space<hbm>>) dst(%dma_wait3A_579 : memref<128x128xf32, #tpu.memory_space<vmem>>)
      %mul3A_585 = arith.constant 16 : i32
      %mul3A_586 = arith.muli %mul3A_16, %mul3A_585 : i32
      "tpu.region"() ({
        %run_scoped3A = tpu.sem_alloc : memref<!tpu.dma_semaphore, #tpu.memory_space<semaphore_mem>>
        %dma_start3A_587 = arith.constant 0 : i32
        %dma_start3A_588 = tpu.memref_slice %arg5[%mul3A_586, %dma_start3A_587] : memref<98304x128xf32, #tpu.memory_space<hbm>> -> memref<512x128xf32, #tpu.memory_space<hbm>>
        %dma_start3A_589 = arith.constant 0 : i32
        %dma_start3A_590 = tpu.memref_slice %arg5[%mul3A_586, %dma_start3A_589] : memref<98304x128xf32, #tpu.memory_space<hbm>> -> memref<512x128xf32, #tpu.memory_space<hbm>>
        tpu.enqueue_dma source(%arg10 : memref<512x128xf32, #tpu.memory_space<vmem>>) target(%dma_start3A_590 : memref<512x128xf32, #tpu.memory_space<hbm>>) target_semaphore(%run_scoped3A : memref<!tpu.dma_semaphore, #tpu.memory_space<semaphore_mem>>)
        %dma_wait3A_591 = arith.constant 0 : i32
        %dma_wait3A_592 = tpu.memref_slice %arg5[%mul3A_586, %dma_wait3A_591] : memref<98304x128xf32, #tpu.memory_space<hbm>> -> memref<512x128xf32, #tpu.memory_space<hbm>>
        %dma_wait3A_593 = arith.constant 0 : i32
        %dma_wait3A_594 = tpu.memref_slice %arg5[%mul3A_586, %dma_wait3A_593] : memref<98304x128xf32, #tpu.memory_space<hbm>> -> memref<512x128xf32, #tpu.memory_space<hbm>>
        tpu.wait_dma2 semaphore(%run_scoped3A : memref<!tpu.dma_semaphore, #tpu.memory_space<semaphore_mem>>) src(%arg10 : memref<512x128xf32, #tpu.memory_space<vmem>>) dst(%dma_wait3A_594 : memref<512x128xf32, #tpu.memory_space<hbm>>)
        tpu.yield
      }) : () -> ()
    }
    %scan3A_5 = arith.constant 6 : i32
    return
  }
}

module attributes {stable_mosaic.version = 14 : i64} {
  func.func @_mm1_body(%arg0: i32, %arg1: memref<800x128xf32, #tpu.memory_space<vmem>>, %arg2: memref<5x800x128xf32, #tpu.memory_space<vmem>>, %arg3: memref<800x128xf32, #tpu.memory_space<vmem>>, %arg4: memref<128x128xf32, #tpu.memory_space<vmem>>, %arg5: memref<800x128xf32, #tpu.memory_space<vmem>>) attributes {dimension_semantics = [#tpu.dimension_semantics<arbitrary>], iteration_bounds = array<i64: 25>, scalar_prefetch = 0 : i64, scratch_operands = 0 : i64, tpu.core_type = #tpu.core_type<tc>, window_params = [{transform_indices = @transform_0, window_bounds = array<i64: 800, 128>}, {transform_indices = @transform_1, window_bounds = array<i64: 5, 800, 128>}, {transform_indices = @transform_2, window_bounds = array<i64: 800, 128>}, {pipeline_mode = #tpu.pipeline_mode<synchronous>, transform_indices = @transform_3, window_bounds = array<i64: 128, 128>}, {transform_indices = @transform_4, window_bounds = array<i64: 800, 128>}]} {
    %get3A = arith.constant 0 : index
    %get3A_0 = arith.constant 0 : index
    %get3A_1 = vector.load %arg3[%get3A, %get3A_0] : memref<800x128xf32, #tpu.memory_space<vmem>>, vector<800x128xf32>
    %get3A_2 = arith.constant 0 : index
    %get3A_3 = arith.constant 0 : index
    %get3A_4 = arith.constant 0 : index
    %get3A_5 = vector.load %arg2[%get3A_2, %get3A_3, %get3A_4] : memref<5x800x128xf32, #tpu.memory_space<vmem>>, vector<1x800x128xf32>
    %get3A_6 = vector.shape_cast %get3A_5 : vector<1x800x128xf32> to vector<800x128xf32>
    %add3A = arith.addf %get3A_1, %get3A_6 : vector<800x128xf32>
    %get3A_7 = arith.constant 1 : index
    %get3A_8 = arith.constant 0 : index
    %get3A_9 = arith.constant 0 : index
    %get3A_10 = vector.load %arg2[%get3A_7, %get3A_8, %get3A_9] : memref<5x800x128xf32, #tpu.memory_space<vmem>>, vector<1x800x128xf32>
    %get3A_11 = vector.shape_cast %get3A_10 : vector<1x800x128xf32> to vector<800x128xf32>
    %add3A_12 = arith.addf %add3A, %get3A_11 : vector<800x128xf32>
    %get3A_13 = arith.constant 2 : index
    %get3A_14 = arith.constant 0 : index
    %get3A_15 = arith.constant 0 : index
    %get3A_16 = vector.load %arg2[%get3A_13, %get3A_14, %get3A_15] : memref<5x800x128xf32, #tpu.memory_space<vmem>>, vector<1x800x128xf32>
    %get3A_17 = vector.shape_cast %get3A_16 : vector<1x800x128xf32> to vector<800x128xf32>
    %add3A_18 = arith.addf %add3A_12, %get3A_17 : vector<800x128xf32>
    %get3A_19 = arith.constant 3 : index
    %get3A_20 = arith.constant 0 : index
    %get3A_21 = arith.constant 0 : index
    %get3A_22 = vector.load %arg2[%get3A_19, %get3A_20, %get3A_21] : memref<5x800x128xf32, #tpu.memory_space<vmem>>, vector<1x800x128xf32>
    %get3A_23 = vector.shape_cast %get3A_22 : vector<1x800x128xf32> to vector<800x128xf32>
    %add3A_24 = arith.addf %add3A_18, %get3A_23 : vector<800x128xf32>
    %get3A_25 = arith.constant 4 : index
    %get3A_26 = arith.constant 0 : index
    %get3A_27 = arith.constant 0 : index
    %get3A_28 = vector.load %arg2[%get3A_25, %get3A_26, %get3A_27] : memref<5x800x128xf32, #tpu.memory_space<vmem>>, vector<1x800x128xf32>
    %get3A_29 = vector.shape_cast %get3A_28 : vector<1x800x128xf32> to vector<800x128xf32>
    %add3A_30 = arith.addf %add3A_24, %get3A_29 : vector<800x128xf32>
    %get3A_31 = arith.constant 0 : index
    %get3A_32 = arith.constant 0 : index
    %get3A_33 = vector.load %arg4[%get3A_31, %get3A_32] : memref<128x128xf32, #tpu.memory_space<vmem>>, vector<128x128xf32>
    %dot_general3A = arith.constant dense<0.000000e+00> : vector<800x128xf32>
    %dot_general3A_34 = tpu.matmul %add3A_30, %get3A_33, %dot_general3A {dimension_numbers = #tpu.dot_dimension_numbers<[1], [0], [0], [1], [0, 0, 1, 1], [], []>, transpose_lhs_hint = false} : vector<800x128xf32>, vector<128x128xf32>, vector<800x128xf32> -> vector<800x128xf32>
    %mul3A = arith.constant 0.166666672 : f32
    %mul3A_35 = vector.broadcast %mul3A : f32 to vector<800x128xf32>
    %mul3A_36 = arith.mulf %dot_general3A_34, %mul3A_35 : vector<800x128xf32>
    %ge3A = arith.constant 0.000000e+00 : f32
    %ge3A_37 = vector.broadcast %ge3A : f32 to vector<800x128xf32>
    %ge3A_38 = arith.cmpf oge, %mul3A_36, %ge3A_37 : vector<800x128xf32>
    %mul3A_39 = arith.constant 2.000000e-01 : f32
    %mul3A_40 = vector.broadcast %mul3A_39 : f32 to vector<800x128xf32>
    %mul3A_41 = arith.mulf %mul3A_40, %mul3A_36 : vector<800x128xf32>
    %select_n3A = arith.select %ge3A_38, %mul3A_36, %mul3A_41 : vector<800x128xi1>, vector<800x128xf32>
    %swap3A = arith.constant 0 : index
    %swap3A_42 = arith.constant 0 : index
    %swap3A_43 = vector.load %arg5[%swap3A, %swap3A_42] : memref<800x128xf32, #tpu.memory_space<vmem>>, vector<800x128xf32>
    tpu.vector_store %arg5[%swap3A, %swap3A_42], %select_n3A {strides = array<i32>} : memref<800x128xf32, #tpu.memory_space<vmem>>, vector<800x128xf32>,
    return
  }
  func.func @transform_0(%arg0: i32) -> (i32, i32) {
    %add3A = arith.constant 0 : i32
    %add3A_0 = arith.addi %arg0, %add3A : i32
    %c0_i32 = arith.constant 0 : i32
    %c0_i32_1 = arith.constant 0 : i32
    return %add3A_0, %c0_i32 : i32, i32
  }
  func.func @transform_1(%arg0: i32) -> (i32, i32, i32) {
    %c0_i32 = arith.constant 0 : i32
    %c0_i32_0 = arith.constant 0 : i32
    %c0_i32_1 = arith.constant 0 : i32
    return %c0_i32, %arg0, %c0_i32_0 : i32, i32, i32
  }
  func.func @transform_2(%arg0: i32) -> (i32, i32) {
    %add3A = arith.constant 0 : i32
    %add3A_0 = arith.addi %arg0, %add3A : i32
    %c0_i32 = arith.constant 0 : i32
    %c0_i32_1 = arith.constant 0 : i32
    return %add3A_0, %c0_i32 : i32, i32
  }
  func.func @transform_3(%arg0: i32) -> (i32, i32) {
    %c0_i32 = arith.constant 0 : i32
    %c0_i32_0 = arith.constant 0 : i32
    %c0_i32_1 = arith.constant 0 : i32
    return %c0_i32, %c0_i32_0 : i32, i32
  }
  func.func @transform_4(%arg0: i32) -> (i32, i32) {
    %add3A = arith.constant 0 : i32
    %add3A_0 = arith.addi %arg0, %add3A : i32
    %c0_i32 = arith.constant 0 : i32
    %c0_i32_1 = arith.constant 0 : i32
    return %add3A_0, %c0_i32 : i32, i32
  }
}

module attributes {stable_mosaic.version = 14 : i64} {
  func.func @_mm1_body(%arg0: i32, %arg1: memref<800x128xf32, #tpu.memory_space<vmem>>, %arg2: memref<5x800x128xf32, #tpu.memory_space<vmem>>, %arg3: memref<800x128xf32, #tpu.memory_space<vmem>>, %arg4: memref<128x128xf32, #tpu.memory_space<vmem>>, %arg5: memref<800x128xf32, #tpu.memory_space<vmem>>) attributes {dimension_semantics = [#tpu.dimension_semantics<arbitrary>], iteration_bounds = array<i64: 51>, scalar_prefetch = 0 : i64, scratch_operands = 0 : i64, tpu.core_type = #tpu.core_type<tc>, window_params = [{transform_indices = @transform_0, window_bounds = array<i64: 800, 128>}, {transform_indices = @transform_1, window_bounds = array<i64: 5, 800, 128>}, {transform_indices = @transform_2, window_bounds = array<i64: 800, 128>}, {pipeline_mode = #tpu.pipeline_mode<synchronous>, transform_indices = @transform_3, window_bounds = array<i64: 128, 128>}, {transform_indices = @transform_4, window_bounds = array<i64: 800, 128>}]} {
    %get3A = arith.constant 0 : index
    %get3A_0 = arith.constant 0 : index
    %get3A_1 = vector.load %arg3[%get3A, %get3A_0] : memref<800x128xf32, #tpu.memory_space<vmem>>, vector<800x128xf32>
    %get3A_2 = arith.constant 0 : index
    %get3A_3 = arith.constant 0 : index
    %get3A_4 = arith.constant 0 : index
    %get3A_5 = vector.load %arg2[%get3A_2, %get3A_3, %get3A_4] : memref<5x800x128xf32, #tpu.memory_space<vmem>>, vector<1x800x128xf32>
    %get3A_6 = vector.shape_cast %get3A_5 : vector<1x800x128xf32> to vector<800x128xf32>
    %add3A = arith.addf %get3A_1, %get3A_6 : vector<800x128xf32>
    %get3A_7 = arith.constant 1 : index
    %get3A_8 = arith.constant 0 : index
    %get3A_9 = arith.constant 0 : index
    %get3A_10 = vector.load %arg2[%get3A_7, %get3A_8, %get3A_9] : memref<5x800x128xf32, #tpu.memory_space<vmem>>, vector<1x800x128xf32>
    %get3A_11 = vector.shape_cast %get3A_10 : vector<1x800x128xf32> to vector<800x128xf32>
    %add3A_12 = arith.addf %add3A, %get3A_11 : vector<800x128xf32>
    %get3A_13 = arith.constant 2 : index
    %get3A_14 = arith.constant 0 : index
    %get3A_15 = arith.constant 0 : index
    %get3A_16 = vector.load %arg2[%get3A_13, %get3A_14, %get3A_15] : memref<5x800x128xf32, #tpu.memory_space<vmem>>, vector<1x800x128xf32>
    %get3A_17 = vector.shape_cast %get3A_16 : vector<1x800x128xf32> to vector<800x128xf32>
    %add3A_18 = arith.addf %add3A_12, %get3A_17 : vector<800x128xf32>
    %get3A_19 = arith.constant 3 : index
    %get3A_20 = arith.constant 0 : index
    %get3A_21 = arith.constant 0 : index
    %get3A_22 = vector.load %arg2[%get3A_19, %get3A_20, %get3A_21] : memref<5x800x128xf32, #tpu.memory_space<vmem>>, vector<1x800x128xf32>
    %get3A_23 = vector.shape_cast %get3A_22 : vector<1x800x128xf32> to vector<800x128xf32>
    %add3A_24 = arith.addf %add3A_18, %get3A_23 : vector<800x128xf32>
    %get3A_25 = arith.constant 4 : index
    %get3A_26 = arith.constant 0 : index
    %get3A_27 = arith.constant 0 : index
    %get3A_28 = vector.load %arg2[%get3A_25, %get3A_26, %get3A_27] : memref<5x800x128xf32, #tpu.memory_space<vmem>>, vector<1x800x128xf32>
    %get3A_29 = vector.shape_cast %get3A_28 : vector<1x800x128xf32> to vector<800x128xf32>
    %add3A_30 = arith.addf %add3A_24, %get3A_29 : vector<800x128xf32>
    %get3A_31 = arith.constant 0 : index
    %get3A_32 = arith.constant 0 : index
    %get3A_33 = vector.load %arg4[%get3A_31, %get3A_32] : memref<128x128xf32, #tpu.memory_space<vmem>>, vector<128x128xf32>
    %dot_general3A = arith.constant dense<0.000000e+00> : vector<800x128xf32>
    %dot_general3A_34 = tpu.matmul %add3A_30, %get3A_33, %dot_general3A {dimension_numbers = #tpu.dot_dimension_numbers<[1], [0], [0], [1], [0, 0, 1, 1], [], []>, transpose_lhs_hint = false} : vector<800x128xf32>, vector<128x128xf32>, vector<800x128xf32> -> vector<800x128xf32>
    %mul3A = arith.constant 0.166666672 : f32
    %mul3A_35 = vector.broadcast %mul3A : f32 to vector<800x128xf32>
    %mul3A_36 = arith.mulf %dot_general3A_34, %mul3A_35 : vector<800x128xf32>
    %ge3A = arith.constant 0.000000e+00 : f32
    %ge3A_37 = vector.broadcast %ge3A : f32 to vector<800x128xf32>
    %ge3A_38 = arith.cmpf oge, %mul3A_36, %ge3A_37 : vector<800x128xf32>
    %mul3A_39 = arith.constant 2.000000e-01 : f32
    %mul3A_40 = vector.broadcast %mul3A_39 : f32 to vector<800x128xf32>
    %mul3A_41 = arith.mulf %mul3A_40, %mul3A_36 : vector<800x128xf32>
    %select_n3A = arith.select %ge3A_38, %mul3A_36, %mul3A_41 : vector<800x128xi1>, vector<800x128xf32>
    %swap3A = arith.constant 0 : index
    %swap3A_42 = arith.constant 0 : index
    %swap3A_43 = vector.load %arg5[%swap3A, %swap3A_42] : memref<800x128xf32, #tpu.memory_space<vmem>>, vector<800x128xf32>
    tpu.vector_store %arg5[%swap3A, %swap3A_42], %select_n3A {strides = array<i32>} : memref<800x128xf32, #tpu.memory_space<vmem>>, vector<800x128xf32>,
    return
  }
  func.func @transform_0(%arg0: i32) -> (i32, i32) {
    %add3A = arith.constant 25 : i32
    %add3A_0 = arith.addi %arg0, %add3A : i32
    %c0_i32 = arith.constant 0 : i32
    %c0_i32_1 = arith.constant 0 : i32
    return %add3A_0, %c0_i32 : i32, i32
  }
  func.func @transform_1(%arg0: i32) -> (i32, i32, i32) {
    %c0_i32 = arith.constant 0 : i32
    %c0_i32_0 = arith.constant 0 : i32
    %c0_i32_1 = arith.constant 0 : i32
    return %c0_i32, %arg0, %c0_i32_0 : i32, i32, i32
  }
  func.func @transform_2(%arg0: i32) -> (i32, i32) {
    %add3A = arith.constant 25 : i32
    %add3A_0 = arith.addi %arg0, %add3A : i32
    %c0_i32 = arith.constant 0 : i32
    %c0_i32_1 = arith.constant 0 : i32
    return %add3A_0, %c0_i32 : i32, i32
  }
  func.func @transform_3(%arg0: i32) -> (i32, i32) {
    %c0_i32 = arith.constant 0 : i32
    %c0_i32_0 = arith.constant 0 : i32
    %c0_i32_1 = arith.constant 0 : i32
    return %c0_i32, %c0_i32_0 : i32, i32
  }
  func.func @transform_4(%arg0: i32) -> (i32, i32) {
    %add3A = arith.constant 25 : i32
    %add3A_0 = arith.addi %arg0, %add3A : i32
    %c0_i32 = arith.constant 0 : i32
    %c0_i32_1 = arith.constant 0 : i32
    return %add3A_0, %c0_i32 : i32, i32
  }
}

module attributes {stable_mosaic.version = 14 : i64} {
  func.func @_mm1_body(%arg0: i32, %arg1: memref<800x128xf32, #tpu.memory_space<vmem>>, %arg2: memref<5x800x128xf32, #tpu.memory_space<vmem>>, %arg3: memref<800x128xf32, #tpu.memory_space<vmem>>, %arg4: memref<128x128xf32, #tpu.memory_space<vmem>>, %arg5: memref<800x128xf32, #tpu.memory_space<vmem>>) attributes {dimension_semantics = [#tpu.dimension_semantics<arbitrary>], iteration_bounds = array<i64: 49>, scalar_prefetch = 0 : i64, scratch_operands = 0 : i64, tpu.core_type = #tpu.core_type<tc>, window_params = [{transform_indices = @transform_0, window_bounds = array<i64: 800, 128>}, {transform_indices = @transform_1, window_bounds = array<i64: 5, 800, 128>}, {transform_indices = @transform_2, window_bounds = array<i64: 800, 128>}, {pipeline_mode = #tpu.pipeline_mode<synchronous>, transform_indices = @transform_3, window_bounds = array<i64: 128, 128>}, {transform_indices = @transform_4, window_bounds = array<i64: 800, 128>}]} {
    %get3A = arith.constant 0 : index
    %get3A_0 = arith.constant 0 : index
    %get3A_1 = vector.load %arg3[%get3A, %get3A_0] : memref<800x128xf32, #tpu.memory_space<vmem>>, vector<800x128xf32>
    %get3A_2 = arith.constant 0 : index
    %get3A_3 = arith.constant 0 : index
    %get3A_4 = arith.constant 0 : index
    %get3A_5 = vector.load %arg2[%get3A_2, %get3A_3, %get3A_4] : memref<5x800x128xf32, #tpu.memory_space<vmem>>, vector<1x800x128xf32>
    %get3A_6 = vector.shape_cast %get3A_5 : vector<1x800x128xf32> to vector<800x128xf32>
    %add3A = arith.addf %get3A_1, %get3A_6 : vector<800x128xf32>
    %get3A_7 = arith.constant 1 : index
    %get3A_8 = arith.constant 0 : index
    %get3A_9 = arith.constant 0 : index
    %get3A_10 = vector.load %arg2[%get3A_7, %get3A_8, %get3A_9] : memref<5x800x128xf32, #tpu.memory_space<vmem>>, vector<1x800x128xf32>
    %get3A_11 = vector.shape_cast %get3A_10 : vector<1x800x128xf32> to vector<800x128xf32>
    %add3A_12 = arith.addf %add3A, %get3A_11 : vector<800x128xf32>
    %get3A_13 = arith.constant 2 : index
    %get3A_14 = arith.constant 0 : index
    %get3A_15 = arith.constant 0 : index
    %get3A_16 = vector.load %arg2[%get3A_13, %get3A_14, %get3A_15] : memref<5x800x128xf32, #tpu.memory_space<vmem>>, vector<1x800x128xf32>
    %get3A_17 = vector.shape_cast %get3A_16 : vector<1x800x128xf32> to vector<800x128xf32>
    %add3A_18 = arith.addf %add3A_12, %get3A_17 : vector<800x128xf32>
    %get3A_19 = arith.constant 3 : index
    %get3A_20 = arith.constant 0 : index
    %get3A_21 = arith.constant 0 : index
    %get3A_22 = vector.load %arg2[%get3A_19, %get3A_20, %get3A_21] : memref<5x800x128xf32, #tpu.memory_space<vmem>>, vector<1x800x128xf32>
    %get3A_23 = vector.shape_cast %get3A_22 : vector<1x800x128xf32> to vector<800x128xf32>
    %add3A_24 = arith.addf %add3A_18, %get3A_23 : vector<800x128xf32>
    %get3A_25 = arith.constant 4 : index
    %get3A_26 = arith.constant 0 : index
    %get3A_27 = arith.constant 0 : index
    %get3A_28 = vector.load %arg2[%get3A_25, %get3A_26, %get3A_27] : memref<5x800x128xf32, #tpu.memory_space<vmem>>, vector<1x800x128xf32>
    %get3A_29 = vector.shape_cast %get3A_28 : vector<1x800x128xf32> to vector<800x128xf32>
    %add3A_30 = arith.addf %add3A_24, %get3A_29 : vector<800x128xf32>
    %get3A_31 = arith.constant 0 : index
    %get3A_32 = arith.constant 0 : index
    %get3A_33 = vector.load %arg4[%get3A_31, %get3A_32] : memref<128x128xf32, #tpu.memory_space<vmem>>, vector<128x128xf32>
    %dot_general3A = arith.constant dense<0.000000e+00> : vector<800x128xf32>
    %dot_general3A_34 = tpu.matmul %add3A_30, %get3A_33, %dot_general3A {dimension_numbers = #tpu.dot_dimension_numbers<[1], [0], [0], [1], [0, 0, 1, 1], [], []>, transpose_lhs_hint = false} : vector<800x128xf32>, vector<128x128xf32>, vector<800x128xf32> -> vector<800x128xf32>
    %mul3A = arith.constant 0.166666672 : f32
    %mul3A_35 = vector.broadcast %mul3A : f32 to vector<800x128xf32>
    %mul3A_36 = arith.mulf %dot_general3A_34, %mul3A_35 : vector<800x128xf32>
    %ge3A = arith.constant 0.000000e+00 : f32
    %ge3A_37 = vector.broadcast %ge3A : f32 to vector<800x128xf32>
    %ge3A_38 = arith.cmpf oge, %mul3A_36, %ge3A_37 : vector<800x128xf32>
    %mul3A_39 = arith.constant 2.000000e-01 : f32
    %mul3A_40 = vector.broadcast %mul3A_39 : f32 to vector<800x128xf32>
    %mul3A_41 = arith.mulf %mul3A_40, %mul3A_36 : vector<800x128xf32>
    %select_n3A = arith.select %ge3A_38, %mul3A_36, %mul3A_41 : vector<800x128xi1>, vector<800x128xf32>
    %swap3A = arith.constant 0 : index
    %swap3A_42 = arith.constant 0 : index
    %swap3A_43 = vector.load %arg5[%swap3A, %swap3A_42] : memref<800x128xf32, #tpu.memory_space<vmem>>, vector<800x128xf32>
    tpu.vector_store %arg5[%swap3A, %swap3A_42], %select_n3A {strides = array<i32>} : memref<800x128xf32, #tpu.memory_space<vmem>>, vector<800x128xf32>,
    return
  }
  func.func @transform_0(%arg0: i32) -> (i32, i32) {
    %add3A = arith.constant 76 : i32
    %add3A_0 = arith.addi %arg0, %add3A : i32
    %c0_i32 = arith.constant 0 : i32
    %c0_i32_1 = arith.constant 0 : i32
    return %add3A_0, %c0_i32 : i32, i32
  }
  func.func @transform_1(%arg0: i32) -> (i32, i32, i32) {
    %c0_i32 = arith.constant 0 : i32
    %c0_i32_0 = arith.constant 0 : i32
    %c0_i32_1 = arith.constant 0 : i32
    return %c0_i32, %arg0, %c0_i32_0 : i32, i32, i32
  }
  func.func @transform_2(%arg0: i32) -> (i32, i32) {
    %add3A = arith.constant 76 : i32
    %add3A_0 = arith.addi %arg0, %add3A : i32
    %c0_i32 = arith.constant 0 : i32
    %c0_i32_1 = arith.constant 0 : i32
    return %add3A_0, %c0_i32 : i32, i32
  }
  func.func @transform_3(%arg0: i32) -> (i32, i32) {
    %c0_i32 = arith.constant 0 : i32
    %c0_i32_0 = arith.constant 0 : i32
    %c0_i32_1 = arith.constant 0 : i32
    return %c0_i32, %c0_i32_0 : i32, i32
  }
  func.func @transform_4(%arg0: i32) -> (i32, i32) {
    %add3A = arith.constant 76 : i32
    %add3A_0 = arith.addi %arg0, %add3A : i32
    %c0_i32 = arith.constant 0 : i32
    %c0_i32_1 = arith.constant 0 : i32
    return %add3A_0, %c0_i32 : i32, i32
  }
}

module attributes {stable_mosaic.version = 14 : i64} {
  func.func @_mm2_body(%arg0: i32, %arg1: memref<256x16x128xf32, #tpu.memory_space<vmem>>, %arg2: memref<128x128xf32, #tpu.memory_space<vmem>>, %arg3: memref<128x40xf32, #tpu.memory_space<vmem>>, %arg4: memref<256x40xf32, #tpu.memory_space<vmem>>) attributes {dimension_semantics = [#tpu.dimension_semantics<arbitrary>], iteration_bounds = array<i64: 28>, scalar_prefetch = 0 : i64, scratch_operands = 0 : i64, tpu.core_type = #tpu.core_type<tc>, window_params = [{transform_indices = @transform_0, window_bounds = array<i64: 256, 16, 128>}, {pipeline_mode = #tpu.pipeline_mode<synchronous>, transform_indices = @transform_1, window_bounds = array<i64: 128, 128>}, {pipeline_mode = #tpu.pipeline_mode<synchronous>, transform_indices = @transform_2, window_bounds = array<i64: 128, 40>}, {transform_indices = @transform_3, window_bounds = array<i64: 256, 40>}]} {
    %get3A = arith.constant 0 : index
    %get3A_0 = arith.constant 0 : index
    %get3A_1 = arith.constant 0 : index
    %get3A_2 = vector.load %arg1[%get3A, %get3A_0, %get3A_1] : memref<256x16x128xf32, #tpu.memory_space<vmem>>, vector<256x1x128xf32>
    %get3A_3 = vector.shape_cast %get3A_2 : vector<256x1x128xf32> to vector<256x128xf32>
    %get3A_4 = arith.constant 0 : index
    %get3A_5 = arith.constant 1 : index
    %get3A_6 = arith.constant 0 : index
    %get3A_7 = vector.load %arg1[%get3A_4, %get3A_5, %get3A_6] : memref<256x16x128xf32, #tpu.memory_space<vmem>>, vector<256x1x128xf32>
    %get3A_8 = vector.shape_cast %get3A_7 : vector<256x1x128xf32> to vector<256x128xf32>
    %add3A = arith.addf %get3A_3, %get3A_8 : vector<256x128xf32>
    %get3A_9 = arith.constant 0 : index
    %get3A_10 = arith.constant 2 : index
    %get3A_11 = arith.constant 0 : index
    %get3A_12 = vector.load %arg1[%get3A_9, %get3A_10, %get3A_11] : memref<256x16x128xf32, #tpu.memory_space<vmem>>, vector<256x1x128xf32>
    %get3A_13 = vector.shape_cast %get3A_12 : vector<256x1x128xf32> to vector<256x128xf32>
    %add3A_14 = arith.addf %add3A, %get3A_13 : vector<256x128xf32>
    %get3A_15 = arith.constant 0 : index
    %get3A_16 = arith.constant 3 : index
    %get3A_17 = arith.constant 0 : index
    %get3A_18 = vector.load %arg1[%get3A_15, %get3A_16, %get3A_17] : memref<256x16x128xf32, #tpu.memory_space<vmem>>, vector<256x1x128xf32>
    %get3A_19 = vector.shape_cast %get3A_18 : vector<256x1x128xf32> to vector<256x128xf32>
    %add3A_20 = arith.addf %add3A_14, %get3A_19 : vector<256x128xf32>
    %get3A_21 = arith.constant 0 : index
    %get3A_22 = arith.constant 4 : index
    %get3A_23 = arith.constant 0 : index
    %get3A_24 = vector.load %arg1[%get3A_21, %get3A_22, %get3A_23] : memref<256x16x128xf32, #tpu.memory_space<vmem>>, vector<256x1x128xf32>
    %get3A_25 = vector.shape_cast %get3A_24 : vector<256x1x128xf32> to vector<256x128xf32>
    %add3A_26 = arith.addf %add3A_20, %get3A_25 : vector<256x128xf32>
    %get3A_27 = arith.constant 0 : index
    %get3A_28 = arith.constant 5 : index
    %get3A_29 = arith.constant 0 : index
    %get3A_30 = vector.load %arg1[%get3A_27, %get3A_28, %get3A_29] : memref<256x16x128xf32, #tpu.memory_space<vmem>>, vector<256x1x128xf32>
    %get3A_31 = vector.shape_cast %get3A_30 : vector<256x1x128xf32> to vector<256x128xf32>
    %add3A_32 = arith.addf %add3A_26, %get3A_31 : vector<256x128xf32>
    %get3A_33 = arith.constant 0 : index
    %get3A_34 = arith.constant 6 : index
    %get3A_35 = arith.constant 0 : index
    %get3A_36 = vector.load %arg1[%get3A_33, %get3A_34, %get3A_35] : memref<256x16x128xf32, #tpu.memory_space<vmem>>, vector<256x1x128xf32>
    %get3A_37 = vector.shape_cast %get3A_36 : vector<256x1x128xf32> to vector<256x128xf32>
    %add3A_38 = arith.addf %add3A_32, %get3A_37 : vector<256x128xf32>
    %get3A_39 = arith.constant 0 : index
    %get3A_40 = arith.constant 7 : index
    %get3A_41 = arith.constant 0 : index
    %get3A_42 = vector.load %arg1[%get3A_39, %get3A_40, %get3A_41] : memref<256x16x128xf32, #tpu.memory_space<vmem>>, vector<256x1x128xf32>
    %get3A_43 = vector.shape_cast %get3A_42 : vector<256x1x128xf32> to vector<256x128xf32>
    %add3A_44 = arith.addf %add3A_38, %get3A_43 : vector<256x128xf32>
    %get3A_45 = arith.constant 0 : index
    %get3A_46 = arith.constant 8 : index
    %get3A_47 = arith.constant 0 : index
    %get3A_48 = vector.load %arg1[%get3A_45, %get3A_46, %get3A_47] : memref<256x16x128xf32, #tpu.memory_space<vmem>>, vector<256x1x128xf32>
    %get3A_49 = vector.shape_cast %get3A_48 : vector<256x1x128xf32> to vector<256x128xf32>
    %add3A_50 = arith.addf %add3A_44, %get3A_49 : vector<256x128xf32>
    %get3A_51 = arith.constant 0 : index
    %get3A_52 = arith.constant 9 : index
    %get3A_53 = arith.constant 0 : index
    %get3A_54 = vector.load %arg1[%get3A_51, %get3A_52, %get3A_53] : memref<256x16x128xf32, #tpu.memory_space<vmem>>, vector<256x1x128xf32>
    %get3A_55 = vector.shape_cast %get3A_54 : vector<256x1x128xf32> to vector<256x128xf32>
    %add3A_56 = arith.addf %add3A_50, %get3A_55 : vector<256x128xf32>
    %get3A_57 = arith.constant 0 : index
    %get3A_58 = arith.constant 10 : index
    %get3A_59 = arith.constant 0 : index
    %get3A_60 = vector.load %arg1[%get3A_57, %get3A_58, %get3A_59] : memref<256x16x128xf32, #tpu.memory_space<vmem>>, vector<256x1x128xf32>
    %get3A_61 = vector.shape_cast %get3A_60 : vector<256x1x128xf32> to vector<256x128xf32>
    %add3A_62 = arith.addf %add3A_56, %get3A_61 : vector<256x128xf32>
    %get3A_63 = arith.constant 0 : index
    %get3A_64 = arith.constant 0 : index
    %get3A_65 = vector.load %arg2[%get3A_63, %get3A_64] : memref<128x128xf32, #tpu.memory_space<vmem>>, vector<128x128xf32>
    %dot_general3A = arith.constant dense<0.000000e+00> : vector<256x128xf32>
    %dot_general3A_66 = tpu.matmul %add3A_62, %get3A_65, %dot_general3A {dimension_numbers = #tpu.dot_dimension_numbers<[1], [0], [0], [1], [0, 0, 1, 1], [], []>, transpose_lhs_hint = false} : vector<256x128xf32>, vector<128x128xf32>, vector<256x128xf32> -> vector<256x128xf32>
    %mul3A = arith.constant 0.0909090936 : f32
    %mul3A_67 = vector.broadcast %mul3A : f32 to vector<256x128xf32>
    %mul3A_68 = arith.mulf %dot_general3A_66, %mul3A_67 : vector<256x128xf32>
    %ge3A = arith.constant 0.000000e+00 : f32
    %ge3A_69 = vector.broadcast %ge3A : f32 to vector<256x128xf32>
    %ge3A_70 = arith.cmpf oge, %mul3A_68, %ge3A_69 : vector<256x128xf32>
    %mul3A_71 = arith.constant 2.000000e-01 : f32
    %mul3A_72 = vector.broadcast %mul3A_71 : f32 to vector<256x128xf32>
    %mul3A_73 = arith.mulf %mul3A_72, %mul3A_68 : vector<256x128xf32>
    %select_n3A = arith.select %ge3A_70, %mul3A_68, %mul3A_73 : vector<256x128xi1>, vector<256x128xf32>
    %get3A_74 = arith.constant 0 : index
    %get3A_75 = arith.constant 0 : index
    %get3A_76 = vector.load %arg3[%get3A_74, %get3A_75] : memref<128x40xf32, #tpu.memory_space<vmem>>, vector<128x40xf32>
    %dot_general3A_77 = arith.constant dense<0.000000e+00> : vector<256x40xf32>
    %dot_general3A_78 = tpu.matmul %select_n3A, %get3A_76, %dot_general3A_77 {dimension_numbers = #tpu.dot_dimension_numbers<[1], [0], [0], [1], [0, 0, 1, 1], [], []>, transpose_lhs_hint = false} : vector<256x128xf32>, vector<128x40xf32>, vector<256x40xf32> -> vector<256x40xf32>
    %swap3A = arith.constant 0 : index
    %swap3A_79 = arith.constant 0 : index
    %swap3A_80 = vector.load %arg4[%swap3A, %swap3A_79] : memref<256x40xf32, #tpu.memory_space<vmem>>, vector<256x40xf32>
    tpu.vector_store %arg4[%swap3A, %swap3A_79], %dot_general3A_78 {strides = array<i32>} : memref<256x40xf32, #tpu.memory_space<vmem>>, vector<256x40xf32>,
    return
  }
  func.func @transform_0(%arg0: i32) -> (i32, i32, i32) {
    %c0_i32 = arith.constant 0 : i32
    %c0_i32_0 = arith.constant 0 : i32
    %c0_i32_1 = arith.constant 0 : i32
    return %arg0, %c0_i32, %c0_i32_0 : i32, i32, i32
  }
  func.func @transform_1(%arg0: i32) -> (i32, i32) {
    %c0_i32 = arith.constant 0 : i32
    %c0_i32_0 = arith.constant 0 : i32
    %c0_i32_1 = arith.constant 0 : i32
    return %c0_i32, %c0_i32_0 : i32, i32
  }
  func.func @transform_2(%arg0: i32) -> (i32, i32) {
    %c0_i32 = arith.constant 0 : i32
    %c0_i32_0 = arith.constant 0 : i32
    %c0_i32_1 = arith.constant 0 : i32
    return %c0_i32, %c0_i32_0 : i32, i32
  }
  func.func @transform_3(%arg0: i32) -> (i32, i32) {
    %c0_i32 = arith.constant 0 : i32
    %c0_i32_0 = arith.constant 0 : i32
    return %arg0, %c0_i32 : i32, i32
  }
}

module attributes {stable_mosaic.version = 14 : i64} {
  func.func @_mm2_body(%arg0: i32, %arg1: memref<256x16x128xf32, #tpu.memory_space<vmem>>, %arg2: memref<128x128xf32, #tpu.memory_space<vmem>>, %arg3: memref<128x40xf32, #tpu.memory_space<vmem>>, %arg4: memref<256x40xf32, #tpu.memory_space<vmem>>) attributes {dimension_semantics = [#tpu.dimension_semantics<arbitrary>], iteration_bounds = array<i64: 12>, scalar_prefetch = 0 : i64, scratch_operands = 0 : i64, tpu.core_type = #tpu.core_type<tc>, window_params = [{transform_indices = @transform_0, window_bounds = array<i64: 256, 16, 128>}, {pipeline_mode = #tpu.pipeline_mode<synchronous>, transform_indices = @transform_1, window_bounds = array<i64: 128, 128>}, {pipeline_mode = #tpu.pipeline_mode<synchronous>, transform_indices = @transform_2, window_bounds = array<i64: 128, 40>}, {transform_indices = @transform_3, window_bounds = array<i64: 256, 40>}]} {
    %get3A = arith.constant 0 : index
    %get3A_0 = arith.constant 0 : index
    %get3A_1 = arith.constant 0 : index
    %get3A_2 = vector.load %arg1[%get3A, %get3A_0, %get3A_1] : memref<256x16x128xf32, #tpu.memory_space<vmem>>, vector<256x1x128xf32>
    %get3A_3 = vector.shape_cast %get3A_2 : vector<256x1x128xf32> to vector<256x128xf32>
    %get3A_4 = arith.constant 0 : index
    %get3A_5 = arith.constant 1 : index
    %get3A_6 = arith.constant 0 : index
    %get3A_7 = vector.load %arg1[%get3A_4, %get3A_5, %get3A_6] : memref<256x16x128xf32, #tpu.memory_space<vmem>>, vector<256x1x128xf32>
    %get3A_8 = vector.shape_cast %get3A_7 : vector<256x1x128xf32> to vector<256x128xf32>
    %add3A = arith.addf %get3A_3, %get3A_8 : vector<256x128xf32>
    %get3A_9 = arith.constant 0 : index
    %get3A_10 = arith.constant 2 : index
    %get3A_11 = arith.constant 0 : index
    %get3A_12 = vector.load %arg1[%get3A_9, %get3A_10, %get3A_11] : memref<256x16x128xf32, #tpu.memory_space<vmem>>, vector<256x1x128xf32>
    %get3A_13 = vector.shape_cast %get3A_12 : vector<256x1x128xf32> to vector<256x128xf32>
    %add3A_14 = arith.addf %add3A, %get3A_13 : vector<256x128xf32>
    %get3A_15 = arith.constant 0 : index
    %get3A_16 = arith.constant 3 : index
    %get3A_17 = arith.constant 0 : index
    %get3A_18 = vector.load %arg1[%get3A_15, %get3A_16, %get3A_17] : memref<256x16x128xf32, #tpu.memory_space<vmem>>, vector<256x1x128xf32>
    %get3A_19 = vector.shape_cast %get3A_18 : vector<256x1x128xf32> to vector<256x128xf32>
    %add3A_20 = arith.addf %add3A_14, %get3A_19 : vector<256x128xf32>
    %get3A_21 = arith.constant 0 : index
    %get3A_22 = arith.constant 4 : index
    %get3A_23 = arith.constant 0 : index
    %get3A_24 = vector.load %arg1[%get3A_21, %get3A_22, %get3A_23] : memref<256x16x128xf32, #tpu.memory_space<vmem>>, vector<256x1x128xf32>
    %get3A_25 = vector.shape_cast %get3A_24 : vector<256x1x128xf32> to vector<256x128xf32>
    %add3A_26 = arith.addf %add3A_20, %get3A_25 : vector<256x128xf32>
    %get3A_27 = arith.constant 0 : index
    %get3A_28 = arith.constant 5 : index
    %get3A_29 = arith.constant 0 : index
    %get3A_30 = vector.load %arg1[%get3A_27, %get3A_28, %get3A_29] : memref<256x16x128xf32, #tpu.memory_space<vmem>>, vector<256x1x128xf32>
    %get3A_31 = vector.shape_cast %get3A_30 : vector<256x1x128xf32> to vector<256x128xf32>
    %add3A_32 = arith.addf %add3A_26, %get3A_31 : vector<256x128xf32>
    %get3A_33 = arith.constant 0 : index
    %get3A_34 = arith.constant 6 : index
    %get3A_35 = arith.constant 0 : index
    %get3A_36 = vector.load %arg1[%get3A_33, %get3A_34, %get3A_35] : memref<256x16x128xf32, #tpu.memory_space<vmem>>, vector<256x1x128xf32>
    %get3A_37 = vector.shape_cast %get3A_36 : vector<256x1x128xf32> to vector<256x128xf32>
    %add3A_38 = arith.addf %add3A_32, %get3A_37 : vector<256x128xf32>
    %get3A_39 = arith.constant 0 : index
    %get3A_40 = arith.constant 7 : index
    %get3A_41 = arith.constant 0 : index
    %get3A_42 = vector.load %arg1[%get3A_39, %get3A_40, %get3A_41] : memref<256x16x128xf32, #tpu.memory_space<vmem>>, vector<256x1x128xf32>
    %get3A_43 = vector.shape_cast %get3A_42 : vector<256x1x128xf32> to vector<256x128xf32>
    %add3A_44 = arith.addf %add3A_38, %get3A_43 : vector<256x128xf32>
    %get3A_45 = arith.constant 0 : index
    %get3A_46 = arith.constant 8 : index
    %get3A_47 = arith.constant 0 : index
    %get3A_48 = vector.load %arg1[%get3A_45, %get3A_46, %get3A_47] : memref<256x16x128xf32, #tpu.memory_space<vmem>>, vector<256x1x128xf32>
    %get3A_49 = vector.shape_cast %get3A_48 : vector<256x1x128xf32> to vector<256x128xf32>
    %add3A_50 = arith.addf %add3A_44, %get3A_49 : vector<256x128xf32>
    %get3A_51 = arith.constant 0 : index
    %get3A_52 = arith.constant 9 : index
    %get3A_53 = arith.constant 0 : index
    %get3A_54 = vector.load %arg1[%get3A_51, %get3A_52, %get3A_53] : memref<256x16x128xf32, #tpu.memory_space<vmem>>, vector<256x1x128xf32>
    %get3A_55 = vector.shape_cast %get3A_54 : vector<256x1x128xf32> to vector<256x128xf32>
    %add3A_56 = arith.addf %add3A_50, %get3A_55 : vector<256x128xf32>
    %get3A_57 = arith.constant 0 : index
    %get3A_58 = arith.constant 10 : index
    %get3A_59 = arith.constant 0 : index
    %get3A_60 = vector.load %arg1[%get3A_57, %get3A_58, %get3A_59] : memref<256x16x128xf32, #tpu.memory_space<vmem>>, vector<256x1x128xf32>
    %get3A_61 = vector.shape_cast %get3A_60 : vector<256x1x128xf32> to vector<256x128xf32>
    %add3A_62 = arith.addf %add3A_56, %get3A_61 : vector<256x128xf32>
    %get3A_63 = arith.constant 0 : index
    %get3A_64 = arith.constant 0 : index
    %get3A_65 = vector.load %arg2[%get3A_63, %get3A_64] : memref<128x128xf32, #tpu.memory_space<vmem>>, vector<128x128xf32>
    %dot_general3A = arith.constant dense<0.000000e+00> : vector<256x128xf32>
    %dot_general3A_66 = tpu.matmul %add3A_62, %get3A_65, %dot_general3A {dimension_numbers = #tpu.dot_dimension_numbers<[1], [0], [0], [1], [0, 0, 1, 1], [], []>, transpose_lhs_hint = false} : vector<256x128xf32>, vector<128x128xf32>, vector<256x128xf32> -> vector<256x128xf32>
    %mul3A = arith.constant 0.0909090936 : f32
    %mul3A_67 = vector.broadcast %mul3A : f32 to vector<256x128xf32>
    %mul3A_68 = arith.mulf %dot_general3A_66, %mul3A_67 : vector<256x128xf32>
    %ge3A = arith.constant 0.000000e+00 : f32
    %ge3A_69 = vector.broadcast %ge3A : f32 to vector<256x128xf32>
    %ge3A_70 = arith.cmpf oge, %mul3A_68, %ge3A_69 : vector<256x128xf32>
    %mul3A_71 = arith.constant 2.000000e-01 : f32
    %mul3A_72 = vector.broadcast %mul3A_71 : f32 to vector<256x128xf32>
    %mul3A_73 = arith.mulf %mul3A_72, %mul3A_68 : vector<256x128xf32>
    %select_n3A = arith.select %ge3A_70, %mul3A_68, %mul3A_73 : vector<256x128xi1>, vector<256x128xf32>
    %get3A_74 = arith.constant 0 : index
    %get3A_75 = arith.constant 0 : index
    %get3A_76 = vector.load %arg3[%get3A_74, %get3A_75] : memref<128x40xf32, #tpu.memory_space<vmem>>, vector<128x40xf32>
    %dot_general3A_77 = arith.constant dense<0.000000e+00> : vector<256x40xf32>
    %dot_general3A_78 = tpu.matmul %select_n3A, %get3A_76, %dot_general3A_77 {dimension_numbers = #tpu.dot_dimension_numbers<[1], [0], [0], [1], [0, 0, 1, 1], [], []>, transpose_lhs_hint = false} : vector<256x128xf32>, vector<128x40xf32>, vector<256x40xf32> -> vector<256x40xf32>
    %swap3A = arith.constant 0 : index
    %swap3A_79 = arith.constant 0 : index
    %swap3A_80 = vector.load %arg4[%swap3A, %swap3A_79] : memref<256x40xf32, #tpu.memory_space<vmem>>, vector<256x40xf32>
    tpu.vector_store %arg4[%swap3A, %swap3A_79], %dot_general3A_78 {strides = array<i32>} : memref<256x40xf32, #tpu.memory_space<vmem>>, vector<256x40xf32>,
    return
  }
  func.func @transform_0(%arg0: i32) -> (i32, i32, i32) {
    %c0_i32 = arith.constant 0 : i32
    %c0_i32_0 = arith.constant 0 : i32
    %c0_i32_1 = arith.constant 0 : i32
    return %arg0, %c0_i32, %c0_i32_0 : i32, i32, i32
  }
  func.func @transform_1(%arg0: i32) -> (i32, i32) {
    %c0_i32 = arith.constant 0 : i32
    %c0_i32_0 = arith.constant 0 : i32
    %c0_i32_1 = arith.constant 0 : i32
    return %c0_i32, %c0_i32_0 : i32, i32
  }
  func.func @transform_2(%arg0: i32) -> (i32, i32) {
    %c0_i32 = arith.constant 0 : i32
    %c0_i32_0 = arith.constant 0 : i32
    %c0_i32_1 = arith.constant 0 : i32
    return %c0_i32, %c0_i32_0 : i32, i32
  }
  func.func @transform_3(%arg0: i32) -> (i32, i32) {
    %c0_i32 = arith.constant 0 : i32
    %c0_i32_0 = arith.constant 0 : i32
    return %arg0, %c0_i32 : i32, i32
  }
}

module attributes {stable_mosaic.version = 14 : i64} {
  func.func @_mm2_body(%arg0: i32, %arg1: memref<256x16x128xf32, #tpu.memory_space<vmem>>, %arg2: memref<128x128xf32, #tpu.memory_space<vmem>>, %arg3: memref<128x40xf32, #tpu.memory_space<vmem>>, %arg4: memref<256x40xf32, #tpu.memory_space<vmem>>) attributes {dimension_semantics = [#tpu.dimension_semantics<arbitrary>], iteration_bounds = array<i64: 24>, scalar_prefetch = 0 : i64, scratch_operands = 0 : i64, tpu.core_type = #tpu.core_type<tc>, window_params = [{transform_indices = @transform_0, window_bounds = array<i64: 256, 16, 128>}, {pipeline_mode = #tpu.pipeline_mode<synchronous>, transform_indices = @transform_1, window_bounds = array<i64: 128, 128>}, {pipeline_mode = #tpu.pipeline_mode<synchronous>, transform_indices = @transform_2, window_bounds = array<i64: 128, 40>}, {transform_indices = @transform_3, window_bounds = array<i64: 256, 40>}]} {
    %get3A = arith.constant 0 : index
    %get3A_0 = arith.constant 0 : index
    %get3A_1 = arith.constant 0 : index
    %get3A_2 = vector.load %arg1[%get3A, %get3A_0, %get3A_1] : memref<256x16x128xf32, #tpu.memory_space<vmem>>, vector<256x1x128xf32>
    %get3A_3 = vector.shape_cast %get3A_2 : vector<256x1x128xf32> to vector<256x128xf32>
    %get3A_4 = arith.constant 0 : index
    %get3A_5 = arith.constant 1 : index
    %get3A_6 = arith.constant 0 : index
    %get3A_7 = vector.load %arg1[%get3A_4, %get3A_5, %get3A_6] : memref<256x16x128xf32, #tpu.memory_space<vmem>>, vector<256x1x128xf32>
    %get3A_8 = vector.shape_cast %get3A_7 : vector<256x1x128xf32> to vector<256x128xf32>
    %add3A = arith.addf %get3A_3, %get3A_8 : vector<256x128xf32>
    %get3A_9 = arith.constant 0 : index
    %get3A_10 = arith.constant 2 : index
    %get3A_11 = arith.constant 0 : index
    %get3A_12 = vector.load %arg1[%get3A_9, %get3A_10, %get3A_11] : memref<256x16x128xf32, #tpu.memory_space<vmem>>, vector<256x1x128xf32>
    %get3A_13 = vector.shape_cast %get3A_12 : vector<256x1x128xf32> to vector<256x128xf32>
    %add3A_14 = arith.addf %add3A, %get3A_13 : vector<256x128xf32>
    %get3A_15 = arith.constant 0 : index
    %get3A_16 = arith.constant 3 : index
    %get3A_17 = arith.constant 0 : index
    %get3A_18 = vector.load %arg1[%get3A_15, %get3A_16, %get3A_17] : memref<256x16x128xf32, #tpu.memory_space<vmem>>, vector<256x1x128xf32>
    %get3A_19 = vector.shape_cast %get3A_18 : vector<256x1x128xf32> to vector<256x128xf32>
    %add3A_20 = arith.addf %add3A_14, %get3A_19 : vector<256x128xf32>
    %get3A_21 = arith.constant 0 : index
    %get3A_22 = arith.constant 4 : index
    %get3A_23 = arith.constant 0 : index
    %get3A_24 = vector.load %arg1[%get3A_21, %get3A_22, %get3A_23] : memref<256x16x128xf32, #tpu.memory_space<vmem>>, vector<256x1x128xf32>
    %get3A_25 = vector.shape_cast %get3A_24 : vector<256x1x128xf32> to vector<256x128xf32>
    %add3A_26 = arith.addf %add3A_20, %get3A_25 : vector<256x128xf32>
    %get3A_27 = arith.constant 0 : index
    %get3A_28 = arith.constant 5 : index
    %get3A_29 = arith.constant 0 : index
    %get3A_30 = vector.load %arg1[%get3A_27, %get3A_28, %get3A_29] : memref<256x16x128xf32, #tpu.memory_space<vmem>>, vector<256x1x128xf32>
    %get3A_31 = vector.shape_cast %get3A_30 : vector<256x1x128xf32> to vector<256x128xf32>
    %add3A_32 = arith.addf %add3A_26, %get3A_31 : vector<256x128xf32>
    %get3A_33 = arith.constant 0 : index
    %get3A_34 = arith.constant 6 : index
    %get3A_35 = arith.constant 0 : index
    %get3A_36 = vector.load %arg1[%get3A_33, %get3A_34, %get3A_35] : memref<256x16x128xf32, #tpu.memory_space<vmem>>, vector<256x1x128xf32>
    %get3A_37 = vector.shape_cast %get3A_36 : vector<256x1x128xf32> to vector<256x128xf32>
    %add3A_38 = arith.addf %add3A_32, %get3A_37 : vector<256x128xf32>
    %get3A_39 = arith.constant 0 : index
    %get3A_40 = arith.constant 7 : index
    %get3A_41 = arith.constant 0 : index
    %get3A_42 = vector.load %arg1[%get3A_39, %get3A_40, %get3A_41] : memref<256x16x128xf32, #tpu.memory_space<vmem>>, vector<256x1x128xf32>
    %get3A_43 = vector.shape_cast %get3A_42 : vector<256x1x128xf32> to vector<256x128xf32>
    %add3A_44 = arith.addf %add3A_38, %get3A_43 : vector<256x128xf32>
    %get3A_45 = arith.constant 0 : index
    %get3A_46 = arith.constant 8 : index
    %get3A_47 = arith.constant 0 : index
    %get3A_48 = vector.load %arg1[%get3A_45, %get3A_46, %get3A_47] : memref<256x16x128xf32, #tpu.memory_space<vmem>>, vector<256x1x128xf32>
    %get3A_49 = vector.shape_cast %get3A_48 : vector<256x1x128xf32> to vector<256x128xf32>
    %add3A_50 = arith.addf %add3A_44, %get3A_49 : vector<256x128xf32>
    %get3A_51 = arith.constant 0 : index
    %get3A_52 = arith.constant 9 : index
    %get3A_53 = arith.constant 0 : index
    %get3A_54 = vector.load %arg1[%get3A_51, %get3A_52, %get3A_53] : memref<256x16x128xf32, #tpu.memory_space<vmem>>, vector<256x1x128xf32>
    %get3A_55 = vector.shape_cast %get3A_54 : vector<256x1x128xf32> to vector<256x128xf32>
    %add3A_56 = arith.addf %add3A_50, %get3A_55 : vector<256x128xf32>
    %get3A_57 = arith.constant 0 : index
    %get3A_58 = arith.constant 10 : index
    %get3A_59 = arith.constant 0 : index
    %get3A_60 = vector.load %arg1[%get3A_57, %get3A_58, %get3A_59] : memref<256x16x128xf32, #tpu.memory_space<vmem>>, vector<256x1x128xf32>
    %get3A_61 = vector.shape_cast %get3A_60 : vector<256x1x128xf32> to vector<256x128xf32>
    %add3A_62 = arith.addf %add3A_56, %get3A_61 : vector<256x128xf32>
    %get3A_63 = arith.constant 0 : index
    %get3A_64 = arith.constant 0 : index
    %get3A_65 = vector.load %arg2[%get3A_63, %get3A_64] : memref<128x128xf32, #tpu.memory_space<vmem>>, vector<128x128xf32>
    %dot_general3A = arith.constant dense<0.000000e+00> : vector<256x128xf32>
    %dot_general3A_66 = tpu.matmul %add3A_62, %get3A_65, %dot_general3A {dimension_numbers = #tpu.dot_dimension_numbers<[1], [0], [0], [1], [0, 0, 1, 1], [], []>, transpose_lhs_hint = false} : vector<256x128xf32>, vector<128x128xf32>, vector<256x128xf32> -> vector<256x128xf32>
    %mul3A = arith.constant 0.0909090936 : f32
    %mul3A_67 = vector.broadcast %mul3A : f32 to vector<256x128xf32>
    %mul3A_68 = arith.mulf %dot_general3A_66, %mul3A_67 : vector<256x128xf32>
    %ge3A = arith.constant 0.000000e+00 : f32
    %ge3A_69 = vector.broadcast %ge3A : f32 to vector<256x128xf32>
    %ge3A_70 = arith.cmpf oge, %mul3A_68, %ge3A_69 : vector<256x128xf32>
    %mul3A_71 = arith.constant 2.000000e-01 : f32
    %mul3A_72 = vector.broadcast %mul3A_71 : f32 to vector<256x128xf32>
    %mul3A_73 = arith.mulf %mul3A_72, %mul3A_68 : vector<256x128xf32>
    %select_n3A = arith.select %ge3A_70, %mul3A_68, %mul3A_73 : vector<256x128xi1>, vector<256x128xf32>
    %get3A_74 = arith.constant 0 : index
    %get3A_75 = arith.constant 0 : index
    %get3A_76 = vector.load %arg3[%get3A_74, %get3A_75] : memref<128x40xf32, #tpu.memory_space<vmem>>, vector<128x40xf32>
    %dot_general3A_77 = arith.constant dense<0.000000e+00> : vector<256x40xf32>
    %dot_general3A_78 = tpu.matmul %select_n3A, %get3A_76, %dot_general3A_77 {dimension_numbers = #tpu.dot_dimension_numbers<[1], [0], [0], [1], [0, 0, 1, 1], [], []>, transpose_lhs_hint = false} : vector<256x128xf32>, vector<128x40xf32>, vector<256x40xf32> -> vector<256x40xf32>
    %swap3A = arith.constant 0 : index
    %swap3A_79 = arith.constant 0 : index
    %swap3A_80 = vector.load %arg4[%swap3A, %swap3A_79] : memref<256x40xf32, #tpu.memory_space<vmem>>, vector<256x40xf32>
    tpu.vector_store %arg4[%swap3A, %swap3A_79], %dot_general3A_78 {strides = array<i32>} : memref<256x40xf32, #tpu.memory_space<vmem>>, vector<256x40xf32>,
    return
  }
  func.func @transform_0(%arg0: i32) -> (i32, i32, i32) {
    %c0_i32 = arith.constant 0 : i32
    %c0_i32_0 = arith.constant 0 : i32
    %c0_i32_1 = arith.constant 0 : i32
    return %arg0, %c0_i32, %c0_i32_0 : i32, i32, i32
  }
  func.func @transform_1(%arg0: i32) -> (i32, i32) {
    %c0_i32 = arith.constant 0 : i32
    %c0_i32_0 = arith.constant 0 : i32
    %c0_i32_1 = arith.constant 0 : i32
    return %c0_i32, %c0_i32_0 : i32, i32
  }
  func.func @transform_2(%arg0: i32) -> (i32, i32) {
    %c0_i32 = arith.constant 0 : i32
    %c0_i32_0 = arith.constant 0 : i32
    %c0_i32_1 = arith.constant 0 : i32
    return %c0_i32, %c0_i32_0 : i32, i32
  }
  func.func @transform_3(%arg0: i32) -> (i32, i32) {
    %c0_i32 = arith.constant 0 : i32
    %c0_i32_0 = arith.constant 0 : i32
    return %arg0, %c0_i32 : i32, i32
  }
}

</mosaic_0001>

<sc_bundles>
// kernel: kernel.14.cloned.1.call-start
scs
__scs_entry_jumppad:
0x0: {  	(pc) =	sbr.rel $0x88, $3  }
0x1: {  	(tag) =	ssettag $0x0;
	lr =	simm.s32 $0x1  }
0x2: {  	[smem:$0x3F9A] =	sst lr;
	_ =	strace $0xD0000000  }
0x3: {  	_ = 	snop  }
0x4: {  	_ = 	snop  }
0x5: {  	_ = 	snop  }
0x6: {  	_ = 	snop  }
0x7: {  	_ = 	snop  }
__scs_overlays_trampoline_lowered:
0x8: {  	[smem:$0x3FA9] =	sst s0  }
0x9: {  	[smem:$0x3FAA] =	sst s1  }
0xa: {  	[smem:$0x3FAB] =	sst s2  }
0xb: {  	[smem:$0x3FAC] =	sst s3  }
0xc: {  	[smem:$0x3FAD] =	sst s4  }
0xd: {  	[smem:$0x3FAE] =	sst s5  }
0xe: {  	[smem:$0x3FAF] =	sst s6  }
0xf: {  	[smem:$0x3FB0] =	sst s7  }
0x10: {  	[smem:$0x3FB1] =	sst s8  }
0x11: {  	[smem:$0x3FB2] =	sst s9;
	s0 =	simm.s32 @!p0 $0x0  }
0x12: {  	s1 =	sld [smem:$0x3F98];
	s0 =	simm.s32 @p0 $0x1  }
0x13: {  	[smem:$0x3FB3] =	sst s0;
	s0 =	simm.s32 @!p1 $0x0  }
0x14: {  	s2 =	sld [smem:$0x3F97];
	s0 =	simm.s32 @p1 $0x1  }
0x15: {  	[smem:$0x3FB4] =	sst s0;
	s0 =	simm.s32 @!p2 $0x0  }
0x16: {  	s3 =	sld [smem:$0x3FDB];
	s0 =	simm.s32 @p2 $0x1  }
0x17: {  	s4 =	simm.s32 $0x1BF5;
	[smem:$0x3FB6] =	sst s0  }
0x18: {  	s0 =	sld [smem:$0x3F99];
	_ =	swait.ge [sflag:s4], $0x0  }
0x19: {  	s7 =	sld [smem:$0x3F9A]  }
0x1a: {  	s8 =	sadd.s32 $0xFFFFE003, lr  }
0x1b: {  	s9 =	sadd.s32 $0xFFFFFEF7, lr;
	s5 =	simm.s32 $0xFFFFFFFF;
	p2 =	slt.u32 s8, $0xFFFFF086  }
0x1c: {  	p1 =	slt.u32 s9, $0xF7A;
	s5 =	simm.s32 @!p2 $0x0  }
0x1d: {  	s5 =	simm.s32 @p1 $0x1;
	p0 =	seq.s32 s7, s2  }
0x1e: {  	s7 =	smul.u32 @!p0 $0xF7A, s2;
	p2 =	seq.s32 @!p0 s5, $0x0  }
0x1f: {  	s9 =	smul.u32 $0xF7A, s1;
	s8 =	simm.s32 @!p0 $0x1BF5;
	p2 =	por !p2, p0  }
0x20: {  	[sflag:s8] =	ssyncset.s32 @!p0 $0xFFFFF086;
	s6 =	sadd.s32 @!p0 s3, s7;
	s7 =	simm.s32 @!p0 $0x108  }
0x21: {  	s3 =	sadd.s32 s3, s9;
	s6 =	sadd.s32 @!p0 $0x88, s6;
	s7 =	simm.s32 @p2 $0x1082  }
0x22: {  	[simem:s7], [sflag:s8] =	dma.local @!p0 [hbm:s6], $0xF7A  }
0x23: {  	s9 =	sor.u32 $0xD0000000, s2;
	s6 =	simm.s32 $0x108;
	_ =	swait.ge @!p0 [sflag:s8], $0x0  }
0x24: {  	s3 =	sadd.s32 $0x88, s3;
	s6 =	simm.s32 @!p1 $0x1082;
	[sflag:s4] =	ssyncset.s32 $0xFFFFF086  }
0x25: {  	[simem:s6], [sflag:s4] =	dma.local [hbm:s3], $0xF7A  }
0x26: {  	[smem:$0x3F9A] =	sst s1;
	(tag) =	ssettag s2;
	_ =	strace s9  }
0x27: {  	s1 =	sld [smem:$0x3FAA]  }
0x28: {  	s2 =	sld [smem:$0x3FAB]  }
0x29: {  	s4 =	sld [smem:$0x3FAD]  }
0x2a: {  	p0 =	seq.s32 s5, $0x0;
	s5 =	sld [smem:$0x3FAE]  }
0x2b: {  	s6 =	sld [smem:$0x3FAF]  }
0x2c: {  	s7 =	sld [smem:$0x3FB0]  }
0x2d: {  	s3 =	simm.s32 $0x108;
	s8 =	sld [smem:$0x3FB1]  }
0x2e: {  	s3 =	simm.s32 @!p0 $0x1082;
	s9 =	sld [smem:$0x3FB2]  }
0x2f: {  	lr =	sadd.s32 s0, s3;
	s0 =	sld [smem:$0x3FA9]  }
0x30: {  	s3 =	sld [smem:$0x3FAC]  }
0x31: {  	[smem:$0x3FB5] =	sst s10  }
0x32: {  	s10 =	sld [smem:$0x3FB3];
	_ =	sdelay $0x3  }
0x33: {  	p0 =	seq.s32 s10, $0x1;
	s10 =	sld [smem:$0x3FB5];
	_ =	sdelay $0x3  }
0x34: {  	[smem:$0x3FB5] =	sst s10  }
0x35: {  	s10 =	sld [smem:$0x3FB4];
	_ =	sdelay $0x3  }
0x36: {  	p1 =	seq.s32 s10, $0x1;
	s10 =	sld [smem:$0x3FB5];
	_ =	sdelay $0x3  }
0x37: {  	[smem:$0x3FB5] =	sst s10  }
0x38: {  	s10 =	sld [smem:$0x3FB6]  }
0x39: {  	_ = 	snop;
	(pc) =	sbr.ind lr, $3  }
0x3a: {  	_ = 	snop  }
0x3b: {  	_ = 	snop  }
0x3c: {  	p2 =	seq.s32 s10, $0x1;
	s10 =	sld [smem:$0x3FB5]  }
0x3d: {  	_ =	shalt  }
0x3e: {  	_ =	shalt  }
0x3f: {  	_ =	shalt  }
0x40: {  	_ =	shalt  }
0x41: {  	_ =	shalt  }
0x42: {  	_ =	shalt  }
0x43: {  	_ =	shalt  }
0x44: {  	_ =	shalt  }
0x45: {  	_ =	shalt  }
0x46: {  	_ =	shalt  }
0x47: {  	_ =	shalt  }
0x48: {  	_ =	shalt  }
0x49: {  	_ =	shalt  }
0x4a: {  	_ =	shalt  }
0x4b: {  	_ =	shalt  }
0x4c: {  	_ =	shalt  }
0x4d: {  	_ =	shalt  }
0x4e: {  	_ =	shalt  }
0x4f: {  	_ =	shalt  }
0x50: {  	_ =	shalt  }
0x51: {  	_ =	shalt  }
0x52: {  	_ =	shalt  }
0x53: {  	_ =	shalt  }
0x54: {  	_ =	shalt  }
0x55: {  	_ =	shalt  }
0x56: {  	_ =	shalt  }
0x57: {  	_ =	shalt  }
0x58: {  	_ =	shalt  }
0x59: {  	_ =	shalt  }
0x5a: {  	_ =	shalt  }
0x5b: {  	_ =	shalt  }
0x5c: {  	_ =	shalt  }
0x5d: {  	_ =	shalt  }
0x5e: {  	_ =	shalt  }
0x5f: {  	_ =	shalt  }
0x60: {  	_ =	shalt  }
0x61: {  	_ =	shalt  }
0x62: {  	_ =	shalt  }
0x63: {  	_ =	shalt  }
0x64: {  	_ =	shalt  }
0x65: {  	_ =	shalt  }
0x66: {  	_ =	shalt  }
0x67: {  	_ =	shalt  }
0x68: {  	_ =	shalt  }
0x69: {  	_ =	shalt  }
0x6a: {  	_ =	shalt  }
0x6b: {  	_ =	shalt  }
0x6c: {  	_ =	shalt  }
0x6d: {  	_ =	shalt  }
0x6e: {  	_ =	shalt  }
0x6f: {  	_ =	shalt  }
0x70: {  	_ =	shalt  }
0x71: {  	_ =	shalt  }
0x72: {  	_ =	shalt  }
0x73: {  	_ =	shalt  }
0x74: {  	_ =	shalt  }
0x75: {  	_ =	shalt  }
0x76: {  	_ =	shalt  }
0x77: {  	_ =	shalt  }
0x78: {  	_ =	shalt  }
0x79: {  	_ =	shalt  }
0x7a: {  	_ =	shalt  }
0x7b: {  	_ =	shalt  }
0x7c: {  	_ =	shalt  }
0x7d: {  	_ =	shalt  }
0x7e: {  	_ =	shalt  }
0x7f: {  	_ =	shalt  }
0x80: {  	_ =	shalt  }
0x81: {  	_ =	shalt  }
0x82: {  	_ =	shalt  }
0x83: {  	_ =	shalt  }
0x84: {  	_ =	shalt  }
0x85: {  	_ =	shalt  }
0x86: {  	_ =	shalt  }
0x87: {  	_ =	shalt  }
.Lfunc_end0:
.L_simem_size_0:
called_computation_lowered:
.L_overlay_start_0:
0x88: {  	s2 =	sld [smem:$0x3FD9]  }
0x89: {  	s3 =	sld [smem:$0x3FFE];
	_ =	sdelay $0x1  }
0x8a: {  	s1 =	srdreg.scid  }
0x8b: {  	s0 =	sand.u32 $0x1, s1  }
0x8c: {  	s17 =	sshll.u32 s0, $0xA;
	s2 =	sadd.s32 s3, s2  }
0x8d: {  	s2 =	sadd.s32 s2, s17  }
0x8e: {  	[smem:$0x3FC1] =	sst s2  }
0x8f: {  	_ = 	snop  }
0x90: {  	s2 =	sld [smem:$0x3FC6]  }
0x91: {  	s18 =	sld [smem:$0x3FD0];
	(tm) =	ssettm $0x1  }
0x92: {  	s4 =	sld [smem:$0x3FFB];
	_ =	sdelay $0x3  }
0x93: {  	_ =	strace s4  }
0x94: {  	s4 =	sld [smem:$0x3FFC];
	_ =	sdelay $0x3  }
0x95: {  	_ =	strace s4  }
0x96: {  	s4 =	sld [smem:$0x3FFD];
	_ =	sdelay $0x3  }
0x97: {  	_ =	strace s4  }
0x98: {  	_ =	strace $0x8FFFFFFF  }
0x99: {  	s19 =	sld [smem:$0x3FDB];
	_ =	sdelay $0x1  }
0x9a: {  	s5 =	simm.s32 $_scs_section_size  }
0x9b: {  	s6 =	simm.s32 $_size__tile_overlayer_lowered;
	s7 =	simm.s32 $_tile_overlayer_lowered  }
0x9c: {  	s22 =	simm.s32 $0x1BFF;
	s21 =	sshll.u32 s7, $0x1;
	s4 =	sadd.s32 s5, s19  }
0x9d: {  	s8 =	simm.s32 $0x0;
	s20 =	sshll.u32 s6, $0x1;
	s6 =	sadd.s32 s21, s4  }
0x9e: {  	[timem:s8], [sflag:s22] =	dma.local [hbm:s6], s20  }
0x9f: {  	_ =	swait.ge [sflag:s22], s20  }
0xa0: {  	s5 =	ssub.s32 $0x0, s20;
	[sflag:s22] =	ssyncset.done $0x0  }
0xa1: {  	[sflag:s22] =	ssyncadd.s32 s5;
	_ =	sdelay $0x1  }
0xa2: {  	s23 =	simm.s32 $0x1B8B  }
0xa3: {  	_ =	swait.ge [sflag:s23], $0x1  }
0xa4: {  	[sflag:s23] =	ssyncset.done $0x0  }
0xa5: {  	s25 =	simm.s32 $0x1B8E;
	s24 =	sld [smem:$0x3FFE];
	[sflag:s23] =	ssyncadd.s32 $0xFFFFFFFF  }
0xa6: {  	s26 =	simm.s32 $execute0_lowered;
	[smem:$0x3FD2] =	sst s25  }
0xa7: {  	s6 =	sshll.u32 s26, $0x1;
	_ =	strace $0x80000046;
	[dreg:$0x1] =	wrdreg $0xFFFFFFFF  }
0xa8: {  	s28 =	simm.s32 $_size_execute0_lowered;
	s4 =	sadd.s32 s4, s6;
	[dreg:$0x0] =	wrdreg $0x0  }
0xa9: {  	s6 =	sshll.u32 s28, $0x1;
	[dreg:$0x2] =	wrdreg s4  }
0xaa: {  	[dreg:$0x3] =	wrdreg s6  }
0xab: {  	[dreg:$0x4] =	wrdreg $0xC0  }
0xac: {  	_ =	task [dreg:s8], $0x5FFFF  }
0xad: {  	[dreg:$0x1] =	wrdreg $0xFFFFFFFF  }
0xae: {  	[dreg:$0x0] =	wrdreg $0x60  }
0xaf: {  	[dreg:$0x2] =	wrdreg s18  }
0xb0: {  	[dreg:$0x3] =	wrdreg s2  }
0xb1: {  	[dreg:$0x4] =	wrdreg s24  }
0xb2: {  	[dreg:$0x5] =	wrdreg $0x9  }
0xb3: {  	_ =	task.clear_ibuf [dreg:s8], $0x6FFFF;
	_ =	strace $0x90000046  }
0xb4: {  	s29 =	simm.s32 $0x9;
	_ =	strace $0x80000048  }
0xb5: {  	_ =	swait.ge [sflag:s29], $0x1  }
0xb6: {  	[sflag:s29] =	ssyncadd.s32 $0xFFFFFFFF  }
0xb7: {  	_ =	strace $0x90000048  }
0xb8: {  	_ =	sfence  }
0xb9: {  	s30 =	sld [smem:$0x0];
	_ =	sdelay $0x2  }
0xba: {  	s31 =	sshll.u32 s1, $0xD;
	s1 =	sshrl.u32 s1, $0x2  }
0xbb: {  	s3 =	sand.u32 $0x4000, s31;
	s1 =	sadd.s32 s1, s30  }
0xbc: {  	s0 =	sor.u32 s3, s0;
	s1 =	sshll.u32 s1, $0x11  }
0xbd: {  	s0 =	sor.u32 s1, s0  }
0xbe: {  	s0 =	sadd.s32 $0x8F2B, s0  }
0xbf: {  	[sflag:s0] =	ssyncadd.remote.s32 $0x1  }
0xc0: {  	_ =	sfence.sel $0xFFFF  }
0xc1: {  	[dreg:$0x0] =	wrdreg $0xFFFFFFFF;
	(pc) =	sbr.abs _section_cstart, $3  }
0xc2: {  	[dreg:$0x1] =	wrdreg $0xFFFFFFFF  }
0xc3: {  	_ =	task.clear_ibuf [dreg:s8], $0x2FFFF;
	_ =	strace $0x9FFFFFFF  }
0xc4: {  	(tm) =	ssettm $0x7FFFFFFF  }
0xc5: {  	_ =	shalt  }
tec
execute0_lowered:
.L_overlay_start_1:
0x0: {  	(tag) =	ssettag $0x1  }
0x1: {  	s0 =	rddreg [dreg:$0x0]  }
0x2: {  	s2 =	rddreg [dreg:$0x1]  }
0x3: {  	s1 =	rddreg [dreg:$0x2];
	s14 =	stileid.u32  }
0x4: {  	s4 =	srdreg.scid;
	s5 =	smul.u32 $0x140, s14  }
0x5: {  	s3 =	simm.s32 $0x0;
	s28 =	simm.s32 $0xF380;
	s12 =	smul.u32 $0xA000, s14  }
0x6: {  	s29 =	simm.s32 $0x14380;
	s4 =	sand.u32 $0x1, s4;
	s20 =	smul.u32 $0x1400, s14  }
0x7: {  	s30 =	simm.s32 $0x0;
	[smem:$0x7FF] =	sst s3;
	s6 =	smul.u32 $0xA0, s4  }
0x8: {  	s10 =	sadd.s32 $0x1E00, s1;
	s11 =	sshll.u32 s14, $0x1;
	s13 =	smul.u32 $0x5000, s4  }
0x9: {  	_ =	strace $0x80000047;
	s7 =	ssub.s32 $0x2, s4;
	s21 =	smul.u32 $0xA00, s4  }
0xa: {  	s15 =	sor.u32 s4, s11;
	s16 =	sshrl.u32 s7, $0x1;
	s9 =	sadd.s32 s6, s5  }
0xb: {  	s1 =	ssub.s32 s7, s16;
	s12 =	sadd.s32 s13, s12;
	s16 =	simm.s32 $0xA0  }
0xc: {  	s5 =	sshrl.u32 s9, $0x3;
	s1 =	smax.u32 s1, $0x1;
	s17 =	sadd.s32 $0x61A80, s9  }
0xd: {  	s6 =	sadd.s32 $0x493E0, s9;
	s8 =	sadd.s32 $0x30D40, s9;
	s9 =	sadd.s32 $0x186A0, s9  }
0xe: {  	s22 =	sadd.s32 $0x9C4000, s12;
	s25 =	sadd.s32 $0x753000, s12;
	s26 =	sadd.s32 $0x4E2000, s12  }
0xf: {  	s12 =	sadd.s32 $0x271000, s12;
	[dreg:$0x4] =	wrdreg s1;
	s5 =	sadd.s32 s5, s0  }
0x10: {  	s1 =	sshrl.u32 s17, $0x3;
	s18 =	sshrl.u32 s6, $0x3;
	s19 =	sshrl.u32 s8, $0x3  }
0x11: {  	s9 =	sshrl.u32 s9, $0x3;
	s14 =	sshrl.u32 s22, $0x3;
	s12 =	sshrl.u32 s12, $0x3  }
0x12: {  	s17 =	simm.s32 $0x140;
	s22 =	simm.s32 $0x380;
	s6 =	sadd.s32 s1, s0  }
0x13: {  	s7 =	sadd.s32 s18, s0;
	s8 =	sadd.s32 s19, s0;
	s1 =	sadd.s32 s20, s10  }
0x14: {  	s9 =	sadd.s32 s9, s0;
	s24 =	sadd.s32 s14, s10;
	s0 =	sshrl.u32 s25, $0x3  }
0x15: {  	s18 =	simm.s32 $0x1E0;
	s19 =	simm.s32 $0x280;
	s20 =	simm.s32 $0x1  }
.Ltmp0:
0x16: {  	s25 =	simm.s32 $0x5380;
	s23 =	sadd.s32 s21, s1;
	(pc) =	sbr.rel .LBB2_1-.Ltmp0, $4  }
0x17: {  	[dreg:$0x6] =	wrdreg s24;
	s1 =	sshrl.u32 s26, $0x3;
	s0 =	sadd.s32 s0, s10  }
0x18: {  	s21 =	simm.s32 $0x190;
	s24 =	simm.s32 $0x2;
	[dreg:$0x5] =	wrdreg s23  }
0x19: {  	s26 =	simm.s32 $0xA380;
	[dreg:$0x7] =	wrdreg s0;
	s31 =	sadd.s32 s1, s10  }
0x1a: {  	s0 =	sadd.s32 s12, s10;
	s23 =	simm.s32 $0xCB80;
	[dreg:$0x8] =	wrdreg s31  }
.LBB2_5:
0x1b: {  	s30 =	sadd.s32 $0x1, s30;
	s1 =	rddreg [dreg:$0x4]  }
0x1c: {  	p0 =	sne.s32 s30, s1  }
.Ltmp1:
0x1d: {  	_ = 	snop;
	(pc) =	sbr.rel @!p0 .LBB2_6-.Ltmp1, $1  }
0x1e: {  	_ =	sdelay $0x3  }
.LBB2_1:
.Ltmp2:
0x1f: {  	(pc) =	sbr.rel .LBB2_2-.Ltmp2, $4  }
0x20: {  	s13 =	rddreg [dreg:$0x8]  }
0x21: {  	s12 =	rddreg [dreg:$0x7]  }
0x22: {  	s31 =	smov.u32 s15;
	s11 =	rddreg [dreg:$0x6]  }
0x23: {  	s14 =	smov.u32 s0;
	s10 =	rddreg [dreg:$0x5];
	s4 =	simm.s32 $0x0  }
.LBB2_4:
0x24: {  	s4 =	sadd.s32 $0x280, s4  }
0x25: {  	p0 =	sne.s32 s4, $0xA00  }
.Ltmp3:
0x26: {  	_ = 	snop;
	(pc) =	sbr.rel @!p0 .LBB2_5-.Ltmp3, $3  }
0x27: {  	_ =	sdelay $0x1  }
0x28: {  	s10 =	sadd.s32 $0x14000, s10;
	s11 =	sadd.s32 $0x14000, s11;
	s12 =	sadd.s32 $0x14000, s12  }
0x29: {  	s13 =	sadd.s32 $0x14000, s13;
	s14 =	sadd.s32 $0x14000, s14;
	s31 =	sadd.s32 $0x20, s31  }
.LBB2_2:
0x2a: {  	p0 =	sgt.u32 s31, $0x7C  }
.Ltmp4:
0x2b: {  	_ = 	snop;
	(pc) =	sbr.rel @p0 .LBB2_4-.Ltmp4, $1  }
0x2c: {  	_ =	sdelay $0x3  }
0x2d: {  	s1 =	sadd.s32 s4, s5  }
0x2e: {  	[tilespmem:s3], [sflag:$0x1] =	stream.linear.gather [hbm4b:s1+s3], $0xA0, $0x38;
	[tilespmem:$0x19380] =	vst v63  }
0x2f: {  	s1 =	sadd.s32 s4, s9  }
0x30: {  	[tilespmem:s16], [sflag:$0x1] =	stream.linear.gather [hbm4b:s1+s3], $0xA0, $0x38;
	[tilespmem:$0x19380] =	vst v63  }
0x31: {  	s1 =	sadd.s32 s4, s8  }
0x32: {  	[tilespmem:s17], [sflag:$0x1] =	stream.linear.gather [hbm4b:s1+s3], $0xA0, $0x38;
	[tilespmem:$0x19380] =	vst v63  }
0x33: {  	s1 =	sadd.s32 s4, s7  }
0x34: {  	[tilespmem:s18], [sflag:$0x1] =	stream.linear.gather [hbm4b:s1+s3], $0xA0, $0x38;
	[tilespmem:$0x19380] =	vst v63  }
0x35: {  	s1 =	sadd.s32 s4, s6  }
0x36: {  	[tilespmem:s19], [sflag:$0x1] =	stream.linear.gather [hbm4b:s1+s3], $0xA0, $0x38;
	[tilespmem:$0x19380] =	vst v63  }
0x37: {  	_ =	swait.ge [sflag:s20], $0xA0  }
0x38: {  	[sflag:s20] =	ssyncset.done $0x0  }
0x39: {  	[sflag:s20] =	ssyncadd.s32 $0xFFFFFF60  }
0x3a: {  	_ =	swait.ge [sflag:s20], $0xA0  }
0x3b: {  	[sflag:s20] =	ssyncset.done $0x0  }
0x3c: {  	[sflag:s20] =	ssyncadd.s32 $0xFFFFFF60  }
0x3d: {  	_ =	swait.ge [sflag:s20], $0xA0  }
0x3e: {  	[sflag:s20] =	ssyncset.done $0x0  }
0x3f: {  	[sflag:s20] =	ssyncadd.s32 $0xFFFFFF60  }
0x40: {  	_ =	swait.ge [sflag:s20], $0xA0  }
0x41: {  	[sflag:s20] =	ssyncset.done $0x0  }
0x42: {  	[sflag:s20] =	ssyncadd.s32 $0xFFFFFF60  }
0x43: {  	_ =	swait.ge [sflag:s20], $0xA0  }
0x44: {  	[sflag:s20] =	ssyncset.done $0x0  }
0x45: {  	[sflag:s20] =	ssyncadd.s32 $0xFFFFFF60  }
0x46: {  	[tilespmem:s22], [sflag:$0x2] =	stream.indirect.gather [hbm4b:s2+s21], $0x80, s3, s21, $0xb8;
	[tilespmem:$0x19380] =	vst v63  }
0x47: {  	_ = 	snop  }
0x48: {  	[tilespmem:s23], [sflag:$0x2] =	stream.indirect.gather [hbm4b:s2+s21], $0x80, s21, s21, $0xb8;
	[tilespmem:$0x19380] =	vst v63  }
0x49: {  	_ =	swait.ge [sflag:s24], $0xC800  }
0x4a: {  	[sflag:s24] =	ssyncset.done $0x0  }
0x4b: {  	[sflag:s24] =	ssyncadd.s32 $0xFFFF3800  }
0x4c: {  	_ =	swait.ge [sflag:s24], $0xC800  }
0x4d: {  	[sflag:s24] =	ssyncset.done $0x0  }
0x4e: {  	[sflag:s24] =	ssyncadd.s32 $0xFFFF3800  }
0x4f: {  	[hbm4b:s10+s3] =	stream.linear.scatter [tilespmem:s22], [sflag:$0x1], $0x5000, $0x38;
	[tilespmem:$0x19380] =	vst v63  }
0x50: {  	_ = 	snop  }
0x51: {  	[hbm4b:s14+s3] =	stream.linear.scatter [tilespmem:s25], [sflag:$0x1], $0x5000, $0x38;
	[tilespmem:$0x19380] =	vst v63  }
0x52: {  	_ = 	snop  }
0x53: {  	[hbm4b:s13+s3] =	stream.linear.scatter [tilespmem:s26], [sflag:$0x1], $0x5000, $0x38;
	[tilespmem:$0x19380] =	vst v63  }
0x54: {  	_ = 	snop  }
0x55: {  	[hbm4b:s12+s3] =	stream.linear.scatter [tilespmem:s28], [sflag:$0x1], $0x5000, $0x38;
	[tilespmem:$0x19380] =	vst v63  }
0x56: {  	_ = 	snop  }
0x57: {  	[hbm4b:s11+s3] =	stream.linear.scatter [tilespmem:s29], [sflag:$0x1], $0x5000, $0x38;
	[tilespmem:$0x19380] =	vst v63  }
0x58: {  	_ =	swait.ge [sflag:s20], $0x5000  }
0x59: {  	[sflag:s20] =	ssyncset.done $0x0  }
0x5a: {  	[sflag:s20] =	ssyncadd.s32 $0xFFFFB000  }
0x5b: {  	_ =	swait.ge [sflag:s20], $0x5000  }
0x5c: {  	[sflag:s20] =	ssyncset.done $0x0  }
0x5d: {  	[sflag:s20] =	ssyncadd.s32 $0xFFFFB000  }
0x5e: {  	_ =	swait.ge [sflag:s20], $0x5000  }
0x5f: {  	[sflag:s20] =	ssyncset.done $0x0  }
0x60: {  	[sflag:s20] =	ssyncadd.s32 $0xFFFFB000  }
0x61: {  	_ =	swait.ge [sflag:s20], $0x5000  }
.Ltmp5:
0x62: {  	[sflag:s20] =	ssyncset.done $0x0;
	(pc) =	sbr.rel .LBB2_4-.Ltmp5, $4  }
0x63: {  	[sflag:s20] =	ssyncadd.s32 $0xFFFFB000  }
0x64: {  	_ =	swait.ge [sflag:s20], $0x5000  }
0x65: {  	[sflag:s20] =	ssyncset.done $0x0  }
0x66: {  	[sflag:s20] =	ssyncadd.s32 $0xFFFFB000  }
.LBB2_6:
0x67: {  	_ =	sfence.sel $0x180000  }
0x68: {  	[bflag:$0x0] =	sbarrier.arrive $0xFFFF  }
0x69: {  	_ =	strace $0x90000047  }
0x6a: {  	s0 =	stileid.u32;
	[bflag:$0x2] =	sbarrier.arrive $0xFFFF  }
0x6b: {  	p0 =	sne.s32 s0, $0x0;
	s0 =	rddreg [dreg:$0x3]  }
0x6c: {  	s0 =	sadd.s32 @!p0 $0x100000, s0  }
0x6d: {  	[sflag:s0] =	ssyncadd.tile.s32 @!p0 $0x1;
	_ =	shalt  }
.Lfunc_end2:
_tile_overlayer_lowered:
.L_overlay_start_2:
0x6e: {  	(tag) =	ssettag $0x2  }
0x6f: {  	s0 =	rddreg [dreg:$0x0];
	s2 =	stileid.u32  }
0x70: {  	s1 =	rddreg [dreg:$0x1];
	p0 =	sne.s32 s2, $0x0  }
0x71: {  	s3 =	rddreg [dreg:$0x2];
	[bflag:$0x3] =	sbarrier.arrive $0xFFFF;
	s2 =	simm.s32 @!p0 $0x1C03  }
0x72: {  	[timem:s3], [sflag:s2] =	dma.local @!p0 [hbm:s0], s1  }
0x73: {  	s0 =	simm.s32 @!p0 $0x3  }
0x74: {  	_ =	swait.ge @!p0 [sflag:s0], s1  }
0x75: {  	s1 =	ssub.s32 @!p0 $0x0, s1;
	[sflag:s0] =	ssyncset.done @!p0 $0x0  }
0x76: {  	[sflag:s0] =	ssyncadd.s32 @!p0 s1  }
0x77: {  	[bflag:$0x3] =	sbarrier.arrive $0xFFFF  }
0x78: {  	_ =	shalt  }

// kernel: kernel.17.cloned.1.call-start
scs
__scs_entry_jumppad:
0x0: {  	(pc) =	sbr.rel $0x88, $3  }
0x1: {  	(tag) =	ssettag $0x0;
	lr =	simm.s32 $0x1  }
0x2: {  	[smem:$0x3F9A] =	sst lr;
	_ =	strace $0xD0000000  }
0x3: {  	_ = 	snop  }
0x4: {  	_ = 	snop  }
0x5: {  	_ = 	snop  }
0x6: {  	_ = 	snop  }
0x7: {  	_ = 	snop  }
__scs_overlays_trampoline_lowered:
0x8: {  	[smem:$0x3FA9] =	sst s0  }
0x9: {  	[smem:$0x3FAA] =	sst s1  }
0xa: {  	[smem:$0x3FAB] =	sst s2  }
0xb: {  	[smem:$0x3FAC] =	sst s3  }
0xc: {  	[smem:$0x3FAD] =	sst s4  }
0xd: {  	[smem:$0x3FAE] =	sst s5  }
0xe: {  	[smem:$0x3FAF] =	sst s6  }
0xf: {  	[smem:$0x3FB0] =	sst s7  }
0x10: {  	[smem:$0x3FB1] =	sst s8  }
0x11: {  	[smem:$0x3FB2] =	sst s9;
	s0 =	simm.s32 @!p0 $0x0  }
0x12: {  	s1 =	sld [smem:$0x3F98];
	s0 =	simm.s32 @p0 $0x1  }
0x13: {  	[smem:$0x3FB3] =	sst s0;
	s0 =	simm.s32 @!p1 $0x0  }
0x14: {  	s2 =	sld [smem:$0x3F97];
	s0 =	simm.s32 @p1 $0x1  }
0x15: {  	[smem:$0x3FB4] =	sst s0;
	s0 =	simm.s32 @!p2 $0x0  }
0x16: {  	s3 =	sld [smem:$0x3FDB];
	s0 =	simm.s32 @p2 $0x1  }
0x17: {  	s4 =	simm.s32 $0x1BF5;
	[smem:$0x3FB6] =	sst s0  }
0x18: {  	s0 =	sld [smem:$0x3F99];
	_ =	swait.ge [sflag:s4], $0x0  }
0x19: {  	s7 =	sld [smem:$0x3F9A]  }
0x1a: {  	s8 =	sadd.s32 $0xFFFFE003, lr  }
0x1b: {  	s9 =	sadd.s32 $0xFFFFFEF7, lr;
	s5 =	simm.s32 $0xFFFFFFFF;
	p2 =	slt.u32 s8, $0xFFFFF086  }
0x1c: {  	p1 =	slt.u32 s9, $0xF7A;
	s5 =	simm.s32 @!p2 $0x0  }
0x1d: {  	s5 =	simm.s32 @p1 $0x1;
	p0 =	seq.s32 s7, s2  }
0x1e: {  	s7 =	smul.u32 @!p0 $0xF7A, s2;
	p2 =	seq.s32 @!p0 s5, $0x0  }
0x1f: {  	s9 =	smul.u32 $0xF7A, s1;
	s8 =	simm.s32 @!p0 $0x1BF5;
	p2 =	por !p2, p0  }
0x20: {  	[sflag:s8] =	ssyncset.s32 @!p0 $0xFFFFF086;
	s6 =	sadd.s32 @!p0 s3, s7;
	s7 =	simm.s32 @!p0 $0x108  }
0x21: {  	s3 =	sadd.s32 s3, s9;
	s6 =	sadd.s32 @!p0 $0x88, s6;
	s7 =	simm.s32 @p2 $0x1082  }
0x22: {  	[simem:s7], [sflag:s8] =	dma.local @!p0 [hbm:s6], $0xF7A  }
0x23: {  	s9 =	sor.u32 $0xD0000000, s2;
	s6 =	simm.s32 $0x108;
	_ =	swait.ge @!p0 [sflag:s8], $0x0  }
0x24: {  	s3 =	sadd.s32 $0x88, s3;
	s6 =	simm.s32 @!p1 $0x1082;
	[sflag:s4] =	ssyncset.s32 $0xFFFFF086  }
0x25: {  	[simem:s6], [sflag:s4] =	dma.local [hbm:s3], $0xF7A  }
0x26: {  	[smem:$0x3F9A] =	sst s1;
	(tag) =	ssettag s2;
	_ =	strace s9  }
0x27: {  	s1 =	sld [smem:$0x3FAA]  }
0x28: {  	s2 =	sld [smem:$0x3FAB]  }
0x29: {  	s4 =	sld [smem:$0x3FAD]  }
0x2a: {  	p0 =	seq.s32 s5, $0x0;
	s5 =	sld [smem:$0x3FAE]  }
0x2b: {  	s6 =	sld [smem:$0x3FAF]  }
0x2c: {  	s7 =	sld [smem:$0x3FB0]  }
0x2d: {  	s3 =	simm.s32 $0x108;
	s8 =	sld [smem:$0x3FB1]  }
0x2e: {  	s3 =	simm.s32 @!p0 $0x1082;
	s9 =	sld [smem:$0x3FB2]  }
0x2f: {  	lr =	sadd.s32 s0, s3;
	s0 =	sld [smem:$0x3FA9]  }
0x30: {  	s3 =	sld [smem:$0x3FAC]  }
0x31: {  	[smem:$0x3FB5] =	sst s10  }
0x32: {  	s10 =	sld [smem:$0x3FB3];
	_ =	sdelay $0x3  }
0x33: {  	p0 =	seq.s32 s10, $0x1;
	s10 =	sld [smem:$0x3FB5];
	_ =	sdelay $0x3  }
0x34: {  	[smem:$0x3FB5] =	sst s10  }
0x35: {  	s10 =	sld [smem:$0x3FB4];
	_ =	sdelay $0x3  }
0x36: {  	p1 =	seq.s32 s10, $0x1;
	s10 =	sld [smem:$0x3FB5];
	_ =	sdelay $0x3  }
0x37: {  	[smem:$0x3FB5] =	sst s10  }
0x38: {  	s10 =	sld [smem:$0x3FB6]  }
0x39: {  	_ = 	snop;
	(pc) =	sbr.ind lr, $3  }
0x3a: {  	_ = 	snop  }
0x3b: {  	_ = 	snop  }
0x3c: {  	p2 =	seq.s32 s10, $0x1;
	s10 =	sld [smem:$0x3FB5]  }
0x3d: {  	_ =	shalt  }
0x3e: {  	_ =	shalt  }
0x3f: {  	_ =	shalt  }
0x40: {  	_ =	shalt  }
0x41: {  	_ =	shalt  }
0x42: {  	_ =	shalt  }
0x43: {  	_ =	shalt  }
0x44: {  	_ =	shalt  }
0x45: {  	_ =	shalt  }
0x46: {  	_ =	shalt  }
0x47: {  	_ =	shalt  }
0x48: {  	_ =	shalt  }
0x49: {  	_ =	shalt  }
0x4a: {  	_ =	shalt  }
0x4b: {  	_ =	shalt  }
0x4c: {  	_ =	shalt  }
0x4d: {  	_ =	shalt  }
0x4e: {  	_ =	shalt  }
0x4f: {  	_ =	shalt  }
0x50: {  	_ =	shalt  }
0x51: {  	_ =	shalt  }
0x52: {  	_ =	shalt  }
0x53: {  	_ =	shalt  }
0x54: {  	_ =	shalt  }
0x55: {  	_ =	shalt  }
0x56: {  	_ =	shalt  }
0x57: {  	_ =	shalt  }
0x58: {  	_ =	shalt  }
0x59: {  	_ =	shalt  }
0x5a: {  	_ =	shalt  }
0x5b: {  	_ =	shalt  }
0x5c: {  	_ =	shalt  }
0x5d: {  	_ =	shalt  }
0x5e: {  	_ =	shalt  }
0x5f: {  	_ =	shalt  }
0x60: {  	_ =	shalt  }
0x61: {  	_ =	shalt  }
0x62: {  	_ =	shalt  }
0x63: {  	_ =	shalt  }
0x64: {  	_ =	shalt  }
0x65: {  	_ =	shalt  }
0x66: {  	_ =	shalt  }
0x67: {  	_ =	shalt  }
0x68: {  	_ =	shalt  }
0x69: {  	_ =	shalt  }
0x6a: {  	_ =	shalt  }
0x6b: {  	_ =	shalt  }
0x6c: {  	_ =	shalt  }
0x6d: {  	_ =	shalt  }
0x6e: {  	_ =	shalt  }
0x6f: {  	_ =	shalt  }
0x70: {  	_ =	shalt  }
0x71: {  	_ =	shalt  }
0x72: {  	_ =	shalt  }
0x73: {  	_ =	shalt  }
0x74: {  	_ =	shalt  }
0x75: {  	_ =	shalt  }
0x76: {  	_ =	shalt  }
0x77: {  	_ =	shalt  }
0x78: {  	_ =	shalt  }
0x79: {  	_ =	shalt  }
0x7a: {  	_ =	shalt  }
0x7b: {  	_ =	shalt  }
0x7c: {  	_ =	shalt  }
0x7d: {  	_ =	shalt  }
0x7e: {  	_ =	shalt  }
0x7f: {  	_ =	shalt  }
0x80: {  	_ =	shalt  }
0x81: {  	_ =	shalt  }
0x82: {  	_ =	shalt  }
0x83: {  	_ =	shalt  }
0x84: {  	_ =	shalt  }
0x85: {  	_ =	shalt  }
0x86: {  	_ =	shalt  }
0x87: {  	_ =	shalt  }
.Lfunc_end0:
.L_simem_size_0:
called_computation.1_lowered:
.L_overlay_start_0:
0x88: {  	s2 =	sld [smem:$0x3FD9]  }
0x89: {  	s3 =	sld [smem:$0x3FFE];
	_ =	sdelay $0x1  }
0x8a: {  	s1 =	srdreg.scid  }
0x8b: {  	s0 =	sand.u32 $0x1, s1  }
0x8c: {  	s17 =	sshll.u32 s0, $0xA;
	s2 =	sadd.s32 s3, s2  }
0x8d: {  	s2 =	sadd.s32 s2, s17  }
0x8e: {  	[smem:$0x3FC1] =	sst s2  }
0x8f: {  	_ = 	snop  }
0x90: {  	s18 =	sld [smem:$0x3FC6]  }
0x91: {  	s4 =	sld [smem:$0x3FD0];
	(tm) =	ssettm $0x1  }
0x92: {  	s19 =	sld [smem:$0x3FFB];
	_ =	sdelay $0x3  }
0x93: {  	_ =	strace s19  }
0x94: {  	s2 =	sld [smem:$0x3FFC];
	_ =	sdelay $0x3  }
0x95: {  	_ =	strace s2  }
0x96: {  	s2 =	sld [smem:$0x3FFD];
	_ =	sdelay $0x3  }
0x97: {  	_ =	strace s2  }
0x98: {  	_ =	strace $0x8FFFFFFF  }
0x99: {  	s20 =	sld [smem:$0x3FDB];
	_ =	sdelay $0x1  }
0x9a: {  	s5 =	simm.s32 $_scs_section_size  }
0x9b: {  	s6 =	simm.s32 $_size__tile_overlayer_lowered;
	s7 =	simm.s32 $_tile_overlayer_lowered  }
0x9c: {  	s8 =	simm.s32 $0x1BFF;
	s21 =	sshll.u32 s7, $0x1;
	s5 =	sadd.s32 s5, s20  }
0x9d: {  	s22 =	simm.s32 $0x0;
	s6 =	sshll.u32 s6, $0x1;
	s7 =	sadd.s32 s21, s5  }
0x9e: {  	[timem:s22], [sflag:s8] =	dma.local [hbm:s7], s6  }
0x9f: {  	_ =	swait.ge [sflag:s8], s6  }
0xa0: {  	s6 =	ssub.s32 $0x0, s6;
	[sflag:s8] =	ssyncset.done $0x0  }
0xa1: {  	[sflag:s8] =	ssyncadd.s32 s6;
	_ =	sdelay $0x1  }
0xa2: {  	s23 =	simm.s32 $0x1B8B  }
0xa3: {  	_ =	swait.ge [sflag:s23], $0x1  }
0xa4: {  	[sflag:s23] =	ssyncset.done $0x0  }
0xa5: {  	[sflag:s23] =	ssyncadd.s32 $0xFFFFFFFF  }
0xa6: {  	s6 =	sld [smem:$0x0]  }
0xa7: {  	s7 =	sand.u32 $0xFFFFFFFE, s1  }
0xa8: {  	p0 =	sne.s32 s1, s7  }
0xa9: {  	s7 =	sshll.u32 @p0 s7, $0xE  }
0xaa: {  	s7 =	sadd.s32 @p0 $0x11B8D, s7;
	s8 =	sshll.u32 @p0 s6, $0x11  }
0xab: {  	s7 =	sor.u32 @p0 s8, s7  }
0xac: {  	[sflag:s7] =	ssyncadd.remote.s32 @p0 $0x1;
	_ =	sdelay $0x1  }
0xad: {  	s7 =	simm.s32 @p0 $0x1B8D  }
0xae: {  	_ =	swait.eq @p0 [sflag:s7], $0x1  }
0xaf: {  	[sflag:s7] =	ssyncadd.s32 @p0 $0xFFFFFFFF  }
0xb0: {  	s8 =	sshll.u32 @!p0 s1, $0xE  }
0xb1: {  	s8 =	sor.u32 @!p0 $0x4000, s8;
	s7 =	simm.s32 @!p0 $0x1B8D  }
0xb2: {  	s6 =	sshll.u32 @!p0 s6, $0x11;
	s8 =	sadd.s32 @!p0 $0x11B8D, s8;
	_ =	swait.eq @!p0 [sflag:s7], $0x1  }
0xb3: {  	s6 =	sor.u32 @!p0 s6, s8;
	[sflag:s7] =	ssyncadd.s32 @!p0 $0xFFFFFFFF  }
0xb4: {  	s25 =	simm.s32 $0x1B8E;
	s24 =	sld [smem:$0x3FFE];
	[sflag:s6] =	ssyncadd.remote.s32 @!p0 $0x1  }
0xb5: {  	s26 =	simm.s32 $execute0_lowered;
	[smem:$0x3FD2] =	sst s25  }
0xb6: {  	s7 =	sshll.u32 s26, $0x1;
	_ =	strace $0x80000049;
	[dreg:$0x1] =	wrdreg $0xFFFFFFFF  }
0xb7: {  	s28 =	simm.s32 $_size_execute0_lowered;
	s5 =	sadd.s32 s5, s7;
	[dreg:$0x0] =	wrdreg $0x0  }
0xb8: {  	s7 =	sshll.u32 s28, $0x1;
	[dreg:$0x2] =	wrdreg s5  }
0xb9: {  	[dreg:$0x3] =	wrdreg s7  }
0xba: {  	[dreg:$0x4] =	wrdreg $0xC0  }
0xbb: {  	_ =	task [dreg:s22], $0x5FFFF  }
0xbc: {  	[dreg:$0x1] =	wrdreg $0xFFFFFFFF  }
0xbd: {  	[dreg:$0x0] =	wrdreg $0x60  }
0xbe: {  	[dreg:$0x2] =	wrdreg s4  }
0xbf: {  	[dreg:$0x3] =	wrdreg s18  }
0xc0: {  	[dreg:$0x4] =	wrdreg s24  }
0xc1: {  	[dreg:$0x5] =	wrdreg $0xA  }
0xc2: {  	_ =	task.clear_ibuf [dreg:s22], $0x6FFFF;
	_ =	strace $0x90000049  }
0xc3: {  	s29 =	simm.s32 $0xA;
	_ =	strace $0x8000004B  }
0xc4: {  	_ =	swait.ge [sflag:s29], $0x1  }
0xc5: {  	[sflag:s29] =	ssyncadd.s32 $0xFFFFFFFF  }
0xc6: {  	_ =	strace $0x9000004B  }
0xc7: {  	_ =	sfence  }
0xc8: {  	s30 =	sld [smem:$0x0];
	_ =	sdelay $0x2  }
0xc9: {  	s31 =	sshll.u32 s1, $0xD;
	s1 =	sshrl.u32 s1, $0x2  }
0xca: {  	s4 =	sand.u32 $0x4000, s31;
	s1 =	sadd.s32 s1, s30  }
0xcb: {  	s0 =	sor.u32 s4, s0;
	s1 =	sshll.u32 s1, $0x11  }
0xcc: {  	s0 =	sor.u32 s1, s0  }
0xcd: {  	s0 =	sadd.s32 $0x8F2B, s0  }
0xce: {  	[sflag:s0] =	ssyncadd.remote.s32 $0x1  }
0xcf: {  	_ =	sfence.sel $0xFFFF  }
0xd0: {  	[dreg:$0x0] =	wrdreg $0xFFFFFFFF;
	(pc) =	sbr.abs _section_cstart, $3  }
0xd1: {  	[dreg:$0x1] =	wrdreg $0xFFFFFFFF  }
0xd2: {  	_ =	task.clear_ibuf [dreg:s22], $0x2FFFF;
	_ =	strace $0x9FFFFFFF  }
0xd3: {  	(tm) =	ssettm $0x7FFFFFFF  }
tec
execute0_lowered:
.L_overlay_start_1:
0x0: {  	(tag) =	ssettag $0x1  }
0x1: {  	s0 =	rddreg [dreg:$0x0]  }
0x2: {  	s2 =	rddreg [dreg:$0x1]  }
0x3: {  	s1 =	rddreg [dreg:$0x2];
	s13 =	stileid.u32  }
0x4: {  	s4 =	srdreg.scid;
	s3 =	simm.s32 $0x0;
	s5 =	smul.u32 $0xA000, s13  }
0x5: {  	s28 =	simm.s32 $0xF380;
	s29 =	simm.s32 $0x14380;
	s9 =	smul.u32 $0x1400, s13  }
0x6: {  	s30 =	simm.s32 $0x0;
	s4 =	sand.u32 $0x1, s4;
	s17 =	smul.u32 $0x140, s13  }
0x7: {  	[smem:$0x7FF] =	sst s3;
	s11 =	sshll.u32 s13, $0x1;
	s13 =	smul.u32 $0x28, s13  }
0x8: {  	s1 =	sadd.s32 $0x188800, s1;
	s6 =	smul.u32 $0x5000, s4;
	s7 =	ssub.s32 $0x2, s4  }
0x9: {  	_ =	strace $0x8000004A;
	s8 =	sshrl.u32 s7, $0x1;
	s14 =	sadd.s32 s9, s1  }
0xa: {  	s19 =	sadd.s32 s13, s0;
	s10 =	sadd.s32 s6, s5;
	s6 =	ssub.s32 s7, s8  }
0xb: {  	s8 =	smul.u32 $0xA00, s4;
	s12 =	sadd.s32 $0x13EC000, s10;
	s5 =	smax.u32 s6, $0x1  }
0xc: {  	s15 =	sadd.s32 $0xEF1000, s10;
	s16 =	sadd.s32 $0x9F6000, s10;
	s10 =	sadd.s32 $0x4FB000, s10  }
0xd: {  	s7 =	sshrl.u32 s12, $0x3;
	[dreg:$0x4] =	wrdreg s5;
	s12 =	smul.u32 $0xA0, s4  }
0xe: {  	s5 =	sadd.s32 s8, s14;
	s8 =	sshrl.u32 s16, $0x3;
	s14 =	smul.u32 $0x14, s4  }
0xf: {  	s18 =	sshrl.u32 s10, $0x3;
	s4 =	sor.u32 s4, s11;
	s16 =	simm.s32 $0xA0  }
0x10: {  	s6 =	sadd.s32 s7, s1;
	s7 =	sshrl.u32 s15, $0x3;
	s8 =	sadd.s32 s8, s1  }
0x11: {  	s9 =	sadd.s32 s18, s1;
	s15 =	sadd.s32 $0x7D, s4;
	s18 =	simm.s32 $0x1E0  }
0x12: {  	s7 =	sadd.s32 s7, s1;
	s12 =	sadd.s32 s12, s17;
	s21 =	sadd.s32 s14, s19  }
0x13: {  	s17 =	simm.s32 $0x140;
	s19 =	simm.s32 $0x280;
	s20 =	sadd.s32 $0x668A0, s12  }
0x14: {  	s1 =	sadd.s32 $0x9C4, s21;
	s24 =	sadd.s32 $0x4E200, s12;
	s25 =	sadd.s32 $0x35B60, s12  }
0x15: {  	s12 =	sadd.s32 $0x1D4C0, s12;
	s21 =	simm.s32 $0x190;
	s22 =	sshrl.u32 s20, $0x3  }
0x16: {  	[dreg:$0x5] =	wrdreg s1;
	s1 =	sshrl.u32 s24, $0x3;
	s26 =	sshrl.u32 s25, $0x3  }
.Ltmp0:
0x17: {  	s31 =	sshrl.u32 s12, $0x3;
	s20 =	simm.s32 $0x1;
	(pc) =	sbr.rel .LBB2_1-.Ltmp0, $4  }
0x18: {  	s24 =	simm.s32 $0x2;
	s25 =	simm.s32 $0x5380;
	s23 =	sadd.s32 s22, s0  }
0x19: {  	s1 =	sadd.s32 s1, s0;
	s22 =	simm.s32 $0x380;
	[dreg:$0x6] =	wrdreg s23  }
0x1a: {  	[dreg:$0x7] =	wrdreg s1;
	s1 =	sadd.s32 s26, s0;
	s0 =	sadd.s32 s31, s0  }
0x1b: {  	s23 =	simm.s32 $0xCB80;
	s26 =	simm.s32 $0xA380;
	[dreg:$0x8] =	wrdreg s1  }
.LBB2_5:
0x1c: {  	s30 =	sadd.s32 $0x1, s30;
	s1 =	rddreg [dreg:$0x4]  }
0x1d: {  	p0 =	sne.s32 s30, s1  }
.Ltmp1:
0x1e: {  	_ = 	snop;
	(pc) =	sbr.rel @!p0 .LBB2_6-.Ltmp1, $1  }
0x1f: {  	_ =	sdelay $0x3  }
.LBB2_1:
.Ltmp2:
0x20: {  	(pc) =	sbr.rel .LBB2_2-.Ltmp2, $4  }
0x21: {  	s13 =	rddreg [dreg:$0x8]  }
0x22: {  	s12 =	rddreg [dreg:$0x7]  }
0x23: {  	s31 =	smov.u32 s15;
	s11 =	rddreg [dreg:$0x6]  }
0x24: {  	s14 =	smov.u32 s0;
	s10 =	rddreg [dreg:$0x5];
	s4 =	simm.s32 $0x0  }
.LBB2_4:
0x25: {  	s4 =	sadd.s32 $0x14000, s4  }
0x26: {  	p0 =	sne.s32 s4, $0xA0000  }
.Ltmp3:
0x27: {  	_ = 	snop;
	(pc) =	sbr.rel @!p0 .LBB2_5-.Ltmp3, $3  }
0x28: {  	_ =	sdelay $0x1  }
0x29: {  	s10 =	sadd.s32 $0x280, s10;
	s11 =	sadd.s32 $0x280, s11;
	s12 =	sadd.s32 $0x280, s12  }
0x2a: {  	s13 =	sadd.s32 $0x280, s13;
	s14 =	sadd.s32 $0x280, s14;
	s31 =	sadd.s32 $0x20, s31  }
.LBB2_2:
0x2b: {  	p0 =	sgt.u32 s31, $0x17B  }
.Ltmp4:
0x2c: {  	_ = 	snop;
	(pc) =	sbr.rel @p0 .LBB2_4-.Ltmp4, $1  }
0x2d: {  	_ =	sdelay $0x3  }
0x2e: {  	[tilespmem:s3], [sflag:$0x1] =	stream.linear.gather [hbm4b:s10+s3], $0xA0, $0x38;
	[tilespmem:$0x19380] =	vst v63  }
0x2f: {  	_ = 	snop  }
0x30: {  	[tilespmem:s16], [sflag:$0x1] =	stream.linear.gather [hbm4b:s14+s3], $0xA0, $0x38;
	[tilespmem:$0x19380] =	vst v63  }
0x31: {  	_ = 	snop  }
0x32: {  	[tilespmem:s17], [sflag:$0x1] =	stream.linear.gather [hbm4b:s13+s3], $0xA0, $0x38;
	[tilespmem:$0x19380] =	vst v63  }
0x33: {  	_ = 	snop  }
0x34: {  	[tilespmem:s18], [sflag:$0x1] =	stream.linear.gather [hbm4b:s12+s3], $0xA0, $0x38;
	[tilespmem:$0x19380] =	vst v63  }
0x35: {  	_ = 	snop  }
0x36: {  	[tilespmem:s19], [sflag:$0x1] =	stream.linear.gather [hbm4b:s11+s3], $0xA0, $0x38;
	[tilespmem:$0x19380] =	vst v63  }
0x37: {  	_ =	swait.ge [sflag:s20], $0xA0  }
0x38: {  	[sflag:s20] =	ssyncset.done $0x0  }
0x39: {  	[sflag:s20] =	ssyncadd.s32 $0xFFFFFF60  }
0x3a: {  	_ =	swait.ge [sflag:s20], $0xA0  }
0x3b: {  	[sflag:s20] =	ssyncset.done $0x0  }
0x3c: {  	[sflag:s20] =	ssyncadd.s32 $0xFFFFFF60  }
0x3d: {  	_ =	swait.ge [sflag:s20], $0xA0  }
0x3e: {  	[sflag:s20] =	ssyncset.done $0x0  }
0x3f: {  	[sflag:s20] =	ssyncadd.s32 $0xFFFFFF60  }
0x40: {  	_ =	swait.ge [sflag:s20], $0xA0  }
0x41: {  	[sflag:s20] =	ssyncset.done $0x0  }
0x42: {  	[sflag:s20] =	ssyncadd.s32 $0xFFFFFF60  }
0x43: {  	_ =	swait.ge [sflag:s20], $0xA0  }
0x44: {  	[sflag:s20] =	ssyncset.done $0x0  }
0x45: {  	[sflag:s20] =	ssyncadd.s32 $0xFFFFFF60  }
0x46: {  	[tilespmem:s22], [sflag:$0x2] =	stream.indirect.gather [hbm4b:s2+s21], $0x80, s3, s21, $0xb8;
	[tilespmem:$0x19380] =	vst v63  }
0x47: {  	_ = 	snop  }
0x48: {  	[tilespmem:s23], [sflag:$0x2] =	stream.indirect.gather [hbm4b:s2+s21], $0x80, s21, s21, $0xb8;
	[tilespmem:$0x19380] =	vst v63  }
0x49: {  	_ =	swait.ge [sflag:s24], $0xC800  }
0x4a: {  	[sflag:s24] =	ssyncset.done $0x0  }
0x4b: {  	[sflag:s24] =	ssyncadd.s32 $0xFFFF3800  }
0x4c: {  	_ =	swait.ge [sflag:s24], $0xC800  }
0x4d: {  	[sflag:s24] =	ssyncset.done $0x0  }
0x4e: {  	s1 =	sadd.s32 s4, s5;
	[sflag:s24] =	ssyncadd.s32 $0xFFFF3800  }
0x4f: {  	[hbm4b:s1+s3] =	stream.linear.scatter [tilespmem:s22], [sflag:$0x1], $0x5000, $0x38;
	[tilespmem:$0x19380] =	vst v63  }
0x50: {  	s1 =	sadd.s32 s4, s9  }
0x51: {  	[hbm4b:s1+s3] =	stream.linear.scatter [tilespmem:s25], [sflag:$0x1], $0x5000, $0x38;
	[tilespmem:$0x19380] =	vst v63  }
0x52: {  	s1 =	sadd.s32 s4, s8  }
0x53: {  	[hbm4b:s1+s3] =	stream.linear.scatter [tilespmem:s26], [sflag:$0x1], $0x5000, $0x38;
	[tilespmem:$0x19380] =	vst v63  }
0x54: {  	s1 =	sadd.s32 s4, s7  }
0x55: {  	[hbm4b:s1+s3] =	stream.linear.scatter [tilespmem:s28], [sflag:$0x1], $0x5000, $0x38;
	[tilespmem:$0x19380] =	vst v63  }
0x56: {  	s1 =	sadd.s32 s4, s6  }
0x57: {  	[hbm4b:s1+s3] =	stream.linear.scatter [tilespmem:s29], [sflag:$0x1], $0x5000, $0x38;
	[tilespmem:$0x19380] =	vst v63  }
0x58: {  	_ =	swait.ge [sflag:s20], $0x5000  }
0x59: {  	[sflag:s20] =	ssyncset.done $0x0  }
0x5a: {  	[sflag:s20] =	ssyncadd.s32 $0xFFFFB000  }
0x5b: {  	_ =	swait.ge [sflag:s20], $0x5000  }
0x5c: {  	[sflag:s20] =	ssyncset.done $0x0  }
0x5d: {  	[sflag:s20] =	ssyncadd.s32 $0xFFFFB000  }
0x5e: {  	_ =	swait.ge [sflag:s20], $0x5000  }
0x5f: {  	[sflag:s20] =	ssyncset.done $0x0  }
0x60: {  	[sflag:s20] =	ssyncadd.s32 $0xFFFFB000  }
0x61: {  	_ =	swait.ge [sflag:s20], $0x5000  }
.Ltmp5:
0x62: {  	[sflag:s20] =	ssyncset.done $0x0;
	(pc) =	sbr.rel .LBB2_4-.Ltmp5, $4  }
0x63: {  	[sflag:s20] =	ssyncadd.s32 $0xFFFFB000  }
0x64: {  	_ =	swait.ge [sflag:s20], $0x5000  }
0x65: {  	[sflag:s20] =	ssyncset.done $0x0  }
0x66: {  	[sflag:s20] =	ssyncadd.s32 $0xFFFFB000  }
.LBB2_6:
0x67: {  	_ =	sfence.sel $0x180000  }
0x68: {  	[bflag:$0x0] =	sbarrier.arrive $0xFFFF  }
0x69: {  	_ =	strace $0x9000004A  }
0x6a: {  	s0 =	stileid.u32;
	[bflag:$0x2] =	sbarrier.arrive $0xFFFF  }
0x6b: {  	p0 =	sne.s32 s0, $0x0;
	s0 =	rddreg [dreg:$0x3]  }
0x6c: {  	s0 =	sadd.s32 @!p0 $0x100000, s0  }
0x6d: {  	[sflag:s0] =	ssyncadd.tile.s32 @!p0 $0x1;
	_ =	shalt  }
.Lfunc_end2:
_tile_overlayer_lowered:
.L_overlay_start_2:
0x6e: {  	(tag) =	ssettag $0x2  }
0x6f: {  	s0 =	rddreg [dreg:$0x0];
	s2 =	stileid.u32  }
0x70: {  	s1 =	rddreg [dreg:$0x1];
	p0 =	sne.s32 s2, $0x0  }
0x71: {  	s3 =	rddreg [dreg:$0x2];
	[bflag:$0x3] =	sbarrier.arrive $0xFFFF;
	s2 =	simm.s32 @!p0 $0x1C03  }
0x72: {  	[timem:s3], [sflag:s2] =	dma.local @!p0 [hbm:s0], s1  }
0x73: {  	s0 =	simm.s32 @!p0 $0x3  }
0x74: {  	_ =	swait.ge @!p0 [sflag:s0], s1  }
0x75: {  	s1 =	ssub.s32 @!p0 $0x0, s1;
	[sflag:s0] =	ssyncset.done @!p0 $0x0  }
0x76: {  	[sflag:s0] =	ssyncadd.s32 @!p0 s1  }
0x77: {  	[bflag:$0x3] =	sbarrier.arrive $0xFFFF  }
0x78: {  	_ =	shalt  }

// kernel: kernel.20.cloned.1.call-start
scs
__scs_entry_jumppad:
0x0: {  	(pc) =	sbr.rel $0x88, $3  }
0x1: {  	(tag) =	ssettag $0x0;
	lr =	simm.s32 $0x1  }
0x2: {  	[smem:$0x3F9A] =	sst lr;
	_ =	strace $0xD0000000  }
0x3: {  	_ = 	snop  }
0x4: {  	_ = 	snop  }
0x5: {  	_ = 	snop  }
0x6: {  	_ = 	snop  }
0x7: {  	_ = 	snop  }
__scs_overlays_trampoline_lowered:
0x8: {  	[smem:$0x3FA9] =	sst s0  }
0x9: {  	[smem:$0x3FAA] =	sst s1  }
0xa: {  	[smem:$0x3FAB] =	sst s2  }
0xb: {  	[smem:$0x3FAC] =	sst s3  }
0xc: {  	[smem:$0x3FAD] =	sst s4  }
0xd: {  	[smem:$0x3FAE] =	sst s5  }
0xe: {  	[smem:$0x3FAF] =	sst s6  }
0xf: {  	[smem:$0x3FB0] =	sst s7  }
0x10: {  	[smem:$0x3FB1] =	sst s8  }
0x11: {  	[smem:$0x3FB2] =	sst s9;
	s0 =	simm.s32 @!p0 $0x0  }
0x12: {  	s1 =	sld [smem:$0x3F98];
	s0 =	simm.s32 @p0 $0x1  }
0x13: {  	[smem:$0x3FB3] =	sst s0;
	s0 =	simm.s32 @!p1 $0x0  }
0x14: {  	s2 =	sld [smem:$0x3F97];
	s0 =	simm.s32 @p1 $0x1  }
0x15: {  	[smem:$0x3FB4] =	sst s0;
	s0 =	simm.s32 @!p2 $0x0  }
0x16: {  	s3 =	sld [smem:$0x3FDB];
	s0 =	simm.s32 @p2 $0x1  }
0x17: {  	s4 =	simm.s32 $0x1BF5;
	[smem:$0x3FB6] =	sst s0  }
0x18: {  	s0 =	sld [smem:$0x3F99];
	_ =	swait.ge [sflag:s4], $0x0  }
0x19: {  	s7 =	sld [smem:$0x3F9A]  }
0x1a: {  	s8 =	sadd.s32 $0xFFFFE003, lr  }
0x1b: {  	s9 =	sadd.s32 $0xFFFFFEF7, lr;
	s5 =	simm.s32 $0xFFFFFFFF;
	p2 =	slt.u32 s8, $0xFFFFF086  }
0x1c: {  	p1 =	slt.u32 s9, $0xF7A;
	s5 =	simm.s32 @!p2 $0x0  }
0x1d: {  	s5 =	simm.s32 @p1 $0x1;
	p0 =	seq.s32 s7, s2  }
0x1e: {  	s7 =	smul.u32 @!p0 $0xF7A, s2;
	p2 =	seq.s32 @!p0 s5, $0x0  }
0x1f: {  	s9 =	smul.u32 $0xF7A, s1;
	s8 =	simm.s32 @!p0 $0x1BF5;
	p2 =	por !p2, p0  }
0x20: {  	[sflag:s8] =	ssyncset.s32 @!p0 $0xFFFFF086;
	s6 =	sadd.s32 @!p0 s3, s7;
	s7 =	simm.s32 @!p0 $0x108  }
0x21: {  	s3 =	sadd.s32 s3, s9;
	s6 =	sadd.s32 @!p0 $0x88, s6;
	s7 =	simm.s32 @p2 $0x1082  }
0x22: {  	[simem:s7], [sflag:s8] =	dma.local @!p0 [hbm:s6], $0xF7A  }
0x23: {  	s9 =	sor.u32 $0xD0000000, s2;
	s6 =	simm.s32 $0x108;
	_ =	swait.ge @!p0 [sflag:s8], $0x0  }
0x24: {  	s3 =	sadd.s32 $0x88, s3;
	s6 =	simm.s32 @!p1 $0x1082;
	[sflag:s4] =	ssyncset.s32 $0xFFFFF086  }
0x25: {  	[simem:s6], [sflag:s4] =	dma.local [hbm:s3], $0xF7A  }
0x26: {  	[smem:$0x3F9A] =	sst s1;
	(tag) =	ssettag s2;
	_ =	strace s9  }
0x27: {  	s1 =	sld [smem:$0x3FAA]  }
0x28: {  	s2 =	sld [smem:$0x3FAB]  }
0x29: {  	s4 =	sld [smem:$0x3FAD]  }
0x2a: {  	p0 =	seq.s32 s5, $0x0;
	s5 =	sld [smem:$0x3FAE]  }
0x2b: {  	s6 =	sld [smem:$0x3FAF]  }
0x2c: {  	s7 =	sld [smem:$0x3FB0]  }
0x2d: {  	s3 =	simm.s32 $0x108;
	s8 =	sld [smem:$0x3FB1]  }
0x2e: {  	s3 =	simm.s32 @!p0 $0x1082;
	s9 =	sld [smem:$0x3FB2]  }
0x2f: {  	lr =	sadd.s32 s0, s3;
	s0 =	sld [smem:$0x3FA9]  }
0x30: {  	s3 =	sld [smem:$0x3FAC]  }
0x31: {  	[smem:$0x3FB5] =	sst s10  }
0x32: {  	s10 =	sld [smem:$0x3FB3];
	_ =	sdelay $0x3  }
0x33: {  	p0 =	seq.s32 s10, $0x1;
	s10 =	sld [smem:$0x3FB5];
	_ =	sdelay $0x3  }
0x34: {  	[smem:$0x3FB5] =	sst s10  }
0x35: {  	s10 =	sld [smem:$0x3FB4];
	_ =	sdelay $0x3  }
0x36: {  	p1 =	seq.s32 s10, $0x1;
	s10 =	sld [smem:$0x3FB5];
	_ =	sdelay $0x3  }
0x37: {  	[smem:$0x3FB5] =	sst s10  }
0x38: {  	s10 =	sld [smem:$0x3FB6]  }
0x39: {  	_ = 	snop;
	(pc) =	sbr.ind lr, $3  }
0x3a: {  	_ = 	snop  }
0x3b: {  	_ = 	snop  }
0x3c: {  	p2 =	seq.s32 s10, $0x1;
	s10 =	sld [smem:$0x3FB5]  }
0x3d: {  	_ =	shalt  }
0x3e: {  	_ =	shalt  }
0x3f: {  	_ =	shalt  }
0x40: {  	_ =	shalt  }
0x41: {  	_ =	shalt  }
0x42: {  	_ =	shalt  }
0x43: {  	_ =	shalt  }
0x44: {  	_ =	shalt  }
0x45: {  	_ =	shalt  }
0x46: {  	_ =	shalt  }
0x47: {  	_ =	shalt  }
0x48: {  	_ =	shalt  }
0x49: {  	_ =	shalt  }
0x4a: {  	_ =	shalt  }
0x4b: {  	_ =	shalt  }
0x4c: {  	_ =	shalt  }
0x4d: {  	_ =	shalt  }
0x4e: {  	_ =	shalt  }
0x4f: {  	_ =	shalt  }
0x50: {  	_ =	shalt  }
0x51: {  	_ =	shalt  }
0x52: {  	_ =	shalt  }
0x53: {  	_ =	shalt  }
0x54: {  	_ =	shalt  }
0x55: {  	_ =	shalt  }
0x56: {  	_ =	shalt  }
0x57: {  	_ =	shalt  }
0x58: {  	_ =	shalt  }
0x59: {  	_ =	shalt  }
0x5a: {  	_ =	shalt  }
0x5b: {  	_ =	shalt  }
0x5c: {  	_ =	shalt  }
0x5d: {  	_ =	shalt  }
0x5e: {  	_ =	shalt  }
0x5f: {  	_ =	shalt  }
0x60: {  	_ =	shalt  }
0x61: {  	_ =	shalt  }
0x62: {  	_ =	shalt  }
0x63: {  	_ =	shalt  }
0x64: {  	_ =	shalt  }
0x65: {  	_ =	shalt  }
0x66: {  	_ =	shalt  }
0x67: {  	_ =	shalt  }
0x68: {  	_ =	shalt  }
0x69: {  	_ =	shalt  }
0x6a: {  	_ =	shalt  }
0x6b: {  	_ =	shalt  }
0x6c: {  	_ =	shalt  }
0x6d: {  	_ =	shalt  }
0x6e: {  	_ =	shalt  }
0x6f: {  	_ =	shalt  }
0x70: {  	_ =	shalt  }
0x71: {  	_ =	shalt  }
0x72: {  	_ =	shalt  }
0x73: {  	_ =	shalt  }
0x74: {  	_ =	shalt  }
0x75: {  	_ =	shalt  }
0x76: {  	_ =	shalt  }
0x77: {  	_ =	shalt  }
0x78: {  	_ =	shalt  }
0x79: {  	_ =	shalt  }
0x7a: {  	_ =	shalt  }
0x7b: {  	_ =	shalt  }
0x7c: {  	_ =	shalt  }
0x7d: {  	_ =	shalt  }
0x7e: {  	_ =	shalt  }
0x7f: {  	_ =	shalt  }
0x80: {  	_ =	shalt  }
0x81: {  	_ =	shalt  }
0x82: {  	_ =	shalt  }
0x83: {  	_ =	shalt  }
0x84: {  	_ =	shalt  }
0x85: {  	_ =	shalt  }
0x86: {  	_ =	shalt  }
0x87: {  	_ =	shalt  }
.Lfunc_end0:
.L_simem_size_0:
called_computation.2_lowered:
.L_overlay_start_0:
0x88: {  	s2 =	sld [smem:$0x3FD9]  }
0x89: {  	s3 =	sld [smem:$0x3FFE];
	_ =	sdelay $0x1  }
0x8a: {  	s1 =	srdreg.scid  }
0x8b: {  	s0 =	sand.u32 $0x1, s1  }
0x8c: {  	s17 =	sshll.u32 s0, $0xA;
	s2 =	sadd.s32 s3, s2  }
0x8d: {  	s2 =	sadd.s32 s2, s17  }
0x8e: {  	[smem:$0x3FC1] =	sst s2  }
0x8f: {  	_ = 	snop  }
0x90: {  	s18 =	sld [smem:$0x3FC6]  }
0x91: {  	s4 =	sld [smem:$0x3FD0];
	(tm) =	ssettm $0x1  }
0x92: {  	s19 =	sld [smem:$0x3FFB];
	_ =	sdelay $0x3  }
0x93: {  	_ =	strace s19  }
0x94: {  	s2 =	sld [smem:$0x3FFC];
	_ =	sdelay $0x3  }
0x95: {  	_ =	strace s2  }
0x96: {  	s2 =	sld [smem:$0x3FFD];
	_ =	sdelay $0x3  }
0x97: {  	_ =	strace s2  }
0x98: {  	_ =	strace $0x8FFFFFFF  }
0x99: {  	s20 =	sld [smem:$0x3FDB];
	_ =	sdelay $0x1  }
0x9a: {  	s5 =	simm.s32 $_scs_section_size  }
0x9b: {  	s6 =	simm.s32 $_size__tile_overlayer_lowered;
	s7 =	simm.s32 $_tile_overlayer_lowered  }
0x9c: {  	s8 =	simm.s32 $0x1BFF;
	s21 =	sshll.u32 s7, $0x1;
	s5 =	sadd.s32 s5, s20  }
0x9d: {  	s22 =	simm.s32 $0x0;
	s6 =	sshll.u32 s6, $0x1;
	s7 =	sadd.s32 s21, s5  }
0x9e: {  	[timem:s22], [sflag:s8] =	dma.local [hbm:s7], s6  }
0x9f: {  	_ =	swait.ge [sflag:s8], s6  }
0xa0: {  	s6 =	ssub.s32 $0x0, s6;
	[sflag:s8] =	ssyncset.done $0x0  }
0xa1: {  	[sflag:s8] =	ssyncadd.s32 s6;
	_ =	sdelay $0x1  }
0xa2: {  	s23 =	simm.s32 $0x1B8B  }
0xa3: {  	_ =	swait.ge [sflag:s23], $0x1  }
0xa4: {  	[sflag:s23] =	ssyncset.done $0x0  }
0xa5: {  	[sflag:s23] =	ssyncadd.s32 $0xFFFFFFFF  }
0xa6: {  	s6 =	sld [smem:$0x0]  }
0xa7: {  	s7 =	sand.u32 $0xFFFFFFFE, s1  }
0xa8: {  	p0 =	sne.s32 s1, s7  }
0xa9: {  	s7 =	sshll.u32 @p0 s7, $0xE  }
0xaa: {  	s7 =	sadd.s32 @p0 $0x11B8D, s7;
	s8 =	sshll.u32 @p0 s6, $0x11  }
0xab: {  	s7 =	sor.u32 @p0 s8, s7  }
0xac: {  	[sflag:s7] =	ssyncadd.remote.s32 @p0 $0x1;
	_ =	sdelay $0x1  }
0xad: {  	s7 =	simm.s32 @p0 $0x1B8D  }
0xae: {  	_ =	swait.eq @p0 [sflag:s7], $0x1  }
0xaf: {  	[sflag:s7] =	ssyncadd.s32 @p0 $0xFFFFFFFF  }
0xb0: {  	s8 =	sshll.u32 @!p0 s1, $0xE  }
0xb1: {  	s8 =	sor.u32 @!p0 $0x4000, s8;
	s7 =	simm.s32 @!p0 $0x1B8D  }
0xb2: {  	s6 =	sshll.u32 @!p0 s6, $0x11;
	s8 =	sadd.s32 @!p0 $0x11B8D, s8;
	_ =	swait.eq @!p0 [sflag:s7], $0x1  }
0xb3: {  	s6 =	sor.u32 @!p0 s6, s8;
	[sflag:s7] =	ssyncadd.s32 @!p0 $0xFFFFFFFF  }
0xb4: {  	s25 =	simm.s32 $0x1B8E;
	s24 =	sld [smem:$0x3FFE];
	[sflag:s6] =	ssyncadd.remote.s32 @!p0 $0x1  }
0xb5: {  	s26 =	simm.s32 $execute0_lowered;
	[smem:$0x3FD2] =	sst s25  }
0xb6: {  	s7 =	sshll.u32 s26, $0x1;
	_ =	strace $0x8000004C;
	[dreg:$0x1] =	wrdreg $0xFFFFFFFF  }
0xb7: {  	s28 =	simm.s32 $_size_execute0_lowered;
	s5 =	sadd.s32 s5, s7;
	[dreg:$0x0] =	wrdreg $0x0  }
0xb8: {  	s7 =	sshll.u32 s28, $0x1;
	[dreg:$0x2] =	wrdreg s5  }
0xb9: {  	[dreg:$0x3] =	wrdreg s7  }
0xba: {  	[dreg:$0x4] =	wrdreg $0xC0  }
0xbb: {  	_ =	task [dreg:s22], $0x5FFFF  }
0xbc: {  	[dreg:$0x1] =	wrdreg $0xFFFFFFFF  }
0xbd: {  	[dreg:$0x0] =	wrdreg $0x60  }
0xbe: {  	[dreg:$0x2] =	wrdreg s4  }
0xbf: {  	[dreg:$0x3] =	wrdreg s18  }
0xc0: {  	[dreg:$0x4] =	wrdreg s24  }
0xc1: {  	[dreg:$0x5] =	wrdreg $0xB  }
0xc2: {  	_ =	task.clear_ibuf [dreg:s22], $0x6FFFF;
	_ =	strace $0x9000004C  }
0xc3: {  	s29 =	simm.s32 $0xB;
	_ =	strace $0x8000004E  }
0xc4: {  	_ =	swait.ge [sflag:s29], $0x1  }
0xc5: {  	[sflag:s29] =	ssyncadd.s32 $0xFFFFFFFF  }
0xc6: {  	_ =	strace $0x9000004E  }
0xc7: {  	_ =	sfence  }
0xc8: {  	s30 =	sld [smem:$0x0];
	_ =	sdelay $0x2  }
0xc9: {  	s31 =	sshll.u32 s1, $0xD;
	s1 =	sshrl.u32 s1, $0x2  }
0xca: {  	s4 =	sand.u32 $0x4000, s31;
	s1 =	sadd.s32 s1, s30  }
0xcb: {  	s0 =	sor.u32 s4, s0;
	s1 =	sshll.u32 s1, $0x11  }
0xcc: {  	s0 =	sor.u32 s1, s0  }
0xcd: {  	s0 =	sadd.s32 $0x8F2B, s0  }
0xce: {  	[sflag:s0] =	ssyncadd.remote.s32 $0x1  }
0xcf: {  	_ =	sfence.sel $0xFFFF  }
0xd0: {  	[dreg:$0x0] =	wrdreg $0xFFFFFFFF;
	(pc) =	sbr.abs _section_cstart, $3  }
0xd1: {  	[dreg:$0x1] =	wrdreg $0xFFFFFFFF  }
0xd2: {  	_ =	task.clear_ibuf [dreg:s22], $0x2FFFF;
	_ =	strace $0x9FFFFFFF  }
0xd3: {  	(tm) =	ssettm $0x7FFFFFFF  }
tec
execute0_lowered:
.L_overlay_start_1:
0x0: {  	(tag) =	ssettag $0x1  }
0x1: {  	s0 =	rddreg [dreg:$0x0]  }
0x2: {  	s2 =	rddreg [dreg:$0x1]  }
0x3: {  	s1 =	rddreg [dreg:$0x2];
	s13 =	stileid.u32  }
0x4: {  	s4 =	srdreg.scid;
	s3 =	simm.s32 $0x0;
	s5 =	smul.u32 $0xA000, s13  }
0x5: {  	s28 =	simm.s32 $0xF380;
	s29 =	simm.s32 $0x14380;
	s9 =	smul.u32 $0x1400, s13  }
0x6: {  	s30 =	simm.s32 $0x0;
	s4 =	sand.u32 $0x1, s4;
	s17 =	smul.u32 $0x140, s13  }
0x7: {  	[smem:$0x7FF] =	sst s3;
	s11 =	sshll.u32 s13, $0x1;
	s13 =	smul.u32 $0x28, s13  }
0x8: {  	s1 =	sadd.s32 $0x4A5600, s1;
	s6 =	smul.u32 $0x5000, s4;
	s7 =	ssub.s32 $0x2, s4  }
0x9: {  	_ =	strace $0x8000004D;
	s8 =	sshrl.u32 s7, $0x1;
	s14 =	sadd.s32 s9, s1  }
0xa: {  	s19 =	sadd.s32 s13, s0;
	s10 =	sadd.s32 s6, s5;
	s6 =	ssub.s32 s7, s8  }
0xb: {  	s8 =	smul.u32 $0xA00, s4;
	s12 =	sadd.s32 $0x1324000, s10;
	s5 =	smax.u32 s6, $0x1  }
0xc: {  	s15 =	sadd.s32 $0xE5B000, s10;
	s16 =	sadd.s32 $0x992000, s10;
	s10 =	sadd.s32 $0x4C9000, s10  }
0xd: {  	s7 =	sshrl.u32 s12, $0x3;
	[dreg:$0x4] =	wrdreg s5;
	s12 =	smul.u32 $0xA0, s4  }
0xe: {  	s5 =	sadd.s32 s8, s14;
	s8 =	sshrl.u32 s16, $0x3;
	s14 =	smul.u32 $0x14, s4  }
0xf: {  	s18 =	sshrl.u32 s10, $0x3;
	s4 =	sor.u32 s4, s11;
	s16 =	simm.s32 $0xA0  }
0x10: {  	s6 =	sadd.s32 s7, s1;
	s7 =	sshrl.u32 s15, $0x3;
	s8 =	sadd.s32 s8, s1  }
0x11: {  	s9 =	sadd.s32 s18, s1;
	s15 =	sadd.s32 $0x17C, s4;
	s18 =	simm.s32 $0x1E0  }
0x12: {  	s7 =	sadd.s32 s7, s1;
	s12 =	sadd.s32 s12, s17;
	s21 =	sadd.s32 s14, s19  }
0x13: {  	s17 =	simm.s32 $0x140;
	s19 =	simm.s32 $0x280;
	s20 =	sadd.s32 $0x70800, s12  }
0x14: {  	s1 =	sadd.s32 $0x1DB0, s21;
	s24 =	sadd.s32 $0x58160, s12;
	s25 =	sadd.s32 $0x3FAC0, s12  }
0x15: {  	s12 =	sadd.s32 $0x27420, s12;
	s21 =	simm.s32 $0x190;
	s22 =	sshrl.u32 s20, $0x3  }
0x16: {  	[dreg:$0x5] =	wrdreg s1;
	s1 =	sshrl.u32 s24, $0x3;
	s26 =	sshrl.u32 s25, $0x3  }
.Ltmp0:
0x17: {  	s31 =	sshrl.u32 s12, $0x3;
	s20 =	simm.s32 $0x1;
	(pc) =	sbr.rel .LBB2_1-.Ltmp0, $4  }
0x18: {  	s24 =	simm.s32 $0x2;
	s25 =	simm.s32 $0x5380;
	s23 =	sadd.s32 s22, s0  }
0x19: {  	s1 =	sadd.s32 s1, s0;
	s22 =	simm.s32 $0x380;
	[dreg:$0x6] =	wrdreg s23  }
0x1a: {  	[dreg:$0x7] =	wrdreg s1;
	s1 =	sadd.s32 s26, s0;
	s0 =	sadd.s32 s31, s0  }
0x1b: {  	s23 =	simm.s32 $0xCB80;
	s26 =	simm.s32 $0xA380;
	[dreg:$0x8] =	wrdreg s1  }
.LBB2_5:
0x1c: {  	s30 =	sadd.s32 $0x1, s30;
	s1 =	rddreg [dreg:$0x4]  }
0x1d: {  	p0 =	sne.s32 s30, s1  }
.Ltmp1:
0x1e: {  	_ = 	snop;
	(pc) =	sbr.rel @!p0 .LBB2_6-.Ltmp1, $1  }
0x1f: {  	_ =	sdelay $0x3  }
.LBB2_1:
.Ltmp2:
0x20: {  	(pc) =	sbr.rel .LBB2_2-.Ltmp2, $4  }
0x21: {  	s13 =	rddreg [dreg:$0x8]  }
0x22: {  	s12 =	rddreg [dreg:$0x7]  }
0x23: {  	s31 =	smov.u32 s15;
	s11 =	rddreg [dreg:$0x6]  }
0x24: {  	s14 =	smov.u32 s0;
	s10 =	rddreg [dreg:$0x5];
	s4 =	simm.s32 $0x0  }
.LBB2_4:
0x25: {  	s4 =	sadd.s32 $0x14000, s4  }
0x26: {  	p0 =	sne.s32 s4, $0xA0000  }
.Ltmp3:
0x27: {  	_ = 	snop;
	(pc) =	sbr.rel @!p0 .LBB2_5-.Ltmp3, $3  }
0x28: {  	_ =	sdelay $0x1  }
0x29: {  	s10 =	sadd.s32 $0x280, s10;
	s11 =	sadd.s32 $0x280, s11;
	s12 =	sadd.s32 $0x280, s12  }
0x2a: {  	s13 =	sadd.s32 $0x280, s13;
	s14 =	sadd.s32 $0x280, s14;
	s31 =	sadd.s32 $0x20, s31  }
.LBB2_2:
0x2b: {  	p0 =	sgt.u32 s31, $0x270  }
.Ltmp4:
0x2c: {  	_ = 	snop;
	(pc) =	sbr.rel @p0 .LBB2_4-.Ltmp4, $1  }
0x2d: {  	_ =	sdelay $0x3  }
0x2e: {  	[tilespmem:s3], [sflag:$0x1] =	stream.linear.gather [hbm4b:s10+s3], $0xA0, $0x38;
	[tilespmem:$0x19380] =	vst v63  }
0x2f: {  	_ = 	snop  }
0x30: {  	[tilespmem:s16], [sflag:$0x1] =	stream.linear.gather [hbm4b:s14+s3], $0xA0, $0x38;
	[tilespmem:$0x19380] =	vst v63  }
0x31: {  	_ = 	snop  }
0x32: {  	[tilespmem:s17], [sflag:$0x1] =	stream.linear.gather [hbm4b:s13+s3], $0xA0, $0x38;
	[tilespmem:$0x19380] =	vst v63  }
0x33: {  	_ = 	snop  }
0x34: {  	[tilespmem:s18], [sflag:$0x1] =	stream.linear.gather [hbm4b:s12+s3], $0xA0, $0x38;
	[tilespmem:$0x19380] =	vst v63  }
0x35: {  	_ = 	snop  }
0x36: {  	[tilespmem:s19], [sflag:$0x1] =	stream.linear.gather [hbm4b:s11+s3], $0xA0, $0x38;
	[tilespmem:$0x19380] =	vst v63  }
0x37: {  	_ =	swait.ge [sflag:s20], $0xA0  }
0x38: {  	[sflag:s20] =	ssyncset.done $0x0  }
0x39: {  	[sflag:s20] =	ssyncadd.s32 $0xFFFFFF60  }
0x3a: {  	_ =	swait.ge [sflag:s20], $0xA0  }
0x3b: {  	[sflag:s20] =	ssyncset.done $0x0  }
0x3c: {  	[sflag:s20] =	ssyncadd.s32 $0xFFFFFF60  }
0x3d: {  	_ =	swait.ge [sflag:s20], $0xA0  }
0x3e: {  	[sflag:s20] =	ssyncset.done $0x0  }
0x3f: {  	[sflag:s20] =	ssyncadd.s32 $0xFFFFFF60  }
0x40: {  	_ =	swait.ge [sflag:s20], $0xA0  }
0x41: {  	[sflag:s20] =	ssyncset.done $0x0  }
0x42: {  	[sflag:s20] =	ssyncadd.s32 $0xFFFFFF60  }
0x43: {  	_ =	swait.ge [sflag:s20], $0xA0  }
0x44: {  	[sflag:s20] =	ssyncset.done $0x0  }
0x45: {  	[sflag:s20] =	ssyncadd.s32 $0xFFFFFF60  }
0x46: {  	[tilespmem:s22], [sflag:$0x2] =	stream.indirect.gather [hbm4b:s2+s21], $0x80, s3, s21, $0xb8;
	[tilespmem:$0x19380] =	vst v63  }
0x47: {  	_ = 	snop  }
0x48: {  	[tilespmem:s23], [sflag:$0x2] =	stream.indirect.gather [hbm4b:s2+s21], $0x80, s21, s21, $0xb8;
	[tilespmem:$0x19380] =	vst v63  }
0x49: {  	_ =	swait.ge [sflag:s24], $0xC800  }
0x4a: {  	[sflag:s24] =	ssyncset.done $0x0  }
0x4b: {  	[sflag:s24] =	ssyncadd.s32 $0xFFFF3800  }
0x4c: {  	_ =	swait.ge [sflag:s24], $0xC800  }
0x4d: {  	[sflag:s24] =	ssyncset.done $0x0  }
0x4e: {  	s1 =	sadd.s32 s4, s5;
	[sflag:s24] =	ssyncadd.s32 $0xFFFF3800  }
0x4f: {  	[hbm4b:s1+s3] =	stream.linear.scatter [tilespmem:s22], [sflag:$0x1], $0x5000, $0x38;
	[tilespmem:$0x19380] =	vst v63  }
0x50: {  	s1 =	sadd.s32 s4, s9  }
0x51: {  	[hbm4b:s1+s3] =	stream.linear.scatter [tilespmem:s25], [sflag:$0x1], $0x5000, $0x38;
	[tilespmem:$0x19380] =	vst v63  }
0x52: {  	s1 =	sadd.s32 s4, s8  }
0x53: {  	[hbm4b:s1+s3] =	stream.linear.scatter [tilespmem:s26], [sflag:$0x1], $0x5000, $0x38;
	[tilespmem:$0x19380] =	vst v63  }
0x54: {  	s1 =	sadd.s32 s4, s7  }
0x55: {  	[hbm4b:s1+s3] =	stream.linear.scatter [tilespmem:s28], [sflag:$0x1], $0x5000, $0x38;
	[tilespmem:$0x19380] =	vst v63  }
0x56: {  	s1 =	sadd.s32 s4, s6  }
0x57: {  	[hbm4b:s1+s3] =	stream.linear.scatter [tilespmem:s29], [sflag:$0x1], $0x5000, $0x38;
	[tilespmem:$0x19380] =	vst v63  }
0x58: {  	_ =	swait.ge [sflag:s20], $0x5000  }
0x59: {  	[sflag:s20] =	ssyncset.done $0x0  }
0x5a: {  	[sflag:s20] =	ssyncadd.s32 $0xFFFFB000  }
0x5b: {  	_ =	swait.ge [sflag:s20], $0x5000  }
0x5c: {  	[sflag:s20] =	ssyncset.done $0x0  }
0x5d: {  	[sflag:s20] =	ssyncadd.s32 $0xFFFFB000  }
0x5e: {  	_ =	swait.ge [sflag:s20], $0x5000  }
0x5f: {  	[sflag:s20] =	ssyncset.done $0x0  }
0x60: {  	[sflag:s20] =	ssyncadd.s32 $0xFFFFB000  }
0x61: {  	_ =	swait.ge [sflag:s20], $0x5000  }
.Ltmp5:
0x62: {  	[sflag:s20] =	ssyncset.done $0x0;
	(pc) =	sbr.rel .LBB2_4-.Ltmp5, $4  }
0x63: {  	[sflag:s20] =	ssyncadd.s32 $0xFFFFB000  }
0x64: {  	_ =	swait.ge [sflag:s20], $0x5000  }
0x65: {  	[sflag:s20] =	ssyncset.done $0x0  }
0x66: {  	[sflag:s20] =	ssyncadd.s32 $0xFFFFB000  }
.LBB2_6:
0x67: {  	_ =	sfence.sel $0x180000  }
0x68: {  	[bflag:$0x0] =	sbarrier.arrive $0xFFFF  }
0x69: {  	_ =	strace $0x9000004D  }
0x6a: {  	s0 =	stileid.u32;
	[bflag:$0x2] =	sbarrier.arrive $0xFFFF  }
0x6b: {  	p0 =	sne.s32 s0, $0x0;
	s0 =	rddreg [dreg:$0x3]  }
0x6c: {  	s0 =	sadd.s32 @!p0 $0x100000, s0  }
0x6d: {  	[sflag:s0] =	ssyncadd.tile.s32 @!p0 $0x1;
	_ =	shalt  }
.Lfunc_end2:
_tile_overlayer_lowered:
.L_overlay_start_2:
0x6e: {  	(tag) =	ssettag $0x2  }
0x6f: {  	s0 =	rddreg [dreg:$0x0];
	s2 =	stileid.u32  }
0x70: {  	s1 =	rddreg [dreg:$0x1];
	p0 =	sne.s32 s2, $0x0  }
0x71: {  	s3 =	rddreg [dreg:$0x2];
	[bflag:$0x3] =	sbarrier.arrive $0xFFFF;
	s2 =	simm.s32 @!p0 $0x1C03  }
0x72: {  	[timem:s3], [sflag:s2] =	dma.local @!p0 [hbm:s0], s1  }
0x73: {  	s0 =	simm.s32 @!p0 $0x3  }
0x74: {  	_ =	swait.ge @!p0 [sflag:s0], s1  }
0x75: {  	s1 =	ssub.s32 @!p0 $0x0, s1;
	[sflag:s0] =	ssyncset.done @!p0 $0x0  }
0x76: {  	[sflag:s0] =	ssyncadd.s32 @!p0 s1  }
0x77: {  	[bflag:$0x3] =	sbarrier.arrive $0xFFFF  }
0x78: {  	_ =	shalt  }

// kernel: kernel.23.cloned.1.call-start
scs
__scs_entry_jumppad:
0x0: {  	(pc) =	sbr.rel $0x88, $3  }
0x1: {  	(tag) =	ssettag $0x0;
	lr =	simm.s32 $0x1  }
0x2: {  	[smem:$0x3F9A] =	sst lr;
	_ =	strace $0xD0000000  }
0x3: {  	_ = 	snop  }
0x4: {  	_ = 	snop  }
0x5: {  	_ = 	snop  }
0x6: {  	_ = 	snop  }
0x7: {  	_ = 	snop  }
__scs_overlays_trampoline_lowered:
0x8: {  	[smem:$0x3FA9] =	sst s0  }
0x9: {  	[smem:$0x3FAA] =	sst s1  }
0xa: {  	[smem:$0x3FAB] =	sst s2  }
0xb: {  	[smem:$0x3FAC] =	sst s3  }
0xc: {  	[smem:$0x3FAD] =	sst s4  }
0xd: {  	[smem:$0x3FAE] =	sst s5  }
0xe: {  	[smem:$0x3FAF] =	sst s6  }
0xf: {  	[smem:$0x3FB0] =	sst s7  }
0x10: {  	[smem:$0x3FB1] =	sst s8  }
0x11: {  	[smem:$0x3FB2] =	sst s9;
	s0 =	simm.s32 @!p0 $0x0  }
0x12: {  	s1 =	sld [smem:$0x3F98];
	s0 =	simm.s32 @p0 $0x1  }
0x13: {  	[smem:$0x3FB3] =	sst s0;
	s0 =	simm.s32 @!p1 $0x0  }
0x14: {  	s2 =	sld [smem:$0x3F97];
	s0 =	simm.s32 @p1 $0x1  }
0x15: {  	[smem:$0x3FB4] =	sst s0;
	s0 =	simm.s32 @!p2 $0x0  }
0x16: {  	s3 =	sld [smem:$0x3FDB];
	s0 =	simm.s32 @p2 $0x1  }
0x17: {  	s4 =	simm.s32 $0x1BF5;
	[smem:$0x3FB6] =	sst s0  }
0x18: {  	s0 =	sld [smem:$0x3F99];
	_ =	swait.ge [sflag:s4], $0x0  }
0x19: {  	s7 =	sld [smem:$0x3F9A]  }
0x1a: {  	s8 =	sadd.s32 $0xFFFFE003, lr  }
0x1b: {  	s9 =	sadd.s32 $0xFFFFFEF7, lr;
	s5 =	simm.s32 $0xFFFFFFFF;
	p2 =	slt.u32 s8, $0xFFFFF086  }
0x1c: {  	p1 =	slt.u32 s9, $0xF7A;
	s5 =	simm.s32 @!p2 $0x0  }
0x1d: {  	s5 =	simm.s32 @p1 $0x1;
	p0 =	seq.s32 s7, s2  }
0x1e: {  	s7 =	smul.u32 @!p0 $0xF7A, s2;
	p2 =	seq.s32 @!p0 s5, $0x0  }
0x1f: {  	s9 =	smul.u32 $0xF7A, s1;
	s8 =	simm.s32 @!p0 $0x1BF5;
	p2 =	por !p2, p0  }
0x20: {  	[sflag:s8] =	ssyncset.s32 @!p0 $0xFFFFF086;
	s6 =	sadd.s32 @!p0 s3, s7;
	s7 =	simm.s32 @!p0 $0x108  }
0x21: {  	s3 =	sadd.s32 s3, s9;
	s6 =	sadd.s32 @!p0 $0x88, s6;
	s7 =	simm.s32 @p2 $0x1082  }
0x22: {  	[simem:s7], [sflag:s8] =	dma.local @!p0 [hbm:s6], $0xF7A  }
0x23: {  	s9 =	sor.u32 $0xD0000000, s2;
	s6 =	simm.s32 $0x108;
	_ =	swait.ge @!p0 [sflag:s8], $0x0  }
0x24: {  	s3 =	sadd.s32 $0x88, s3;
	s6 =	simm.s32 @!p1 $0x1082;
	[sflag:s4] =	ssyncset.s32 $0xFFFFF086  }
0x25: {  	[simem:s6], [sflag:s4] =	dma.local [hbm:s3], $0xF7A  }
0x26: {  	[smem:$0x3F9A] =	sst s1;
	(tag) =	ssettag s2;
	_ =	strace s9  }
0x27: {  	s1 =	sld [smem:$0x3FAA]  }
0x28: {  	s2 =	sld [smem:$0x3FAB]  }
0x29: {  	s4 =	sld [smem:$0x3FAD]  }
0x2a: {  	p0 =	seq.s32 s5, $0x0;
	s5 =	sld [smem:$0x3FAE]  }
0x2b: {  	s6 =	sld [smem:$0x3FAF]  }
0x2c: {  	s7 =	sld [smem:$0x3FB0]  }
0x2d: {  	s3 =	simm.s32 $0x108;
	s8 =	sld [smem:$0x3FB1]  }
0x2e: {  	s3 =	simm.s32 @!p0 $0x1082;
	s9 =	sld [smem:$0x3FB2]  }
0x2f: {  	lr =	sadd.s32 s0, s3;
	s0 =	sld [smem:$0x3FA9]  }
0x30: {  	s3 =	sld [smem:$0x3FAC]  }
0x31: {  	[smem:$0x3FB5] =	sst s10  }
0x32: {  	s10 =	sld [smem:$0x3FB3];
	_ =	sdelay $0x3  }
0x33: {  	p0 =	seq.s32 s10, $0x1;
	s10 =	sld [smem:$0x3FB5];
	_ =	sdelay $0x3  }
0x34: {  	[smem:$0x3FB5] =	sst s10  }
0x35: {  	s10 =	sld [smem:$0x3FB4];
	_ =	sdelay $0x3  }
0x36: {  	p1 =	seq.s32 s10, $0x1;
	s10 =	sld [smem:$0x3FB5];
	_ =	sdelay $0x3  }
0x37: {  	[smem:$0x3FB5] =	sst s10  }
0x38: {  	s10 =	sld [smem:$0x3FB6]  }
0x39: {  	_ = 	snop;
	(pc) =	sbr.ind lr, $3  }
0x3a: {  	_ = 	snop  }
0x3b: {  	_ = 	snop  }
0x3c: {  	p2 =	seq.s32 s10, $0x1;
	s10 =	sld [smem:$0x3FB5]  }
0x3d: {  	_ =	shalt  }
0x3e: {  	_ =	shalt  }
0x3f: {  	_ =	shalt  }
0x40: {  	_ =	shalt  }
0x41: {  	_ =	shalt  }
0x42: {  	_ =	shalt  }
0x43: {  	_ =	shalt  }
0x44: {  	_ =	shalt  }
0x45: {  	_ =	shalt  }
0x46: {  	_ =	shalt  }
0x47: {  	_ =	shalt  }
0x48: {  	_ =	shalt  }
0x49: {  	_ =	shalt  }
0x4a: {  	_ =	shalt  }
0x4b: {  	_ =	shalt  }
0x4c: {  	_ =	shalt  }
0x4d: {  	_ =	shalt  }
0x4e: {  	_ =	shalt  }
0x4f: {  	_ =	shalt  }
0x50: {  	_ =	shalt  }
0x51: {  	_ =	shalt  }
0x52: {  	_ =	shalt  }
0x53: {  	_ =	shalt  }
0x54: {  	_ =	shalt  }
0x55: {  	_ =	shalt  }
0x56: {  	_ =	shalt  }
0x57: {  	_ =	shalt  }
0x58: {  	_ =	shalt  }
0x59: {  	_ =	shalt  }
0x5a: {  	_ =	shalt  }
0x5b: {  	_ =	shalt  }
0x5c: {  	_ =	shalt  }
0x5d: {  	_ =	shalt  }
0x5e: {  	_ =	shalt  }
0x5f: {  	_ =	shalt  }
0x60: {  	_ =	shalt  }
0x61: {  	_ =	shalt  }
0x62: {  	_ =	shalt  }
0x63: {  	_ =	shalt  }
0x64: {  	_ =	shalt  }
0x65: {  	_ =	shalt  }
0x66: {  	_ =	shalt  }
0x67: {  	_ =	shalt  }
0x68: {  	_ =	shalt  }
0x69: {  	_ =	shalt  }
0x6a: {  	_ =	shalt  }
0x6b: {  	_ =	shalt  }
0x6c: {  	_ =	shalt  }
0x6d: {  	_ =	shalt  }
0x6e: {  	_ =	shalt  }
0x6f: {  	_ =	shalt  }
0x70: {  	_ =	shalt  }
0x71: {  	_ =	shalt  }
0x72: {  	_ =	shalt  }
0x73: {  	_ =	shalt  }
0x74: {  	_ =	shalt  }
0x75: {  	_ =	shalt  }
0x76: {  	_ =	shalt  }
0x77: {  	_ =	shalt  }
0x78: {  	_ =	shalt  }
0x79: {  	_ =	shalt  }
0x7a: {  	_ =	shalt  }
0x7b: {  	_ =	shalt  }
0x7c: {  	_ =	shalt  }
0x7d: {  	_ =	shalt  }
0x7e: {  	_ =	shalt  }
0x7f: {  	_ =	shalt  }
0x80: {  	_ =	shalt  }
0x81: {  	_ =	shalt  }
0x82: {  	_ =	shalt  }
0x83: {  	_ =	shalt  }
0x84: {  	_ =	shalt  }
0x85: {  	_ =	shalt  }
0x86: {  	_ =	shalt  }
0x87: {  	_ =	shalt  }
.Lfunc_end0:
.L_simem_size_0:
called_computation.3_lowered:
.L_overlay_start_0:
0x88: {  	s2 =	sld [smem:$0x3FD9]  }
0x89: {  	s3 =	sld [smem:$0x3FFE];
	_ =	sdelay $0x1  }
0x8a: {  	s1 =	srdreg.scid  }
0x8b: {  	s0 =	sand.u32 $0x1, s1  }
0x8c: {  	s17 =	sshll.u32 s0, $0xA;
	s2 =	sadd.s32 s3, s2  }
0x8d: {  	s2 =	sadd.s32 s2, s17  }
0x8e: {  	[smem:$0x3FC1] =	sst s2  }
0x8f: {  	_ = 	snop  }
0x90: {  	s18 =	sld [smem:$0x3FC9];
	(tm) =	ssettm $0x1  }
0x91: {  	s19 =	sld [smem:$0x3FFB];
	_ =	sdelay $0x3  }
0x92: {  	_ =	strace s19  }
0x93: {  	s2 =	sld [smem:$0x3FFC];
	_ =	sdelay $0x3  }
0x94: {  	_ =	strace s2  }
0x95: {  	s2 =	sld [smem:$0x3FFD];
	_ =	sdelay $0x3  }
0x96: {  	_ =	strace s2  }
0x97: {  	_ =	strace $0x8FFFFFFF  }
0x98: {  	s20 =	sld [smem:$0x3FDB];
	_ =	sdelay $0x1  }
0x99: {  	s4 =	simm.s32 $_scs_section_size  }
0x9a: {  	s5 =	simm.s32 $_size__tile_overlayer_lowered;
	s6 =	simm.s32 $_tile_overlayer_lowered  }
0x9b: {  	s7 =	simm.s32 $0x1BFF;
	s21 =	sshll.u32 s6, $0x1;
	s4 =	sadd.s32 s4, s20  }
0x9c: {  	s22 =	simm.s32 $0x0;
	s5 =	sshll.u32 s5, $0x1;
	s6 =	sadd.s32 s21, s4  }
0x9d: {  	[timem:s22], [sflag:s7] =	dma.local [hbm:s6], s5  }
0x9e: {  	_ =	swait.ge [sflag:s7], s5  }
0x9f: {  	s5 =	ssub.s32 $0x0, s5;
	[sflag:s7] =	ssyncset.done $0x0  }
0xa0: {  	[sflag:s7] =	ssyncadd.s32 s5;
	_ =	sdelay $0x1  }
0xa1: {  	s23 =	simm.s32 $0x1B8B  }
0xa2: {  	_ =	swait.ge [sflag:s23], $0x1  }
0xa3: {  	[sflag:s23] =	ssyncset.done $0x0  }
0xa4: {  	[sflag:s23] =	ssyncadd.s32 $0xFFFFFFFF  }
0xa5: {  	s5 =	sld [smem:$0x0]  }
0xa6: {  	s6 =	sand.u32 $0xFFFFFFFE, s1  }
0xa7: {  	p0 =	sne.s32 s1, s6  }
0xa8: {  	s6 =	sshll.u32 @p0 s6, $0xE  }
0xa9: {  	s6 =	sadd.s32 @p0 $0x11B8D, s6;
	s7 =	sshll.u32 @p0 s5, $0x11  }
0xaa: {  	s6 =	sor.u32 @p0 s7, s6  }
0xab: {  	[sflag:s6] =	ssyncadd.remote.s32 @p0 $0x1;
	_ =	sdelay $0x1  }
0xac: {  	s6 =	simm.s32 @p0 $0x1B8D  }
0xad: {  	_ =	swait.eq @p0 [sflag:s6], $0x1  }
0xae: {  	[sflag:s6] =	ssyncadd.s32 @p0 $0xFFFFFFFF  }
0xaf: {  	s7 =	sshll.u32 @!p0 s1, $0xE  }
0xb0: {  	s7 =	sor.u32 @!p0 $0x4000, s7;
	s6 =	simm.s32 @!p0 $0x1B8D  }
0xb1: {  	s5 =	sshll.u32 @!p0 s5, $0x11;
	s7 =	sadd.s32 @!p0 $0x11B8D, s7;
	_ =	swait.eq @!p0 [sflag:s6], $0x1  }
0xb2: {  	s5 =	sor.u32 @!p0 s5, s7;
	[sflag:s6] =	ssyncadd.s32 @!p0 $0xFFFFFFFF  }
0xb3: {  	s25 =	simm.s32 $0x1B8E;
	s24 =	sld [smem:$0x3FFE];
	[sflag:s5] =	ssyncadd.remote.s32 @!p0 $0x1  }
0xb4: {  	s26 =	simm.s32 $execute0_lowered;
	[smem:$0x3FD2] =	sst s25  }
0xb5: {  	s6 =	sshll.u32 s26, $0x1;
	_ =	strace $0x80000052;
	[dreg:$0x1] =	wrdreg $0xFFFFFFFF  }
0xb6: {  	s28 =	simm.s32 $_size_execute0_lowered;
	s4 =	sadd.s32 s4, s6;
	[dreg:$0x0] =	wrdreg $0x0  }
0xb7: {  	s6 =	sshll.u32 s28, $0x1;
	[dreg:$0x2] =	wrdreg s4  }
0xb8: {  	[dreg:$0x3] =	wrdreg s6  }
0xb9: {  	[dreg:$0x4] =	wrdreg $0xC0  }
0xba: {  	_ =	task [dreg:s22], $0x5FFFF  }
0xbb: {  	[dreg:$0x1] =	wrdreg $0xFFFFFFFF  }
0xbc: {  	[dreg:$0x0] =	wrdreg $0x60  }
0xbd: {  	[dreg:$0x2] =	wrdreg s18  }
0xbe: {  	[dreg:$0x3] =	wrdreg s24  }
0xbf: {  	[dreg:$0x4] =	wrdreg $0x9  }
0xc0: {  	_ =	task.clear_ibuf [dreg:s22], $0x5FFFF;
	_ =	strace $0x90000052  }
0xc1: {  	s29 =	simm.s32 $0x9;
	_ =	strace $0x80000054  }
0xc2: {  	_ =	swait.ge [sflag:s29], $0x1  }
0xc3: {  	[sflag:s29] =	ssyncadd.s32 $0xFFFFFFFF  }
0xc4: {  	_ =	strace $0x90000054  }
0xc5: {  	_ =	sfence  }
0xc6: {  	s30 =	sld [smem:$0x0];
	_ =	sdelay $0x2  }
0xc7: {  	s31 =	sshll.u32 s1, $0xD;
	s1 =	sshrl.u32 s1, $0x2  }
0xc8: {  	s4 =	sand.u32 $0x4000, s31;
	s1 =	sadd.s32 s1, s30  }
0xc9: {  	s0 =	sor.u32 s4, s0;
	s1 =	sshll.u32 s1, $0x11  }
0xca: {  	s0 =	sor.u32 s1, s0  }
0xcb: {  	s0 =	sadd.s32 $0x8F2B, s0  }
0xcc: {  	[sflag:s0] =	ssyncadd.remote.s32 $0x1  }
0xcd: {  	_ =	sfence.sel $0xFFFF  }
0xce: {  	[dreg:$0x0] =	wrdreg $0xFFFFFFFF;
	(pc) =	sbr.abs _section_cstart, $3  }
0xcf: {  	[dreg:$0x1] =	wrdreg $0xFFFFFFFF  }
0xd0: {  	_ =	task.clear_ibuf [dreg:s22], $0x2FFFF;
	_ =	strace $0x9FFFFFFF  }
0xd1: {  	(tm) =	ssettm $0x7FFFFFFF  }
tec
execute0_lowered:
.L_overlay_start_1:
0x0: {  	(tag) =	ssettag $0x1  }
0x1: {  	s4 =	rddreg [dreg:$0x0]  }
0x2: {  	s5 =	rddreg [dreg:$0x1]  }
0x3: {  	s0 =	rddreg [dreg:$0x2];
	s2 =	simm.s32 $0x0  }
0x4: {  	s1 =	stileid.u32;
	[smem:$0x7FF] =	sst s2;
	s20 =	sadd.s32 $0x929A00, s5  }
0x5: {  	s23 =	simm.s32 $0x20;
	_ =	strace $0x80000053;
	[dreg:$0x3] =	wrdreg s20  }
0x6: {  	s3 =	srdreg.scid;
	s24 =	simm.s32 $0x100;
	[dreg:$0x5] =	wrdreg s23  }
0x7: {  	s25 =	simm.s32 $0x1100;
	s26 =	simm.s32 $0x1180;
	[dreg:$0x6] =	wrdreg s24  }
0x8: {  	s28 =	simm.s32 $0x5300;
	s29 =	simm.s32 $0x1200;
	[dreg:$0x7] =	wrdreg s25  }
0x9: {  	s30 =	simm.s32 $0x9300;
	s31 =	simm.s32 $0x1280;
	[dreg:$0x8] =	wrdreg s26  }
0xa: {  	s10 =	simm.s32 $0xD300;
	s6 =	smul.u32 $0xC000, s1;
	[dreg:$0x9] =	wrdreg s28  }
0xb: {  	s7 =	sand.u32 $0x1, s3;
	s8 =	smul.u32 $0x18, s1;
	[dreg:$0xa] =	wrdreg s29  }
0xc: {  	s3 =	sadd.s32 $0x7A3000, s5;
	s9 =	smul.u32 $0xC, s7;
	[dreg:$0xb] =	wrdreg s30  }
0xd: {  	s21 =	ssub.s32 $0x2, s7;
	s7 =	smul.u32 $0x6000, s7;
	[dreg:$0xc] =	wrdreg s31  }
0xe: {  	[dreg:$0xd] =	wrdreg s10;
	s10 =	simm.s32 $0x0;
	s4 =	sadd.s32 s8, s4  }
0xf: {  	s5 =	sadd.s32 s6, s5;
	s22 =	sshrl.u32 s21, $0x1;
	s8 =	simm.s32 $0x1  }
0x10: {  	s4 =	sadd.s32 s9, s4;
	s6 =	ssub.s32 s21, s22;
	s5 =	sadd.s32 s7, s5  }
0x11: {  	s7 =	simm.s32 $0x80;
	s9 =	simm.s32 $0x1300;
	[dreg:$0x4] =	wrdreg s4  }
0x12: {  	s4 =	smax.u32 s6, $0x1;
	s5 =	sadd.s32 $0x1C1E00, s5;
	s6 =	simm.s32 $0x2  }
.LBB2_1:
0x13: {  	s11 =	rddreg [dreg:$0x4]  }
0x14: {  	s11 =	sadd.s32 $0x0, s11  }
0x15: {  	[tilespmem:s2], [sflag:$0x2] =	stream.linear.gather [hbm4b:s11+s2], $0x20, $0x38;
	[tilespmem:$0x11300] =	vst v63  }
0x16: {  	_ =	swait.ge [sflag:s6], $0x20  }
0x17: {  	[sflag:s6] =	ssyncset.done $0x0  }
0x18: {  	[sflag:s6] =	ssyncadd.s32 $0xFFFFFFE0  }
0x19: {  	v0 =	vld [tilespmem:$0x0]  }
0x1a: {  	v1 =	vld [tilespmem:$0x10];
	_ =	sdelay $0x3  }
0x1b: {  	s31 =	rddreg [dreg:$0x6];
	v0 =	vshra.s32 v0, $0x3  }
0x1c: {  	s12 =	rddreg [dreg:$0x5];
	v59 =	vshra.s32 v1, $0x3;
	[tilespmem:$0x80] =	vst v0  }
0x1d: {  	s13 =	rddreg [dreg:$0x3];
	[tilespmem:$0x90] =	vst v59  }
0x1e: {  	[tilespmem:s31], [sflag:$0x1] =	stream.indirect.gather [hbm4b:s13+s12], $0x80, s7, s12, $0xb8;
	[tilespmem:$0x11300] =	vst v63  }
0x1f: {  	_ =	swait.ge [sflag:s8], $0x1000  }
0x20: {  	[sflag:s8] =	ssyncset.done $0x0  }
0x21: {  	[sflag:s8] =	ssyncadd.s32 $0xFFFFF000  }
0x22: {  	v60 =	vld [tilespmem:$0x0];
	_ =	sdelay $0x4  }
0x23: {  	v0 =	vshll.u32 v60, $0x4  }
0x24: {  	(v2sf) =	vpush v0, $0x0;
	_ =	sdelay $0x5  }
0x25: {  	(v2sf) =	vpush v0, $0x1;
	_ =	sdelay $0x5  }
0x26: {  	(v2sf) =	vpush v0, $0x2;
	_ =	sdelay $0x2  }
0x27: {  	s13 =	spop (v2sf)  }
0x28: {  	s11 =	sand.u32 $0x70, s13  }
0x29: {  	v61 =	vld [tilespmem:s11+$0x100]  }
0x2a: {  	(v2sf) =	vpush v0, $0x3;
	_ =	sdelay $0x2  }
0x2b: {  	s14 =	spop (v2sf)  }
0x2c: {  	s11 =	sand.u32 $0x70, s14;
	[tilespmem:$0x1100] =	vst v61  }
0x2d: {  	v1 =	vld [tilespmem:s11+$0x180]  }
0x2e: {  	(v2sf) =	vpush v0, $0x4;
	_ =	sdelay $0x2  }
0x2f: {  	s15 =	spop (v2sf)  }
0x30: {  	s11 =	sand.u32 $0x70, s15;
	[tilespmem:$0x1110] =	vst v1  }
0x31: {  	v1 =	vld [tilespmem:s11+$0x200]  }
0x32: {  	(v2sf) =	vpush v0, $0x5;
	_ =	sdelay $0x2  }
0x33: {  	s16 =	spop (v2sf)  }
0x34: {  	s11 =	sand.u32 $0x70, s16;
	[tilespmem:$0x1120] =	vst v1  }
0x35: {  	v1 =	vld [tilespmem:s11+$0x280]  }
0x36: {  	(v2sf) =	vpush v0, $0x6;
	_ =	sdelay $0x2  }
0x37: {  	s17 =	spop (v2sf)  }
0x38: {  	s11 =	sand.u32 $0x70, s17;
	[tilespmem:$0x1130] =	vst v1  }
0x39: {  	v1 =	vld [tilespmem:s11+$0x300]  }
0x3a: {  	(v2sf) =	vpush v0, $0x7;
	_ =	sdelay $0x2  }
0x3b: {  	s18 =	spop (v2sf)  }
0x3c: {  	s11 =	sand.u32 $0x70, s18;
	[tilespmem:$0x1140] =	vst v1  }
0x3d: {  	v1 =	vld [tilespmem:s11+$0x380]  }
0x3e: {  	(v2sf) =	vpush v0, $0x8;
	_ =	sdelay $0x2  }
0x3f: {  	s19 =	spop (v2sf)  }
0x40: {  	s11 =	sand.u32 $0x70, s19;
	[tilespmem:$0x1150] =	vst v1  }
0x41: {  	v1 =	vld [tilespmem:s11+$0x400]  }
0x42: {  	(v2sf) =	vpush v0, $0x9;
	_ =	sdelay $0x2  }
0x43: {  	s20 =	spop (v2sf)  }
0x44: {  	s11 =	sand.u32 $0x70, s20;
	[tilespmem:$0x1160] =	vst v1  }
0x45: {  	v1 =	vld [tilespmem:s11+$0x480]  }
0x46: {  	(v2sf) =	vpush v0, $0xA;
	_ =	sdelay $0x2  }
0x47: {  	s21 =	spop (v2sf)  }
0x48: {  	s11 =	sand.u32 $0x70, s21;
	[tilespmem:$0x1170] =	vst v1  }
0x49: {  	v1 =	vld [tilespmem:s11+$0x500]  }
0x4a: {  	(v2sf) =	vpush v0, $0xB;
	_ =	sdelay $0x2  }
0x4b: {  	s22 =	spop (v2sf)  }
0x4c: {  	s11 =	sand.u32 $0x70, s22;
	[tilespmem:$0x1180] =	vst v1  }
0x4d: {  	v1 =	vld [tilespmem:s11+$0x580]  }
0x4e: {  	(v2sf) =	vpush v0, $0xC;
	_ =	sdelay $0x2  }
0x4f: {  	s23 =	spop (v2sf)  }
0x50: {  	s11 =	sand.u32 $0x70, s23;
	[tilespmem:$0x1190] =	vst v1  }
0x51: {  	v1 =	vld [tilespmem:s11+$0x600]  }
0x52: {  	(v2sf) =	vpush v0, $0xD;
	_ =	sdelay $0x2  }
0x53: {  	s24 =	spop (v2sf)  }
0x54: {  	s11 =	sand.u32 $0x70, s24;
	[tilespmem:$0x11A0] =	vst v1  }
0x55: {  	v1 =	vld [tilespmem:s11+$0x680]  }
0x56: {  	(v2sf) =	vpush v0, $0xE;
	_ =	sdelay $0x2  }
0x57: {  	s25 =	spop (v2sf)  }
0x58: {  	s11 =	sand.u32 $0x70, s25;
	[tilespmem:$0x11B0] =	vst v1  }
0x59: {  	v1 =	vld [tilespmem:s11+$0x700]  }
0x5a: {  	v62 =	vld [tilespmem:$0x10];
	(v2sf) =	vpush v0, $0xF;
	_ =	sdelay $0x2  }
0x5b: {  	s26 =	spop (v2sf)  }
0x5c: {  	s11 =	sand.u32 $0x70, s26;
	[tilespmem:$0x11C0] =	vst v1  }
0x5d: {  	v0 =	vshll.u32 v62, $0x4;
	v1 =	vld [tilespmem:s11+$0x780]  }
0x5e: {  	(v2sf) =	vpush v0, $0x0;
	_ =	sdelay $0x2  }
0x5f: {  	s28 =	spop (v2sf)  }
0x60: {  	s11 =	sand.u32 $0x70, s28;
	[tilespmem:$0x11D0] =	vst v1  }
0x61: {  	v1 =	vld [tilespmem:s11+$0x800]  }
0x62: {  	(v2sf) =	vpush v0, $0x1;
	_ =	sdelay $0x2  }
0x63: {  	s29 =	spop (v2sf)  }
0x64: {  	s11 =	sand.u32 $0x70, s29;
	[tilespmem:$0x11E0] =	vst v1  }
0x65: {  	v1 =	vld [tilespmem:s11+$0x880]  }
0x66: {  	(v2sf) =	vpush v0, $0x2;
	_ =	sdelay $0x2  }
0x67: {  	s30 =	spop (v2sf)  }
0x68: {  	s11 =	sand.u32 $0x70, s30;
	[tilespmem:$0x11F0] =	vst v1  }
0x69: {  	v1 =	vld [tilespmem:s11+$0x900]  }
0x6a: {  	(v2sf) =	vpush v0, $0x3;
	_ =	sdelay $0x2  }
0x6b: {  	s31 =	spop (v2sf)  }
0x6c: {  	s11 =	sand.u32 $0x70, s31;
	[tilespmem:$0x1200] =	vst v1  }
0x6d: {  	v1 =	vld [tilespmem:s11+$0x980]  }
0x6e: {  	(v2sf) =	vpush v0, $0x4;
	_ =	sdelay $0x2  }
0x6f: {  	s12 =	spop (v2sf)  }
0x70: {  	s11 =	sand.u32 $0x70, s12;
	[tilespmem:$0x1210] =	vst v1  }
0x71: {  	v1 =	vld [tilespmem:s11+$0xA00]  }
0x72: {  	(v2sf) =	vpush v0, $0x5;
	_ =	sdelay $0x2  }
0x73: {  	s13 =	spop (v2sf)  }
0x74: {  	s11 =	sand.u32 $0x70, s13;
	[tilespmem:$0x1220] =	vst v1  }
0x75: {  	v1 =	vld [tilespmem:s11+$0xA80]  }
0x76: {  	(v2sf) =	vpush v0, $0x6;
	_ =	sdelay $0x2  }
0x77: {  	s14 =	spop (v2sf)  }
0x78: {  	s11 =	sand.u32 $0x70, s14;
	[tilespmem:$0x1230] =	vst v1  }
0x79: {  	v1 =	vld [tilespmem:s11+$0xB00]  }
0x7a: {  	(v2sf) =	vpush v0, $0x7;
	_ =	sdelay $0x2  }
0x7b: {  	s15 =	spop (v2sf)  }
0x7c: {  	s11 =	sand.u32 $0x70, s15;
	[tilespmem:$0x1240] =	vst v1  }
0x7d: {  	v1 =	vld [tilespmem:s11+$0xB80]  }
0x7e: {  	(v2sf) =	vpush v0, $0x8;
	_ =	sdelay $0x2  }
0x7f: {  	s16 =	spop (v2sf)  }
0x80: {  	s11 =	sand.u32 $0x70, s16;
	[tilespmem:$0x1250] =	vst v1  }
0x81: {  	v1 =	vld [tilespmem:s11+$0xC00]  }
0x82: {  	(v2sf) =	vpush v0, $0x9;
	_ =	sdelay $0x2  }
0x83: {  	s17 =	spop (v2sf)  }
0x84: {  	s11 =	sand.u32 $0x70, s17;
	[tilespmem:$0x1260] =	vst v1  }
0x85: {  	v1 =	vld [tilespmem:s11+$0xC80]  }
0x86: {  	(v2sf) =	vpush v0, $0xA;
	_ =	sdelay $0x2  }
0x87: {  	s18 =	spop (v2sf)  }
0x88: {  	s11 =	sand.u32 $0x70, s18;
	[tilespmem:$0x1270] =	vst v1  }
0x89: {  	v1 =	vld [tilespmem:s11+$0xD00]  }
0x8a: {  	(v2sf) =	vpush v0, $0xB;
	_ =	sdelay $0x2  }
0x8b: {  	s19 =	spop (v2sf)  }
0x8c: {  	s11 =	sand.u32 $0x70, s19;
	[tilespmem:$0x1280] =	vst v1  }
0x8d: {  	v1 =	vld [tilespmem:s11+$0xD80]  }
0x8e: {  	(v2sf) =	vpush v0, $0xC;
	_ =	sdelay $0x2  }
0x8f: {  	s20 =	spop (v2sf)  }
0x90: {  	s11 =	sand.u32 $0x70, s20;
	[tilespmem:$0x1290] =	vst v1  }
0x91: {  	v1 =	vld [tilespmem:s11+$0xE00]  }
0x92: {  	(v2sf) =	vpush v0, $0xD;
	_ =	sdelay $0x2  }
0x93: {  	s21 =	spop (v2sf)  }
0x94: {  	s11 =	sand.u32 $0x70, s21;
	[tilespmem:$0x12A0] =	vst v1  }
0x95: {  	v1 =	vld [tilespmem:s11+$0xE80]  }
0x96: {  	(v2sf) =	vpush v0, $0xE;
	_ =	sdelay $0x2  }
0x97: {  	s22 =	spop (v2sf)  }
0x98: {  	s11 =	sand.u32 $0x70, s22;
	[tilespmem:$0x12B0] =	vst v1  }
0x99: {  	v1 =	vld [tilespmem:s11+$0xF00]  }
0x9a: {  	(v2sf) =	vpush v0, $0xF;
	_ =	sdelay $0x2  }
0x9b: {  	s23 =	spop (v2sf)  }
0x9c: {  	s11 =	sand.u32 $0x70, s23;
	[tilespmem:$0x12C0] =	vst v1  }
0x9d: {  	v63 =	vld [tilespmem:s11+$0xF80];
	_ =	sdelay $0x3  }
0x9e: {  	s24 =	spop (v2sf)  }
0x9f: {  	s11 =	sand.u32 $0x70, s24;
	[tilespmem:$0x12D0] =	vst v63  }
0xa0: {  	v0 =	vld [tilespmem:s11+$0x1000];
	_ =	sdelay $0x3  }
0xa1: {  	s25 =	spop (v2sf)  }
0xa2: {  	s11 =	sand.u32 $0x70, s25;
	[tilespmem:$0x12E0] =	vst v0  }
0xa3: {  	v0 =	vld [tilespmem:s11+$0x1080];
	_ =	sdelay $0x1  }
0xa4: {  	s26 =	rddreg [dreg:$0xd]  }
0xa5: {  	s28 =	rddreg [dreg:$0xb]  }
0xa6: {  	s29 =	rddreg [dreg:$0x7]  }
0xa7: {  	s14 =	rddreg [dreg:$0x9];
	[tilespmem:$0x12F0] =	vst v0  }
0xa8: {  	[tilespmem:s9], [sflag:$0x1] =	stream.indirect.gather [hbm4b:s3+s7], $0x80, s29, s7, $0xb8;
	[tilespmem:$0x11300] =	vst v63  }
0xa9: {  	s15 =	rddreg [dreg:$0x8]  }
0xaa: {  	[tilespmem:s14], [sflag:$0x1] =	stream.indirect.gather [hbm4b:s3+s7], $0x80, s15, s7, $0xb8;
	[tilespmem:$0x11300] =	vst v63  }
0xab: {  	s30 =	rddreg [dreg:$0xa]  }
0xac: {  	[tilespmem:s28], [sflag:$0x1] =	stream.indirect.gather [hbm4b:s3+s7], $0x80, s30, s7, $0xb8;
	[tilespmem:$0x11300] =	vst v63  }
0xad: {  	s31 =	rddreg [dreg:$0xc]  }
0xae: {  	[tilespmem:s26], [sflag:$0x1] =	stream.indirect.gather [hbm4b:s3+s7], $0x80, s31, s7, $0xb8;
	[tilespmem:$0x11300] =	vst v63  }
0xaf: {  	_ =	swait.ge [sflag:s8], $0x4000  }
0xb0: {  	[sflag:s8] =	ssyncset.done $0x0  }
0xb1: {  	[sflag:s8] =	ssyncadd.s32 $0xFFFFC000  }
0xb2: {  	_ =	swait.ge [sflag:s8], $0x4000  }
0xb3: {  	[sflag:s8] =	ssyncset.done $0x0  }
0xb4: {  	[sflag:s8] =	ssyncadd.s32 $0xFFFFC000  }
0xb5: {  	_ =	swait.ge [sflag:s8], $0x4000  }
0xb6: {  	[sflag:s8] =	ssyncset.done $0x0  }
0xb7: {  	[sflag:s8] =	ssyncadd.s32 $0xFFFFC000  }
0xb8: {  	_ =	swait.ge [sflag:s8], $0x4000  }
0xb9: {  	[sflag:s8] =	ssyncset.done $0x0  }
0xba: {  	[sflag:s8] =	ssyncadd.s32 $0xFFFFC000  }
0xbb: {  	[hbm4b:s5+s2] =	stream.linear.scatter [tilespmem:s9], [sflag:$0x2], $0x10000, $0x38;
	[tilespmem:$0x11300] =	vst v63  }
0xbc: {  	s12 =	smov.u32 s5;
	s11 =	simm.s32 $0x4;
	_ =	swait.ge [sflag:s6], $0x10000  }
.LBB2_2:
0xbd: {  	[sflag:s6] =	ssyncset.done $0x0;
	s13 =	smov.u32 s11;
	s14 =	rddreg [dreg:$0x4]  }
0xbe: {  	[sflag:s6] =	ssyncadd.s32 $0xFFFF0000;
	s13 =	sadd.s32 s13, s14  }
0xbf: {  	[tilespmem:s2], [sflag:$0x2] =	stream.linear.gather [hbm4b:s13+s2], $0x20, $0x38;
	[tilespmem:$0x11300] =	vst v63  }
0xc0: {  	_ =	swait.ge [sflag:s6], $0x20  }
0xc1: {  	[sflag:s6] =	ssyncset.done $0x0  }
0xc2: {  	[sflag:s6] =	ssyncadd.s32 $0xFFFFFFE0  }
0xc3: {  	v0 =	vld [tilespmem:$0x0]  }
0xc4: {  	v1 =	vld [tilespmem:$0x10];
	_ =	sdelay $0x3  }
0xc5: {  	s30 =	rddreg [dreg:$0x6];
	v0 =	vshra.s32 v0, $0x3  }
0xc6: {  	s31 =	rddreg [dreg:$0x5];
	v58 =	vshra.s32 v1, $0x3;
	[tilespmem:$0x80] =	vst v0  }
0xc7: {  	s15 =	rddreg [dreg:$0x3];
	[tilespmem:$0x90] =	vst v58  }
0xc8: {  	[tilespmem:s30], [sflag:$0x1] =	stream.indirect.gather [hbm4b:s15+s31], $0x80, s7, s31, $0xb8;
	[tilespmem:$0x11300] =	vst v63  }
0xc9: {  	_ =	swait.ge [sflag:s8], $0x1000  }
0xca: {  	[sflag:s8] =	ssyncset.done $0x0  }
0xcb: {  	[sflag:s8] =	ssyncadd.s32 $0xFFFFF000  }
0xcc: {  	v59 =	vld [tilespmem:$0x0];
	_ =	sdelay $0x4  }
0xcd: {  	v0 =	vshll.u32 v59, $0x4  }
0xce: {  	(v2sf) =	vpush v0, $0x0;
	_ =	sdelay $0x5  }
0xcf: {  	(v2sf) =	vpush v0, $0x1;
	_ =	sdelay $0x3  }
0xd0: {  	(v2sf) =	vpush v0, $0x2  }
0xd1: {  	(v2sf) =	vpush v0, $0x3  }
0xd2: {  	(v2sf) =	vpush v0, $0x4  }
0xd3: {  	(v2sf) =	vpush v0, $0x5  }
0xd4: {  	(v2sf) =	vpush v0, $0x6  }
0xd5: {  	(v2sf) =	vpush v0, $0x7;
	s14 =	spop (v2sf)  }
0xd6: {  	(v2sf) =	vpush v0, $0x8;
	s13 =	sand.u32 $0x70, s14  }
0xd7: {  	(v2sf) =	vpush v0, $0x9;
	v60 =	vld [tilespmem:s13+$0x100]  }
0xd8: {  	(v2sf) =	vpush v0, $0xA  }
0xd9: {  	(v2sf) =	vpush v0, $0xB  }
0xda: {  	(v2sf) =	vpush v0, $0xC  }
0xdb: {  	(v2sf) =	vpush v0, $0xD;
	s15 =	spop (v2sf)  }
0xdc: {  	(v2sf) =	vpush v0, $0xE;
	s14 =	sand.u32 $0x70, s15;
	[tilespmem:$0x1100] =	vst v60  }
0xdd: {  	(v2sf) =	vpush v0, $0xF;
	v0 =	vld [tilespmem:s14+$0x180];
	_ =	sdelay $0x3  }
0xde: {  	s16 =	spop (v2sf)  }
0xdf: {  	s13 =	sand.u32 $0x70, s16;
	[tilespmem:$0x1110] =	vst v0  }
0xe0: {  	v0 =	vld [tilespmem:s13+$0x200];
	_ =	sdelay $0x3  }
0xe1: {  	s21 =	spop (v2sf)  }
0xe2: {  	s21 =	sand.u32 $0x70, s21;
	[tilespmem:$0x1120] =	vst v0  }
0xe3: {  	v0 =	vld [tilespmem:s21+$0x280];
	_ =	sdelay $0x3  }
0xe4: {  	s22 =	spop (v2sf)  }
0xe5: {  	s30 =	sand.u32 $0x70, s22;
	[tilespmem:$0x1130] =	vst v0  }
0xe6: {  	v0 =	vld [tilespmem:s30+$0x300];
	_ =	sdelay $0x3  }
0xe7: {  	s23 =	spop (v2sf)  }
0xe8: {  	s31 =	sand.u32 $0x70, s23;
	[tilespmem:$0x1140] =	vst v0  }
0xe9: {  	v0 =	vld [tilespmem:s31+$0x380];
	_ =	sdelay $0x3  }
0xea: {  	s24 =	spop (v2sf)  }
0xeb: {  	s22 =	sand.u32 $0x70, s24;
	[tilespmem:$0x1150] =	vst v0  }
0xec: {  	v0 =	vld [tilespmem:s22+$0x400];
	_ =	sdelay $0x3  }
0xed: {  	s25 =	spop (v2sf)  }
0xee: {  	s23 =	sand.u32 $0x70, s25;
	[tilespmem:$0x1160] =	vst v0  }
0xef: {  	v0 =	vld [tilespmem:s23+$0x480];
	_ =	sdelay $0x3  }
0xf0: {  	s20 =	spop (v2sf)  }
0xf1: {  	s20 =	sand.u32 $0x70, s20;
	[tilespmem:$0x1170] =	vst v0  }
0xf2: {  	v0 =	vld [tilespmem:s20+$0x500];
	_ =	sdelay $0x3  }
0xf3: {  	s19 =	spop (v2sf)  }
0xf4: {  	s19 =	sand.u32 $0x70, s19;
	[tilespmem:$0x1180] =	vst v0  }
0xf5: {  	v0 =	vld [tilespmem:s19+$0x580];
	_ =	sdelay $0x3  }
0xf6: {  	s18 =	spop (v2sf)  }
0xf7: {  	s18 =	sand.u32 $0x70, s18;
	[tilespmem:$0x1190] =	vst v0  }
0xf8: {  	v0 =	vld [tilespmem:s18+$0x600];
	_ =	sdelay $0x3  }
0xf9: {  	s17 =	spop (v2sf)  }
0xfa: {  	s17 =	sand.u32 $0x70, s17;
	[tilespmem:$0x11A0] =	vst v0  }
0xfb: {  	v0 =	vld [tilespmem:s17+$0x680];
	_ =	sdelay $0x3  }
0xfc: {  	s16 =	spop (v2sf)  }
0xfd: {  	s16 =	sand.u32 $0x70, s16;
	[tilespmem:$0x11B0] =	vst v0  }
0xfe: {  	v62 =	vld [tilespmem:s16+$0x700]  }
0xff: {  	v61 =	vld [tilespmem:$0x10];
	_ =	sdelay $0x2  }
0x100: {  	s26 =	spop (v2sf)  }
0x101: {  	s15 =	sand.u32 $0x70, s26;
	[tilespmem:$0x11C0] =	vst v62  }
0x102: {  	s28 =	spop (v2sf);
	v0 =	vshll.u32 v61, $0x4;
	v1 =	vld [tilespmem:s15+$0x780]  }
0x103: {  	s29 =	spop (v2sf);
	(v2sf) =	vpush v0, $0x0;
	_ =	sdelay $0x3  }
0x104: {  	s14 =	sand.u32 $0x70, s28;
	[tilespmem:$0x11D0] =	vst v1  }
0x105: {  	v1 =	vld [tilespmem:s14+$0x800]  }
0x106: {  	(v2sf) =	vpush v0, $0x1;
	_ =	sdelay $0x3  }
0x107: {  	s13 =	sand.u32 $0x70, s29;
	(v2sf) =	vpush v0, $0x2;
	[tilespmem:$0x11E0] =	vst v1  }
0x108: {  	(v2sf) =	vpush v0, $0x3;
	v1 =	vld [tilespmem:s13+$0x880]  }
0x109: {  	(v2sf) =	vpush v0, $0x4  }
0x10a: {  	(v2sf) =	vpush v0, $0x5  }
0x10b: {  	(v2sf) =	vpush v0, $0x6  }
0x10c: {  	(v2sf) =	vpush v0, $0x7;
	s24 =	spop (v2sf)  }
0x10d: {  	(v2sf) =	vpush v0, $0x8;
	s13 =	sand.u32 $0x70, s24;
	[tilespmem:$0x11F0] =	vst v1  }
0x10e: {  	(v2sf) =	vpush v0, $0x9;
	v63 =	vld [tilespmem:s13+$0x900]  }
0x10f: {  	(v2sf) =	vpush v0, $0xA  }
0x110: {  	(v2sf) =	vpush v0, $0xB  }
0x111: {  	(v2sf) =	vpush v0, $0xC  }
0x112: {  	(v2sf) =	vpush v0, $0xD;
	s25 =	spop (v2sf)  }
0x113: {  	(v2sf) =	vpush v0, $0xE;
	s17 =	sand.u32 $0x70, s25;
	[tilespmem:$0x1200] =	vst v63  }
0x114: {  	(v2sf) =	vpush v0, $0xF;
	v0 =	vld [tilespmem:s17+$0x980];
	_ =	sdelay $0x3  }
0x115: {  	s28 =	spop (v2sf)  }
0x116: {  	s22 =	sand.u32 $0x70, s28;
	[tilespmem:$0x1210] =	vst v0  }
0x117: {  	v0 =	vld [tilespmem:s22+$0xA00];
	_ =	sdelay $0x3  }
0x118: {  	s29 =	spop (v2sf)  }
0x119: {  	s29 =	sand.u32 $0x70, s29;
	[tilespmem:$0x1220] =	vst v0  }
0x11a: {  	v0 =	vld [tilespmem:s29+$0xA80];
	_ =	sdelay $0x3  }
0x11b: {  	s30 =	spop (v2sf)  }
0x11c: {  	s30 =	sand.u32 $0x70, s30;
	[tilespmem:$0x1230] =	vst v0  }
0x11d: {  	v0 =	vld [tilespmem:s30+$0xB00];
	_ =	sdelay $0x3  }
0x11e: {  	s31 =	spop (v2sf)  }
0x11f: {  	s31 =	sand.u32 $0x70, s31;
	[tilespmem:$0x1240] =	vst v0  }
0x120: {  	v0 =	vld [tilespmem:s31+$0xB80];
	_ =	sdelay $0x3  }
0x121: {  	s26 =	spop (v2sf)  }
0x122: {  	s23 =	sand.u32 $0x70, s26;
	[tilespmem:$0x1250] =	vst v0  }
0x123: {  	v0 =	vld [tilespmem:s23+$0xC00];
	_ =	sdelay $0x3  }
0x124: {  	s20 =	spop (v2sf)  }
0x125: {  	s21 =	sand.u32 $0x70, s20;
	[tilespmem:$0x1260] =	vst v0  }
0x126: {  	v0 =	vld [tilespmem:s21+$0xC80];
	_ =	sdelay $0x3  }
0x127: {  	s19 =	spop (v2sf)  }
0x128: {  	s20 =	sand.u32 $0x70, s19;
	[tilespmem:$0x1270] =	vst v0  }
0x129: {  	v0 =	vld [tilespmem:s20+$0xD00];
	_ =	sdelay $0x3  }
0x12a: {  	s18 =	spop (v2sf)  }
0x12b: {  	s19 =	sand.u32 $0x70, s18;
	[tilespmem:$0x1280] =	vst v0  }
0x12c: {  	v0 =	vld [tilespmem:s19+$0xD80];
	_ =	sdelay $0x3  }
0x12d: {  	s17 =	spop (v2sf)  }
0x12e: {  	s18 =	sand.u32 $0x70, s17;
	[tilespmem:$0x1290] =	vst v0  }
0x12f: {  	v0 =	vld [tilespmem:s18+$0xE00];
	_ =	sdelay $0x3  }
0x130: {  	s16 =	spop (v2sf)  }
0x131: {  	s17 =	sand.u32 $0x70, s16;
	[tilespmem:$0x12A0] =	vst v0  }
0x132: {  	v0 =	vld [tilespmem:s17+$0xE80];
	_ =	sdelay $0x3  }
0x133: {  	s15 =	spop (v2sf)  }
0x134: {  	s16 =	sand.u32 $0x70, s15;
	[tilespmem:$0x12B0] =	vst v0  }
0x135: {  	v0 =	vld [tilespmem:s16+$0xF00];
	_ =	sdelay $0x3  }
0x136: {  	s14 =	spop (v2sf)  }
0x137: {  	s15 =	sand.u32 $0x70, s14;
	[tilespmem:$0x12C0] =	vst v0  }
0x138: {  	v0 =	vld [tilespmem:s15+$0xF80];
	_ =	sdelay $0x3  }
0x139: {  	s13 =	spop (v2sf)  }
0x13a: {  	s14 =	sand.u32 $0x70, s13;
	[tilespmem:$0x12D0] =	vst v0  }
0x13b: {  	v0 =	vld [tilespmem:s14+$0x1000];
	_ =	sdelay $0x3  }
0x13c: {  	s28 =	spop (v2sf)  }
0x13d: {  	s13 =	sand.u32 $0x70, s28;
	[tilespmem:$0x12E0] =	vst v0  }
0x13e: {  	v0 =	vld [tilespmem:s13+$0x1080];
	_ =	sdelay $0x1  }
0x13f: {  	s25 =	rddreg [dreg:$0xb]  }
0x140: {  	s24 =	rddreg [dreg:$0xd]  }
0x141: {  	s26 =	rddreg [dreg:$0x7]  }
0x142: {  	s28 =	rddreg [dreg:$0x9];
	[tilespmem:$0x12F0] =	vst v0  }
0x143: {  	[tilespmem:s9], [sflag:$0x1] =	stream.indirect.gather [hbm4b:s3+s7], $0x80, s26, s7, $0xb8;
	[tilespmem:$0x11300] =	vst v63  }
0x144: {  	s29 =	rddreg [dreg:$0x8]  }
0x145: {  	[tilespmem:s28], [sflag:$0x1] =	stream.indirect.gather [hbm4b:s3+s7], $0x80, s29, s7, $0xb8;
	[tilespmem:$0x11300] =	vst v63  }
0x146: {  	s30 =	rddreg [dreg:$0xa]  }
0x147: {  	[tilespmem:s25], [sflag:$0x1] =	stream.indirect.gather [hbm4b:s3+s7], $0x80, s30, s7, $0xb8;
	[tilespmem:$0x11300] =	vst v63  }
0x148: {  	s31 =	rddreg [dreg:$0xc]  }
0x149: {  	[tilespmem:s24], [sflag:$0x1] =	stream.indirect.gather [hbm4b:s3+s7], $0x80, s31, s7, $0xb8;
	[tilespmem:$0x11300] =	vst v63  }
0x14a: {  	_ =	swait.ge [sflag:s8], $0x4000  }
0x14b: {  	[sflag:s8] =	ssyncset.done $0x0  }
0x14c: {  	[sflag:s8] =	ssyncadd.s32 $0xFFFFC000  }
0x14d: {  	_ =	swait.ge [sflag:s8], $0x4000  }
0x14e: {  	[sflag:s8] =	ssyncset.done $0x0  }
0x14f: {  	[sflag:s8] =	ssyncadd.s32 $0xFFFFC000  }
0x150: {  	_ =	swait.ge [sflag:s8], $0x4000  }
0x151: {  	[sflag:s8] =	ssyncset.done $0x0  }
0x152: {  	p0 =	sne.s32 s11, $0x8;
	[sflag:s8] =	ssyncadd.s32 $0xFFFFC000  }
.Ltmp0:
0x153: {  	_ =	swait.ge [sflag:s8], $0x4000;
	(pc) =	sbr.rel @p0 .LBB2_2-.Ltmp0, $4  }
0x154: {  	[sflag:s8] =	ssyncset.done $0x0  }
0x155: {  	s12 =	sadd.s32 $0x2000, s12;
	[sflag:s8] =	ssyncadd.s32 $0xFFFFC000  }
0x156: {  	[hbm4b:s12+s2] =	stream.linear.scatter [tilespmem:s9], [sflag:$0x2], $0x10000, $0x38;
	[tilespmem:$0x11300] =	vst v63  }
0x157: {  	s11 =	sadd.s32 $0x4, s11;
	_ =	swait.ge [sflag:s6], $0x10000  }
0x158: {  	s10 =	sadd.s32 $0x1, s10  }
0x159: {  	p0 =	sne.s32 s10, s4  }
.Ltmp1:
0x15a: {  	_ = 	snop;
	(pc) =	sbr.rel @p0 .LBB2_1-.Ltmp1, $3  }
0x15b: {  	_ =	sdelay $0x1  }
0x15c: {  	[sflag:s6] =	ssyncset.done $0x0  }
0x15d: {  	[sflag:s6] =	ssyncadd.s32 $0xFFFF0000  }
0x15e: {  	_ =	sfence.sel $0x180000  }
0x15f: {  	[bflag:$0x0] =	sbarrier.arrive $0xFFFF  }
0x160: {  	p0 =	sne.s32 s1, $0x0;
	_ =	strace $0x90000053  }
0x161: {  	s0 =	sadd.s32 @!p0 $0x100000, s0;
	[bflag:$0x2] =	sbarrier.arrive $0xFFFF  }
0x162: {  	[sflag:s0] =	ssyncadd.tile.s32 @!p0 $0x1;
	_ =	shalt  }
.Lfunc_end2:
_tile_overlayer_lowered:
.L_overlay_start_2:
0x163: {  	(tag) =	ssettag $0x2  }
0x164: {  	s0 =	rddreg [dreg:$0x0];
	s2 =	stileid.u32  }
0x165: {  	s1 =	rddreg [dreg:$0x1];
	p0 =	sne.s32 s2, $0x0  }
0x166: {  	s3 =	rddreg [dreg:$0x2];
	[bflag:$0x3] =	sbarrier.arrive $0xFFFF;
	s2 =	simm.s32 @!p0 $0x1C02  }
0x167: {  	[timem:s3], [sflag:s2] =	dma.local @!p0 [hbm:s0], s1  }
0x168: {  	s0 =	simm.s32 @!p0 $0x2  }
0x169: {  	_ =	swait.ge @!p0 [sflag:s0], s1  }
0x16a: {  	s1 =	ssub.s32 @!p0 $0x0, s1;
	[sflag:s0] =	ssyncset.done @!p0 $0x0  }
0x16b: {  	[sflag:s0] =	ssyncadd.s32 @!p0 s1  }
0x16c: {  	[bflag:$0x3] =	sbarrier.arrive $0xFFFF  }
0x16d: {  	_ =	shalt  }

// kernel: kernel.26.cloned.1.call-start
scs
__scs_entry_jumppad:
0x0: {  	(pc) =	sbr.rel $0x88, $3  }
0x1: {  	(tag) =	ssettag $0x0;
	lr =	simm.s32 $0x1  }
0x2: {  	[smem:$0x3F9A] =	sst lr;
	_ =	strace $0xD0000000  }
0x3: {  	_ = 	snop  }
0x4: {  	_ = 	snop  }
0x5: {  	_ = 	snop  }
0x6: {  	_ = 	snop  }
0x7: {  	_ = 	snop  }
__scs_overlays_trampoline_lowered:
0x8: {  	[smem:$0x3FA9] =	sst s0  }
0x9: {  	[smem:$0x3FAA] =	sst s1  }
0xa: {  	[smem:$0x3FAB] =	sst s2  }
0xb: {  	[smem:$0x3FAC] =	sst s3  }
0xc: {  	[smem:$0x3FAD] =	sst s4  }
0xd: {  	[smem:$0x3FAE] =	sst s5  }
0xe: {  	[smem:$0x3FAF] =	sst s6  }
0xf: {  	[smem:$0x3FB0] =	sst s7  }
0x10: {  	[smem:$0x3FB1] =	sst s8  }
0x11: {  	[smem:$0x3FB2] =	sst s9;
	s0 =	simm.s32 @!p0 $0x0  }
0x12: {  	s1 =	sld [smem:$0x3F98];
	s0 =	simm.s32 @p0 $0x1  }
0x13: {  	[smem:$0x3FB3] =	sst s0;
	s0 =	simm.s32 @!p1 $0x0  }
0x14: {  	s2 =	sld [smem:$0x3F97];
	s0 =	simm.s32 @p1 $0x1  }
0x15: {  	[smem:$0x3FB4] =	sst s0;
	s0 =	simm.s32 @!p2 $0x0  }
0x16: {  	s3 =	sld [smem:$0x3FDB];
	s0 =	simm.s32 @p2 $0x1  }
0x17: {  	s4 =	simm.s32 $0x1BF5;
	[smem:$0x3FB6] =	sst s0  }
0x18: {  	s0 =	sld [smem:$0x3F99];
	_ =	swait.ge [sflag:s4], $0x0  }
0x19: {  	s7 =	sld [smem:$0x3F9A]  }
0x1a: {  	s8 =	sadd.s32 $0xFFFFE003, lr  }
0x1b: {  	s9 =	sadd.s32 $0xFFFFFEF7, lr;
	s5 =	simm.s32 $0xFFFFFFFF;
	p2 =	slt.u32 s8, $0xFFFFF086  }
0x1c: {  	p1 =	slt.u32 s9, $0xF7A;
	s5 =	simm.s32 @!p2 $0x0  }
0x1d: {  	s5 =	simm.s32 @p1 $0x1;
	p0 =	seq.s32 s7, s2  }
0x1e: {  	s7 =	smul.u32 @!p0 $0xF7A, s2;
	p2 =	seq.s32 @!p0 s5, $0x0  }
0x1f: {  	s9 =	smul.u32 $0xF7A, s1;
	s8 =	simm.s32 @!p0 $0x1BF5;
	p2 =	por !p2, p0  }
0x20: {  	[sflag:s8] =	ssyncset.s32 @!p0 $0xFFFFF086;
	s6 =	sadd.s32 @!p0 s3, s7;
	s7 =	simm.s32 @!p0 $0x108  }
0x21: {  	s3 =	sadd.s32 s3, s9;
	s6 =	sadd.s32 @!p0 $0x88, s6;
	s7 =	simm.s32 @p2 $0x1082  }
0x22: {  	[simem:s7], [sflag:s8] =	dma.local @!p0 [hbm:s6], $0xF7A  }
0x23: {  	s9 =	sor.u32 $0xD0000000, s2;
	s6 =	simm.s32 $0x108;
	_ =	swait.ge @!p0 [sflag:s8], $0x0  }
0x24: {  	s3 =	sadd.s32 $0x88, s3;
	s6 =	simm.s32 @!p1 $0x1082;
	[sflag:s4] =	ssyncset.s32 $0xFFFFF086  }
0x25: {  	[simem:s6], [sflag:s4] =	dma.local [hbm:s3], $0xF7A  }
0x26: {  	[smem:$0x3F9A] =	sst s1;
	(tag) =	ssettag s2;
	_ =	strace s9  }
0x27: {  	s1 =	sld [smem:$0x3FAA]  }
0x28: {  	s2 =	sld [smem:$0x3FAB]  }
0x29: {  	s4 =	sld [smem:$0x3FAD]  }
0x2a: {  	p0 =	seq.s32 s5, $0x0;
	s5 =	sld [smem:$0x3FAE]  }
0x2b: {  	s6 =	sld [smem:$0x3FAF]  }
0x2c: {  	s7 =	sld [smem:$0x3FB0]  }
0x2d: {  	s3 =	simm.s32 $0x108;
	s8 =	sld [smem:$0x3FB1]  }
0x2e: {  	s3 =	simm.s32 @!p0 $0x1082;
	s9 =	sld [smem:$0x3FB2]  }
0x2f: {  	lr =	sadd.s32 s0, s3;
	s0 =	sld [smem:$0x3FA9]  }
0x30: {  	s3 =	sld [smem:$0x3FAC]  }
0x31: {  	[smem:$0x3FB5] =	sst s10  }
0x32: {  	s10 =	sld [smem:$0x3FB3];
	_ =	sdelay $0x3  }
0x33: {  	p0 =	seq.s32 s10, $0x1;
	s10 =	sld [smem:$0x3FB5];
	_ =	sdelay $0x3  }
0x34: {  	[smem:$0x3FB5] =	sst s10  }
0x35: {  	s10 =	sld [smem:$0x3FB4];
	_ =	sdelay $0x3  }
0x36: {  	p1 =	seq.s32 s10, $0x1;
	s10 =	sld [smem:$0x3FB5];
	_ =	sdelay $0x3  }
0x37: {  	[smem:$0x3FB5] =	sst s10  }
0x38: {  	s10 =	sld [smem:$0x3FB6]  }
0x39: {  	_ = 	snop;
	(pc) =	sbr.ind lr, $3  }
0x3a: {  	_ = 	snop  }
0x3b: {  	_ = 	snop  }
0x3c: {  	p2 =	seq.s32 s10, $0x1;
	s10 =	sld [smem:$0x3FB5]  }
0x3d: {  	_ =	shalt  }
0x3e: {  	_ =	shalt  }
0x3f: {  	_ =	shalt  }
0x40: {  	_ =	shalt  }
0x41: {  	_ =	shalt  }
0x42: {  	_ =	shalt  }
0x43: {  	_ =	shalt  }
0x44: {  	_ =	shalt  }
0x45: {  	_ =	shalt  }
0x46: {  	_ =	shalt  }
0x47: {  	_ =	shalt  }
0x48: {  	_ =	shalt  }
0x49: {  	_ =	shalt  }
0x4a: {  	_ =	shalt  }
0x4b: {  	_ =	shalt  }
0x4c: {  	_ =	shalt  }
0x4d: {  	_ =	shalt  }
0x4e: {  	_ =	shalt  }
0x4f: {  	_ =	shalt  }
0x50: {  	_ =	shalt  }
0x51: {  	_ =	shalt  }
0x52: {  	_ =	shalt  }
0x53: {  	_ =	shalt  }
0x54: {  	_ =	shalt  }
0x55: {  	_ =	shalt  }
0x56: {  	_ =	shalt  }
0x57: {  	_ =	shalt  }
0x58: {  	_ =	shalt  }
0x59: {  	_ =	shalt  }
0x5a: {  	_ =	shalt  }
0x5b: {  	_ =	shalt  }
0x5c: {  	_ =	shalt  }
0x5d: {  	_ =	shalt  }
0x5e: {  	_ =	shalt  }
0x5f: {  	_ =	shalt  }
0x60: {  	_ =	shalt  }
0x61: {  	_ =	shalt  }
0x62: {  	_ =	shalt  }
0x63: {  	_ =	shalt  }
0x64: {  	_ =	shalt  }
0x65: {  	_ =	shalt  }
0x66: {  	_ =	shalt  }
0x67: {  	_ =	shalt  }
0x68: {  	_ =	shalt  }
0x69: {  	_ =	shalt  }
0x6a: {  	_ =	shalt  }
0x6b: {  	_ =	shalt  }
0x6c: {  	_ =	shalt  }
0x6d: {  	_ =	shalt  }
0x6e: {  	_ =	shalt  }
0x6f: {  	_ =	shalt  }
0x70: {  	_ =	shalt  }
0x71: {  	_ =	shalt  }
0x72: {  	_ =	shalt  }
0x73: {  	_ =	shalt  }
0x74: {  	_ =	shalt  }
0x75: {  	_ =	shalt  }
0x76: {  	_ =	shalt  }
0x77: {  	_ =	shalt  }
0x78: {  	_ =	shalt  }
0x79: {  	_ =	shalt  }
0x7a: {  	_ =	shalt  }
0x7b: {  	_ =	shalt  }
0x7c: {  	_ =	shalt  }
0x7d: {  	_ =	shalt  }
0x7e: {  	_ =	shalt  }
0x7f: {  	_ =	shalt  }
0x80: {  	_ =	shalt  }
0x81: {  	_ =	shalt  }
0x82: {  	_ =	shalt  }
0x83: {  	_ =	shalt  }
0x84: {  	_ =	shalt  }
0x85: {  	_ =	shalt  }
0x86: {  	_ =	shalt  }
0x87: {  	_ =	shalt  }
.Lfunc_end0:
.L_simem_size_0:
called_computation.4_lowered:
.L_overlay_start_0:
0x88: {  	s2 =	sld [smem:$0x3FD9]  }
0x89: {  	s3 =	sld [smem:$0x3FFE];
	_ =	sdelay $0x1  }
0x8a: {  	s1 =	srdreg.scid  }
0x8b: {  	s0 =	sand.u32 $0x1, s1  }
0x8c: {  	s17 =	sshll.u32 s0, $0xA;
	s2 =	sadd.s32 s3, s2  }
0x8d: {  	s2 =	sadd.s32 s2, s17  }
0x8e: {  	[smem:$0x3FC1] =	sst s2  }
0x8f: {  	_ = 	snop  }
0x90: {  	s2 =	sld [smem:$0x3FC9];
	(tm) =	ssettm $0x1  }
0x91: {  	s18 =	sld [smem:$0x3FFB];
	_ =	sdelay $0x3  }
0x92: {  	_ =	strace s18  }
0x93: {  	s3 =	sld [smem:$0x3FFC];
	_ =	sdelay $0x3  }
0x94: {  	_ =	strace s3  }
0x95: {  	s3 =	sld [smem:$0x3FFD];
	_ =	sdelay $0x3  }
0x96: {  	_ =	strace s3  }
0x97: {  	_ =	strace $0x8FFFFFFF  }
0x98: {  	s19 =	sld [smem:$0x3FDB];
	_ =	sdelay $0x1  }
0x99: {  	s4 =	simm.s32 $_scs_section_size  }
0x9a: {  	s5 =	simm.s32 $_size__tile_overlayer_lowered;
	s6 =	simm.s32 $_tile_overlayer_lowered  }
0x9b: {  	s22 =	simm.s32 $0x1BFF;
	s21 =	sshll.u32 s6, $0x1;
	s3 =	sadd.s32 s4, s19  }
0x9c: {  	s7 =	simm.s32 $0x0;
	s20 =	sshll.u32 s5, $0x1;
	s5 =	sadd.s32 s21, s3  }
0x9d: {  	[timem:s7], [sflag:s22] =	dma.local [hbm:s5], s20  }
0x9e: {  	_ =	swait.ge [sflag:s22], s20  }
0x9f: {  	s4 =	ssub.s32 $0x0, s20;
	[sflag:s22] =	ssyncset.done $0x0  }
0xa0: {  	[sflag:s22] =	ssyncadd.s32 s4;
	_ =	sdelay $0x1  }
0xa1: {  	s23 =	simm.s32 $0x1B8B  }
0xa2: {  	_ =	swait.ge [sflag:s23], $0x1  }
0xa3: {  	[sflag:s23] =	ssyncset.done $0x0  }
0xa4: {  	s25 =	simm.s32 $0x1B8E;
	s24 =	sld [smem:$0x3FFE];
	[sflag:s23] =	ssyncadd.s32 $0xFFFFFFFF  }
0xa5: {  	s26 =	simm.s32 $execute0_lowered;
	[smem:$0x3FD2] =	sst s25  }
0xa6: {  	s5 =	sshll.u32 s26, $0x1;
	_ =	strace $0x8000004F;
	[dreg:$0x1] =	wrdreg $0xFFFFFFFF  }
0xa7: {  	s28 =	simm.s32 $_size_execute0_lowered;
	s3 =	sadd.s32 s3, s5;
	[dreg:$0x0] =	wrdreg $0x0  }
0xa8: {  	s5 =	sshll.u32 s28, $0x1;
	[dreg:$0x2] =	wrdreg s3  }
0xa9: {  	[dreg:$0x3] =	wrdreg s5  }
0xaa: {  	[dreg:$0x4] =	wrdreg $0xC0  }
0xab: {  	_ =	task [dreg:s7], $0x5FFFF  }
0xac: {  	[dreg:$0x1] =	wrdreg $0xFFFFFFFF  }
0xad: {  	[dreg:$0x0] =	wrdreg $0x60  }
0xae: {  	[dreg:$0x2] =	wrdreg s2  }
0xaf: {  	[dreg:$0x3] =	wrdreg s24  }
0xb0: {  	[dreg:$0x4] =	wrdreg $0xA  }
0xb1: {  	_ =	task.clear_ibuf [dreg:s7], $0x5FFFF;
	_ =	strace $0x9000004F  }
0xb2: {  	s29 =	simm.s32 $0xA;
	_ =	strace $0x80000051  }
0xb3: {  	_ =	swait.ge [sflag:s29], $0x1  }
0xb4: {  	[sflag:s29] =	ssyncadd.s32 $0xFFFFFFFF  }
0xb5: {  	_ =	strace $0x90000051  }
0xb6: {  	_ =	sfence  }
0xb7: {  	s30 =	sld [smem:$0x0];
	_ =	sdelay $0x2  }
0xb8: {  	s31 =	sshll.u32 s1, $0xD;
	s1 =	sshrl.u32 s1, $0x2  }
0xb9: {  	s3 =	sand.u32 $0x4000, s31;
	s1 =	sadd.s32 s1, s30  }
0xba: {  	s0 =	sor.u32 s3, s0;
	s1 =	sshll.u32 s1, $0x11  }
0xbb: {  	s0 =	sor.u32 s1, s0  }
0xbc: {  	s0 =	sadd.s32 $0x8F2B, s0  }
0xbd: {  	[sflag:s0] =	ssyncadd.remote.s32 $0x1  }
0xbe: {  	_ =	sfence.sel $0xFFFF  }
0xbf: {  	[dreg:$0x0] =	wrdreg $0xFFFFFFFF;
	(pc) =	sbr.abs _section_cstart, $3  }
0xc0: {  	[dreg:$0x1] =	wrdreg $0xFFFFFFFF  }
0xc1: {  	_ =	task.clear_ibuf [dreg:s7], $0x2FFFF;
	_ =	strace $0x9FFFFFFF  }
0xc2: {  	(tm) =	ssettm $0x7FFFFFFF  }
0xc3: {  	_ =	shalt  }
tec
execute0_lowered:
.L_overlay_start_1:
0x0: {  	(tag) =	ssettag $0x1  }
0x1: {  	s4 =	rddreg [dreg:$0x0]  }
0x2: {  	s1 =	srdreg.scid;
	s5 =	rddreg [dreg:$0x1]  }
0x3: {  	s2 =	simm.s32 $0x0;
	s6 =	sand.u32 $0x1, s1;
	s1 =	rddreg [dreg:$0x2]  }
0x4: {  	[smem:$0x7FF] =	sst s2;
	s20 =	sadd.s32 $0x929A00, s5  }
0x5: {  	s23 =	simm.s32 $0x20;
	_ =	strace $0x80000050;
	[dreg:$0x3] =	wrdreg s20  }
0x6: {  	s24 =	simm.s32 $0x100;
	[dreg:$0x5] =	wrdreg s23  }
0x7: {  	s25 =	simm.s32 $0x1100;
	[dreg:$0x6] =	wrdreg s24  }
0x8: {  	s0 =	stileid.u32;
	s26 =	simm.s32 $0x1180;
	[dreg:$0x7] =	wrdreg s25  }
0x9: {  	s28 =	simm.s32 $0x5300;
	s29 =	simm.s32 $0x1200;
	[dreg:$0x8] =	wrdreg s26  }
0xa: {  	s30 =	simm.s32 $0x9300;
	s3 =	smul.u32 $0xE, s0;
	[dreg:$0x9] =	wrdreg s28  }
0xb: {  	s31 =	simm.s32 $0x1280;
	s8 =	smul.u32 $0x1C000, s0;
	[dreg:$0xa] =	wrdreg s29  }
0xc: {  	s10 =	simm.s32 $0xD300;
	s7 =	smul.u32 $0x7, s6;
	[dreg:$0xb] =	wrdreg s30  }
0xd: {  	s21 =	ssub.s32 $0x2, s6;
	s6 =	smul.u32 $0xE000, s6;
	[dreg:$0xc] =	wrdreg s31  }
0xe: {  	[dreg:$0xd] =	wrdreg s10;
	s22 =	sshrl.u32 s21, $0x1;
	s3 =	sadd.s32 s7, s3  }
0xf: {  	s10 =	simm.s32 $0x0;
	s7 =	ssub.s32 s21, s22;
	s9 =	sshll.u32 s3, $0x2  }
0x10: {  	s3 =	sadd.s32 $0x7A3000, s5;
	s5 =	sadd.s32 s8, s5;
	s8 =	simm.s32 $0x1  }
0x11: {  	s4 =	sadd.s32 s4, s9;
	s5 =	sadd.s32 s6, s5;
	s6 =	simm.s32 $0x2  }
0x12: {  	s9 =	simm.s32 $0x1300;
	s4 =	sadd.s32 $0x180, s4;
	s5 =	sadd.s32 $0x1E00, s5  }
0x13: {  	[dreg:$0x4] =	wrdreg s4;
	s4 =	smax.u32 s7, $0x1;
	s7 =	simm.s32 $0x80  }
.LBB2_1:
0x14: {  	s11 =	rddreg [dreg:$0x4]  }
0x15: {  	s11 =	sadd.s32 $0x0, s11  }
0x16: {  	[tilespmem:s2], [sflag:$0x2] =	stream.linear.gather [hbm4b:s11+s2], $0x20, $0x38;
	[tilespmem:$0x11300] =	vst v63  }
0x17: {  	_ =	swait.ge [sflag:s6], $0x20  }
0x18: {  	[sflag:s6] =	ssyncset.done $0x0  }
0x19: {  	[sflag:s6] =	ssyncadd.s32 $0xFFFFFFE0  }
0x1a: {  	v0 =	vld [tilespmem:$0x0]  }
0x1b: {  	v1 =	vld [tilespmem:$0x10];
	_ =	sdelay $0x3  }
0x1c: {  	s31 =	rddreg [dreg:$0x6];
	v0 =	vshra.s32 v0, $0x3  }
0x1d: {  	s12 =	rddreg [dreg:$0x5];
	v59 =	vshra.s32 v1, $0x3;
	[tilespmem:$0x80] =	vst v0  }
0x1e: {  	s13 =	rddreg [dreg:$0x3];
	[tilespmem:$0x90] =	vst v59  }
0x1f: {  	[tilespmem:s31], [sflag:$0x1] =	stream.indirect.gather [hbm4b:s13+s12], $0x80, s7, s12, $0xb8;
	[tilespmem:$0x11300] =	vst v63  }
0x20: {  	_ =	swait.ge [sflag:s8], $0x1000  }
0x21: {  	[sflag:s8] =	ssyncset.done $0x0  }
0x22: {  	[sflag:s8] =	ssyncadd.s32 $0xFFFFF000  }
0x23: {  	v60 =	vld [tilespmem:$0x0];
	_ =	sdelay $0x4  }
0x24: {  	v0 =	vshll.u32 v60, $0x4  }
0x25: {  	(v2sf) =	vpush v0, $0x0;
	_ =	sdelay $0x5  }
0x26: {  	(v2sf) =	vpush v0, $0x1;
	_ =	sdelay $0x5  }
0x27: {  	(v2sf) =	vpush v0, $0x2;
	_ =	sdelay $0x2  }
0x28: {  	s13 =	spop (v2sf)  }
0x29: {  	s11 =	sand.u32 $0x70, s13  }
0x2a: {  	v61 =	vld [tilespmem:s11+$0x100]  }
0x2b: {  	(v2sf) =	vpush v0, $0x3;
	_ =	sdelay $0x2  }
0x2c: {  	s14 =	spop (v2sf)  }
0x2d: {  	s11 =	sand.u32 $0x70, s14;
	[tilespmem:$0x1100] =	vst v61  }
0x2e: {  	v1 =	vld [tilespmem:s11+$0x180]  }
0x2f: {  	(v2sf) =	vpush v0, $0x4;
	_ =	sdelay $0x2  }
0x30: {  	s15 =	spop (v2sf)  }
0x31: {  	s11 =	sand.u32 $0x70, s15;
	[tilespmem:$0x1110] =	vst v1  }
0x32: {  	v1 =	vld [tilespmem:s11+$0x200]  }
0x33: {  	(v2sf) =	vpush v0, $0x5;
	_ =	sdelay $0x2  }
0x34: {  	s16 =	spop (v2sf)  }
0x35: {  	s11 =	sand.u32 $0x70, s16;
	[tilespmem:$0x1120] =	vst v1  }
0x36: {  	v1 =	vld [tilespmem:s11+$0x280]  }
0x37: {  	(v2sf) =	vpush v0, $0x6;
	_ =	sdelay $0x2  }
0x38: {  	s17 =	spop (v2sf)  }
0x39: {  	s11 =	sand.u32 $0x70, s17;
	[tilespmem:$0x1130] =	vst v1  }
0x3a: {  	v1 =	vld [tilespmem:s11+$0x300]  }
0x3b: {  	(v2sf) =	vpush v0, $0x7;
	_ =	sdelay $0x2  }
0x3c: {  	s18 =	spop (v2sf)  }
0x3d: {  	s11 =	sand.u32 $0x70, s18;
	[tilespmem:$0x1140] =	vst v1  }
0x3e: {  	v1 =	vld [tilespmem:s11+$0x380]  }
0x3f: {  	(v2sf) =	vpush v0, $0x8;
	_ =	sdelay $0x2  }
0x40: {  	s19 =	spop (v2sf)  }
0x41: {  	s11 =	sand.u32 $0x70, s19;
	[tilespmem:$0x1150] =	vst v1  }
0x42: {  	v1 =	vld [tilespmem:s11+$0x400]  }
0x43: {  	(v2sf) =	vpush v0, $0x9;
	_ =	sdelay $0x2  }
0x44: {  	s20 =	spop (v2sf)  }
0x45: {  	s11 =	sand.u32 $0x70, s20;
	[tilespmem:$0x1160] =	vst v1  }
0x46: {  	v1 =	vld [tilespmem:s11+$0x480]  }
0x47: {  	(v2sf) =	vpush v0, $0xA;
	_ =	sdelay $0x2  }
0x48: {  	s21 =	spop (v2sf)  }
0x49: {  	s11 =	sand.u32 $0x70, s21;
	[tilespmem:$0x1170] =	vst v1  }
0x4a: {  	v1 =	vld [tilespmem:s11+$0x500]  }
0x4b: {  	(v2sf) =	vpush v0, $0xB;
	_ =	sdelay $0x2  }
0x4c: {  	s22 =	spop (v2sf)  }
0x4d: {  	s11 =	sand.u32 $0x70, s22;
	[tilespmem:$0x1180] =	vst v1  }
0x4e: {  	v1 =	vld [tilespmem:s11+$0x580]  }
0x4f: {  	(v2sf) =	vpush v0, $0xC;
	_ =	sdelay $0x2  }
0x50: {  	s23 =	spop (v2sf)  }
0x51: {  	s11 =	sand.u32 $0x70, s23;
	[tilespmem:$0x1190] =	vst v1  }
0x52: {  	v1 =	vld [tilespmem:s11+$0x600]  }
0x53: {  	(v2sf) =	vpush v0, $0xD;
	_ =	sdelay $0x2  }
0x54: {  	s24 =	spop (v2sf)  }
0x55: {  	s11 =	sand.u32 $0x70, s24;
	[tilespmem:$0x11A0] =	vst v1  }
0x56: {  	v1 =	vld [tilespmem:s11+$0x680]  }
0x57: {  	(v2sf) =	vpush v0, $0xE;
	_ =	sdelay $0x2  }
0x58: {  	s25 =	spop (v2sf)  }
0x59: {  	s11 =	sand.u32 $0x70, s25;
	[tilespmem:$0x11B0] =	vst v1  }
0x5a: {  	v1 =	vld [tilespmem:s11+$0x700]  }
0x5b: {  	v62 =	vld [tilespmem:$0x10];
	(v2sf) =	vpush v0, $0xF;
	_ =	sdelay $0x2  }
0x5c: {  	s26 =	spop (v2sf)  }
0x5d: {  	s11 =	sand.u32 $0x70, s26;
	[tilespmem:$0x11C0] =	vst v1  }
0x5e: {  	v0 =	vshll.u32 v62, $0x4;
	v1 =	vld [tilespmem:s11+$0x780]  }
0x5f: {  	(v2sf) =	vpush v0, $0x0;
	_ =	sdelay $0x2  }
0x60: {  	s28 =	spop (v2sf)  }
0x61: {  	s11 =	sand.u32 $0x70, s28;
	[tilespmem:$0x11D0] =	vst v1  }
0x62: {  	v1 =	vld [tilespmem:s11+$0x800]  }
0x63: {  	(v2sf) =	vpush v0, $0x1;
	_ =	sdelay $0x2  }
0x64: {  	s29 =	spop (v2sf)  }
0x65: {  	s11 =	sand.u32 $0x70, s29;
	[tilespmem:$0x11E0] =	vst v1  }
0x66: {  	v1 =	vld [tilespmem:s11+$0x880]  }
0x67: {  	(v2sf) =	vpush v0, $0x2;
	_ =	sdelay $0x2  }
0x68: {  	s30 =	spop (v2sf)  }
0x69: {  	s11 =	sand.u32 $0x70, s30;
	[tilespmem:$0x11F0] =	vst v1  }
0x6a: {  	v1 =	vld [tilespmem:s11+$0x900]  }
0x6b: {  	(v2sf) =	vpush v0, $0x3;
	_ =	sdelay $0x2  }
0x6c: {  	s31 =	spop (v2sf)  }
0x6d: {  	s11 =	sand.u32 $0x70, s31;
	[tilespmem:$0x1200] =	vst v1  }
0x6e: {  	v1 =	vld [tilespmem:s11+$0x980]  }
0x6f: {  	(v2sf) =	vpush v0, $0x4;
	_ =	sdelay $0x2  }
0x70: {  	s12 =	spop (v2sf)  }
0x71: {  	s11 =	sand.u32 $0x70, s12;
	[tilespmem:$0x1210] =	vst v1  }
0x72: {  	v1 =	vld [tilespmem:s11+$0xA00]  }
0x73: {  	(v2sf) =	vpush v0, $0x5;
	_ =	sdelay $0x2  }
0x74: {  	s13 =	spop (v2sf)  }
0x75: {  	s11 =	sand.u32 $0x70, s13;
	[tilespmem:$0x1220] =	vst v1  }
0x76: {  	v1 =	vld [tilespmem:s11+$0xA80]  }
0x77: {  	(v2sf) =	vpush v0, $0x6;
	_ =	sdelay $0x2  }
0x78: {  	s14 =	spop (v2sf)  }
0x79: {  	s11 =	sand.u32 $0x70, s14;
	[tilespmem:$0x1230] =	vst v1  }
0x7a: {  	v1 =	vld [tilespmem:s11+$0xB00]  }
0x7b: {  	(v2sf) =	vpush v0, $0x7;
	_ =	sdelay $0x2  }
0x7c: {  	s15 =	spop (v2sf)  }
0x7d: {  	s11 =	sand.u32 $0x70, s15;
	[tilespmem:$0x1240] =	vst v1  }
0x7e: {  	v1 =	vld [tilespmem:s11+$0xB80]  }
0x7f: {  	(v2sf) =	vpush v0, $0x8;
	_ =	sdelay $0x2  }
0x80: {  	s16 =	spop (v2sf)  }
0x81: {  	s11 =	sand.u32 $0x70, s16;
	[tilespmem:$0x1250] =	vst v1  }
0x82: {  	v1 =	vld [tilespmem:s11+$0xC00]  }
0x83: {  	(v2sf) =	vpush v0, $0x9;
	_ =	sdelay $0x2  }
0x84: {  	s17 =	spop (v2sf)  }
0x85: {  	s11 =	sand.u32 $0x70, s17;
	[tilespmem:$0x1260] =	vst v1  }
0x86: {  	v1 =	vld [tilespmem:s11+$0xC80]  }
0x87: {  	(v2sf) =	vpush v0, $0xA;
	_ =	sdelay $0x2  }
0x88: {  	s18 =	spop (v2sf)  }
0x89: {  	s11 =	sand.u32 $0x70, s18;
	[tilespmem:$0x1270] =	vst v1  }
0x8a: {  	v1 =	vld [tilespmem:s11+$0xD00]  }
0x8b: {  	(v2sf) =	vpush v0, $0xB;
	_ =	sdelay $0x2  }
0x8c: {  	s19 =	spop (v2sf)  }
0x8d: {  	s11 =	sand.u32 $0x70, s19;
	[tilespmem:$0x1280] =	vst v1  }
0x8e: {  	v1 =	vld [tilespmem:s11+$0xD80]  }
0x8f: {  	(v2sf) =	vpush v0, $0xC;
	_ =	sdelay $0x2  }
0x90: {  	s20 =	spop (v2sf)  }
0x91: {  	s11 =	sand.u32 $0x70, s20;
	[tilespmem:$0x1290] =	vst v1  }
0x92: {  	v1 =	vld [tilespmem:s11+$0xE00]  }
0x93: {  	(v2sf) =	vpush v0, $0xD;
	_ =	sdelay $0x2  }
0x94: {  	s21 =	spop (v2sf)  }
0x95: {  	s11 =	sand.u32 $0x70, s21;
	[tilespmem:$0x12A0] =	vst v1  }
0x96: {  	v1 =	vld [tilespmem:s11+$0xE80]  }
0x97: {  	(v2sf) =	vpush v0, $0xE;
	_ =	sdelay $0x2  }
0x98: {  	s22 =	spop (v2sf)  }
0x99: {  	s11 =	sand.u32 $0x70, s22;
	[tilespmem:$0x12B0] =	vst v1  }
0x9a: {  	v1 =	vld [tilespmem:s11+$0xF00]  }
0x9b: {  	(v2sf) =	vpush v0, $0xF;
	_ =	sdelay $0x2  }
0x9c: {  	s23 =	spop (v2sf)  }
0x9d: {  	s11 =	sand.u32 $0x70, s23;
	[tilespmem:$0x12C0] =	vst v1  }
0x9e: {  	v63 =	vld [tilespmem:s11+$0xF80];
	_ =	sdelay $0x3  }
0x9f: {  	s24 =	spop (v2sf)  }
0xa0: {  	s11 =	sand.u32 $0x70, s24;
	[tilespmem:$0x12D0] =	vst v63  }
0xa1: {  	v0 =	vld [tilespmem:s11+$0x1000];
	_ =	sdelay $0x3  }
0xa2: {  	s25 =	spop (v2sf)  }
0xa3: {  	s11 =	sand.u32 $0x70, s25;
	[tilespmem:$0x12E0] =	vst v0  }
0xa4: {  	v0 =	vld [tilespmem:s11+$0x1080];
	_ =	sdelay $0x1  }
0xa5: {  	s26 =	rddreg [dreg:$0xd]  }
0xa6: {  	s28 =	rddreg [dreg:$0xb]  }
0xa7: {  	s29 =	rddreg [dreg:$0x7]  }
0xa8: {  	s14 =	rddreg [dreg:$0x9];
	[tilespmem:$0x12F0] =	vst v0  }
0xa9: {  	[tilespmem:s9], [sflag:$0x1] =	stream.indirect.gather [hbm4b:s3+s7], $0x80, s29, s7, $0xb8;
	[tilespmem:$0x11300] =	vst v63  }
0xaa: {  	s15 =	rddreg [dreg:$0x8]  }
0xab: {  	[tilespmem:s14], [sflag:$0x1] =	stream.indirect.gather [hbm4b:s3+s7], $0x80, s15, s7, $0xb8;
	[tilespmem:$0x11300] =	vst v63  }
0xac: {  	s30 =	rddreg [dreg:$0xa]  }
0xad: {  	[tilespmem:s28], [sflag:$0x1] =	stream.indirect.gather [hbm4b:s3+s7], $0x80, s30, s7, $0xb8;
	[tilespmem:$0x11300] =	vst v63  }
0xae: {  	s31 =	rddreg [dreg:$0xc]  }
0xaf: {  	[tilespmem:s26], [sflag:$0x1] =	stream.indirect.gather [hbm4b:s3+s7], $0x80, s31, s7, $0xb8;
	[tilespmem:$0x11300] =	vst v63  }
0xb0: {  	_ =	swait.ge [sflag:s8], $0x4000  }
0xb1: {  	[sflag:s8] =	ssyncset.done $0x0  }
0xb2: {  	[sflag:s8] =	ssyncadd.s32 $0xFFFFC000  }
0xb3: {  	_ =	swait.ge [sflag:s8], $0x4000  }
0xb4: {  	[sflag:s8] =	ssyncset.done $0x0  }
0xb5: {  	[sflag:s8] =	ssyncadd.s32 $0xFFFFC000  }
0xb6: {  	_ =	swait.ge [sflag:s8], $0x4000  }
0xb7: {  	[sflag:s8] =	ssyncset.done $0x0  }
0xb8: {  	[sflag:s8] =	ssyncadd.s32 $0xFFFFC000  }
0xb9: {  	_ =	swait.ge [sflag:s8], $0x4000  }
0xba: {  	[sflag:s8] =	ssyncset.done $0x0  }
0xbb: {  	s12 =	simm.s32 $0x4;
	[sflag:s8] =	ssyncadd.s32 $0xFFFFC000  }
0xbc: {  	[hbm4b:s5+s2] =	stream.linear.scatter [tilespmem:s9], [sflag:$0x2], $0x10000, $0x38;
	[tilespmem:$0x11300] =	vst v63  }
0xbd: {  	s13 =	simm.s32 $0x8;
	s11 =	smov.u32 s5;
	_ =	swait.ge [sflag:s6], $0x10000  }
.LBB2_2:
0xbe: {  	s14 =	rddreg [dreg:$0x4];
	[sflag:s6] =	ssyncset.done $0x0  }
0xbf: {  	[sflag:s6] =	ssyncadd.s32 $0xFFFF0000;
	s14 =	sadd.s32 s12, s14  }
0xc0: {  	[tilespmem:s2], [sflag:$0x2] =	stream.linear.gather [hbm4b:s14+s2], $0x20, $0x38;
	[tilespmem:$0x11300] =	vst v63  }
0xc1: {  	_ =	swait.ge [sflag:s6], $0x20  }
0xc2: {  	[sflag:s6] =	ssyncset.done $0x0  }
0xc3: {  	[sflag:s6] =	ssyncadd.s32 $0xFFFFFFE0  }
0xc4: {  	v0 =	vld [tilespmem:$0x0]  }
0xc5: {  	v1 =	vld [tilespmem:$0x10];
	_ =	sdelay $0x3  }
0xc6: {  	s26 =	rddreg [dreg:$0x6];
	v0 =	vshra.s32 v0, $0x3  }
0xc7: {  	s28 =	rddreg [dreg:$0x5];
	v58 =	vshra.s32 v1, $0x3;
	[tilespmem:$0x80] =	vst v0  }
0xc8: {  	s16 =	rddreg [dreg:$0x3];
	[tilespmem:$0x90] =	vst v58  }
0xc9: {  	[tilespmem:s26], [sflag:$0x1] =	stream.indirect.gather [hbm4b:s16+s28], $0x80, s7, s28, $0xb8;
	[tilespmem:$0x11300] =	vst v63  }
0xca: {  	_ =	swait.ge [sflag:s8], $0x1000  }
0xcb: {  	[sflag:s8] =	ssyncset.done $0x0  }
0xcc: {  	[sflag:s8] =	ssyncadd.s32 $0xFFFFF000  }
0xcd: {  	v59 =	vld [tilespmem:$0x0];
	_ =	sdelay $0x4  }
0xce: {  	v0 =	vshll.u32 v59, $0x4  }
0xcf: {  	(v2sf) =	vpush v0, $0x0;
	_ =	sdelay $0x5  }
0xd0: {  	(v2sf) =	vpush v0, $0x1;
	_ =	sdelay $0x3  }
0xd1: {  	(v2sf) =	vpush v0, $0x2  }
0xd2: {  	(v2sf) =	vpush v0, $0x3  }
0xd3: {  	(v2sf) =	vpush v0, $0x4  }
0xd4: {  	(v2sf) =	vpush v0, $0x5  }
0xd5: {  	(v2sf) =	vpush v0, $0x6  }
0xd6: {  	(v2sf) =	vpush v0, $0x7;
	s29 =	spop (v2sf)  }
0xd7: {  	(v2sf) =	vpush v0, $0x8;
	s14 =	sand.u32 $0x70, s29  }
0xd8: {  	(v2sf) =	vpush v0, $0x9;
	v60 =	vld [tilespmem:s14+$0x100]  }
0xd9: {  	(v2sf) =	vpush v0, $0xA  }
0xda: {  	(v2sf) =	vpush v0, $0xB  }
0xdb: {  	(v2sf) =	vpush v0, $0xC  }
0xdc: {  	s15 =	smov.u32 s13;
	(v2sf) =	vpush v0, $0xD;
	s30 =	spop (v2sf)  }
0xdd: {  	s12 =	smov.u32 s15;
	(v2sf) =	vpush v0, $0xE;
	s15 =	sand.u32 $0x70, s30;
	[tilespmem:$0x1100] =	vst v60  }
0xde: {  	(v2sf) =	vpush v0, $0xF;
	v0 =	vld [tilespmem:s15+$0x180];
	_ =	sdelay $0x3  }
0xdf: {  	s31 =	spop (v2sf)  }
0xe0: {  	s14 =	sand.u32 $0x70, s31;
	[tilespmem:$0x1110] =	vst v0  }
0xe1: {  	v0 =	vld [tilespmem:s14+$0x200];
	_ =	sdelay $0x3  }
0xe2: {  	s22 =	spop (v2sf)  }
0xe3: {  	s22 =	sand.u32 $0x70, s22;
	[tilespmem:$0x1120] =	vst v0  }
0xe4: {  	v0 =	vld [tilespmem:s22+$0x280];
	_ =	sdelay $0x3  }
0xe5: {  	s23 =	spop (v2sf)  }
0xe6: {  	s29 =	sand.u32 $0x70, s23;
	[tilespmem:$0x1130] =	vst v0  }
0xe7: {  	v0 =	vld [tilespmem:s29+$0x300];
	_ =	sdelay $0x3  }
0xe8: {  	s24 =	spop (v2sf)  }
0xe9: {  	s30 =	sand.u32 $0x70, s24;
	[tilespmem:$0x1140] =	vst v0  }
0xea: {  	v0 =	vld [tilespmem:s30+$0x380];
	_ =	sdelay $0x3  }
0xeb: {  	s25 =	spop (v2sf)  }
0xec: {  	s31 =	sand.u32 $0x70, s25;
	[tilespmem:$0x1150] =	vst v0  }
0xed: {  	v0 =	vld [tilespmem:s31+$0x400];
	_ =	sdelay $0x3  }
0xee: {  	s26 =	spop (v2sf)  }
0xef: {  	s23 =	sand.u32 $0x70, s26;
	[tilespmem:$0x1160] =	vst v0  }
0xf0: {  	v0 =	vld [tilespmem:s23+$0x480];
	_ =	sdelay $0x3  }
0xf1: {  	s21 =	spop (v2sf)  }
0xf2: {  	s21 =	sand.u32 $0x70, s21;
	[tilespmem:$0x1170] =	vst v0  }
0xf3: {  	v0 =	vld [tilespmem:s21+$0x500];
	_ =	sdelay $0x3  }
0xf4: {  	s20 =	spop (v2sf)  }
0xf5: {  	s20 =	sand.u32 $0x70, s20;
	[tilespmem:$0x1180] =	vst v0  }
0xf6: {  	v0 =	vld [tilespmem:s20+$0x580];
	_ =	sdelay $0x3  }
0xf7: {  	s19 =	spop (v2sf)  }
0xf8: {  	s19 =	sand.u32 $0x70, s19;
	[tilespmem:$0x1190] =	vst v0  }
0xf9: {  	v0 =	vld [tilespmem:s19+$0x600];
	_ =	sdelay $0x3  }
0xfa: {  	s18 =	spop (v2sf)  }
0xfb: {  	s18 =	sand.u32 $0x70, s18;
	[tilespmem:$0x11A0] =	vst v0  }
0xfc: {  	v0 =	vld [tilespmem:s18+$0x680];
	_ =	sdelay $0x3  }
0xfd: {  	s17 =	spop (v2sf)  }
0xfe: {  	s17 =	sand.u32 $0x70, s17;
	[tilespmem:$0x11B0] =	vst v0  }
0xff: {  	v62 =	vld [tilespmem:s17+$0x700]  }
0x100: {  	v61 =	vld [tilespmem:$0x10];
	_ =	sdelay $0x2  }
0x101: {  	s15 =	spop (v2sf)  }
0x102: {  	s16 =	sand.u32 $0x70, s15;
	[tilespmem:$0x11C0] =	vst v62  }
0x103: {  	s14 =	spop (v2sf);
	v0 =	vshll.u32 v61, $0x4;
	v1 =	vld [tilespmem:s16+$0x780]  }
0x104: {  	s28 =	spop (v2sf);
	(v2sf) =	vpush v0, $0x0;
	_ =	sdelay $0x3  }
0x105: {  	s15 =	sand.u32 $0x70, s14;
	[tilespmem:$0x11D0] =	vst v1  }
0x106: {  	v1 =	vld [tilespmem:s15+$0x800]  }
0x107: {  	(v2sf) =	vpush v0, $0x1;
	_ =	sdelay $0x3  }
0x108: {  	s14 =	sand.u32 $0x70, s28;
	(v2sf) =	vpush v0, $0x2;
	[tilespmem:$0x11E0] =	vst v1  }
0x109: {  	(v2sf) =	vpush v0, $0x3;
	v1 =	vld [tilespmem:s14+$0x880]  }
0x10a: {  	(v2sf) =	vpush v0, $0x4  }
0x10b: {  	(v2sf) =	vpush v0, $0x5  }
0x10c: {  	(v2sf) =	vpush v0, $0x6  }
0x10d: {  	(v2sf) =	vpush v0, $0x7;
	s24 =	spop (v2sf)  }
0x10e: {  	(v2sf) =	vpush v0, $0x8;
	s14 =	sand.u32 $0x70, s24;
	[tilespmem:$0x11F0] =	vst v1  }
0x10f: {  	(v2sf) =	vpush v0, $0x9;
	v63 =	vld [tilespmem:s14+$0x900]  }
0x110: {  	(v2sf) =	vpush v0, $0xA  }
0x111: {  	(v2sf) =	vpush v0, $0xB  }
0x112: {  	(v2sf) =	vpush v0, $0xC  }
0x113: {  	(v2sf) =	vpush v0, $0xD;
	s25 =	spop (v2sf)  }
0x114: {  	(v2sf) =	vpush v0, $0xE;
	s19 =	sand.u32 $0x70, s25;
	[tilespmem:$0x1200] =	vst v63  }
0x115: {  	(v2sf) =	vpush v0, $0xF;
	v0 =	vld [tilespmem:s19+$0x980];
	_ =	sdelay $0x3  }
0x116: {  	s26 =	spop (v2sf)  }
0x117: {  	s23 =	sand.u32 $0x70, s26;
	[tilespmem:$0x1210] =	vst v0  }
0x118: {  	v0 =	vld [tilespmem:s23+$0xA00];
	_ =	sdelay $0x3  }
0x119: {  	s29 =	spop (v2sf)  }
0x11a: {  	s24 =	sand.u32 $0x70, s29;
	[tilespmem:$0x1220] =	vst v0  }
0x11b: {  	v0 =	vld [tilespmem:s24+$0xA80];
	_ =	sdelay $0x3  }
0x11c: {  	s30 =	spop (v2sf)  }
0x11d: {  	s29 =	sand.u32 $0x70, s30;
	[tilespmem:$0x1230] =	vst v0  }
0x11e: {  	v0 =	vld [tilespmem:s29+$0xB00];
	_ =	sdelay $0x3  }
0x11f: {  	s31 =	spop (v2sf)  }
0x120: {  	s30 =	sand.u32 $0x70, s31;
	[tilespmem:$0x1240] =	vst v0  }
0x121: {  	v0 =	vld [tilespmem:s30+$0xB80];
	_ =	sdelay $0x3  }
0x122: {  	s28 =	spop (v2sf)  }
0x123: {  	s31 =	sand.u32 $0x70, s28;
	[tilespmem:$0x1250] =	vst v0  }
0x124: {  	v0 =	vld [tilespmem:s31+$0xC00];
	_ =	sdelay $0x3  }
0x125: {  	s22 =	spop (v2sf)  }
0x126: {  	s22 =	sand.u32 $0x70, s22;
	[tilespmem:$0x1260] =	vst v0  }
0x127: {  	v0 =	vld [tilespmem:s22+$0xC80];
	_ =	sdelay $0x3  }
0x128: {  	s21 =	spop (v2sf)  }
0x129: {  	s21 =	sand.u32 $0x70, s21;
	[tilespmem:$0x1270] =	vst v0  }
0x12a: {  	v0 =	vld [tilespmem:s21+$0xD00];
	_ =	sdelay $0x3  }
0x12b: {  	s20 =	spop (v2sf)  }
0x12c: {  	s20 =	sand.u32 $0x70, s20;
	[tilespmem:$0x1280] =	vst v0  }
0x12d: {  	v0 =	vld [tilespmem:s20+$0xD80];
	_ =	sdelay $0x3  }
0x12e: {  	s19 =	spop (v2sf)  }
0x12f: {  	s19 =	sand.u32 $0x70, s19;
	[tilespmem:$0x1290] =	vst v0  }
0x130: {  	v0 =	vld [tilespmem:s19+$0xE00];
	_ =	sdelay $0x3  }
0x131: {  	s18 =	spop (v2sf)  }
0x132: {  	s18 =	sand.u32 $0x70, s18;
	[tilespmem:$0x12A0] =	vst v0  }
0x133: {  	v0 =	vld [tilespmem:s18+$0xE80];
	_ =	sdelay $0x3  }
0x134: {  	s17 =	spop (v2sf)  }
0x135: {  	s17 =	sand.u32 $0x70, s17;
	[tilespmem:$0x12B0] =	vst v0  }
0x136: {  	v0 =	vld [tilespmem:s17+$0xF00];
	_ =	sdelay $0x3  }
0x137: {  	s16 =	spop (v2sf)  }
0x138: {  	s16 =	sand.u32 $0x70, s16;
	[tilespmem:$0x12C0] =	vst v0  }
0x139: {  	v0 =	vld [tilespmem:s16+$0xF80];
	_ =	sdelay $0x3  }
0x13a: {  	s15 =	spop (v2sf)  }
0x13b: {  	s15 =	sand.u32 $0x70, s15;
	[tilespmem:$0x12D0] =	vst v0  }
0x13c: {  	v0 =	vld [tilespmem:s15+$0x1000];
	_ =	sdelay $0x3  }
0x13d: {  	s14 =	spop (v2sf)  }
0x13e: {  	s14 =	sand.u32 $0x70, s14;
	[tilespmem:$0x12E0] =	vst v0  }
0x13f: {  	v0 =	vld [tilespmem:s14+$0x1080];
	_ =	sdelay $0x1  }
0x140: {  	s25 =	rddreg [dreg:$0xb]  }
0x141: {  	s26 =	rddreg [dreg:$0x7]  }
0x142: {  	s28 =	rddreg [dreg:$0x9]  }
0x143: {  	s24 =	rddreg [dreg:$0xd];
	[tilespmem:$0x12F0] =	vst v0  }
0x144: {  	[tilespmem:s9], [sflag:$0x1] =	stream.indirect.gather [hbm4b:s3+s7], $0x80, s26, s7, $0xb8;
	[tilespmem:$0x11300] =	vst v63  }
0x145: {  	s29 =	rddreg [dreg:$0x8]  }
0x146: {  	[tilespmem:s28], [sflag:$0x1] =	stream.indirect.gather [hbm4b:s3+s7], $0x80, s29, s7, $0xb8;
	[tilespmem:$0x11300] =	vst v63  }
0x147: {  	s30 =	rddreg [dreg:$0xa]  }
0x148: {  	[tilespmem:s25], [sflag:$0x1] =	stream.indirect.gather [hbm4b:s3+s7], $0x80, s30, s7, $0xb8;
	[tilespmem:$0x11300] =	vst v63  }
0x149: {  	s31 =	rddreg [dreg:$0xc]  }
0x14a: {  	[tilespmem:s24], [sflag:$0x1] =	stream.indirect.gather [hbm4b:s3+s7], $0x80, s31, s7, $0xb8;
	[tilespmem:$0x11300] =	vst v63  }
0x14b: {  	_ =	swait.ge [sflag:s8], $0x4000  }
0x14c: {  	[sflag:s8] =	ssyncset.done $0x0  }
0x14d: {  	[sflag:s8] =	ssyncadd.s32 $0xFFFFC000  }
0x14e: {  	_ =	swait.ge [sflag:s8], $0x4000  }
0x14f: {  	[sflag:s8] =	ssyncset.done $0x0  }
0x150: {  	[sflag:s8] =	ssyncadd.s32 $0xFFFFC000  }
0x151: {  	_ =	swait.ge [sflag:s8], $0x4000  }
0x152: {  	[sflag:s8] =	ssyncset.done $0x0  }
0x153: {  	p0 =	sne.s32 s13, $0x18;
	[sflag:s8] =	ssyncadd.s32 $0xFFFFC000  }
.Ltmp0:
0x154: {  	_ =	swait.ge [sflag:s8], $0x4000;
	(pc) =	sbr.rel @p0 .LBB2_2-.Ltmp0, $4  }
0x155: {  	[sflag:s8] =	ssyncset.done $0x0  }
0x156: {  	s11 =	sadd.s32 $0x2000, s11;
	[sflag:s8] =	ssyncadd.s32 $0xFFFFC000  }
0x157: {  	[hbm4b:s11+s2] =	stream.linear.scatter [tilespmem:s9], [sflag:$0x2], $0x10000, $0x38;
	[tilespmem:$0x11300] =	vst v63  }
0x158: {  	s13 =	sadd.s32 $0x4, s13;
	_ =	swait.ge [sflag:s6], $0x10000  }
0x159: {  	s13 =	rddreg [dreg:$0x4];
	[sflag:s6] =	ssyncset.done $0x0  }
0x15a: {  	[sflag:s6] =	ssyncadd.s32 $0xFFFF0000;
	s12 =	sadd.s32 s12, s13  }
0x15b: {  	[tilespmem:s2], [sflag:$0x2] =	stream.linear.gather [hbm4b:s12+s2], $0x20, $0x38;
	[tilespmem:$0x11300] =	vst v63  }
0x15c: {  	_ =	swait.ge [sflag:s6], $0x20  }
0x15d: {  	[sflag:s6] =	ssyncset.done $0x0  }
0x15e: {  	[sflag:s6] =	ssyncadd.s32 $0xFFFFFFE0  }
0x15f: {  	v0 =	vld [tilespmem:$0x0]  }
0x160: {  	v1 =	vld [tilespmem:$0x10];
	_ =	sdelay $0x3  }
0x161: {  	s29 =	rddreg [dreg:$0x6];
	v0 =	vshra.s32 v0, $0x3  }
0x162: {  	s30 =	rddreg [dreg:$0x5];
	v59 =	vshra.s32 v1, $0x3;
	[tilespmem:$0x80] =	vst v0  }
0x163: {  	s14 =	rddreg [dreg:$0x3];
	[tilespmem:$0x90] =	vst v59  }
0x164: {  	[tilespmem:s29], [sflag:$0x1] =	stream.indirect.gather [hbm4b:s14+s30], $0x80, s7, s30, $0xb8;
	[tilespmem:$0x11300] =	vst v63  }
0x165: {  	_ =	swait.ge [sflag:s8], $0x1000  }
0x166: {  	[sflag:s8] =	ssyncset.done $0x0  }
0x167: {  	[sflag:s8] =	ssyncadd.s32 $0xFFFFF000  }
0x168: {  	v60 =	vld [tilespmem:$0x0];
	_ =	sdelay $0x4  }
0x169: {  	v0 =	vshll.u32 v60, $0x4  }
0x16a: {  	(v2sf) =	vpush v0, $0x0;
	_ =	sdelay $0x5  }
0x16b: {  	(v2sf) =	vpush v0, $0x1;
	_ =	sdelay $0x5  }
0x16c: {  	(v2sf) =	vpush v0, $0x2;
	_ =	sdelay $0x2  }
0x16d: {  	s31 =	spop (v2sf)  }
0x16e: {  	s12 =	sand.u32 $0x70, s31  }
0x16f: {  	v61 =	vld [tilespmem:s12+$0x100]  }
0x170: {  	(v2sf) =	vpush v0, $0x3;
	_ =	sdelay $0x2  }
0x171: {  	s13 =	spop (v2sf)  }
0x172: {  	s12 =	sand.u32 $0x70, s13;
	[tilespmem:$0x1100] =	vst v61  }
0x173: {  	v1 =	vld [tilespmem:s12+$0x180]  }
0x174: {  	(v2sf) =	vpush v0, $0x4;
	_ =	sdelay $0x2  }
0x175: {  	s14 =	spop (v2sf)  }
0x176: {  	s12 =	sand.u32 $0x70, s14;
	[tilespmem:$0x1110] =	vst v1  }
0x177: {  	v1 =	vld [tilespmem:s12+$0x200]  }
0x178: {  	(v2sf) =	vpush v0, $0x5;
	_ =	sdelay $0x2  }
0x179: {  	s15 =	spop (v2sf)  }
0x17a: {  	s12 =	sand.u32 $0x70, s15;
	[tilespmem:$0x1120] =	vst v1  }
0x17b: {  	v1 =	vld [tilespmem:s12+$0x280]  }
0x17c: {  	(v2sf) =	vpush v0, $0x6;
	_ =	sdelay $0x2  }
0x17d: {  	s16 =	spop (v2sf)  }
0x17e: {  	s12 =	sand.u32 $0x70, s16;
	[tilespmem:$0x1130] =	vst v1  }
0x17f: {  	v1 =	vld [tilespmem:s12+$0x300]  }
0x180: {  	(v2sf) =	vpush v0, $0x7;
	_ =	sdelay $0x2  }
0x181: {  	s17 =	spop (v2sf)  }
0x182: {  	s12 =	sand.u32 $0x70, s17;
	[tilespmem:$0x1140] =	vst v1  }
0x183: {  	v1 =	vld [tilespmem:s12+$0x380]  }
0x184: {  	(v2sf) =	vpush v0, $0x8;
	_ =	sdelay $0x2  }
0x185: {  	s18 =	spop (v2sf)  }
0x186: {  	s12 =	sand.u32 $0x70, s18;
	[tilespmem:$0x1150] =	vst v1  }
0x187: {  	v1 =	vld [tilespmem:s12+$0x400]  }
0x188: {  	(v2sf) =	vpush v0, $0x9;
	_ =	sdelay $0x2  }
0x189: {  	s19 =	spop (v2sf)  }
0x18a: {  	s12 =	sand.u32 $0x70, s19;
	[tilespmem:$0x1160] =	vst v1  }
0x18b: {  	v1 =	vld [tilespmem:s12+$0x480]  }
0x18c: {  	(v2sf) =	vpush v0, $0xA;
	_ =	sdelay $0x2  }
0x18d: {  	s20 =	spop (v2sf)  }
0x18e: {  	s12 =	sand.u32 $0x70, s20;
	[tilespmem:$0x1170] =	vst v1  }
0x18f: {  	v1 =	vld [tilespmem:s12+$0x500]  }
0x190: {  	(v2sf) =	vpush v0, $0xB;
	_ =	sdelay $0x2  }
0x191: {  	s21 =	spop (v2sf)  }
0x192: {  	s12 =	sand.u32 $0x70, s21;
	[tilespmem:$0x1180] =	vst v1  }
0x193: {  	v1 =	vld [tilespmem:s12+$0x580]  }
0x194: {  	(v2sf) =	vpush v0, $0xC;
	_ =	sdelay $0x2  }
0x195: {  	s22 =	spop (v2sf)  }
0x196: {  	s12 =	sand.u32 $0x70, s22;
	[tilespmem:$0x1190] =	vst v1  }
0x197: {  	v1 =	vld [tilespmem:s12+$0x600]  }
0x198: {  	(v2sf) =	vpush v0, $0xD;
	_ =	sdelay $0x2  }
0x199: {  	s23 =	spop (v2sf)  }
0x19a: {  	s12 =	sand.u32 $0x70, s23;
	[tilespmem:$0x11A0] =	vst v1  }
0x19b: {  	v1 =	vld [tilespmem:s12+$0x680]  }
0x19c: {  	(v2sf) =	vpush v0, $0xE;
	_ =	sdelay $0x2  }
0x19d: {  	s24 =	spop (v2sf)  }
0x19e: {  	s12 =	sand.u32 $0x70, s24;
	[tilespmem:$0x11B0] =	vst v1  }
0x19f: {  	v1 =	vld [tilespmem:s12+$0x700]  }
0x1a0: {  	v62 =	vld [tilespmem:$0x10];
	(v2sf) =	vpush v0, $0xF;
	_ =	sdelay $0x2  }
0x1a1: {  	s25 =	spop (v2sf)  }
0x1a2: {  	s12 =	sand.u32 $0x70, s25;
	[tilespmem:$0x11C0] =	vst v1  }
0x1a3: {  	v0 =	vshll.u32 v62, $0x4;
	v1 =	vld [tilespmem:s12+$0x780]  }
0x1a4: {  	(v2sf) =	vpush v0, $0x0;
	_ =	sdelay $0x2  }
0x1a5: {  	s26 =	spop (v2sf)  }
0x1a6: {  	s12 =	sand.u32 $0x70, s26;
	[tilespmem:$0x11D0] =	vst v1  }
0x1a7: {  	v1 =	vld [tilespmem:s12+$0x800]  }
0x1a8: {  	(v2sf) =	vpush v0, $0x1;
	_ =	sdelay $0x2  }
0x1a9: {  	s28 =	spop (v2sf)  }
0x1aa: {  	s12 =	sand.u32 $0x70, s28;
	[tilespmem:$0x11E0] =	vst v1  }
0x1ab: {  	v1 =	vld [tilespmem:s12+$0x880]  }
0x1ac: {  	(v2sf) =	vpush v0, $0x2;
	_ =	sdelay $0x2  }
0x1ad: {  	s29 =	spop (v2sf)  }
0x1ae: {  	s12 =	sand.u32 $0x70, s29;
	[tilespmem:$0x11F0] =	vst v1  }
0x1af: {  	v1 =	vld [tilespmem:s12+$0x900]  }
0x1b0: {  	(v2sf) =	vpush v0, $0x3;
	_ =	sdelay $0x2  }
0x1b1: {  	s30 =	spop (v2sf)  }
0x1b2: {  	s12 =	sand.u32 $0x70, s30;
	[tilespmem:$0x1200] =	vst v1  }
0x1b3: {  	v1 =	vld [tilespmem:s12+$0x980]  }
0x1b4: {  	(v2sf) =	vpush v0, $0x4;
	_ =	sdelay $0x2  }
0x1b5: {  	s31 =	spop (v2sf)  }
0x1b6: {  	s12 =	sand.u32 $0x70, s31;
	[tilespmem:$0x1210] =	vst v1  }
0x1b7: {  	v1 =	vld [tilespmem:s12+$0xA00]  }
0x1b8: {  	(v2sf) =	vpush v0, $0x5;
	_ =	sdelay $0x2  }
0x1b9: {  	s13 =	spop (v2sf)  }
0x1ba: {  	s12 =	sand.u32 $0x70, s13;
	[tilespmem:$0x1220] =	vst v1  }
0x1bb: {  	v1 =	vld [tilespmem:s12+$0xA80]  }
0x1bc: {  	(v2sf) =	vpush v0, $0x6;
	_ =	sdelay $0x2  }
0x1bd: {  	s14 =	spop (v2sf)  }
0x1be: {  	s12 =	sand.u32 $0x70, s14;
	[tilespmem:$0x1230] =	vst v1  }
0x1bf: {  	v1 =	vld [tilespmem:s12+$0xB00]  }
0x1c0: {  	(v2sf) =	vpush v0, $0x7;
	_ =	sdelay $0x2  }
0x1c1: {  	s15 =	spop (v2sf)  }
0x1c2: {  	s12 =	sand.u32 $0x70, s15;
	[tilespmem:$0x1240] =	vst v1  }
0x1c3: {  	v1 =	vld [tilespmem:s12+$0xB80]  }
0x1c4: {  	(v2sf) =	vpush v0, $0x8;
	_ =	sdelay $0x2  }
0x1c5: {  	s16 =	spop (v2sf)  }
0x1c6: {  	s12 =	sand.u32 $0x70, s16;
	[tilespmem:$0x1250] =	vst v1  }
0x1c7: {  	v1 =	vld [tilespmem:s12+$0xC00]  }
0x1c8: {  	(v2sf) =	vpush v0, $0x9;
	_ =	sdelay $0x2  }
0x1c9: {  	s17 =	spop (v2sf)  }
0x1ca: {  	s12 =	sand.u32 $0x70, s17;
	[tilespmem:$0x1260] =	vst v1  }
0x1cb: {  	v1 =	vld [tilespmem:s12+$0xC80]  }
0x1cc: {  	(v2sf) =	vpush v0, $0xA;
	_ =	sdelay $0x2  }
0x1cd: {  	s18 =	spop (v2sf)  }
0x1ce: {  	s12 =	sand.u32 $0x70, s18;
	[tilespmem:$0x1270] =	vst v1  }
0x1cf: {  	v1 =	vld [tilespmem:s12+$0xD00]  }
0x1d0: {  	(v2sf) =	vpush v0, $0xB;
	_ =	sdelay $0x2  }
0x1d1: {  	s19 =	spop (v2sf)  }
0x1d2: {  	s12 =	sand.u32 $0x70, s19;
	[tilespmem:$0x1280] =	vst v1  }
0x1d3: {  	v1 =	vld [tilespmem:s12+$0xD80]  }
0x1d4: {  	(v2sf) =	vpush v0, $0xC;
	_ =	sdelay $0x2  }
0x1d5: {  	s20 =	spop (v2sf)  }
0x1d6: {  	s12 =	sand.u32 $0x70, s20;
	[tilespmem:$0x1290] =	vst v1  }
0x1d7: {  	v1 =	vld [tilespmem:s12+$0xE00]  }
0x1d8: {  	(v2sf) =	vpush v0, $0xD;
	_ =	sdelay $0x2  }
0x1d9: {  	s21 =	spop (v2sf)  }
0x1da: {  	s12 =	sand.u32 $0x70, s21;
	[tilespmem:$0x12A0] =	vst v1  }
0x1db: {  	v1 =	vld [tilespmem:s12+$0xE80]  }
0x1dc: {  	(v2sf) =	vpush v0, $0xE;
	_ =	sdelay $0x2  }
0x1dd: {  	s22 =	spop (v2sf)  }
0x1de: {  	s12 =	sand.u32 $0x70, s22;
	[tilespmem:$0x12B0] =	vst v1  }
0x1df: {  	v1 =	vld [tilespmem:s12+$0xF00]  }
0x1e0: {  	(v2sf) =	vpush v0, $0xF;
	_ =	sdelay $0x2  }
0x1e1: {  	s23 =	spop (v2sf)  }
0x1e2: {  	s12 =	sand.u32 $0x70, s23;
	[tilespmem:$0x12C0] =	vst v1  }
0x1e3: {  	v63 =	vld [tilespmem:s12+$0xF80];
	_ =	sdelay $0x3  }
0x1e4: {  	s24 =	spop (v2sf)  }
0x1e5: {  	s12 =	sand.u32 $0x70, s24;
	[tilespmem:$0x12D0] =	vst v63  }
0x1e6: {  	v0 =	vld [tilespmem:s12+$0x1000];
	_ =	sdelay $0x3  }
0x1e7: {  	s25 =	spop (v2sf)  }
0x1e8: {  	s12 =	sand.u32 $0x70, s25;
	[tilespmem:$0x12E0] =	vst v0  }
0x1e9: {  	v0 =	vld [tilespmem:s12+$0x1080];
	_ =	sdelay $0x1  }
0x1ea: {  	s26 =	rddreg [dreg:$0xd]  }
0x1eb: {  	s28 =	rddreg [dreg:$0xb]  }
0x1ec: {  	s29 =	rddreg [dreg:$0x7]  }
0x1ed: {  	s15 =	rddreg [dreg:$0x9];
	[tilespmem:$0x12F0] =	vst v0  }
0x1ee: {  	[tilespmem:s9], [sflag:$0x1] =	stream.indirect.gather [hbm4b:s3+s7], $0x80, s29, s7, $0xb8;
	[tilespmem:$0x11300] =	vst v63  }
0x1ef: {  	s16 =	rddreg [dreg:$0x8]  }
0x1f0: {  	[tilespmem:s15], [sflag:$0x1] =	stream.indirect.gather [hbm4b:s3+s7], $0x80, s16, s7, $0xb8;
	[tilespmem:$0x11300] =	vst v63  }
0x1f1: {  	s30 =	rddreg [dreg:$0xa]  }
0x1f2: {  	[tilespmem:s28], [sflag:$0x1] =	stream.indirect.gather [hbm4b:s3+s7], $0x80, s30, s7, $0xb8;
	[tilespmem:$0x11300] =	vst v63  }
0x1f3: {  	s31 =	rddreg [dreg:$0xc]  }
0x1f4: {  	[tilespmem:s26], [sflag:$0x1] =	stream.indirect.gather [hbm4b:s3+s7], $0x80, s31, s7, $0xb8;
	[tilespmem:$0x11300] =	vst v63  }
0x1f5: {  	_ =	swait.ge [sflag:s8], $0x4000  }
0x1f6: {  	[sflag:s8] =	ssyncset.done $0x0  }
0x1f7: {  	[sflag:s8] =	ssyncadd.s32 $0xFFFFC000  }
0x1f8: {  	_ =	swait.ge [sflag:s8], $0x4000  }
0x1f9: {  	[sflag:s8] =	ssyncset.done $0x0  }
0x1fa: {  	[sflag:s8] =	ssyncadd.s32 $0xFFFFC000  }
0x1fb: {  	_ =	swait.ge [sflag:s8], $0x4000  }
0x1fc: {  	[sflag:s8] =	ssyncset.done $0x0  }
0x1fd: {  	[sflag:s8] =	ssyncadd.s32 $0xFFFFC000  }
0x1fe: {  	s10 =	sadd.s32 $0x1, s10;
	_ =	swait.ge [sflag:s8], $0x4000  }
0x1ff: {  	p0 =	sne.s32 s10, s4;
	[sflag:s8] =	ssyncset.done $0x0  }
.Ltmp1:
0x200: {  	s11 =	sadd.s32 $0x2000, s11;
	[sflag:s8] =	ssyncadd.s32 $0xFFFFC000;
	(pc) =	sbr.rel @p0 .LBB2_1-.Ltmp1, $4  }
0x201: {  	[hbm4b:s11+s2] =	stream.linear.scatter [tilespmem:s9], [sflag:$0x2], $0x10000, $0x38;
	[tilespmem:$0x11300] =	vst v63  }
0x202: {  	_ =	swait.ge [sflag:s6], $0x10000  }
0x203: {  	[sflag:s6] =	ssyncset.done $0x0  }
0x204: {  	[sflag:s6] =	ssyncadd.s32 $0xFFFF0000  }
0x205: {  	_ =	sfence.sel $0x180000  }
0x206: {  	[bflag:$0x0] =	sbarrier.arrive $0xFFFF  }
0x207: {  	p0 =	sne.s32 s0, $0x0;
	_ =	strace $0x90000050  }
0x208: {  	s0 =	sadd.s32 @!p0 $0x100000, s1;
	[bflag:$0x2] =	sbarrier.arrive $0xFFFF  }
0x209: {  	[sflag:s0] =	ssyncadd.tile.s32 @!p0 $0x1;
	_ =	shalt  }
.Lfunc_end2:
_tile_overlayer_lowered:
.L_overlay_start_2:
0x20a: {  	(tag) =	ssettag $0x2  }
0x20b: {  	s0 =	rddreg [dreg:$0x0];
	s2 =	stileid.u32  }
0x20c: {  	s1 =	rddreg [dreg:$0x1];
	p0 =	sne.s32 s2, $0x0  }
0x20d: {  	s3 =	rddreg [dreg:$0x2];
	[bflag:$0x3] =	sbarrier.arrive $0xFFFF;
	s2 =	simm.s32 @!p0 $0x1C02  }
0x20e: {  	[timem:s3], [sflag:s2] =	dma.local @!p0 [hbm:s0], s1  }
0x20f: {  	s0 =	simm.s32 @!p0 $0x2  }
0x210: {  	_ =	swait.ge @!p0 [sflag:s0], s1  }
0x211: {  	s1 =	ssub.s32 @!p0 $0x0, s1;
	[sflag:s0] =	ssyncset.done @!p0 $0x0  }
0x212: {  	[sflag:s0] =	ssyncadd.s32 @!p0 s1  }
0x213: {  	[bflag:$0x3] =	sbarrier.arrive $0xFFFF  }
0x214: {  	_ =	shalt  }

// kernel: kernel.29.cloned.1.call-start
scs
__scs_entry_jumppad:
0x0: {  	(pc) =	sbr.rel $0x88, $3  }
0x1: {  	(tag) =	ssettag $0x0;
	lr =	simm.s32 $0x1  }
0x2: {  	[smem:$0x3F9A] =	sst lr;
	_ =	strace $0xD0000000  }
0x3: {  	_ = 	snop  }
0x4: {  	_ = 	snop  }
0x5: {  	_ = 	snop  }
0x6: {  	_ = 	snop  }
0x7: {  	_ = 	snop  }
__scs_overlays_trampoline_lowered:
0x8: {  	[smem:$0x3FA9] =	sst s0  }
0x9: {  	[smem:$0x3FAA] =	sst s1  }
0xa: {  	[smem:$0x3FAB] =	sst s2  }
0xb: {  	[smem:$0x3FAC] =	sst s3  }
0xc: {  	[smem:$0x3FAD] =	sst s4  }
0xd: {  	[smem:$0x3FAE] =	sst s5  }
0xe: {  	[smem:$0x3FAF] =	sst s6  }
0xf: {  	[smem:$0x3FB0] =	sst s7  }
0x10: {  	[smem:$0x3FB1] =	sst s8  }
0x11: {  	[smem:$0x3FB2] =	sst s9;
	s0 =	simm.s32 @!p0 $0x0  }
0x12: {  	s1 =	sld [smem:$0x3F98];
	s0 =	simm.s32 @p0 $0x1  }
0x13: {  	[smem:$0x3FB3] =	sst s0;
	s0 =	simm.s32 @!p1 $0x0  }
0x14: {  	s2 =	sld [smem:$0x3F97];
	s0 =	simm.s32 @p1 $0x1  }
0x15: {  	[smem:$0x3FB4] =	sst s0;
	s0 =	simm.s32 @!p2 $0x0  }
0x16: {  	s3 =	sld [smem:$0x3FDB];
	s0 =	simm.s32 @p2 $0x1  }
0x17: {  	s4 =	simm.s32 $0x1BF5;
	[smem:$0x3FB6] =	sst s0  }
0x18: {  	s0 =	sld [smem:$0x3F99];
	_ =	swait.ge [sflag:s4], $0x0  }
0x19: {  	s7 =	sld [smem:$0x3F9A]  }
0x1a: {  	s8 =	sadd.s32 $0xFFFFE003, lr  }
0x1b: {  	s9 =	sadd.s32 $0xFFFFFEF7, lr;
	s5 =	simm.s32 $0xFFFFFFFF;
	p2 =	slt.u32 s8, $0xFFFFF086  }
0x1c: {  	p1 =	slt.u32 s9, $0xF7A;
	s5 =	simm.s32 @!p2 $0x0  }
0x1d: {  	s5 =	simm.s32 @p1 $0x1;
	p0 =	seq.s32 s7, s2  }
0x1e: {  	s7 =	smul.u32 @!p0 $0xF7A, s2;
	p2 =	seq.s32 @!p0 s5, $0x0  }
0x1f: {  	s9 =	smul.u32 $0xF7A, s1;
	s8 =	simm.s32 @!p0 $0x1BF5;
	p2 =	por !p2, p0  }
0x20: {  	[sflag:s8] =	ssyncset.s32 @!p0 $0xFFFFF086;
	s6 =	sadd.s32 @!p0 s3, s7;
	s7 =	simm.s32 @!p0 $0x108  }
0x21: {  	s3 =	sadd.s32 s3, s9;
	s6 =	sadd.s32 @!p0 $0x88, s6;
	s7 =	simm.s32 @p2 $0x1082  }
0x22: {  	[simem:s7], [sflag:s8] =	dma.local @!p0 [hbm:s6], $0xF7A  }
0x23: {  	s9 =	sor.u32 $0xD0000000, s2;
	s6 =	simm.s32 $0x108;
	_ =	swait.ge @!p0 [sflag:s8], $0x0  }
0x24: {  	s3 =	sadd.s32 $0x88, s3;
	s6 =	simm.s32 @!p1 $0x1082;
	[sflag:s4] =	ssyncset.s32 $0xFFFFF086  }
0x25: {  	[simem:s6], [sflag:s4] =	dma.local [hbm:s3], $0xF7A  }
0x26: {  	[smem:$0x3F9A] =	sst s1;
	(tag) =	ssettag s2;
	_ =	strace s9  }
0x27: {  	s1 =	sld [smem:$0x3FAA]  }
0x28: {  	s2 =	sld [smem:$0x3FAB]  }
0x29: {  	s4 =	sld [smem:$0x3FAD]  }
0x2a: {  	p0 =	seq.s32 s5, $0x0;
	s5 =	sld [smem:$0x3FAE]  }
0x2b: {  	s6 =	sld [smem:$0x3FAF]  }
0x2c: {  	s7 =	sld [smem:$0x3FB0]  }
0x2d: {  	s3 =	simm.s32 $0x108;
	s8 =	sld [smem:$0x3FB1]  }
0x2e: {  	s3 =	simm.s32 @!p0 $0x1082;
	s9 =	sld [smem:$0x3FB2]  }
0x2f: {  	lr =	sadd.s32 s0, s3;
	s0 =	sld [smem:$0x3FA9]  }
0x30: {  	s3 =	sld [smem:$0x3FAC]  }
0x31: {  	[smem:$0x3FB5] =	sst s10  }
0x32: {  	s10 =	sld [smem:$0x3FB3];
	_ =	sdelay $0x3  }
0x33: {  	p0 =	seq.s32 s10, $0x1;
	s10 =	sld [smem:$0x3FB5];
	_ =	sdelay $0x3  }
0x34: {  	[smem:$0x3FB5] =	sst s10  }
0x35: {  	s10 =	sld [smem:$0x3FB4];
	_ =	sdelay $0x3  }
0x36: {  	p1 =	seq.s32 s10, $0x1;
	s10 =	sld [smem:$0x3FB5];
	_ =	sdelay $0x3  }
0x37: {  	[smem:$0x3FB5] =	sst s10  }
0x38: {  	s10 =	sld [smem:$0x3FB6]  }
0x39: {  	_ = 	snop;
	(pc) =	sbr.ind lr, $3  }
0x3a: {  	_ = 	snop  }
0x3b: {  	_ = 	snop  }
0x3c: {  	p2 =	seq.s32 s10, $0x1;
	s10 =	sld [smem:$0x3FB5]  }
0x3d: {  	_ =	shalt  }
0x3e: {  	_ =	shalt  }
0x3f: {  	_ =	shalt  }
0x40: {  	_ =	shalt  }
0x41: {  	_ =	shalt  }
0x42: {  	_ =	shalt  }
0x43: {  	_ =	shalt  }
0x44: {  	_ =	shalt  }
0x45: {  	_ =	shalt  }
0x46: {  	_ =	shalt  }
0x47: {  	_ =	shalt  }
0x48: {  	_ =	shalt  }
0x49: {  	_ =	shalt  }
0x4a: {  	_ =	shalt  }
0x4b: {  	_ =	shalt  }
0x4c: {  	_ =	shalt  }
0x4d: {  	_ =	shalt  }
0x4e: {  	_ =	shalt  }
0x4f: {  	_ =	shalt  }
0x50: {  	_ =	shalt  }
0x51: {  	_ =	shalt  }
0x52: {  	_ =	shalt  }
0x53: {  	_ =	shalt  }
0x54: {  	_ =	shalt  }
0x55: {  	_ =	shalt  }
0x56: {  	_ =	shalt  }
0x57: {  	_ =	shalt  }
0x58: {  	_ =	shalt  }
0x59: {  	_ =	shalt  }
0x5a: {  	_ =	shalt  }
0x5b: {  	_ =	shalt  }
0x5c: {  	_ =	shalt  }
0x5d: {  	_ =	shalt  }
0x5e: {  	_ =	shalt  }
0x5f: {  	_ =	shalt  }
0x60: {  	_ =	shalt  }
0x61: {  	_ =	shalt  }
0x62: {  	_ =	shalt  }
0x63: {  	_ =	shalt  }
0x64: {  	_ =	shalt  }
0x65: {  	_ =	shalt  }
0x66: {  	_ =	shalt  }
0x67: {  	_ =	shalt  }
0x68: {  	_ =	shalt  }
0x69: {  	_ =	shalt  }
0x6a: {  	_ =	shalt  }
0x6b: {  	_ =	shalt  }
0x6c: {  	_ =	shalt  }
0x6d: {  	_ =	shalt  }
0x6e: {  	_ =	shalt  }
0x6f: {  	_ =	shalt  }
0x70: {  	_ =	shalt  }
0x71: {  	_ =	shalt  }
0x72: {  	_ =	shalt  }
0x73: {  	_ =	shalt  }
0x74: {  	_ =	shalt  }
0x75: {  	_ =	shalt  }
0x76: {  	_ =	shalt  }
0x77: {  	_ =	shalt  }
0x78: {  	_ =	shalt  }
0x79: {  	_ =	shalt  }
0x7a: {  	_ =	shalt  }
0x7b: {  	_ =	shalt  }
0x7c: {  	_ =	shalt  }
0x7d: {  	_ =	shalt  }
0x7e: {  	_ =	shalt  }
0x7f: {  	_ =	shalt  }
0x80: {  	_ =	shalt  }
0x81: {  	_ =	shalt  }
0x82: {  	_ =	shalt  }
0x83: {  	_ =	shalt  }
0x84: {  	_ =	shalt  }
0x85: {  	_ =	shalt  }
0x86: {  	_ =	shalt  }
0x87: {  	_ =	shalt  }
.Lfunc_end0:
.L_simem_size_0:
called_computation.5_lowered:
.L_overlay_start_0:
0x88: {  	s2 =	sld [smem:$0x3FD9]  }
0x89: {  	s3 =	sld [smem:$0x3FFE];
	_ =	sdelay $0x1  }
0x8a: {  	s1 =	srdreg.scid  }
0x8b: {  	s0 =	sand.u32 $0x1, s1  }
0x8c: {  	s17 =	sshll.u32 s0, $0xA;
	s2 =	sadd.s32 s3, s2  }
0x8d: {  	s2 =	sadd.s32 s2, s17  }
0x8e: {  	[smem:$0x3FC1] =	sst s2  }
0x8f: {  	_ = 	snop  }
0x90: {  	s18 =	sld [smem:$0x3FC9];
	(tm) =	ssettm $0x1  }
0x91: {  	s19 =	sld [smem:$0x3FFB];
	_ =	sdelay $0x3  }
0x92: {  	_ =	strace s19  }
0x93: {  	s2 =	sld [smem:$0x3FFC];
	_ =	sdelay $0x3  }
0x94: {  	_ =	strace s2  }
0x95: {  	s2 =	sld [smem:$0x3FFD];
	_ =	sdelay $0x3  }
0x96: {  	_ =	strace s2  }
0x97: {  	_ =	strace $0x8FFFFFFF  }
0x98: {  	s20 =	sld [smem:$0x3FDB];
	_ =	sdelay $0x1  }
0x99: {  	s4 =	simm.s32 $_scs_section_size  }
0x9a: {  	s5 =	simm.s32 $_size__tile_overlayer_lowered;
	s6 =	simm.s32 $_tile_overlayer_lowered  }
0x9b: {  	s7 =	simm.s32 $0x1BFF;
	s21 =	sshll.u32 s6, $0x1;
	s4 =	sadd.s32 s4, s20  }
0x9c: {  	s22 =	simm.s32 $0x0;
	s5 =	sshll.u32 s5, $0x1;
	s6 =	sadd.s32 s21, s4  }
0x9d: {  	[timem:s22], [sflag:s7] =	dma.local [hbm:s6], s5  }
0x9e: {  	_ =	swait.ge [sflag:s7], s5  }
0x9f: {  	s5 =	ssub.s32 $0x0, s5;
	[sflag:s7] =	ssyncset.done $0x0  }
0xa0: {  	[sflag:s7] =	ssyncadd.s32 s5;
	_ =	sdelay $0x1  }
0xa1: {  	s23 =	simm.s32 $0x1B8B  }
0xa2: {  	_ =	swait.ge [sflag:s23], $0x1  }
0xa3: {  	[sflag:s23] =	ssyncset.done $0x0  }
0xa4: {  	[sflag:s23] =	ssyncadd.s32 $0xFFFFFFFF  }
0xa5: {  	s5 =	sld [smem:$0x0]  }
0xa6: {  	s6 =	sand.u32 $0xFFFFFFFE, s1  }
0xa7: {  	p0 =	sne.s32 s1, s6  }
0xa8: {  	s6 =	sshll.u32 @p0 s6, $0xE  }
0xa9: {  	s6 =	sadd.s32 @p0 $0x11B8D, s6;
	s7 =	sshll.u32 @p0 s5, $0x11  }
0xaa: {  	s6 =	sor.u32 @p0 s7, s6  }
0xab: {  	[sflag:s6] =	ssyncadd.remote.s32 @p0 $0x1;
	_ =	sdelay $0x1  }
0xac: {  	s6 =	simm.s32 @p0 $0x1B8D  }
0xad: {  	_ =	swait.eq @p0 [sflag:s6], $0x1  }
0xae: {  	[sflag:s6] =	ssyncadd.s32 @p0 $0xFFFFFFFF  }
0xaf: {  	s7 =	sshll.u32 @!p0 s1, $0xE  }
0xb0: {  	s7 =	sor.u32 @!p0 $0x4000, s7;
	s6 =	simm.s32 @!p0 $0x1B8D  }
0xb1: {  	s5 =	sshll.u32 @!p0 s5, $0x11;
	s7 =	sadd.s32 @!p0 $0x11B8D, s7;
	_ =	swait.eq @!p0 [sflag:s6], $0x1  }
0xb2: {  	s5 =	sor.u32 @!p0 s5, s7;
	[sflag:s6] =	ssyncadd.s32 @!p0 $0xFFFFFFFF  }
0xb3: {  	s25 =	simm.s32 $0x1B8E;
	s24 =	sld [smem:$0x3FFE];
	[sflag:s5] =	ssyncadd.remote.s32 @!p0 $0x1  }
0xb4: {  	s26 =	simm.s32 $execute0_lowered;
	[smem:$0x3FD2] =	sst s25  }
0xb5: {  	s6 =	sshll.u32 s26, $0x1;
	_ =	strace $0x80000055;
	[dreg:$0x1] =	wrdreg $0xFFFFFFFF  }
0xb6: {  	s28 =	simm.s32 $_size_execute0_lowered;
	s4 =	sadd.s32 s4, s6;
	[dreg:$0x0] =	wrdreg $0x0  }
0xb7: {  	s6 =	sshll.u32 s28, $0x1;
	[dreg:$0x2] =	wrdreg s4  }
0xb8: {  	[dreg:$0x3] =	wrdreg s6  }
0xb9: {  	[dreg:$0x4] =	wrdreg $0xC0  }
0xba: {  	_ =	task [dreg:s22], $0x5FFFF  }
0xbb: {  	[dreg:$0x1] =	wrdreg $0xFFFFFFFF  }
0xbc: {  	[dreg:$0x0] =	wrdreg $0x60  }
0xbd: {  	[dreg:$0x2] =	wrdreg s18  }
0xbe: {  	[dreg:$0x3] =	wrdreg s24  }
0xbf: {  	[dreg:$0x4] =	wrdreg $0xB  }
0xc0: {  	_ =	task.clear_ibuf [dreg:s22], $0x5FFFF;
	_ =	strace $0x90000055  }
0xc1: {  	s29 =	simm.s32 $0xB;
	_ =	strace $0x80000057  }
0xc2: {  	_ =	swait.ge [sflag:s29], $0x1  }
0xc3: {  	[sflag:s29] =	ssyncadd.s32 $0xFFFFFFFF  }
0xc4: {  	_ =	strace $0x90000057  }
0xc5: {  	_ =	sfence  }
0xc6: {  	s30 =	sld [smem:$0x0];
	_ =	sdelay $0x2  }
0xc7: {  	s31 =	sshll.u32 s1, $0xD;
	s1 =	sshrl.u32 s1, $0x2  }
0xc8: {  	s4 =	sand.u32 $0x4000, s31;
	s1 =	sadd.s32 s1, s30  }
0xc9: {  	s0 =	sor.u32 s4, s0;
	s1 =	sshll.u32 s1, $0x11  }
0xca: {  	s0 =	sor.u32 s1, s0  }
0xcb: {  	s0 =	sadd.s32 $0x8F2B, s0  }
0xcc: {  	[sflag:s0] =	ssyncadd.remote.s32 $0x1  }
0xcd: {  	_ =	sfence.sel $0xFFFF  }
0xce: {  	[dreg:$0x0] =	wrdreg $0xFFFFFFFF;
	(pc) =	sbr.abs _section_cstart, $3  }
0xcf: {  	[dreg:$0x1] =	wrdreg $0xFFFFFFFF  }
0xd0: {  	_ =	task.clear_ibuf [dreg:s22], $0x2FFFF;
	_ =	strace $0x9FFFFFFF  }
0xd1: {  	(tm) =	ssettm $0x7FFFFFFF  }
tec
execute0_lowered:
.L_overlay_start_1:
0x0: {  	(tag) =	ssettag $0x1  }
0x1: {  	s4 =	rddreg [dreg:$0x0]  }
0x2: {  	s1 =	srdreg.scid;
	s5 =	rddreg [dreg:$0x1]  }
0x3: {  	s2 =	simm.s32 $0x0;
	s6 =	sand.u32 $0x1, s1;
	s1 =	rddreg [dreg:$0x2]  }
0x4: {  	[smem:$0x7FF] =	sst s2;
	s20 =	sadd.s32 $0x929A00, s5  }
0x5: {  	s23 =	simm.s32 $0x20;
	_ =	strace $0x80000056;
	[dreg:$0x3] =	wrdreg s20  }
0x6: {  	s24 =	simm.s32 $0x100;
	[dreg:$0x5] =	wrdreg s23  }
0x7: {  	s25 =	simm.s32 $0x1100;
	[dreg:$0x6] =	wrdreg s24  }
0x8: {  	s0 =	stileid.u32;
	s26 =	simm.s32 $0x1180;
	[dreg:$0x7] =	wrdreg s25  }
0x9: {  	s28 =	simm.s32 $0x5300;
	s29 =	simm.s32 $0x1200;
	[dreg:$0x8] =	wrdreg s26  }
0xa: {  	s30 =	simm.s32 $0x9300;
	s3 =	smul.u32 $0xC, s0;
	[dreg:$0x9] =	wrdreg s28  }
0xb: {  	s31 =	simm.s32 $0x1280;
	s8 =	smul.u32 $0x18000, s0;
	[dreg:$0xa] =	wrdreg s29  }
0xc: {  	s10 =	simm.s32 $0xD300;
	s7 =	smul.u32 $0x6, s6;
	[dreg:$0xb] =	wrdreg s30  }
0xd: {  	s21 =	ssub.s32 $0x2, s6;
	s6 =	smul.u32 $0xC000, s6;
	[dreg:$0xc] =	wrdreg s31  }
0xe: {  	[dreg:$0xd] =	wrdreg s10;
	s22 =	sshrl.u32 s21, $0x1;
	s3 =	sadd.s32 s7, s3  }
0xf: {  	s10 =	simm.s32 $0x0;
	s7 =	ssub.s32 s21, s22;
	s9 =	sshll.u32 s3, $0x2  }
0x10: {  	s3 =	sadd.s32 $0x7A3000, s5;
	s5 =	sadd.s32 s8, s5;
	s8 =	simm.s32 $0x1  }
0x11: {  	s4 =	sadd.s32 s4, s9;
	s5 =	sadd.s32 s6, s5;
	s6 =	simm.s32 $0x2  }
0x12: {  	s9 =	simm.s32 $0x1300;
	s4 =	sadd.s32 $0x500, s4;
	s5 =	sadd.s32 $0x281E00, s5  }
0x13: {  	[dreg:$0x4] =	wrdreg s4;
	s4 =	smax.u32 s7, $0x1;
	s7 =	simm.s32 $0x80  }
.LBB2_1:
0x14: {  	s11 =	rddreg [dreg:$0x4]  }
0x15: {  	s11 =	sadd.s32 $0x0, s11  }
0x16: {  	[tilespmem:s2], [sflag:$0x2] =	stream.linear.gather [hbm4b:s11+s2], $0x20, $0x38;
	[tilespmem:$0x11300] =	vst v63  }
0x17: {  	_ =	swait.ge [sflag:s6], $0x20  }
0x18: {  	[sflag:s6] =	ssyncset.done $0x0  }
0x19: {  	[sflag:s6] =	ssyncadd.s32 $0xFFFFFFE0  }
0x1a: {  	v0 =	vld [tilespmem:$0x0]  }
0x1b: {  	v1 =	vld [tilespmem:$0x10];
	_ =	sdelay $0x3  }
0x1c: {  	s31 =	rddreg [dreg:$0x6];
	v0 =	vshra.s32 v0, $0x3  }
0x1d: {  	s12 =	rddreg [dreg:$0x5];
	v59 =	vshra.s32 v1, $0x3;
	[tilespmem:$0x80] =	vst v0  }
0x1e: {  	s13 =	rddreg [dreg:$0x3];
	[tilespmem:$0x90] =	vst v59  }
0x1f: {  	[tilespmem:s31], [sflag:$0x1] =	stream.indirect.gather [hbm4b:s13+s12], $0x80, s7, s12, $0xb8;
	[tilespmem:$0x11300] =	vst v63  }
0x20: {  	_ =	swait.ge [sflag:s8], $0x1000  }
0x21: {  	[sflag:s8] =	ssyncset.done $0x0  }
0x22: {  	[sflag:s8] =	ssyncadd.s32 $0xFFFFF000  }
0x23: {  	v60 =	vld [tilespmem:$0x0];
	_ =	sdelay $0x4  }
0x24: {  	v0 =	vshll.u32 v60, $0x4  }
0x25: {  	(v2sf) =	vpush v0, $0x0;
	_ =	sdelay $0x5  }
0x26: {  	(v2sf) =	vpush v0, $0x1;
	_ =	sdelay $0x5  }
0x27: {  	(v2sf) =	vpush v0, $0x2;
	_ =	sdelay $0x2  }
0x28: {  	s13 =	spop (v2sf)  }
0x29: {  	s11 =	sand.u32 $0x70, s13  }
0x2a: {  	v61 =	vld [tilespmem:s11+$0x100]  }
0x2b: {  	(v2sf) =	vpush v0, $0x3;
	_ =	sdelay $0x2  }
0x2c: {  	s14 =	spop (v2sf)  }
0x2d: {  	s11 =	sand.u32 $0x70, s14;
	[tilespmem:$0x1100] =	vst v61  }
0x2e: {  	v1 =	vld [tilespmem:s11+$0x180]  }
0x2f: {  	(v2sf) =	vpush v0, $0x4;
	_ =	sdelay $0x2  }
0x30: {  	s15 =	spop (v2sf)  }
0x31: {  	s11 =	sand.u32 $0x70, s15;
	[tilespmem:$0x1110] =	vst v1  }
0x32: {  	v1 =	vld [tilespmem:s11+$0x200]  }
0x33: {  	(v2sf) =	vpush v0, $0x5;
	_ =	sdelay $0x2  }
0x34: {  	s16 =	spop (v2sf)  }
0x35: {  	s11 =	sand.u32 $0x70, s16;
	[tilespmem:$0x1120] =	vst v1  }
0x36: {  	v1 =	vld [tilespmem:s11+$0x280]  }
0x37: {  	(v2sf) =	vpush v0, $0x6;
	_ =	sdelay $0x2  }
0x38: {  	s17 =	spop (v2sf)  }
0x39: {  	s11 =	sand.u32 $0x70, s17;
	[tilespmem:$0x1130] =	vst v1  }
0x3a: {  	v1 =	vld [tilespmem:s11+$0x300]  }
0x3b: {  	(v2sf) =	vpush v0, $0x7;
	_ =	sdelay $0x2  }
0x3c: {  	s18 =	spop (v2sf)  }
0x3d: {  	s11 =	sand.u32 $0x70, s18;
	[tilespmem:$0x1140] =	vst v1  }
0x3e: {  	v1 =	vld [tilespmem:s11+$0x380]  }
0x3f: {  	(v2sf) =	vpush v0, $0x8;
	_ =	sdelay $0x2  }
0x40: {  	s19 =	spop (v2sf)  }
0x41: {  	s11 =	sand.u32 $0x70, s19;
	[tilespmem:$0x1150] =	vst v1  }
0x42: {  	v1 =	vld [tilespmem:s11+$0x400]  }
0x43: {  	(v2sf) =	vpush v0, $0x9;
	_ =	sdelay $0x2  }
0x44: {  	s20 =	spop (v2sf)  }
0x45: {  	s11 =	sand.u32 $0x70, s20;
	[tilespmem:$0x1160] =	vst v1  }
0x46: {  	v1 =	vld [tilespmem:s11+$0x480]  }
0x47: {  	(v2sf) =	vpush v0, $0xA;
	_ =	sdelay $0x2  }
0x48: {  	s21 =	spop (v2sf)  }
0x49: {  	s11 =	sand.u32 $0x70, s21;
	[tilespmem:$0x1170] =	vst v1  }
0x4a: {  	v1 =	vld [tilespmem:s11+$0x500]  }
0x4b: {  	(v2sf) =	vpush v0, $0xB;
	_ =	sdelay $0x2  }
0x4c: {  	s22 =	spop (v2sf)  }
0x4d: {  	s11 =	sand.u32 $0x70, s22;
	[tilespmem:$0x1180] =	vst v1  }
0x4e: {  	v1 =	vld [tilespmem:s11+$0x580]  }
0x4f: {  	(v2sf) =	vpush v0, $0xC;
	_ =	sdelay $0x2  }
0x50: {  	s23 =	spop (v2sf)  }
0x51: {  	s11 =	sand.u32 $0x70, s23;
	[tilespmem:$0x1190] =	vst v1  }
0x52: {  	v1 =	vld [tilespmem:s11+$0x600]  }
0x53: {  	(v2sf) =	vpush v0, $0xD;
	_ =	sdelay $0x2  }
0x54: {  	s24 =	spop (v2sf)  }
0x55: {  	s11 =	sand.u32 $0x70, s24;
	[tilespmem:$0x11A0] =	vst v1  }
0x56: {  	v1 =	vld [tilespmem:s11+$0x680]  }
0x57: {  	(v2sf) =	vpush v0, $0xE;
	_ =	sdelay $0x2  }
0x58: {  	s25 =	spop (v2sf)  }
0x59: {  	s11 =	sand.u32 $0x70, s25;
	[tilespmem:$0x11B0] =	vst v1  }
0x5a: {  	v1 =	vld [tilespmem:s11+$0x700]  }
0x5b: {  	v62 =	vld [tilespmem:$0x10];
	(v2sf) =	vpush v0, $0xF;
	_ =	sdelay $0x2  }
0x5c: {  	s26 =	spop (v2sf)  }
0x5d: {  	s11 =	sand.u32 $0x70, s26;
	[tilespmem:$0x11C0] =	vst v1  }
0x5e: {  	v0 =	vshll.u32 v62, $0x4;
	v1 =	vld [tilespmem:s11+$0x780]  }
0x5f: {  	(v2sf) =	vpush v0, $0x0;
	_ =	sdelay $0x2  }
0x60: {  	s28 =	spop (v2sf)  }
0x61: {  	s11 =	sand.u32 $0x70, s28;
	[tilespmem:$0x11D0] =	vst v1  }
0x62: {  	v1 =	vld [tilespmem:s11+$0x800]  }
0x63: {  	(v2sf) =	vpush v0, $0x1;
	_ =	sdelay $0x2  }
0x64: {  	s29 =	spop (v2sf)  }
0x65: {  	s11 =	sand.u32 $0x70, s29;
	[tilespmem:$0x11E0] =	vst v1  }
0x66: {  	v1 =	vld [tilespmem:s11+$0x880]  }
0x67: {  	(v2sf) =	vpush v0, $0x2;
	_ =	sdelay $0x2  }
0x68: {  	s30 =	spop (v2sf)  }
0x69: {  	s11 =	sand.u32 $0x70, s30;
	[tilespmem:$0x11F0] =	vst v1  }
0x6a: {  	v1 =	vld [tilespmem:s11+$0x900]  }
0x6b: {  	(v2sf) =	vpush v0, $0x3;
	_ =	sdelay $0x2  }
0x6c: {  	s31 =	spop (v2sf)  }
0x6d: {  	s11 =	sand.u32 $0x70, s31;
	[tilespmem:$0x1200] =	vst v1  }
0x6e: {  	v1 =	vld [tilespmem:s11+$0x980]  }
0x6f: {  	(v2sf) =	vpush v0, $0x4;
	_ =	sdelay $0x2  }
0x70: {  	s12 =	spop (v2sf)  }
0x71: {  	s11 =	sand.u32 $0x70, s12;
	[tilespmem:$0x1210] =	vst v1  }
0x72: {  	v1 =	vld [tilespmem:s11+$0xA00]  }
0x73: {  	(v2sf) =	vpush v0, $0x5;
	_ =	sdelay $0x2  }
0x74: {  	s13 =	spop (v2sf)  }
0x75: {  	s11 =	sand.u32 $0x70, s13;
	[tilespmem:$0x1220] =	vst v1  }
0x76: {  	v1 =	vld [tilespmem:s11+$0xA80]  }
0x77: {  	(v2sf) =	vpush v0, $0x6;
	_ =	sdelay $0x2  }
0x78: {  	s14 =	spop (v2sf)  }
0x79: {  	s11 =	sand.u32 $0x70, s14;
	[tilespmem:$0x1230] =	vst v1  }
0x7a: {  	v1 =	vld [tilespmem:s11+$0xB00]  }
0x7b: {  	(v2sf) =	vpush v0, $0x7;
	_ =	sdelay $0x2  }
0x7c: {  	s15 =	spop (v2sf)  }
0x7d: {  	s11 =	sand.u32 $0x70, s15;
	[tilespmem:$0x1240] =	vst v1  }
0x7e: {  	v1 =	vld [tilespmem:s11+$0xB80]  }
0x7f: {  	(v2sf) =	vpush v0, $0x8;
	_ =	sdelay $0x2  }
0x80: {  	s16 =	spop (v2sf)  }
0x81: {  	s11 =	sand.u32 $0x70, s16;
	[tilespmem:$0x1250] =	vst v1  }
0x82: {  	v1 =	vld [tilespmem:s11+$0xC00]  }
0x83: {  	(v2sf) =	vpush v0, $0x9;
	_ =	sdelay $0x2  }
0x84: {  	s17 =	spop (v2sf)  }
0x85: {  	s11 =	sand.u32 $0x70, s17;
	[tilespmem:$0x1260] =	vst v1  }
0x86: {  	v1 =	vld [tilespmem:s11+$0xC80]  }
0x87: {  	(v2sf) =	vpush v0, $0xA;
	_ =	sdelay $0x2  }
0x88: {  	s18 =	spop (v2sf)  }
0x89: {  	s11 =	sand.u32 $0x70, s18;
	[tilespmem:$0x1270] =	vst v1  }
0x8a: {  	v1 =	vld [tilespmem:s11+$0xD00]  }
0x8b: {  	(v2sf) =	vpush v0, $0xB;
	_ =	sdelay $0x2  }
0x8c: {  	s19 =	spop (v2sf)  }
0x8d: {  	s11 =	sand.u32 $0x70, s19;
	[tilespmem:$0x1280] =	vst v1  }
0x8e: {  	v1 =	vld [tilespmem:s11+$0xD80]  }
0x8f: {  	(v2sf) =	vpush v0, $0xC;
	_ =	sdelay $0x2  }
0x90: {  	s20 =	spop (v2sf)  }
0x91: {  	s11 =	sand.u32 $0x70, s20;
	[tilespmem:$0x1290] =	vst v1  }
0x92: {  	v1 =	vld [tilespmem:s11+$0xE00]  }
0x93: {  	(v2sf) =	vpush v0, $0xD;
	_ =	sdelay $0x2  }
0x94: {  	s21 =	spop (v2sf)  }
0x95: {  	s11 =	sand.u32 $0x70, s21;
	[tilespmem:$0x12A0] =	vst v1  }
0x96: {  	v1 =	vld [tilespmem:s11+$0xE80]  }
0x97: {  	(v2sf) =	vpush v0, $0xE;
	_ =	sdelay $0x2  }
0x98: {  	s22 =	spop (v2sf)  }
0x99: {  	s11 =	sand.u32 $0x70, s22;
	[tilespmem:$0x12B0] =	vst v1  }
0x9a: {  	v1 =	vld [tilespmem:s11+$0xF00]  }
0x9b: {  	(v2sf) =	vpush v0, $0xF;
	_ =	sdelay $0x2  }
0x9c: {  	s23 =	spop (v2sf)  }
0x9d: {  	s11 =	sand.u32 $0x70, s23;
	[tilespmem:$0x12C0] =	vst v1  }
0x9e: {  	v63 =	vld [tilespmem:s11+$0xF80];
	_ =	sdelay $0x3  }
0x9f: {  	s24 =	spop (v2sf)  }
0xa0: {  	s11 =	sand.u32 $0x70, s24;
	[tilespmem:$0x12D0] =	vst v63  }
0xa1: {  	v0 =	vld [tilespmem:s11+$0x1000];
	_ =	sdelay $0x3  }
0xa2: {  	s25 =	spop (v2sf)  }
0xa3: {  	s11 =	sand.u32 $0x70, s25;
	[tilespmem:$0x12E0] =	vst v0  }
0xa4: {  	v0 =	vld [tilespmem:s11+$0x1080];
	_ =	sdelay $0x1  }
0xa5: {  	s26 =	rddreg [dreg:$0xd]  }
0xa6: {  	s28 =	rddreg [dreg:$0xb]  }
0xa7: {  	s29 =	rddreg [dreg:$0x7]  }
0xa8: {  	s14 =	rddreg [dreg:$0x9];
	[tilespmem:$0x12F0] =	vst v0  }
0xa9: {  	[tilespmem:s9], [sflag:$0x1] =	stream.indirect.gather [hbm4b:s3+s7], $0x80, s29, s7, $0xb8;
	[tilespmem:$0x11300] =	vst v63  }
0xaa: {  	s15 =	rddreg [dreg:$0x8]  }
0xab: {  	[tilespmem:s14], [sflag:$0x1] =	stream.indirect.gather [hbm4b:s3+s7], $0x80, s15, s7, $0xb8;
	[tilespmem:$0x11300] =	vst v63  }
0xac: {  	s30 =	rddreg [dreg:$0xa]  }
0xad: {  	[tilespmem:s28], [sflag:$0x1] =	stream.indirect.gather [hbm4b:s3+s7], $0x80, s30, s7, $0xb8;
	[tilespmem:$0x11300] =	vst v63  }
0xae: {  	s31 =	rddreg [dreg:$0xc]  }
0xaf: {  	[tilespmem:s26], [sflag:$0x1] =	stream.indirect.gather [hbm4b:s3+s7], $0x80, s31, s7, $0xb8;
	[tilespmem:$0x11300] =	vst v63  }
0xb0: {  	_ =	swait.ge [sflag:s8], $0x4000  }
0xb1: {  	[sflag:s8] =	ssyncset.done $0x0  }
0xb2: {  	[sflag:s8] =	ssyncadd.s32 $0xFFFFC000  }
0xb3: {  	_ =	swait.ge [sflag:s8], $0x4000  }
0xb4: {  	[sflag:s8] =	ssyncset.done $0x0  }
0xb5: {  	[sflag:s8] =	ssyncadd.s32 $0xFFFFC000  }
0xb6: {  	_ =	swait.ge [sflag:s8], $0x4000  }
0xb7: {  	[sflag:s8] =	ssyncset.done $0x0  }
0xb8: {  	[sflag:s8] =	ssyncadd.s32 $0xFFFFC000  }
0xb9: {  	_ =	swait.ge [sflag:s8], $0x4000  }
0xba: {  	[sflag:s8] =	ssyncset.done $0x0  }
0xbb: {  	s12 =	simm.s32 $0x4;
	[sflag:s8] =	ssyncadd.s32 $0xFFFFC000  }
0xbc: {  	[hbm4b:s5+s2] =	stream.linear.scatter [tilespmem:s9], [sflag:$0x2], $0x10000, $0x38;
	[tilespmem:$0x11300] =	vst v63  }
0xbd: {  	s13 =	simm.s32 $0x8;
	s11 =	smov.u32 s5;
	_ =	swait.ge [sflag:s6], $0x10000  }
.LBB2_2:
0xbe: {  	s14 =	rddreg [dreg:$0x4];
	[sflag:s6] =	ssyncset.done $0x0  }
0xbf: {  	[sflag:s6] =	ssyncadd.s32 $0xFFFF0000;
	s14 =	sadd.s32 s12, s14  }
0xc0: {  	[tilespmem:s2], [sflag:$0x2] =	stream.linear.gather [hbm4b:s14+s2], $0x20, $0x38;
	[tilespmem:$0x11300] =	vst v63  }
0xc1: {  	_ =	swait.ge [sflag:s6], $0x20  }
0xc2: {  	[sflag:s6] =	ssyncset.done $0x0  }
0xc3: {  	[sflag:s6] =	ssyncadd.s32 $0xFFFFFFE0  }
0xc4: {  	v0 =	vld [tilespmem:$0x0]  }
0xc5: {  	v1 =	vld [tilespmem:$0x10];
	_ =	sdelay $0x3  }
0xc6: {  	s26 =	rddreg [dreg:$0x6];
	v0 =	vshra.s32 v0, $0x3  }
0xc7: {  	s28 =	rddreg [dreg:$0x5];
	v58 =	vshra.s32 v1, $0x3;
	[tilespmem:$0x80] =	vst v0  }
0xc8: {  	s16 =	rddreg [dreg:$0x3];
	[tilespmem:$0x90] =	vst v58  }
0xc9: {  	[tilespmem:s26], [sflag:$0x1] =	stream.indirect.gather [hbm4b:s16+s28], $0x80, s7, s28, $0xb8;
	[tilespmem:$0x11300] =	vst v63  }
0xca: {  	_ =	swait.ge [sflag:s8], $0x1000  }
0xcb: {  	[sflag:s8] =	ssyncset.done $0x0  }
0xcc: {  	[sflag:s8] =	ssyncadd.s32 $0xFFFFF000  }
0xcd: {  	v59 =	vld [tilespmem:$0x0];
	_ =	sdelay $0x4  }
0xce: {  	v0 =	vshll.u32 v59, $0x4  }
0xcf: {  	(v2sf) =	vpush v0, $0x0;
	_ =	sdelay $0x5  }
0xd0: {  	(v2sf) =	vpush v0, $0x1;
	_ =	sdelay $0x3  }
0xd1: {  	(v2sf) =	vpush v0, $0x2  }
0xd2: {  	(v2sf) =	vpush v0, $0x3  }
0xd3: {  	(v2sf) =	vpush v0, $0x4  }
0xd4: {  	(v2sf) =	vpush v0, $0x5  }
0xd5: {  	(v2sf) =	vpush v0, $0x6  }
0xd6: {  	(v2sf) =	vpush v0, $0x7;
	s29 =	spop (v2sf)  }
0xd7: {  	(v2sf) =	vpush v0, $0x8;
	s14 =	sand.u32 $0x70, s29  }
0xd8: {  	(v2sf) =	vpush v0, $0x9;
	v60 =	vld [tilespmem:s14+$0x100]  }
0xd9: {  	(v2sf) =	vpush v0, $0xA  }
0xda: {  	(v2sf) =	vpush v0, $0xB  }
0xdb: {  	(v2sf) =	vpush v0, $0xC  }
0xdc: {  	s15 =	smov.u32 s13;
	(v2sf) =	vpush v0, $0xD;
	s30 =	spop (v2sf)  }
0xdd: {  	s12 =	smov.u32 s15;
	(v2sf) =	vpush v0, $0xE;
	s15 =	sand.u32 $0x70, s30;
	[tilespmem:$0x1100] =	vst v60  }
0xde: {  	(v2sf) =	vpush v0, $0xF;
	v0 =	vld [tilespmem:s15+$0x180];
	_ =	sdelay $0x3  }
0xdf: {  	s31 =	spop (v2sf)  }
0xe0: {  	s14 =	sand.u32 $0x70, s31;
	[tilespmem:$0x1110] =	vst v0  }
0xe1: {  	v0 =	vld [tilespmem:s14+$0x200];
	_ =	sdelay $0x3  }
0xe2: {  	s22 =	spop (v2sf)  }
0xe3: {  	s22 =	sand.u32 $0x70, s22;
	[tilespmem:$0x1120] =	vst v0  }
0xe4: {  	v0 =	vld [tilespmem:s22+$0x280];
	_ =	sdelay $0x3  }
0xe5: {  	s23 =	spop (v2sf)  }
0xe6: {  	s29 =	sand.u32 $0x70, s23;
	[tilespmem:$0x1130] =	vst v0  }
0xe7: {  	v0 =	vld [tilespmem:s29+$0x300];
	_ =	sdelay $0x3  }
0xe8: {  	s24 =	spop (v2sf)  }
0xe9: {  	s30 =	sand.u32 $0x70, s24;
	[tilespmem:$0x1140] =	vst v0  }
0xea: {  	v0 =	vld [tilespmem:s30+$0x380];
	_ =	sdelay $0x3  }
0xeb: {  	s25 =	spop (v2sf)  }
0xec: {  	s31 =	sand.u32 $0x70, s25;
	[tilespmem:$0x1150] =	vst v0  }
0xed: {  	v0 =	vld [tilespmem:s31+$0x400];
	_ =	sdelay $0x3  }
0xee: {  	s26 =	spop (v2sf)  }
0xef: {  	s23 =	sand.u32 $0x70, s26;
	[tilespmem:$0x1160] =	vst v0  }
0xf0: {  	v0 =	vld [tilespmem:s23+$0x480];
	_ =	sdelay $0x3  }
0xf1: {  	s21 =	spop (v2sf)  }
0xf2: {  	s21 =	sand.u32 $0x70, s21;
	[tilespmem:$0x1170] =	vst v0  }
0xf3: {  	v0 =	vld [tilespmem:s21+$0x500];
	_ =	sdelay $0x3  }
0xf4: {  	s20 =	spop (v2sf)  }
0xf5: {  	s20 =	sand.u32 $0x70, s20;
	[tilespmem:$0x1180] =	vst v0  }
0xf6: {  	v0 =	vld [tilespmem:s20+$0x580];
	_ =	sdelay $0x3  }
0xf7: {  	s19 =	spop (v2sf)  }
0xf8: {  	s19 =	sand.u32 $0x70, s19;
	[tilespmem:$0x1190] =	vst v0  }
0xf9: {  	v0 =	vld [tilespmem:s19+$0x600];
	_ =	sdelay $0x3  }
0xfa: {  	s18 =	spop (v2sf)  }
0xfb: {  	s18 =	sand.u32 $0x70, s18;
	[tilespmem:$0x11A0] =	vst v0  }
0xfc: {  	v0 =	vld [tilespmem:s18+$0x680];
	_ =	sdelay $0x3  }
0xfd: {  	s17 =	spop (v2sf)  }
0xfe: {  	s17 =	sand.u32 $0x70, s17;
	[tilespmem:$0x11B0] =	vst v0  }
0xff: {  	v62 =	vld [tilespmem:s17+$0x700]  }
0x100: {  	v61 =	vld [tilespmem:$0x10];
	_ =	sdelay $0x2  }
0x101: {  	s15 =	spop (v2sf)  }
0x102: {  	s16 =	sand.u32 $0x70, s15;
	[tilespmem:$0x11C0] =	vst v62  }
0x103: {  	s14 =	spop (v2sf);
	v0 =	vshll.u32 v61, $0x4;
	v1 =	vld [tilespmem:s16+$0x780]  }
0x104: {  	s28 =	spop (v2sf);
	(v2sf) =	vpush v0, $0x0;
	_ =	sdelay $0x3  }
0x105: {  	s15 =	sand.u32 $0x70, s14;
	[tilespmem:$0x11D0] =	vst v1  }
0x106: {  	v1 =	vld [tilespmem:s15+$0x800]  }
0x107: {  	(v2sf) =	vpush v0, $0x1;
	_ =	sdelay $0x3  }
0x108: {  	s14 =	sand.u32 $0x70, s28;
	(v2sf) =	vpush v0, $0x2;
	[tilespmem:$0x11E0] =	vst v1  }
0x109: {  	(v2sf) =	vpush v0, $0x3;
	v1 =	vld [tilespmem:s14+$0x880]  }
0x10a: {  	(v2sf) =	vpush v0, $0x4  }
0x10b: {  	(v2sf) =	vpush v0, $0x5  }
0x10c: {  	(v2sf) =	vpush v0, $0x6  }
0x10d: {  	(v2sf) =	vpush v0, $0x7;
	s24 =	spop (v2sf)  }
0x10e: {  	(v2sf) =	vpush v0, $0x8;
	s14 =	sand.u32 $0x70, s24;
	[tilespmem:$0x11F0] =	vst v1  }
0x10f: {  	(v2sf) =	vpush v0, $0x9;
	v63 =	vld [tilespmem:s14+$0x900]  }
0x110: {  	(v2sf) =	vpush v0, $0xA  }
0x111: {  	(v2sf) =	vpush v0, $0xB  }
0x112: {  	(v2sf) =	vpush v0, $0xC  }
0x113: {  	(v2sf) =	vpush v0, $0xD;
	s25 =	spop (v2sf)  }
0x114: {  	(v2sf) =	vpush v0, $0xE;
	s19 =	sand.u32 $0x70, s25;
	[tilespmem:$0x1200] =	vst v63  }
0x115: {  	(v2sf) =	vpush v0, $0xF;
	v0 =	vld [tilespmem:s19+$0x980];
	_ =	sdelay $0x3  }
0x116: {  	s26 =	spop (v2sf)  }
0x117: {  	s23 =	sand.u32 $0x70, s26;
	[tilespmem:$0x1210] =	vst v0  }
0x118: {  	v0 =	vld [tilespmem:s23+$0xA00];
	_ =	sdelay $0x3  }
0x119: {  	s29 =	spop (v2sf)  }
0x11a: {  	s24 =	sand.u32 $0x70, s29;
	[tilespmem:$0x1220] =	vst v0  }
0x11b: {  	v0 =	vld [tilespmem:s24+$0xA80];
	_ =	sdelay $0x3  }
0x11c: {  	s30 =	spop (v2sf)  }
0x11d: {  	s29 =	sand.u32 $0x70, s30;
	[tilespmem:$0x1230] =	vst v0  }
0x11e: {  	v0 =	vld [tilespmem:s29+$0xB00];
	_ =	sdelay $0x3  }
0x11f: {  	s31 =	spop (v2sf)  }
0x120: {  	s30 =	sand.u32 $0x70, s31;
	[tilespmem:$0x1240] =	vst v0  }
0x121: {  	v0 =	vld [tilespmem:s30+$0xB80];
	_ =	sdelay $0x3  }
0x122: {  	s28 =	spop (v2sf)  }
0x123: {  	s31 =	sand.u32 $0x70, s28;
	[tilespmem:$0x1250] =	vst v0  }
0x124: {  	v0 =	vld [tilespmem:s31+$0xC00];
	_ =	sdelay $0x3  }
0x125: {  	s22 =	spop (v2sf)  }
0x126: {  	s22 =	sand.u32 $0x70, s22;
	[tilespmem:$0x1260] =	vst v0  }
0x127: {  	v0 =	vld [tilespmem:s22+$0xC80];
	_ =	sdelay $0x3  }
0x128: {  	s21 =	spop (v2sf)  }
0x129: {  	s21 =	sand.u32 $0x70, s21;
	[tilespmem:$0x1270] =	vst v0  }
0x12a: {  	v0 =	vld [tilespmem:s21+$0xD00];
	_ =	sdelay $0x3  }
0x12b: {  	s20 =	spop (v2sf)  }
0x12c: {  	s20 =	sand.u32 $0x70, s20;
	[tilespmem:$0x1280] =	vst v0  }
0x12d: {  	v0 =	vld [tilespmem:s20+$0xD80];
	_ =	sdelay $0x3  }
0x12e: {  	s19 =	spop (v2sf)  }
0x12f: {  	s19 =	sand.u32 $0x70, s19;
	[tilespmem:$0x1290] =	vst v0  }
0x130: {  	v0 =	vld [tilespmem:s19+$0xE00];
	_ =	sdelay $0x3  }
0x131: {  	s18 =	spop (v2sf)  }
0x132: {  	s18 =	sand.u32 $0x70, s18;
	[tilespmem:$0x12A0] =	vst v0  }
0x133: {  	v0 =	vld [tilespmem:s18+$0xE80];
	_ =	sdelay $0x3  }
0x134: {  	s17 =	spop (v2sf)  }
0x135: {  	s17 =	sand.u32 $0x70, s17;
	[tilespmem:$0x12B0] =	vst v0  }
0x136: {  	v0 =	vld [tilespmem:s17+$0xF00];
	_ =	sdelay $0x3  }
0x137: {  	s16 =	spop (v2sf)  }
0x138: {  	s16 =	sand.u32 $0x70, s16;
	[tilespmem:$0x12C0] =	vst v0  }
0x139: {  	v0 =	vld [tilespmem:s16+$0xF80];
	_ =	sdelay $0x3  }
0x13a: {  	s15 =	spop (v2sf)  }
0x13b: {  	s15 =	sand.u32 $0x70, s15;
	[tilespmem:$0x12D0] =	vst v0  }
0x13c: {  	v0 =	vld [tilespmem:s15+$0x1000];
	_ =	sdelay $0x3  }
0x13d: {  	s14 =	spop (v2sf)  }
0x13e: {  	s14 =	sand.u32 $0x70, s14;
	[tilespmem:$0x12E0] =	vst v0  }
0x13f: {  	v0 =	vld [tilespmem:s14+$0x1080];
	_ =	sdelay $0x1  }
0x140: {  	s25 =	rddreg [dreg:$0xb]  }
0x141: {  	s26 =	rddreg [dreg:$0x7]  }
0x142: {  	s28 =	rddreg [dreg:$0x9]  }
0x143: {  	s24 =	rddreg [dreg:$0xd];
	[tilespmem:$0x12F0] =	vst v0  }
0x144: {  	[tilespmem:s9], [sflag:$0x1] =	stream.indirect.gather [hbm4b:s3+s7], $0x80, s26, s7, $0xb8;
	[tilespmem:$0x11300] =	vst v63  }
0x145: {  	s29 =	rddreg [dreg:$0x8]  }
0x146: {  	[tilespmem:s28], [sflag:$0x1] =	stream.indirect.gather [hbm4b:s3+s7], $0x80, s29, s7, $0xb8;
	[tilespmem:$0x11300] =	vst v63  }
0x147: {  	s30 =	rddreg [dreg:$0xa]  }
0x148: {  	[tilespmem:s25], [sflag:$0x1] =	stream.indirect.gather [hbm4b:s3+s7], $0x80, s30, s7, $0xb8;
	[tilespmem:$0x11300] =	vst v63  }
0x149: {  	s31 =	rddreg [dreg:$0xc]  }
0x14a: {  	[tilespmem:s24], [sflag:$0x1] =	stream.indirect.gather [hbm4b:s3+s7], $0x80, s31, s7, $0xb8;
	[tilespmem:$0x11300] =	vst v63  }
0x14b: {  	_ =	swait.ge [sflag:s8], $0x4000  }
0x14c: {  	[sflag:s8] =	ssyncset.done $0x0  }
0x14d: {  	[sflag:s8] =	ssyncadd.s32 $0xFFFFC000  }
0x14e: {  	_ =	swait.ge [sflag:s8], $0x4000  }
0x14f: {  	[sflag:s8] =	ssyncset.done $0x0  }
0x150: {  	[sflag:s8] =	ssyncadd.s32 $0xFFFFC000  }
0x151: {  	_ =	swait.ge [sflag:s8], $0x4000  }
0x152: {  	[sflag:s8] =	ssyncset.done $0x0  }
0x153: {  	p0 =	sne.s32 s13, $0x14;
	[sflag:s8] =	ssyncadd.s32 $0xFFFFC000  }
.Ltmp0:
0x154: {  	_ =	swait.ge [sflag:s8], $0x4000;
	(pc) =	sbr.rel @p0 .LBB2_2-.Ltmp0, $4  }
0x155: {  	[sflag:s8] =	ssyncset.done $0x0  }
0x156: {  	s11 =	sadd.s32 $0x2000, s11;
	[sflag:s8] =	ssyncadd.s32 $0xFFFFC000  }
0x157: {  	[hbm4b:s11+s2] =	stream.linear.scatter [tilespmem:s9], [sflag:$0x2], $0x10000, $0x38;
	[tilespmem:$0x11300] =	vst v63  }
0x158: {  	s13 =	sadd.s32 $0x4, s13;
	_ =	swait.ge [sflag:s6], $0x10000  }
0x159: {  	s13 =	rddreg [dreg:$0x4];
	[sflag:s6] =	ssyncset.done $0x0  }
0x15a: {  	[sflag:s6] =	ssyncadd.s32 $0xFFFF0000;
	s12 =	sadd.s32 s12, s13  }
0x15b: {  	[tilespmem:s2], [sflag:$0x2] =	stream.linear.gather [hbm4b:s12+s2], $0x20, $0x38;
	[tilespmem:$0x11300] =	vst v63  }
0x15c: {  	_ =	swait.ge [sflag:s6], $0x20  }
0x15d: {  	[sflag:s6] =	ssyncset.done $0x0  }
0x15e: {  	[sflag:s6] =	ssyncadd.s32 $0xFFFFFFE0  }
0x15f: {  	v0 =	vld [tilespmem:$0x0]  }
0x160: {  	v1 =	vld [tilespmem:$0x10];
	_ =	sdelay $0x3  }
0x161: {  	s29 =	rddreg [dreg:$0x6];
	v0 =	vshra.s32 v0, $0x3  }
0x162: {  	s30 =	rddreg [dreg:$0x5];
	v59 =	vshra.s32 v1, $0x3;
	[tilespmem:$0x80] =	vst v0  }
0x163: {  	s14 =	rddreg [dreg:$0x3];
	[tilespmem:$0x90] =	vst v59  }
0x164: {  	[tilespmem:s29], [sflag:$0x1] =	stream.indirect.gather [hbm4b:s14+s30], $0x80, s7, s30, $0xb8;
	[tilespmem:$0x11300] =	vst v63  }
0x165: {  	_ =	swait.ge [sflag:s8], $0x1000  }
0x166: {  	[sflag:s8] =	ssyncset.done $0x0  }
0x167: {  	[sflag:s8] =	ssyncadd.s32 $0xFFFFF000  }
0x168: {  	v60 =	vld [tilespmem:$0x0];
	_ =	sdelay $0x4  }
0x169: {  	v0 =	vshll.u32 v60, $0x4  }
0x16a: {  	(v2sf) =	vpush v0, $0x0;
	_ =	sdelay $0x5  }
0x16b: {  	(v2sf) =	vpush v0, $0x1;
	_ =	sdelay $0x5  }
0x16c: {  	(v2sf) =	vpush v0, $0x2;
	_ =	sdelay $0x2  }
0x16d: {  	s31 =	spop (v2sf)  }
0x16e: {  	s12 =	sand.u32 $0x70, s31  }
0x16f: {  	v61 =	vld [tilespmem:s12+$0x100]  }
0x170: {  	(v2sf) =	vpush v0, $0x3;
	_ =	sdelay $0x2  }
0x171: {  	s13 =	spop (v2sf)  }
0x172: {  	s12 =	sand.u32 $0x70, s13;
	[tilespmem:$0x1100] =	vst v61  }
0x173: {  	v1 =	vld [tilespmem:s12+$0x180]  }
0x174: {  	(v2sf) =	vpush v0, $0x4;
	_ =	sdelay $0x2  }
0x175: {  	s14 =	spop (v2sf)  }
0x176: {  	s12 =	sand.u32 $0x70, s14;
	[tilespmem:$0x1110] =	vst v1  }
0x177: {  	v1 =	vld [tilespmem:s12+$0x200]  }
0x178: {  	(v2sf) =	vpush v0, $0x5;
	_ =	sdelay $0x2  }
0x179: {  	s15 =	spop (v2sf)  }
0x17a: {  	s12 =	sand.u32 $0x70, s15;
	[tilespmem:$0x1120] =	vst v1  }
0x17b: {  	v1 =	vld [tilespmem:s12+$0x280]  }
0x17c: {  	(v2sf) =	vpush v0, $0x6;
	_ =	sdelay $0x2  }
0x17d: {  	s16 =	spop (v2sf)  }
0x17e: {  	s12 =	sand.u32 $0x70, s16;
	[tilespmem:$0x1130] =	vst v1  }
0x17f: {  	v1 =	vld [tilespmem:s12+$0x300]  }
0x180: {  	(v2sf) =	vpush v0, $0x7;
	_ =	sdelay $0x2  }
0x181: {  	s17 =	spop (v2sf)  }
0x182: {  	s12 =	sand.u32 $0x70, s17;
	[tilespmem:$0x1140] =	vst v1  }
0x183: {  	v1 =	vld [tilespmem:s12+$0x380]  }
0x184: {  	(v2sf) =	vpush v0, $0x8;
	_ =	sdelay $0x2  }
0x185: {  	s18 =	spop (v2sf)  }
0x186: {  	s12 =	sand.u32 $0x70, s18;
	[tilespmem:$0x1150] =	vst v1  }
0x187: {  	v1 =	vld [tilespmem:s12+$0x400]  }
0x188: {  	(v2sf) =	vpush v0, $0x9;
	_ =	sdelay $0x2  }
0x189: {  	s19 =	spop (v2sf)  }
0x18a: {  	s12 =	sand.u32 $0x70, s19;
	[tilespmem:$0x1160] =	vst v1  }
0x18b: {  	v1 =	vld [tilespmem:s12+$0x480]  }
0x18c: {  	(v2sf) =	vpush v0, $0xA;
	_ =	sdelay $0x2  }
0x18d: {  	s20 =	spop (v2sf)  }
0x18e: {  	s12 =	sand.u32 $0x70, s20;
	[tilespmem:$0x1170] =	vst v1  }
0x18f: {  	v1 =	vld [tilespmem:s12+$0x500]  }
0x190: {  	(v2sf) =	vpush v0, $0xB;
	_ =	sdelay $0x2  }
0x191: {  	s21 =	spop (v2sf)  }
0x192: {  	s12 =	sand.u32 $0x70, s21;
	[tilespmem:$0x1180] =	vst v1  }
0x193: {  	v1 =	vld [tilespmem:s12+$0x580]  }
0x194: {  	(v2sf) =	vpush v0, $0xC;
	_ =	sdelay $0x2  }
0x195: {  	s22 =	spop (v2sf)  }
0x196: {  	s12 =	sand.u32 $0x70, s22;
	[tilespmem:$0x1190] =	vst v1  }
0x197: {  	v1 =	vld [tilespmem:s12+$0x600]  }
0x198: {  	(v2sf) =	vpush v0, $0xD;
	_ =	sdelay $0x2  }
0x199: {  	s23 =	spop (v2sf)  }
0x19a: {  	s12 =	sand.u32 $0x70, s23;
	[tilespmem:$0x11A0] =	vst v1  }
0x19b: {  	v1 =	vld [tilespmem:s12+$0x680]  }
0x19c: {  	(v2sf) =	vpush v0, $0xE;
	_ =	sdelay $0x2  }
0x19d: {  	s24 =	spop (v2sf)  }
0x19e: {  	s12 =	sand.u32 $0x70, s24;
	[tilespmem:$0x11B0] =	vst v1  }
0x19f: {  	v1 =	vld [tilespmem:s12+$0x700]  }
0x1a0: {  	v62 =	vld [tilespmem:$0x10];
	(v2sf) =	vpush v0, $0xF;
	_ =	sdelay $0x2  }
0x1a1: {  	s25 =	spop (v2sf)  }
0x1a2: {  	s12 =	sand.u32 $0x70, s25;
	[tilespmem:$0x11C0] =	vst v1  }
0x1a3: {  	v0 =	vshll.u32 v62, $0x4;
	v1 =	vld [tilespmem:s12+$0x780]  }
0x1a4: {  	(v2sf) =	vpush v0, $0x0;
	_ =	sdelay $0x2  }
0x1a5: {  	s26 =	spop (v2sf)  }
0x1a6: {  	s12 =	sand.u32 $0x70, s26;
	[tilespmem:$0x11D0] =	vst v1  }
0x1a7: {  	v1 =	vld [tilespmem:s12+$0x800]  }
0x1a8: {  	(v2sf) =	vpush v0, $0x1;
	_ =	sdelay $0x2  }
0x1a9: {  	s28 =	spop (v2sf)  }
0x1aa: {  	s12 =	sand.u32 $0x70, s28;
	[tilespmem:$0x11E0] =	vst v1  }
0x1ab: {  	v1 =	vld [tilespmem:s12+$0x880]  }
0x1ac: {  	(v2sf) =	vpush v0, $0x2;
	_ =	sdelay $0x2  }
0x1ad: {  	s29 =	spop (v2sf)  }
0x1ae: {  	s12 =	sand.u32 $0x70, s29;
	[tilespmem:$0x11F0] =	vst v1  }
0x1af: {  	v1 =	vld [tilespmem:s12+$0x900]  }
0x1b0: {  	(v2sf) =	vpush v0, $0x3;
	_ =	sdelay $0x2  }
0x1b1: {  	s30 =	spop (v2sf)  }
0x1b2: {  	s12 =	sand.u32 $0x70, s30;
	[tilespmem:$0x1200] =	vst v1  }
0x1b3: {  	v1 =	vld [tilespmem:s12+$0x980]  }
0x1b4: {  	(v2sf) =	vpush v0, $0x4;
	_ =	sdelay $0x2  }
0x1b5: {  	s31 =	spop (v2sf)  }
0x1b6: {  	s12 =	sand.u32 $0x70, s31;
	[tilespmem:$0x1210] =	vst v1  }
0x1b7: {  	v1 =	vld [tilespmem:s12+$0xA00]  }
0x1b8: {  	(v2sf) =	vpush v0, $0x5;
	_ =	sdelay $0x2  }
0x1b9: {  	s13 =	spop (v2sf)  }
0x1ba: {  	s12 =	sand.u32 $0x70, s13;
	[tilespmem:$0x1220] =	vst v1  }
0x1bb: {  	v1 =	vld [tilespmem:s12+$0xA80]  }
0x1bc: {  	(v2sf) =	vpush v0, $0x6;
	_ =	sdelay $0x2  }
0x1bd: {  	s14 =	spop (v2sf)  }
0x1be: {  	s12 =	sand.u32 $0x70, s14;
	[tilespmem:$0x1230] =	vst v1  }
0x1bf: {  	v1 =	vld [tilespmem:s12+$0xB00]  }
0x1c0: {  	(v2sf) =	vpush v0, $0x7;
	_ =	sdelay $0x2  }
0x1c1: {  	s15 =	spop (v2sf)  }
0x1c2: {  	s12 =	sand.u32 $0x70, s15;
	[tilespmem:$0x1240] =	vst v1  }
0x1c3: {  	v1 =	vld [tilespmem:s12+$0xB80]  }
0x1c4: {  	(v2sf) =	vpush v0, $0x8;
	_ =	sdelay $0x2  }
0x1c5: {  	s16 =	spop (v2sf)  }
0x1c6: {  	s12 =	sand.u32 $0x70, s16;
	[tilespmem:$0x1250] =	vst v1  }
0x1c7: {  	v1 =	vld [tilespmem:s12+$0xC00]  }
0x1c8: {  	(v2sf) =	vpush v0, $0x9;
	_ =	sdelay $0x2  }
0x1c9: {  	s17 =	spop (v2sf)  }
0x1ca: {  	s12 =	sand.u32 $0x70, s17;
	[tilespmem:$0x1260] =	vst v1  }
0x1cb: {  	v1 =	vld [tilespmem:s12+$0xC80]  }
0x1cc: {  	(v2sf) =	vpush v0, $0xA;
	_ =	sdelay $0x2  }
0x1cd: {  	s18 =	spop (v2sf)  }
0x1ce: {  	s12 =	sand.u32 $0x70, s18;
	[tilespmem:$0x1270] =	vst v1  }
0x1cf: {  	v1 =	vld [tilespmem:s12+$0xD00]  }
0x1d0: {  	(v2sf) =	vpush v0, $0xB;
	_ =	sdelay $0x2  }
0x1d1: {  	s19 =	spop (v2sf)  }
0x1d2: {  	s12 =	sand.u32 $0x70, s19;
	[tilespmem:$0x1280] =	vst v1  }
0x1d3: {  	v1 =	vld [tilespmem:s12+$0xD80]  }
0x1d4: {  	(v2sf) =	vpush v0, $0xC;
	_ =	sdelay $0x2  }
0x1d5: {  	s20 =	spop (v2sf)  }
0x1d6: {  	s12 =	sand.u32 $0x70, s20;
	[tilespmem:$0x1290] =	vst v1  }
0x1d7: {  	v1 =	vld [tilespmem:s12+$0xE00]  }
0x1d8: {  	(v2sf) =	vpush v0, $0xD;
	_ =	sdelay $0x2  }
0x1d9: {  	s21 =	spop (v2sf)  }
0x1da: {  	s12 =	sand.u32 $0x70, s21;
	[tilespmem:$0x12A0] =	vst v1  }
0x1db: {  	v1 =	vld [tilespmem:s12+$0xE80]  }
0x1dc: {  	(v2sf) =	vpush v0, $0xE;
	_ =	sdelay $0x2  }
0x1dd: {  	s22 =	spop (v2sf)  }
0x1de: {  	s12 =	sand.u32 $0x70, s22;
	[tilespmem:$0x12B0] =	vst v1  }
0x1df: {  	v1 =	vld [tilespmem:s12+$0xF00]  }
0x1e0: {  	(v2sf) =	vpush v0, $0xF;
	_ =	sdelay $0x2  }
0x1e1: {  	s23 =	spop (v2sf)  }
0x1e2: {  	s12 =	sand.u32 $0x70, s23;
	[tilespmem:$0x12C0] =	vst v1  }
0x1e3: {  	v63 =	vld [tilespmem:s12+$0xF80];
	_ =	sdelay $0x3  }
0x1e4: {  	s24 =	spop (v2sf)  }
0x1e5: {  	s12 =	sand.u32 $0x70, s24;
	[tilespmem:$0x12D0] =	vst v63  }
0x1e6: {  	v0 =	vld [tilespmem:s12+$0x1000];
	_ =	sdelay $0x3  }
0x1e7: {  	s25 =	spop (v2sf)  }
0x1e8: {  	s12 =	sand.u32 $0x70, s25;
	[tilespmem:$0x12E0] =	vst v0  }
0x1e9: {  	v0 =	vld [tilespmem:s12+$0x1080];
	_ =	sdelay $0x1  }
0x1ea: {  	s26 =	rddreg [dreg:$0xd]  }
0x1eb: {  	s28 =	rddreg [dreg:$0xb]  }
0x1ec: {  	s29 =	rddreg [dreg:$0x7]  }
0x1ed: {  	s15 =	rddreg [dreg:$0x9];
	[tilespmem:$0x12F0] =	vst v0  }
0x1ee: {  	[tilespmem:s9], [sflag:$0x1] =	stream.indirect.gather [hbm4b:s3+s7], $0x80, s29, s7, $0xb8;
	[tilespmem:$0x11300] =	vst v63  }
0x1ef: {  	s16 =	rddreg [dreg:$0x8]  }
0x1f0: {  	[tilespmem:s15], [sflag:$0x1] =	stream.indirect.gather [hbm4b:s3+s7], $0x80, s16, s7, $0xb8;
	[tilespmem:$0x11300] =	vst v63  }
0x1f1: {  	s30 =	rddreg [dreg:$0xa]  }
0x1f2: {  	[tilespmem:s28], [sflag:$0x1] =	stream.indirect.gather [hbm4b:s3+s7], $0x80, s30, s7, $0xb8;
	[tilespmem:$0x11300] =	vst v63  }
0x1f3: {  	s31 =	rddreg [dreg:$0xc]  }
0x1f4: {  	[tilespmem:s26], [sflag:$0x1] =	stream.indirect.gather [hbm4b:s3+s7], $0x80, s31, s7, $0xb8;
	[tilespmem:$0x11300] =	vst v63  }
0x1f5: {  	_ =	swait.ge [sflag:s8], $0x4000  }
0x1f6: {  	[sflag:s8] =	ssyncset.done $0x0  }
0x1f7: {  	[sflag:s8] =	ssyncadd.s32 $0xFFFFC000  }
0x1f8: {  	_ =	swait.ge [sflag:s8], $0x4000  }
0x1f9: {  	[sflag:s8] =	ssyncset.done $0x0  }
0x1fa: {  	[sflag:s8] =	ssyncadd.s32 $0xFFFFC000  }
0x1fb: {  	_ =	swait.ge [sflag:s8], $0x4000  }
0x1fc: {  	[sflag:s8] =	ssyncset.done $0x0  }
0x1fd: {  	[sflag:s8] =	ssyncadd.s32 $0xFFFFC000  }
0x1fe: {  	s10 =	sadd.s32 $0x1, s10;
	_ =	swait.ge [sflag:s8], $0x4000  }
0x1ff: {  	p0 =	sne.s32 s10, s4;
	[sflag:s8] =	ssyncset.done $0x0  }
.Ltmp1:
0x200: {  	s11 =	sadd.s32 $0x2000, s11;
	[sflag:s8] =	ssyncadd.s32 $0xFFFFC000;
	(pc) =	sbr.rel @p0 .LBB2_1-.Ltmp1, $4  }
0x201: {  	[hbm4b:s11+s2] =	stream.linear.scatter [tilespmem:s9], [sflag:$0x2], $0x10000, $0x38;
	[tilespmem:$0x11300] =	vst v63  }
0x202: {  	_ =	swait.ge [sflag:s6], $0x10000  }
0x203: {  	[sflag:s6] =	ssyncset.done $0x0  }
0x204: {  	[sflag:s6] =	ssyncadd.s32 $0xFFFF0000  }
0x205: {  	_ =	sfence.sel $0x180000  }
0x206: {  	[bflag:$0x0] =	sbarrier.arrive $0xFFFF  }
0x207: {  	p0 =	sne.s32 s0, $0x0;
	_ =	strace $0x90000056  }
0x208: {  	s0 =	sadd.s32 @!p0 $0x100000, s1;
	[bflag:$0x2] =	sbarrier.arrive $0xFFFF  }
0x209: {  	[sflag:s0] =	ssyncadd.tile.s32 @!p0 $0x1;
	_ =	shalt  }
.Lfunc_end2:
_tile_overlayer_lowered:
.L_overlay_start_2:
0x20a: {  	(tag) =	ssettag $0x2  }
0x20b: {  	s0 =	rddreg [dreg:$0x0];
	s2 =	stileid.u32  }
0x20c: {  	s1 =	rddreg [dreg:$0x1];
	p0 =	sne.s32 s2, $0x0  }
0x20d: {  	s3 =	rddreg [dreg:$0x2];
	[bflag:$0x3] =	sbarrier.arrive $0xFFFF;
	s2 =	simm.s32 @!p0 $0x1C02  }
0x20e: {  	[timem:s3], [sflag:s2] =	dma.local @!p0 [hbm:s0], s1  }
0x20f: {  	s0 =	simm.s32 @!p0 $0x2  }
0x210: {  	_ =	swait.ge @!p0 [sflag:s0], s1  }
0x211: {  	s1 =	ssub.s32 @!p0 $0x0, s1;
	[sflag:s0] =	ssyncset.done @!p0 $0x0  }
0x212: {  	[sflag:s0] =	ssyncadd.s32 @!p0 s1  }
0x213: {  	[bflag:$0x3] =	sbarrier.arrive $0xFFFF  }
0x214: {  	_ =	shalt  }

</sc_bundles>
